<compile_context>
chip_gen: v7x
topology: tpu7x:2x2x1
jax: 0.10.2.dev20260603
libtpu: 0.0.44.dev20260713+nightly
codegen_flags: <defaults>
</compile_context>

<pallas_src>
import functools

import jax
import jax.numpy as jnp
import numpy as np
from jax import lax
from jax.experimental import pallas as pl
from jax.experimental.pallas import tpu as pltpu
from jax.experimental.pallas import tpu_sc as plsc

N = 10000
E = 160000
D = 256
H = 8
DH = 32

NPAD = 10240
NC = 2
NS = 16
NW = NC * NS
SCCH = 128

BM_E = 1000
BM_N = 1000



def _gather_rows(table, idx, dt):
    etot = idx.shape[0]
    nchunks = etot // SCCH
    nfull = nchunks // NW
    rem = nchunks % NW
    mesh = plsc.VectorSubcoreMesh(core_axis_name="c", subcore_axis_name="s")

    @functools.partial(
        pl.kernel,
        mesh=mesh,
        out_type=jax.ShapeDtypeStruct((etot, dt), jnp.float32),
        scratch_types=[
            pltpu.VMEM((SCCH,), jnp.int32),
            pltpu.VMEM((SCCH, dt), jnp.float32),
            pltpu.SemaphoreType.DMA,
        ],
    )
    def k(table_hbm, idx_hbm, out_hbm, idx_v, rows_v, sem):
        wid = lax.axis_index("s") * NC + lax.axis_index("c")

        def body(j, carry):
            base = (j * NW + wid) * SCCH
            pltpu.sync_copy(idx_hbm.at[pl.ds(base, SCCH)], idx_v)
            pltpu.async_copy(table_hbm.at[idx_v], rows_v, sem).wait()
            pltpu.sync_copy(rows_v, out_hbm.at[pl.ds(base, SCCH)])
            return carry

        lax.fori_loop(0, nfull, body, 0)

        @pl.when(wid < rem)
        def _():
            body(nfull, 0)

    return k(table, idx)


def _scatter_all(vals_list, idx2d, zeros):
    nv = len(vals_list)
    rows_per_tile = NPAD // NS
    cpt = (E // SCCH) // NW
    nrem = (E // SCCH) % NW
    mesh = plsc.VectorSubcoreMesh(core_axis_name="c", subcore_axis_name="s")

    @functools.partial(
        pl.kernel,
        mesh=mesh,
        out_type=jax.ShapeDtypeStruct((nv * NC * NPAD, 128), jnp.float32),
        scratch_types=[
            pltpu.VMEM((cpt + 1, 1, SCCH), jnp.int32),
            pltpu.VMEM((2, SCCH, 128), jnp.float32),
            pltpu.VMEM_SHARED((NPAD, 128), jnp.float32),
            pltpu.SemaphoreType.DMA,
            pltpu.SemaphoreType.DMA,
        ],
    )
    def k(*refs):
        vrefs = list(refs[:nv])
        idx_hbm, zeros_hbm, out_hbm, idx_v, val_v, acc = refs[nv:nv + 6]
        s0, s1 = refs[nv + 6:nv + 8]
        ci = lax.axis_index("c")
        si = lax.axis_index("s")
        wid = si * NC + ci
        r0 = si * rows_per_tile
        row0 = wid * cpt
        pltpu.sync_copy(idx_hbm.at[pl.ds(row0, cpt)], idx_v.at[pl.ds(0, cpt)])

        @pl.when(wid < nrem)
        def _():
            pltpu.sync_copy(idx_hbm.at[pl.ds(NW * cpt + wid, 1)],
                            idx_v.at[pl.ds(cpt, 1)])
        for ph in range(nv):
            vh = vrefs[ph]
            pltpu.sync_copy(zeros_hbm, acc.at[pl.ds(r0, rows_per_tile)])
            plsc.subcore_barrier()

            def load(jj, b, sem):
                pltpu.async_copy(vh.at[pl.ds((row0 + jj) * SCCH, SCCH)],
                                 val_v.at[b], sem)

            def wait(b, sem):
                pltpu.make_async_copy(vh.at[pl.ds(0, SCCH)],
                                      val_v.at[b], sem).wait()

            def scat(jj, b):
                pltpu.sync_copy(val_v.at[b], acc.at[idx_v.at[jj, 0]], add=True)

            npair = cpt // 2
            load(0, 0, s0)

            def body(g, carry):
                j = 2 * g
                load(j + 1, 1, s1)
                wait(0, s0)
                scat(j, 0)

                @pl.when(g < npair - 1)
                def _():
                    load(j + 2, 0, s0)

                wait(1, s1)
                scat(j + 1, 1)
                return carry

            lax.fori_loop(0, npair, body, 0)
            for jj in range(2 * npair, cpt):
                pltpu.sync_copy(vh.at[pl.ds((row0 + jj) * SCCH, SCCH)],
                                val_v.at[0])
                scat(jj, 0)

            @pl.when(wid < nrem)
            def _():
                pltpu.sync_copy(vh.at[pl.ds((NW * cpt + wid) * SCCH, SCCH)],
                                val_v.at[0])
                scat(cpt, 0)

            plsc.subcore_barrier()
            pltpu.sync_copy(
                acc.at[pl.ds(r0, rows_per_tile)],
                out_hbm.at[pl.ds((ph * NC + ci) * NPAD + r0, rows_per_tile)])
            plsc.subcore_barrier()

    return k(*vals_list, idx2d, zeros)



def _qkv_proj(x, wqkv, bqkv):
    grid = (N // BM_N,)

    def body(x_ref, w_ref, b_ref, q_ref, kv_ref):
        y = (jnp.dot(x_ref[...], w_ref[...],
                     preferred_element_type=jnp.float32) + b_ref[...])
        q_ref[...] = y[:, :D]
        kv_ref[...] = y[:, D:]

    return pl.pallas_call(
        body,
        grid=grid,
        in_specs=[
            pl.BlockSpec((BM_N, D), lambda i: (i, 0)),
            pl.BlockSpec((D, 3 * D), lambda i: (0, 0)),
            pl.BlockSpec((1, 3 * D), lambda i: (0, 0)),
        ],
        out_specs=[
            pl.BlockSpec((BM_N, D), lambda i: (i, 0)),
            pl.BlockSpec((BM_N, 2 * D), lambda i: (i, 0)),
        ],
        out_shape=[
            jax.ShapeDtypeStruct((N, D), jnp.float32),
            jax.ShapeDtypeStruct((N, 2 * D), jnp.float32),
        ],
    )(x, wqkv, bqkv)


def _edge_stage(edge_attr, kvg, qg, wep, bep, awmat, rep, woe, boe):
    grid = (E // BM_E,)

    def body(ea_ref, kv_ref, q_ref, wep_ref, bep_ref, aw_ref, rep_ref,
             woe_ref, boe_ref,
             vplo_ref, vphi_ref, etplo_ref, etphi_ref, p128_ref,
             ee_ref, se_ref):
        i = pl.program_id(0)
        ea = ea_ref[...]
        e = (jnp.dot(ea, wep_ref[...], preferred_element_type=jnp.float32)
             + bep_ref[...])
        kv = kv_ref[...]
        kk = kv[:, :D]
        vv = kv[:, D:]
        ew = e[:, :D]
        eb = e[:, D:]
        sc = (kk + q_ref[...]) * ew
        sc = jnp.sign(sc) * jnp.sqrt(jnp.abs(sc)) + eb
        et = jnp.maximum(sc, 0.0)
        s = jnp.dot(et, aw_ref[...], preferred_element_type=jnp.float32)
        s = jnp.clip(s, -5.0, 5.0)
        p = jnp.exp(s - 5.0)
        p256 = jnp.dot(p, rep_ref[...], preferred_element_type=jnp.float32)
        vp = vv * p256
        etp = et * p256
        vplo_ref[...] = vp[:, :128]
        vphi_ref[...] = vp[:, 128:]
        etplo_ref[...] = etp[:, :128]
        etphi_ref[...] = etp[:, 128:]
        p128_ref[...] = jnp.concatenate(
            [p, jnp.ones_like(p), jnp.zeros((p.shape[0], 112), jnp.float32)],
            axis=1)
        ee = (ea
              + jnp.dot(et, woe_ref[...], preferred_element_type=jnp.float32)
              + boe_ref[...])
        ee_ref[...] = ee

        @pl.when(i == 0)
        def _():
            se_ref[...] = jnp.zeros_like(se_ref)

        se_ref[...] += jnp.concatenate(
            [jnp.sum(ee, axis=0, keepdims=True),
             jnp.sum(ee * ee, axis=0, keepdims=True),
             jnp.zeros((6, D), jnp.float32)], axis=0)

    outs = pl.pallas_call(
        body,
        grid=grid,
        in_specs=[
            pl.BlockSpec((BM_E, D), lambda i: (i, 0)),
            pl.BlockSpec((BM_E, 2 * D), lambda i: (i, 0)),
            pl.BlockSpec((BM_E, D), lambda i: (i, 0)),
            pl.BlockSpec((D, 2 * D), lambda i: (0, 0)),
            pl.BlockSpec((1, 2 * D), lambda i: (0, 0)),
            pl.BlockSpec((D, H), lambda i: (0, 0)),
            pl.BlockSpec((H, D), lambda i: (0, 0)),
            pl.BlockSpec((D, D), lambda i: (0, 0)),
            pl.BlockSpec((1, D), lambda i: (0, 0)),
        ],
        out_specs=[
            pl.BlockSpec((BM_E, 128), lambda i: (i, 0)),
            pl.BlockSpec((BM_E, 128), lambda i: (i, 0)),
            pl.BlockSpec((BM_E, 128), lambda i: (i, 0)),
            pl.BlockSpec((BM_E, 128), lambda i: (i, 0)),
            pl.BlockSpec((BM_E, 128), lambda i: (i, 0)),
            pl.BlockSpec((BM_E, D), lambda i: (i, 0)),
            pl.BlockSpec((8, D), lambda i: (0, 0)),
        ],
        out_shape=[
            jax.ShapeDtypeStruct((E, 128), jnp.float32),
            jax.ShapeDtypeStruct((E, 128), jnp.float32),
            jax.ShapeDtypeStruct((E, 128), jnp.float32),
            jax.ShapeDtypeStruct((E, 128), jnp.float32),
            jax.ShapeDtypeStruct((E, 128), jnp.float32),
            jax.ShapeDtypeStruct((E, D), jnp.float32),
            jax.ShapeDtypeStruct((8, D), jnp.float32),
        ],
    )(edge_attr, kvg, qg, wep, bep, awmat, rep, woe, boe)
    return outs


def _node_combine(vplo, vphi, etplo, etphi, p16, x, rep, vem, cc, woh, boh):
    grid = (N // BM_N,)

    def body(vplo_ref, vphi_ref, etplo_ref, etphi_ref, p16_ref, x_ref,
             rep_ref, vem_ref, cc_ref, woh_ref, boh_ref, t_ref):
        a = jnp.concatenate([vplo_ref[0] + vplo_ref[1],
                             vphi_ref[0] + vphi_ref[1]], axis=1)
        bm = jnp.concatenate([etplo_ref[0] + etplo_ref[1],
                              etphi_ref[0] + etphi_ref[1]], axis=1)
        pp = p16_ref[0] + p16_ref[1]
        ssum = pp[:, :H]
        deg = pp[:, H:H + 1]
        denom = jnp.dot(ssum, rep_ref[...],
                        preferred_element_type=jnp.float32) + 1e-16
        wv = a / denom
        rowv = jnp.dot(bm / denom, vem_ref[...],
                       preferred_element_type=jnp.float32)
        h1 = wv + rowv
        ld = jnp.log(deg + 1.0)
        h2 = h1 * cc_ref[0:1, :] + (h1 * ld) * cc_ref[1:2, :]
        t_ref[...] = (x_ref[...]
                      + jnp.dot(h2, woh_ref[...],
                                preferred_element_type=jnp.float32)
                      + boh_ref[...])

    return pl.pallas_call(
        body,
        grid=grid,
        in_specs=[
            pl.BlockSpec((2, BM_N, 128), lambda i: (0, i, 0)),
            pl.BlockSpec((2, BM_N, 128), lambda i: (0, i, 0)),
            pl.BlockSpec((2, BM_N, 128), lambda i: (0, i, 0)),
            pl.BlockSpec((2, BM_N, 128), lambda i: (0, i, 0)),
            pl.BlockSpec((2, BM_N, 128), lambda i: (0, i, 0)),
            pl.BlockSpec((BM_N, D), lambda i: (i, 0)),
            pl.BlockSpec((H, D), lambda i: (0, 0)),
            pl.BlockSpec((D, D), lambda i: (0, 0)),
            pl.BlockSpec((2, D), lambda i: (0, 0)),
            pl.BlockSpec((D, D), lambda i: (0, 0)),
            pl.BlockSpec((1, D), lambda i: (0, 0)),
        ],
        out_specs=pl.BlockSpec((BM_N, D), lambda i: (i, 0)),
        out_shape=jax.ShapeDtypeStruct((N, D), jnp.float32),
    )(vplo, vphi, etplo, etphi, p16, x, rep, vem, cc, woh, boh)


def _bn_reduce(x, bm):
    m, cols = x.shape
    grid = (m // bm,)

    def body(x_ref, s_ref):
        i = pl.program_id(0)

        @pl.when(i == 0)
        def _():
            s_ref[...] = jnp.zeros_like(s_ref)

        xv = x_ref[...]
        upd = jnp.concatenate(
            [jnp.sum(xv, axis=0, keepdims=True),
             jnp.sum(xv * xv, axis=0, keepdims=True),
             jnp.zeros((6, cols), jnp.float32)], axis=0)
        s_ref[...] += upd

    return pl.pallas_call(
        body,
        grid=grid,
        in_specs=[pl.BlockSpec((bm, cols), lambda i: (i, 0))],
        out_specs=pl.BlockSpec((8, cols), lambda i: (0, 0)),
        out_shape=jax.ShapeDtypeStruct((8, cols), jnp.float32),
    )(x)


def _bn_apply(x, stats, gb, bm, nrows):
    m, cols = x.shape
    grid = (m // bm,)
    inv_n = 1.0 / nrows

    def body(x_ref, s_ref, gb_ref, o_ref):
        s = s_ref[...]
        mu = s[0:1, :] * inv_n
        var = s[1:2, :] * inv_n - mu * mu
        inv = lax.rsqrt(var + 1e-5)
        o_ref[...] = gb_ref[0:1, :] * (x_ref[...] - mu) * inv + gb_ref[1:2, :]

    return pl.pallas_call(
        body,
        grid=grid,
        in_specs=[
            pl.BlockSpec((bm, cols), lambda i: (i, 0)),
            pl.BlockSpec((8, cols), lambda i: (0, 0)),
            pl.BlockSpec((2, cols), lambda i: (0, 0)),
        ],
        out_specs=pl.BlockSpec((bm, cols), lambda i: (i, 0)),
        out_shape=jax.ShapeDtypeStruct((m, cols), jnp.float32),
    )(x, stats, gb)


def _ffn_stage(t, stats, gb1, w1, b1, w2, b2):
    grid = (N // BM_N,)
    inv_n = 1.0 / N

    def body(t_ref, s_ref, gb_ref, w1_ref, b1_ref, w2_ref, b2_ref,
             h3_ref, s2_ref):
        i = pl.program_id(0)
        s = s_ref[...]
        mu = s[0:1, :] * inv_n
        var = s[1:2, :] * inv_n - mu * mu
        inv = lax.rsqrt(var + 1e-5)
        hb = gb_ref[0:1, :] * (t_ref[...] - mu) * inv + gb_ref[1:2, :]
        f = jnp.maximum(
            jnp.dot(hb, w1_ref[...], preferred_element_type=jnp.float32)
            + b1_ref[...], 0.0)
        h3 = hb + (jnp.dot(f, w2_ref[...], preferred_element_type=jnp.float32)
                   + b2_ref[...])
        h3_ref[...] = h3

        @pl.when(i == 0)
        def _():
            s2_ref[...] = jnp.zeros_like(s2_ref)

        s2_ref[...] += jnp.concatenate(
            [jnp.sum(h3, axis=0, keepdims=True),
             jnp.sum(h3 * h3, axis=0, keepdims=True),
             jnp.zeros((6, D), jnp.float32)], axis=0)

    return pl.pallas_call(
        body,
        grid=grid,
        in_specs=[
            pl.BlockSpec((BM_N, D), lambda i: (i, 0)),
            pl.BlockSpec((8, D), lambda i: (0, 0)),
            pl.BlockSpec((2, D), lambda i: (0, 0)),
            pl.BlockSpec((D, 2 * D), lambda i: (0, 0)),
            pl.BlockSpec((1, 2 * D), lambda i: (0, 0)),
            pl.BlockSpec((2 * D, D), lambda i: (0, 0)),
            pl.BlockSpec((1, D), lambda i: (0, 0)),
        ],
        out_specs=[
            pl.BlockSpec((BM_N, D), lambda i: (i, 0)),
            pl.BlockSpec((8, D), lambda i: (0, 0)),
        ],
        out_shape=[
            jax.ShapeDtypeStruct((N, D), jnp.float32),
            jax.ShapeDtypeStruct((8, D), jnp.float32),
        ],
    )(t, stats, gb1, w1, b1, w2, b2)



_WE_PERM = np.array(
    [h * 2 * DH + j for h in range(H) for j in range(DH)]
    + [h * 2 * DH + DH + j for h in range(H) for j in range(DH)],
    dtype=np.int32)

_REP = np.zeros((H, D), np.float32)
for _h in range(H):
    _REP[_h, _h * DH:(_h + 1) * DH] = 1.0

_HEAD_MASK = (np.arange(D)[:, None] // DH == np.arange(H)[None, :])


def kernel(x, edge_index, edge_attr, params):
    src = edge_index[0]
    dst = edge_index[1]

    wqkv = jnp.concatenate([params['Wq'], params['Wk'], params['Wv']], axis=1)
    bqkv = jnp.concatenate(
        [params['bq'], jnp.zeros((2 * H * DH,), jnp.float32)])[None, :]
    wep = params['We'][:, _WE_PERM]
    bep = params['be'][_WE_PERM][None, :]
    rep = jnp.asarray(_REP)
    aw2 = params['Aw'][:, :, 0]
    awmat = jnp.where(jnp.asarray(_HEAD_MASK),
                      jnp.tile(aw2, (H, 1)), 0.0)
    vem = jax.scipy.linalg.block_diag(
        *[params['VeRow'][:, h, :] for h in range(H)])
    cc = params['deg_coef'][0].T
    gb1h = jnp.stack([params['g1h'], params['b1h']])
    gb1e = jnp.stack([params['g1e'], params['b1e']])
    gb2h = jnp.stack([params['g2h'], params['b2h']])
    zeros128 = jnp.zeros((NPAD // NS, 128), jnp.float32)

    qt, kvt = _qkv_proj(x, wqkv, bqkv)

    kvg = _gather_rows(kvt, src, 2 * D)
    qg = _gather_rows(qt, dst, D)

    vplo, vphi, etplo, etphi, p16, ee_pre, stats_e = _edge_stage(
        edge_attr, kvg, qg, wep, bep, awmat, rep,
        params['Woe'], params['boe'][None, :])

    idx2d = dst.reshape(E // SCCH, 1, SCCH)
    scat = _scatter_all([vplo, vphi, etplo, etphi, p16], idx2d, zeros128)
    scat = scat.reshape(5, NC, NPAD, 128)
    a_lo = scat[0][:, :N, :]
    a_hi = scat[1][:, :N, :]
    b_lo = scat[2][:, :N, :]
    b_hi = scat[3][:, :N, :]
    pacc = scat[4][:, :N, :]

    t = _node_combine(a_lo, a_hi, b_lo, b_hi, pacc, x, rep, vem, cc,
                      params['Woh'], params['boh'][None, :])

    stats1 = _bn_reduce(t, BM_N)
    h3, stats2 = _ffn_stage(t, stats1, gb1h, params['W1'],
                            params['bf1'][None, :], params['W2'],
                            params['bf2'][None, :])
    h_out = _bn_apply(h3, stats2, gb2h, BM_N, N)

    ee_out = _bn_apply(ee_pre, stats_e, gb1e, BM_E, E)

    return h_out, ee_out

# --- scband reference (transcript-rebuilt; emitter-appended) ---
"""Pipeline reference for scband-grit-transformer-17806934409795 (READ-ONLY COPY).

The authoritative reference and input builder live on the scoring server;
editing this copy changes nothing except your own understanding.
"""

import jax, jax.numpy as jnp
import numpy as np

N = 10000
E = 160000
D = 256
H = 8
DH = 32

def _xavier(key, shape, fan_in, fan_out):
    std = float(np.sqrt(2.0 / (fan_in + fan_out)))
    return jax.random.normal(key, shape, dtype=jnp.float32) * std

def setup_inputs(seed: int = 0):
    key = jax.random.key(seed)
    ks = jax.random.split(key, 16)
    x = jax.random.normal(ks[0], (N, D), dtype=jnp.float32)
    edge_index = jax.random.randint(ks[1], (2, E), 0, N, dtype=jnp.int32)
    edge_attr = jax.random.normal(ks[2], (E, D), dtype=jnp.float32)
    params = {
        'Wq': _xavier(ks[3], (D, H * DH), D, H * DH),
        'bq': jnp.zeros((H * DH,), jnp.float32),
        'Wk': _xavier(ks[4], (D, H * DH), D, H * DH),
        'We': _xavier(ks[5], (D, 2 * H * DH), D, 2 * H * DH),
        'be': jnp.zeros((2 * H * DH,), jnp.float32),
        'Wv': _xavier(ks[6], (D, H * DH), D, H * DH),
        'Aw': _xavier(ks[7], (DH, H, 1), H, DH),
        'VeRow': _xavier(ks[8], (DH, H, DH), H * DH, DH * DH),
        'Woh': _xavier(ks[9], (H * DH, D), H * DH, D),
        'boh': jnp.zeros((D,), jnp.float32),
        'Woe': _xavier(ks[10], (H * DH, D), H * DH, D),
        'boe': jnp.zeros((D,), jnp.float32),
        'deg_coef': _xavier(ks[11], (1, D, 2), 2 * D, 2),
        'g1h': jnp.ones((D,), jnp.float32),
        'b1h': jnp.zeros((D,), jnp.float32),
        'g1e': jnp.ones((D,), jnp.float32),
        'b1e': jnp.zeros((D,), jnp.float32),
        'W1': _xavier(ks[12], (D, 2 * D), D, 2 * D),
        'bf1': jnp.zeros((2 * D,), jnp.float32),
        'W2': _xavier(ks[13], (2 * D, D), 2 * D, D),
        'bf2': jnp.zeros((D,), jnp.float32),
        'g2h': jnp.ones((D,), jnp.float32),
        'b2h': jnp.zeros((D,), jnp.float32),
    }
    return {'x': x, 'edge_index': edge_index, 'edge_attr': edge_attr, 'params': params}

def _signed_sqrt(s):
    # equals sqrt(relu(s)) - sqrt(relu(-s)) but with safe gradient
    a = jnp.abs(s)
    safe = jnp.where(a > 0, a, 1.0)
    return jnp.sign(s) * jnp.sqrt(safe) * (a > 0).astype(s.dtype)

def _bn(v, g, b):
    m = v.mean(axis=0)
    var = v.var(axis=0)
    return g * (v - m) / jnp.sqrt(var + 1e-5) + b

def _forward(x, edge_attr, params, edge_index):
    src_idx = edge_index[0]
    dst_idx = edge_index[1]
    Nn = x.shape[0]
    deg = jnp.zeros((Nn,), jnp.float32).at[dst_idx].add(1.0)
    log_deg = jnp.log(deg + 1.0)[:, None]
    Q_h = (x @ params['Wq'] + params['bq']).reshape(Nn, H, DH)
    K_h = (x @ params['Wk']).reshape(Nn, H, DH)
    V_h = (x @ params['Wv']).reshape(Nn, H, DH)
    e = (edge_attr @ params['We'] + params['be']).reshape(-1, H, 2 * DH)
    E_w = e[:, :, :DH]
    E_b = e[:, :, DH:]
    score = (K_h[src_idx] + Q_h[dst_idx]) * E_w
    score = _signed_sqrt(score)
    score = score + E_b
    e_t = jax.nn.relu(score)
    wE = e_t.reshape(e_t.shape[0], -1)
    score = jnp.einsum('ehd,dhc->ehc', e_t, params['Aw'])
    score = jnp.clip(score, -5.0, 5.0)
    smax = jax.ops.segment_max(score, dst_idx, num_segments=Nn)
    smax = jnp.where(jnp.isfinite(smax), smax, 0.0)
    score = jnp.exp(score - smax[dst_idx])
    ssum = jax.ops.segment_sum(score, dst_idx, num_segments=Nn)
    score = score / (ssum[dst_idx] + 1e-16)
    msg = V_h[src_idx] * score
    wV = jax.ops.segment_sum(msg, dst_idx, num_segments=Nn)
    rowV = jax.ops.segment_sum(e_t * score, dst_idx, num_segments=Nn)
    rowV = jnp.einsum('nhd,dhc->nhc', rowV, params['VeRow'])
    wV = wV + rowV
    h = wV.reshape(Nn, -1)
    h = jnp.stack([h, h * log_deg], axis=-1)
    h = (h * params['deg_coef']).sum(axis=-1)
    h = h @ params['Woh'] + params['boh']
    ee = wE @ params['Woe'] + params['boe']
    h = x + h
    ee = edge_attr + ee
    h = _bn(h, params['g1h'], params['b1h'])
    ee = _bn(ee, params['g1e'], params['b1e'])
    h2 = jax.nn.relu(h @ params['W1'] + params['bf1']) @ params['W2'] + params['bf2']
    h = h + h2
    h = _bn(h, params['g2h'], params['b2h'])
    return h, ee

def reference(x, edge_index, edge_attr, params):
    return _forward(x, edge_attr, params, edge_index)

if __name__ == "__main__":
    import jax
    _d = setup_inputs()
    print(jax.jit(kernel)(*tuple(_d.values())))

</pallas_src>

<mosaic_0001>
#map = affine_map<(d0, d1) -> (0, 0)>
#map1 = affine_map<(d0, d1) -> (0)>
module attributes {stable_mosaic.version = 14 : i64} {
  func.func @k(%arg0: i32, %arg1: i32, %arg2: memref<10000x512xf32, #tpu.memory_space<hbm>>, %arg3: memref<160000xi32, #tpu.memory_space<hbm>>, %arg4: memref<160000x512xf32, #tpu.memory_space<hbm>>, %arg5: memref<128xi32, #tpu.memory_space<vmem>>, %arg6: memref<128x512xf32, #tpu.memory_space<vmem>>, %arg7: memref<!tpu.dma_semaphore, #tpu.memory_space<semaphore_mem>>) attributes {dimension_semantics = [#tpu.dimension_semantics<core_parallel>, #tpu.dimension_semantics<subcore_parallel>], iteration_bounds = array<i64: 2, 16>, scalar_prefetch = 0 : i64, scratch_operands = 3 : i64, tpu.core_type = #tpu.core_type<sc_vector_subcore>, window_params = [{transform_indices = #map}, {transform_indices = #map1}, {transform_indices = #map}]} {
    %mul3A = arith.constant 2 : i32
    %mul3A_0 = arith.muli %arg1, %mul3A : i32
    %add3A = arith.addi %mul3A_0, %arg0 : i32
    %scan3A = arith.constant 0 : i32
    %scan3A_1 = arith.constant 0 : i32
    %scan3A_2 = arith.constant 39 : i32
    %scan3A_3 = arith.addi %scan3A_1, %scan3A_2 : i32
    %scan3A_4 = arith.constant 1 : i32
    scf.for %scan3A_8 = %scan3A_1 to %scan3A_3 step %scan3A_4  : i32 {
      %mul3A_9 = arith.constant 32 : i32
      %mul3A_10 = arith.muli %scan3A_8, %mul3A_9 : i32
      %add3A_11 = arith.addi %mul3A_10, %add3A : i32
      %mul3A_12 = arith.constant 128 : i32
      %mul3A_13 = arith.muli %add3A_11, %mul3A_12 : i32
      "tpu.region"() ({
        %run_scoped3A = tpu.sem_alloc : memref<!tpu.dma_semaphore, #tpu.memory_space<semaphore_mem>>
        %dma_start3A_18 = tpu.memref_slice %arg3[%mul3A_13] : memref<160000xi32, #tpu.memory_space<hbm>> -> memref<128xi32, #tpu.memory_space<hbm>>
        %dma_start3A_19 = tpu.memref_slice %arg3[%mul3A_13] : memref<160000xi32, #tpu.memory_space<hbm>> -> memref<128xi32, #tpu.memory_space<hbm>>
        tpu.enqueue_dma source(%dma_start3A_19 : memref<128xi32, #tpu.memory_space<hbm>>) target(%arg5 : memref<128xi32, #tpu.memory_space<vmem>>) target_semaphore(%run_scoped3A : memref<!tpu.dma_semaphore, #tpu.memory_space<semaphore_mem>>)
        %dma_wait3A_20 = tpu.memref_slice %arg3[%mul3A_13] : memref<160000xi32, #tpu.memory_space<hbm>> -> memref<128xi32, #tpu.memory_space<hbm>>
        %dma_wait3A_21 = tpu.memref_slice %arg3[%mul3A_13] : memref<160000xi32, #tpu.memory_space<hbm>> -> memref<128xi32, #tpu.memory_space<hbm>>
        tpu.wait_dma2 semaphore(%run_scoped3A : memref<!tpu.dma_semaphore, #tpu.memory_space<semaphore_mem>>) src(%dma_wait3A_21 : memref<128xi32, #tpu.memory_space<hbm>>) dst(%arg5 : memref<128xi32, #tpu.memory_space<vmem>>)
        tpu.yield
      }) : () -> ()
      %dma_start3A = arith.constant 0 : i32
      %dma_start3A_14 = arith.constant 0 : i32
      %dma_start3A_15 = tpu.memref_slice %arg2[%dma_start3A, %dma_start3A_14] : memref<10000x512xf32, #tpu.memory_space<hbm>> -> memref<10000x512xf32, #tpu.memory_space<hbm>>
      tpu.enqueue_indirect_dma source(%dma_start3A_15 : memref<10000x512xf32, #tpu.memory_space<hbm>>) target(%arg6 : memref<128x512xf32, #tpu.memory_space<vmem>>) offsets(%arg5 : memref<128xi32, #tpu.memory_space<vmem>>) semaphore(%arg7 : memref<!tpu.dma_semaphore, #tpu.memory_space<semaphore_mem>>)
      %dma_wait3A = arith.constant 0 : i32
      %dma_wait3A_16 = arith.constant 0 : i32
      %dma_wait3A_17 = tpu.memref_slice %arg2[%dma_wait3A, %dma_wait3A_16] : memref<10000x512xf32, #tpu.memory_space<hbm>> -> memref<10000x512xf32, #tpu.memory_space<hbm>>
      tpu.wait_indirect_dma semaphore(%arg7 : memref<!tpu.dma_semaphore, #tpu.memory_space<semaphore_mem>>) src(%dma_wait3A_17 : memref<10000x512xf32, #tpu.memory_space<hbm>>) dst(%arg6 : memref<128x512xf32, #tpu.memory_space<vmem>>)
      "tpu.region"() ({
        %run_scoped3A = tpu.sem_alloc : memref<!tpu.dma_semaphore, #tpu.memory_space<semaphore_mem>>
        %dma_start3A_18 = arith.constant 0 : i32
        %dma_start3A_19 = tpu.memref_slice %arg4[%mul3A_13, %dma_start3A_18] : memref<160000x512xf32, #tpu.memory_space<hbm>> -> memref<128x512xf32, #tpu.memory_space<hbm>>
        %dma_start3A_20 = arith.constant 0 : i32
        %dma_start3A_21 = tpu.memref_slice %arg4[%mul3A_13, %dma_start3A_20] : memref<160000x512xf32, #tpu.memory_space<hbm>> -> memref<128x512xf32, #tpu.memory_space<hbm>>
        tpu.enqueue_dma source(%arg6 : memref<128x512xf32, #tpu.memory_space<vmem>>) target(%dma_start3A_21 : memref<128x512xf32, #tpu.memory_space<hbm>>) target_semaphore(%run_scoped3A : memref<!tpu.dma_semaphore, #tpu.memory_space<semaphore_mem>>)
        %dma_wait3A_22 = arith.constant 0 : i32
        %dma_wait3A_23 = tpu.memref_slice %arg4[%mul3A_13, %dma_wait3A_22] : memref<160000x512xf32, #tpu.memory_space<hbm>> -> memref<128x512xf32, #tpu.memory_space<hbm>>
        %dma_wait3A_24 = arith.constant 0 : i32
        %dma_wait3A_25 = tpu.memref_slice %arg4[%mul3A_13, %dma_wait3A_24] : memref<160000x512xf32, #tpu.memory_space<hbm>> -> memref<128x512xf32, #tpu.memory_space<hbm>>
        tpu.wait_dma2 semaphore(%run_scoped3A : memref<!tpu.dma_semaphore, #tpu.memory_space<semaphore_mem>>) src(%arg6 : memref<128x512xf32, #tpu.memory_space<vmem>>) dst(%dma_wait3A_25 : memref<128x512xf32, #tpu.memory_space<hbm>>)
        tpu.yield
      }) : () -> ()
    }
    %scan3A_5 = arith.constant 39 : i32
    %lt3A = arith.constant 2 : i32
    %lt3A_6 = arith.cmpi slt, %add3A, %lt3A : i32
    %convert_element_type3A = arith.extui %lt3A_6 : i1 to i32
    %cond3A = arith.constant 0 : i32
    %cond3A_7 = arith.cmpi ne, %convert_element_type3A, %cond3A : i32
    scf.if %cond3A_7 {
      %add3A_8 = arith.constant 1248 : i32
      %add3A_9 = arith.addi %add3A_8, %add3A : i32
      %mul3A_10 = arith.constant 128 : i32
      %mul3A_11 = arith.muli %add3A_9, %mul3A_10 : i32
      "tpu.region"() ({
        %run_scoped3A = tpu.sem_alloc : memref<!tpu.dma_semaphore, #tpu.memory_space<semaphore_mem>>
        %dma_start3A_16 = tpu.memref_slice %arg3[%mul3A_11] : memref<160000xi32, #tpu.memory_space<hbm>> -> memref<128xi32, #tpu.memory_space<hbm>>
        %dma_start3A_17 = tpu.memref_slice %arg3[%mul3A_11] : memref<160000xi32, #tpu.memory_space<hbm>> -> memref<128xi32, #tpu.memory_space<hbm>>
        tpu.enqueue_dma source(%dma_start3A_17 : memref<128xi32, #tpu.memory_space<hbm>>) target(%arg5 : memref<128xi32, #tpu.memory_space<vmem>>) target_semaphore(%run_scoped3A : memref<!tpu.dma_semaphore, #tpu.memory_space<semaphore_mem>>)
        %dma_wait3A_18 = tpu.memref_slice %arg3[%mul3A_11] : memref<160000xi32, #tpu.memory_space<hbm>> -> memref<128xi32, #tpu.memory_space<hbm>>
        %dma_wait3A_19 = tpu.memref_slice %arg3[%mul3A_11] : memref<160000xi32, #tpu.memory_space<hbm>> -> memref<128xi32, #tpu.memory_space<hbm>>
        tpu.wait_dma2 semaphore(%run_scoped3A : memref<!tpu.dma_semaphore, #tpu.memory_space<semaphore_mem>>) src(%dma_wait3A_19 : memref<128xi32, #tpu.memory_space<hbm>>) dst(%arg5 : memref<128xi32, #tpu.memory_space<vmem>>)
        tpu.yield
      }) : () -> ()
      %dma_start3A = arith.constant 0 : i32
      %dma_start3A_12 = arith.constant 0 : i32
      %dma_start3A_13 = tpu.memref_slice %arg2[%dma_start3A, %dma_start3A_12] : memref<10000x512xf32, #tpu.memory_space<hbm>> -> memref<10000x512xf32, #tpu.memory_space<hbm>>
      tpu.enqueue_indirect_dma source(%dma_start3A_13 : memref<10000x512xf32, #tpu.memory_space<hbm>>) target(%arg6 : memref<128x512xf32, #tpu.memory_space<vmem>>) offsets(%arg5 : memref<128xi32, #tpu.memory_space<vmem>>) semaphore(%arg7 : memref<!tpu.dma_semaphore, #tpu.memory_space<semaphore_mem>>)
      %dma_wait3A = arith.constant 0 : i32
      %dma_wait3A_14 = arith.constant 0 : i32
      %dma_wait3A_15 = tpu.memref_slice %arg2[%dma_wait3A, %dma_wait3A_14] : memref<10000x512xf32, #tpu.memory_space<hbm>> -> memref<10000x512xf32, #tpu.memory_space<hbm>>
      tpu.wait_indirect_dma semaphore(%arg7 : memref<!tpu.dma_semaphore, #tpu.memory_space<semaphore_mem>>) src(%dma_wait3A_15 : memref<10000x512xf32, #tpu.memory_space<hbm>>) dst(%arg6 : memref<128x512xf32, #tpu.memory_space<vmem>>)
      "tpu.region"() ({
        %run_scoped3A = tpu.sem_alloc : memref<!tpu.dma_semaphore, #tpu.memory_space<semaphore_mem>>
        %dma_start3A_16 = arith.constant 0 : i32
        %dma_start3A_17 = tpu.memref_slice %arg4[%mul3A_11, %dma_start3A_16] : memref<160000x512xf32, #tpu.memory_space<hbm>> -> memref<128x512xf32, #tpu.memory_space<hbm>>
        %dma_start3A_18 = arith.constant 0 : i32
        %dma_start3A_19 = tpu.memref_slice %arg4[%mul3A_11, %dma_start3A_18] : memref<160000x512xf32, #tpu.memory_space<hbm>> -> memref<128x512xf32, #tpu.memory_space<hbm>>
        tpu.enqueue_dma source(%arg6 : memref<128x512xf32, #tpu.memory_space<vmem>>) target(%dma_start3A_19 : memref<128x512xf32, #tpu.memory_space<hbm>>) target_semaphore(%run_scoped3A : memref<!tpu.dma_semaphore, #tpu.memory_space<semaphore_mem>>)
        %dma_wait3A_20 = arith.constant 0 : i32
        %dma_wait3A_21 = tpu.memref_slice %arg4[%mul3A_11, %dma_wait3A_20] : memref<160000x512xf32, #tpu.memory_space<hbm>> -> memref<128x512xf32, #tpu.memory_space<hbm>>
        %dma_wait3A_22 = arith.constant 0 : i32
        %dma_wait3A_23 = tpu.memref_slice %arg4[%mul3A_11, %dma_wait3A_22] : memref<160000x512xf32, #tpu.memory_space<hbm>> -> memref<128x512xf32, #tpu.memory_space<hbm>>
        tpu.wait_dma2 semaphore(%run_scoped3A : memref<!tpu.dma_semaphore, #tpu.memory_space<semaphore_mem>>) src(%arg6 : memref<128x512xf32, #tpu.memory_space<vmem>>) dst(%dma_wait3A_23 : memref<128x512xf32, #tpu.memory_space<hbm>>)
        tpu.yield
      }) : () -> ()
    } else {
    }
    return
  }
}

#map = affine_map<(d0, d1) -> (0, 0)>
#map1 = affine_map<(d0, d1) -> (0)>
module attributes {stable_mosaic.version = 14 : i64} {
  func.func @k(%arg0: i32, %arg1: i32, %arg2: memref<10000x256xf32, #tpu.memory_space<hbm>>, %arg3: memref<160000xi32, #tpu.memory_space<hbm>>, %arg4: memref<160000x256xf32, #tpu.memory_space<hbm>>, %arg5: memref<128xi32, #tpu.memory_space<vmem>>, %arg6: memref<128x256xf32, #tpu.memory_space<vmem>>, %arg7: memref<!tpu.dma_semaphore, #tpu.memory_space<semaphore_mem>>) attributes {dimension_semantics = [#tpu.dimension_semantics<core_parallel>, #tpu.dimension_semantics<subcore_parallel>], iteration_bounds = array<i64: 2, 16>, scalar_prefetch = 0 : i64, scratch_operands = 3 : i64, tpu.core_type = #tpu.core_type<sc_vector_subcore>, window_params = [{transform_indices = #map}, {transform_indices = #map1}, {transform_indices = #map}]} {
    %mul3A = arith.constant 2 : i32
    %mul3A_0 = arith.muli %arg1, %mul3A : i32
    %add3A = arith.addi %mul3A_0, %arg0 : i32
    %scan3A = arith.constant 0 : i32
    %scan3A_1 = arith.constant 0 : i32
    %scan3A_2 = arith.constant 39 : i32
    %scan3A_3 = arith.addi %scan3A_1, %scan3A_2 : i32
    %scan3A_4 = arith.constant 1 : i32
    scf.for %scan3A_8 = %scan3A_1 to %scan3A_3 step %scan3A_4  : i32 {
      %mul3A_9 = arith.constant 32 : i32
      %mul3A_10 = arith.muli %scan3A_8, %mul3A_9 : i32
      %add3A_11 = arith.addi %mul3A_10, %add3A : i32
      %mul3A_12 = arith.constant 128 : i32
      %mul3A_13 = arith.muli %add3A_11, %mul3A_12 : i32
      "tpu.region"() ({
        %run_scoped3A = tpu.sem_alloc : memref<!tpu.dma_semaphore, #tpu.memory_space<semaphore_mem>>
        %dma_start3A_18 = tpu.memref_slice %arg3[%mul3A_13] : memref<160000xi32, #tpu.memory_space<hbm>> -> memref<128xi32, #tpu.memory_space<hbm>>
        %dma_start3A_19 = tpu.memref_slice %arg3[%mul3A_13] : memref<160000xi32, #tpu.memory_space<hbm>> -> memref<128xi32, #tpu.memory_space<hbm>>
        tpu.enqueue_dma source(%dma_start3A_19 : memref<128xi32, #tpu.memory_space<hbm>>) target(%arg5 : memref<128xi32, #tpu.memory_space<vmem>>) target_semaphore(%run_scoped3A : memref<!tpu.dma_semaphore, #tpu.memory_space<semaphore_mem>>)
        %dma_wait3A_20 = tpu.memref_slice %arg3[%mul3A_13] : memref<160000xi32, #tpu.memory_space<hbm>> -> memref<128xi32, #tpu.memory_space<hbm>>
        %dma_wait3A_21 = tpu.memref_slice %arg3[%mul3A_13] : memref<160000xi32, #tpu.memory_space<hbm>> -> memref<128xi32, #tpu.memory_space<hbm>>
        tpu.wait_dma2 semaphore(%run_scoped3A : memref<!tpu.dma_semaphore, #tpu.memory_space<semaphore_mem>>) src(%dma_wait3A_21 : memref<128xi32, #tpu.memory_space<hbm>>) dst(%arg5 : memref<128xi32, #tpu.memory_space<vmem>>)
        tpu.yield
      }) : () -> ()
      %dma_start3A = arith.constant 0 : i32
      %dma_start3A_14 = arith.constant 0 : i32
      %dma_start3A_15 = tpu.memref_slice %arg2[%dma_start3A, %dma_start3A_14] : memref<10000x256xf32, #tpu.memory_space<hbm>> -> memref<10000x256xf32, #tpu.memory_space<hbm>>
      tpu.enqueue_indirect_dma source(%dma_start3A_15 : memref<10000x256xf32, #tpu.memory_space<hbm>>) target(%arg6 : memref<128x256xf32, #tpu.memory_space<vmem>>) offsets(%arg5 : memref<128xi32, #tpu.memory_space<vmem>>) semaphore(%arg7 : memref<!tpu.dma_semaphore, #tpu.memory_space<semaphore_mem>>)
      %dma_wait3A = arith.constant 0 : i32
      %dma_wait3A_16 = arith.constant 0 : i32
      %dma_wait3A_17 = tpu.memref_slice %arg2[%dma_wait3A, %dma_wait3A_16] : memref<10000x256xf32, #tpu.memory_space<hbm>> -> memref<10000x256xf32, #tpu.memory_space<hbm>>
      tpu.wait_indirect_dma semaphore(%arg7 : memref<!tpu.dma_semaphore, #tpu.memory_space<semaphore_mem>>) src(%dma_wait3A_17 : memref<10000x256xf32, #tpu.memory_space<hbm>>) dst(%arg6 : memref<128x256xf32, #tpu.memory_space<vmem>>)
      "tpu.region"() ({
        %run_scoped3A = tpu.sem_alloc : memref<!tpu.dma_semaphore, #tpu.memory_space<semaphore_mem>>
        %dma_start3A_18 = arith.constant 0 : i32
        %dma_start3A_19 = tpu.memref_slice %arg4[%mul3A_13, %dma_start3A_18] : memref<160000x256xf32, #tpu.memory_space<hbm>> -> memref<128x256xf32, #tpu.memory_space<hbm>>
        %dma_start3A_20 = arith.constant 0 : i32
        %dma_start3A_21 = tpu.memref_slice %arg4[%mul3A_13, %dma_start3A_20] : memref<160000x256xf32, #tpu.memory_space<hbm>> -> memref<128x256xf32, #tpu.memory_space<hbm>>
        tpu.enqueue_dma source(%arg6 : memref<128x256xf32, #tpu.memory_space<vmem>>) target(%dma_start3A_21 : memref<128x256xf32, #tpu.memory_space<hbm>>) target_semaphore(%run_scoped3A : memref<!tpu.dma_semaphore, #tpu.memory_space<semaphore_mem>>)
        %dma_wait3A_22 = arith.constant 0 : i32
        %dma_wait3A_23 = tpu.memref_slice %arg4[%mul3A_13, %dma_wait3A_22] : memref<160000x256xf32, #tpu.memory_space<hbm>> -> memref<128x256xf32, #tpu.memory_space<hbm>>
        %dma_wait3A_24 = arith.constant 0 : i32
        %dma_wait3A_25 = tpu.memref_slice %arg4[%mul3A_13, %dma_wait3A_24] : memref<160000x256xf32, #tpu.memory_space<hbm>> -> memref<128x256xf32, #tpu.memory_space<hbm>>
        tpu.wait_dma2 semaphore(%run_scoped3A : memref<!tpu.dma_semaphore, #tpu.memory_space<semaphore_mem>>) src(%arg6 : memref<128x256xf32, #tpu.memory_space<vmem>>) dst(%dma_wait3A_25 : memref<128x256xf32, #tpu.memory_space<hbm>>)
        tpu.yield
      }) : () -> ()
    }
    %scan3A_5 = arith.constant 39 : i32
    %lt3A = arith.constant 2 : i32
    %lt3A_6 = arith.cmpi slt, %add3A, %lt3A : i32
    %convert_element_type3A = arith.extui %lt3A_6 : i1 to i32
    %cond3A = arith.constant 0 : i32
    %cond3A_7 = arith.cmpi ne, %convert_element_type3A, %cond3A : i32
    scf.if %cond3A_7 {
      %add3A_8 = arith.constant 1248 : i32
      %add3A_9 = arith.addi %add3A_8, %add3A : i32
      %mul3A_10 = arith.constant 128 : i32
      %mul3A_11 = arith.muli %add3A_9, %mul3A_10 : i32
      "tpu.region"() ({
        %run_scoped3A = tpu.sem_alloc : memref<!tpu.dma_semaphore, #tpu.memory_space<semaphore_mem>>
        %dma_start3A_16 = tpu.memref_slice %arg3[%mul3A_11] : memref<160000xi32, #tpu.memory_space<hbm>> -> memref<128xi32, #tpu.memory_space<hbm>>
        %dma_start3A_17 = tpu.memref_slice %arg3[%mul3A_11] : memref<160000xi32, #tpu.memory_space<hbm>> -> memref<128xi32, #tpu.memory_space<hbm>>
        tpu.enqueue_dma source(%dma_start3A_17 : memref<128xi32, #tpu.memory_space<hbm>>) target(%arg5 : memref<128xi32, #tpu.memory_space<vmem>>) target_semaphore(%run_scoped3A : memref<!tpu.dma_semaphore, #tpu.memory_space<semaphore_mem>>)
        %dma_wait3A_18 = tpu.memref_slice %arg3[%mul3A_11] : memref<160000xi32, #tpu.memory_space<hbm>> -> memref<128xi32, #tpu.memory_space<hbm>>
        %dma_wait3A_19 = tpu.memref_slice %arg3[%mul3A_11] : memref<160000xi32, #tpu.memory_space<hbm>> -> memref<128xi32, #tpu.memory_space<hbm>>
        tpu.wait_dma2 semaphore(%run_scoped3A : memref<!tpu.dma_semaphore, #tpu.memory_space<semaphore_mem>>) src(%dma_wait3A_19 : memref<128xi32, #tpu.memory_space<hbm>>) dst(%arg5 : memref<128xi32, #tpu.memory_space<vmem>>)
        tpu.yield
      }) : () -> ()
      %dma_start3A = arith.constant 0 : i32
      %dma_start3A_12 = arith.constant 0 : i32
      %dma_start3A_13 = tpu.memref_slice %arg2[%dma_start3A, %dma_start3A_12] : memref<10000x256xf32, #tpu.memory_space<hbm>> -> memref<10000x256xf32, #tpu.memory_space<hbm>>
      tpu.enqueue_indirect_dma source(%dma_start3A_13 : memref<10000x256xf32, #tpu.memory_space<hbm>>) target(%arg6 : memref<128x256xf32, #tpu.memory_space<vmem>>) offsets(%arg5 : memref<128xi32, #tpu.memory_space<vmem>>) semaphore(%arg7 : memref<!tpu.dma_semaphore, #tpu.memory_space<semaphore_mem>>)
      %dma_wait3A = arith.constant 0 : i32
      %dma_wait3A_14 = arith.constant 0 : i32
      %dma_wait3A_15 = tpu.memref_slice %arg2[%dma_wait3A, %dma_wait3A_14] : memref<10000x256xf32, #tpu.memory_space<hbm>> -> memref<10000x256xf32, #tpu.memory_space<hbm>>
      tpu.wait_indirect_dma semaphore(%arg7 : memref<!tpu.dma_semaphore, #tpu.memory_space<semaphore_mem>>) src(%dma_wait3A_15 : memref<10000x256xf32, #tpu.memory_space<hbm>>) dst(%arg6 : memref<128x256xf32, #tpu.memory_space<vmem>>)
      "tpu.region"() ({
        %run_scoped3A = tpu.sem_alloc : memref<!tpu.dma_semaphore, #tpu.memory_space<semaphore_mem>>
        %dma_start3A_16 = arith.constant 0 : i32
        %dma_start3A_17 = tpu.memref_slice %arg4[%mul3A_11, %dma_start3A_16] : memref<160000x256xf32, #tpu.memory_space<hbm>> -> memref<128x256xf32, #tpu.memory_space<hbm>>
        %dma_start3A_18 = arith.constant 0 : i32
        %dma_start3A_19 = tpu.memref_slice %arg4[%mul3A_11, %dma_start3A_18] : memref<160000x256xf32, #tpu.memory_space<hbm>> -> memref<128x256xf32, #tpu.memory_space<hbm>>
        tpu.enqueue_dma source(%arg6 : memref<128x256xf32, #tpu.memory_space<vmem>>) target(%dma_start3A_19 : memref<128x256xf32, #tpu.memory_space<hbm>>) target_semaphore(%run_scoped3A : memref<!tpu.dma_semaphore, #tpu.memory_space<semaphore_mem>>)
        %dma_wait3A_20 = arith.constant 0 : i32
        %dma_wait3A_21 = tpu.memref_slice %arg4[%mul3A_11, %dma_wait3A_20] : memref<160000x256xf32, #tpu.memory_space<hbm>> -> memref<128x256xf32, #tpu.memory_space<hbm>>
        %dma_wait3A_22 = arith.constant 0 : i32
        %dma_wait3A_23 = tpu.memref_slice %arg4[%mul3A_11, %dma_wait3A_22] : memref<160000x256xf32, #tpu.memory_space<hbm>> -> memref<128x256xf32, #tpu.memory_space<hbm>>
        tpu.wait_dma2 semaphore(%run_scoped3A : memref<!tpu.dma_semaphore, #tpu.memory_space<semaphore_mem>>) src(%arg6 : memref<128x256xf32, #tpu.memory_space<vmem>>) dst(%dma_wait3A_23 : memref<128x256xf32, #tpu.memory_space<hbm>>)
        tpu.yield
      }) : () -> ()
    } else {
    }
    return
  }
}

#map = affine_map<(d0, d1) -> (0, 0)>
#map1 = affine_map<(d0, d1) -> (0, 0, 0)>
module attributes {stable_mosaic.version = 14 : i64} {
  func.func @k(%arg0: i32, %arg1: i32, %arg2: memref<160000x128xf32, #tpu.memory_space<hbm>>, %arg3: memref<160000x128xf32, #tpu.memory_space<hbm>>, %arg4: memref<160000x128xf32, #tpu.memory_space<hbm>>, %arg5: memref<160000x128xf32, #tpu.memory_space<hbm>>, %arg6: memref<160000x128xf32, #tpu.memory_space<hbm>>, %arg7: memref<1250x1x128xi32, #tpu.memory_space<hbm>>, %arg8: memref<640x128xf32, #tpu.memory_space<hbm>>, %arg9: memref<102400x128xf32, #tpu.memory_space<hbm>>, %arg10: memref<40x1x128xi32, #tpu.memory_space<vmem>>, %arg11: memref<2x128x128xf32, #tpu.memory_space<vmem>>, %arg12: memref<10240x128xf32, #tpu.memory_space<vmem_shared>>, %arg13: memref<!tpu.dma_semaphore, #tpu.memory_space<semaphore_mem>>, %arg14: memref<!tpu.dma_semaphore, #tpu.memory_space<semaphore_mem>>) attributes {dimension_semantics = [#tpu.dimension_semantics<core_parallel>, #tpu.dimension_semantics<subcore_parallel>], iteration_bounds = array<i64: 2, 16>, scalar_prefetch = 0 : i64, scratch_operands = 5 : i64, tpu.core_type = #tpu.core_type<sc_vector_subcore>, window_params = [{transform_indices = #map}, {transform_indices = #map}, {transform_indices = #map}, {transform_indices = #map}, {transform_indices = #map}, {transform_indices = #map1}, {transform_indices = #map}, {transform_indices = #map}]} {
    %mul3A = arith.constant 2 : i32
    %mul3A_0 = arith.muli %arg1, %mul3A : i32
    %add3A = arith.addi %mul3A_0, %arg0 : i32
    %mul3A_1 = arith.constant 640 : i32
    %mul3A_2 = arith.muli %arg1, %mul3A_1 : i32
    %mul3A_3 = arith.constant 39 : i32
    %mul3A_4 = arith.muli %add3A, %mul3A_3 : i32
    "tpu.region"() ({
      %run_scoped3A_223 = tpu.sem_alloc : memref<!tpu.dma_semaphore, #tpu.memory_space<semaphore_mem>>
      %dma_start3A_224 = arith.constant 0 : i32
      %dma_start3A_225 = arith.constant 0 : i32
      %dma_start3A_226 = arith.constant 0 : i32
      %dma_start3A_227 = tpu.memref_slice %arg10[%dma_start3A_224, %dma_start3A_225, %dma_start3A_226] : memref<40x1x128xi32, #tpu.memory_space<vmem>> -> memref<39x1x128xi32, #tpu.memory_space<vmem>>
      %dma_start3A_228 = arith.constant 0 : i32
      %dma_start3A_229 = arith.constant 0 : i32
      %dma_start3A_230 = tpu.memref_slice %arg7[%mul3A_4, %dma_start3A_228, %dma_start3A_229] : memref<1250x1x128xi32, #tpu.memory_space<hbm>> -> memref<39x1x128xi32, #tpu.memory_space<hbm>>
      %dma_start3A_231 = arith.constant 0 : i32
      %dma_start3A_232 = arith.constant 0 : i32
      %dma_start3A_233 = arith.constant 0 : i32
      %dma_start3A_234 = tpu.memref_slice %arg10[%dma_start3A_231, %dma_start3A_232, %dma_start3A_233] : memref<40x1x128xi32, #tpu.memory_space<vmem>> -> memref<39x1x128xi32, #tpu.memory_space<vmem>>
      %dma_start3A_235 = arith.constant 0 : i32
      %dma_start3A_236 = arith.constant 0 : i32
      %dma_start3A_237 = tpu.memref_slice %arg7[%mul3A_4, %dma_start3A_235, %dma_start3A_236] : memref<1250x1x128xi32, #tpu.memory_space<hbm>> -> memref<39x1x128xi32, #tpu.memory_space<hbm>>
      tpu.enqueue_dma source(%dma_start3A_237 : memref<39x1x128xi32, #tpu.memory_space<hbm>>) target(%dma_start3A_234 : memref<39x1x128xi32, #tpu.memory_space<vmem>>) target_semaphore(%run_scoped3A_223 : memref<!tpu.dma_semaphore, #tpu.memory_space<semaphore_mem>>)
      %dma_wait3A = arith.constant 0 : i32
      %dma_wait3A_238 = arith.constant 0 : i32
      %dma_wait3A_239 = arith.constant 0 : i32
      %dma_wait3A_240 = tpu.memref_slice %arg10[%dma_wait3A, %dma_wait3A_238, %dma_wait3A_239] : memref<40x1x128xi32, #tpu.memory_space<vmem>> -> memref<39x1x128xi32, #tpu.memory_space<vmem>>
      %dma_wait3A_241 = arith.constant 0 : i32
      %dma_wait3A_242 = arith.constant 0 : i32
      %dma_wait3A_243 = tpu.memref_slice %arg7[%mul3A_4, %dma_wait3A_241, %dma_wait3A_242] : memref<1250x1x128xi32, #tpu.memory_space<hbm>> -> memref<39x1x128xi32, #tpu.memory_space<hbm>>
      %dma_wait3A_244 = arith.constant 0 : i32
      %dma_wait3A_245 = arith.constant 0 : i32
      %dma_wait3A_246 = arith.constant 0 : i32
      %dma_wait3A_247 = tpu.memref_slice %arg10[%dma_wait3A_244, %dma_wait3A_245, %dma_wait3A_246] : memref<40x1x128xi32, #tpu.memory_space<vmem>> -> memref<39x1x128xi32, #tpu.memory_space<vmem>>
      %dma_wait3A_248 = arith.constant 0 : i32
      %dma_wait3A_249 = arith.constant 0 : i32
      %dma_wait3A_250 = tpu.memref_slice %arg7[%mul3A_4, %dma_wait3A_248, %dma_wait3A_249] : memref<1250x1x128xi32, #tpu.memory_space<hbm>> -> memref<39x1x128xi32, #tpu.memory_space<hbm>>
      tpu.wait_dma2 semaphore(%run_scoped3A_223 : memref<!tpu.dma_semaphore, #tpu.memory_space<semaphore_mem>>) src(%dma_wait3A_250 : memref<39x1x128xi32, #tpu.memory_space<hbm>>) dst(%dma_wait3A_247 : memref<39x1x128xi32, #tpu.memory_space<vmem>>)
      tpu.yield
    }) : () -> ()
    %lt3A = arith.constant 2 : i32
    %lt3A_5 = arith.cmpi slt, %add3A, %lt3A : i32
    %convert_element_type3A = arith.extui %lt3A_5 : i1 to i32
    %cond3A = arith.constant 0 : i32
    %cond3A_6 = arith.cmpi ne, %convert_element_type3A, %cond3A : i32
    scf.if %cond3A_6 {
      %add3A_223 = arith.constant 1248 : i32
      %add3A_224 = arith.addi %add3A_223, %add3A : i32
      "tpu.region"() ({
        %run_scoped3A_225 = tpu.sem_alloc : memref<!tpu.dma_semaphore, #tpu.memory_space<semaphore_mem>>
        %dma_start3A_226 = arith.constant 39 : i32
        %dma_start3A_227 = arith.constant 0 : i32
        %dma_start3A_228 = arith.constant 0 : i32
        %dma_start3A_229 = tpu.memref_slice %arg10[%dma_start3A_226, %dma_start3A_227, %dma_start3A_228] : memref<40x1x128xi32, #tpu.memory_space<vmem>> -> memref<1x1x128xi32, #tpu.memory_space<vmem>>
        %dma_start3A_230 = arith.constant 0 : i32
        %dma_start3A_231 = arith.constant 0 : i32
        %dma_start3A_232 = tpu.memref_slice %arg7[%add3A_224, %dma_start3A_230, %dma_start3A_231] : memref<1250x1x128xi32, #tpu.memory_space<hbm>> -> memref<1x1x128xi32, #tpu.memory_space<hbm>>
        %dma_start3A_233 = arith.constant 39 : i32
        %dma_start3A_234 = arith.constant 0 : i32
        %dma_start3A_235 = arith.constant 0 : i32
        %dma_start3A_236 = tpu.memref_slice %arg10[%dma_start3A_233, %dma_start3A_234, %dma_start3A_235] : memref<40x1x128xi32, #tpu.memory_space<vmem>> -> memref<1x1x128xi32, #tpu.memory_space<vmem>>
        %dma_start3A_237 = arith.constant 0 : i32
        %dma_start3A_238 = arith.constant 0 : i32
        %dma_start3A_239 = tpu.memref_slice %arg7[%add3A_224, %dma_start3A_237, %dma_start3A_238] : memref<1250x1x128xi32, #tpu.memory_space<hbm>> -> memref<1x1x128xi32, #tpu.memory_space<hbm>>
        tpu.enqueue_dma source(%dma_start3A_239 : memref<1x1x128xi32, #tpu.memory_space<hbm>>) target(%dma_start3A_236 : memref<1x1x128xi32, #tpu.memory_space<vmem>>) target_semaphore(%run_scoped3A_225 : memref<!tpu.dma_semaphore, #tpu.memory_space<semaphore_mem>>)
        %dma_wait3A = arith.constant 39 : i32
        %dma_wait3A_240 = arith.constant 0 : i32
        %dma_wait3A_241 = arith.constant 0 : i32
        %dma_wait3A_242 = tpu.memref_slice %arg10[%dma_wait3A, %dma_wait3A_240, %dma_wait3A_241] : memref<40x1x128xi32, #tpu.memory_space<vmem>> -> memref<1x1x128xi32, #tpu.memory_space<vmem>>
        %dma_wait3A_243 = arith.constant 0 : i32
        %dma_wait3A_244 = arith.constant 0 : i32
        %dma_wait3A_245 = tpu.memref_slice %arg7[%add3A_224, %dma_wait3A_243, %dma_wait3A_244] : memref<1250x1x128xi32, #tpu.memory_space<hbm>> -> memref<1x1x128xi32, #tpu.memory_space<hbm>>
        %dma_wait3A_246 = arith.constant 39 : i32
        %dma_wait3A_247 = arith.constant 0 : i32
        %dma_wait3A_248 = arith.constant 0 : i32
        %dma_wait3A_249 = tpu.memref_slice %arg10[%dma_wait3A_246, %dma_wait3A_247, %dma_wait3A_248] : memref<40x1x128xi32, #tpu.memory_space<vmem>> -> memref<1x1x128xi32, #tpu.memory_space<vmem>>
        %dma_wait3A_250 = arith.constant 0 : i32
        %dma_wait3A_251 = arith.constant 0 : i32
        %dma_wait3A_252 = tpu.memref_slice %arg7[%add3A_224, %dma_wait3A_250, %dma_wait3A_251] : memref<1250x1x128xi32, #tpu.memory_space<hbm>> -> memref<1x1x128xi32, #tpu.memory_space<hbm>>
        tpu.wait_dma2 semaphore(%run_scoped3A_225 : memref<!tpu.dma_semaphore, #tpu.memory_space<semaphore_mem>>) src(%dma_wait3A_252 : memref<1x1x128xi32, #tpu.memory_space<hbm>>) dst(%dma_wait3A_249 : memref<1x1x128xi32, #tpu.memory_space<vmem>>)
        tpu.yield
      }) : () -> ()
    } else {
    }
    "tpu.region"() ({
      %run_scoped3A_223 = tpu.sem_alloc : memref<!tpu.dma_semaphore, #tpu.memory_space<semaphore_mem>>
      %dma_start3A_224 = arith.constant 0 : i32
      %dma_start3A_225 = tpu.memref_slice %arg12[%mul3A_2, %dma_start3A_224] : memref<10240x128xf32, #tpu.memory_space<vmem_shared>> -> memref<640x128xf32, #tpu.memory_space<vmem_shared>>
      tpu.enqueue_dma source(%arg8 : memref<640x128xf32, #tpu.memory_space<hbm>>) target(%dma_start3A_225 : memref<640x128xf32, #tpu.memory_space<vmem_shared>>) target_semaphore(%run_scoped3A_223 : memref<!tpu.dma_semaphore, #tpu.memory_space<semaphore_mem>>)
      %dma_wait3A = arith.constant 0 : i32
      %dma_wait3A_226 = tpu.memref_slice %arg12[%mul3A_2, %dma_wait3A] : memref<10240x128xf32, #tpu.memory_space<vmem_shared>> -> memref<640x128xf32, #tpu.memory_space<vmem_shared>>
      tpu.wait_dma2 semaphore(%run_scoped3A_223 : memref<!tpu.dma_semaphore, #tpu.memory_space<semaphore_mem>>) src(%arg8 : memref<640x128xf32, #tpu.memory_space<hbm>>) dst(%dma_wait3A_226 : memref<640x128xf32, #tpu.memory_space<vmem_shared>>)
      tpu.yield
    }) : () -> ()
    %barrier3A = arith.constant 0 : index
    tpu.barrier barrier_id(%barrier3A)
    %add3A_7 = arith.constant 0 : i32
    %add3A_8 = arith.addi %mul3A_4, %add3A_7 : i32
    %mul3A_9 = arith.constant 128 : i32
    %mul3A_10 = arith.muli %add3A_8, %mul3A_9 : i32
    %dma_start3A = arith.constant 0 : i32
    %dma_start3A_11 = arith.constant 0 : i32
    %dma_start3A_12 = arith.constant 0 : i32
    %dma_start3A_13 = tpu.memref_slice %arg11[%dma_start3A, %dma_start3A_11, %dma_start3A_12] : memref<2x128x128xf32, #tpu.memory_space<vmem>> -> memref<1x128x128xf32, #tpu.memory_space<vmem>>
    %dma_start3A_14 = tpu.memref_squeeze %dma_start3A_13 : memref<1x128x128xf32, #tpu.memory_space<vmem>> -> memref<128x128xf32, #tpu.memory_space<vmem>>
    %dma_start3A_15 = arith.constant 0 : i32
    %dma_start3A_16 = tpu.memref_slice %arg2[%mul3A_10, %dma_start3A_15] : memref<160000x128xf32, #tpu.memory_space<hbm>> -> memref<128x128xf32, #tpu.memory_space<hbm>>
    %dma_start3A_17 = arith.constant 0 : i32
    %dma_start3A_18 = arith.constant 0 : i32
    %dma_start3A_19 = tpu.memref_slice %arg11[%dma_start3A, %dma_start3A_17, %dma_start3A_18] : memref<2x128x128xf32, #tpu.memory_space<vmem>> -> memref<1x128x128xf32, #tpu.memory_space<vmem>>
    %dma_start3A_20 = tpu.memref_squeeze %dma_start3A_19 : memref<1x128x128xf32, #tpu.memory_space<vmem>> -> memref<128x128xf32, #tpu.memory_space<vmem>>
    %dma_start3A_21 = arith.constant 0 : i32
    %dma_start3A_22 = tpu.memref_slice %arg2[%mul3A_10, %dma_start3A_21] : memref<160000x128xf32, #tpu.memory_space<hbm>> -> memref<128x128xf32, #tpu.memory_space<hbm>>
    tpu.enqueue_dma source(%dma_start3A_22 : memref<128x128xf32, #tpu.memory_space<hbm>>) target(%dma_start3A_20 : memref<128x128xf32, #tpu.memory_space<vmem>>) target_semaphore(%arg13 : memref<!tpu.dma_semaphore, #tpu.memory_space<semaphore_mem>>)
    %scan3A = arith.constant 0 : i32
    %scan3A_23 = arith.constant 0 : i32
    %scan3A_24 = arith.constant 19 : i32
    %scan3A_25 = arith.addi %scan3A_23, %scan3A_24 : i32
    %scan3A_26 = arith.constant 1 : i32
    scf.for %scan3A_223 = %scan3A_23 to %scan3A_25 step %scan3A_26  : i32 {
      %mul3A_224 = arith.constant 2 : i32
      %mul3A_225 = arith.muli %mul3A_224, %scan3A_223 : i32
      %add3A_226 = arith.constant 1 : i32
      %add3A_227 = arith.addi %mul3A_225, %add3A_226 : i32
      %add3A_228 = arith.addi %mul3A_4, %add3A_227 : i32
      %mul3A_229 = arith.constant 128 : i32
      %mul3A_230 = arith.muli %add3A_228, %mul3A_229 : i32
      %dma_start3A_231 = arith.constant 1 : i32
      %dma_start3A_232 = arith.constant 0 : i32
      %dma_start3A_233 = arith.constant 0 : i32
      %dma_start3A_234 = tpu.memref_slice %arg11[%dma_start3A_231, %dma_start3A_232, %dma_start3A_233] : memref<2x128x128xf32, #tpu.memory_space<vmem>> -> memref<1x128x128xf32, #tpu.memory_space<vmem>>
      %dma_start3A_235 = tpu.memref_squeeze %dma_start3A_234 : memref<1x128x128xf32, #tpu.memory_space<vmem>> -> memref<128x128xf32, #tpu.memory_space<vmem>>
      %dma_start3A_236 = arith.constant 0 : i32
      %dma_start3A_237 = tpu.memref_slice %arg2[%mul3A_230, %dma_start3A_236] : memref<160000x128xf32, #tpu.memory_space<hbm>> -> memref<128x128xf32, #tpu.memory_space<hbm>>
      %dma_start3A_238 = arith.constant 0 : i32
      %dma_start3A_239 = arith.constant 0 : i32
      %dma_start3A_240 = tpu.memref_slice %arg11[%dma_start3A_231, %dma_start3A_238, %dma_start3A_239] : memref<2x128x128xf32, #tpu.memory_space<vmem>> -> memref<1x128x128xf32, #tpu.memory_space<vmem>>
      %dma_start3A_241 = tpu.memref_squeeze %dma_start3A_240 : memref<1x128x128xf32, #tpu.memory_space<vmem>> -> memref<128x128xf32, #tpu.memory_space<vmem>>
      %dma_start3A_242 = arith.constant 0 : i32
      %dma_start3A_243 = tpu.memref_slice %arg2[%mul3A_230, %dma_start3A_242] : memref<160000x128xf32, #tpu.memory_space<hbm>> -> memref<128x128xf32, #tpu.memory_space<hbm>>
      tpu.enqueue_dma source(%dma_start3A_243 : memref<128x128xf32, #tpu.memory_space<hbm>>) target(%dma_start3A_241 : memref<128x128xf32, #tpu.memory_space<vmem>>) target_semaphore(%arg14 : memref<!tpu.dma_semaphore, #tpu.memory_space<semaphore_mem>>)
      %dma_wait3A = arith.constant 0 : i32
      %dma_wait3A_244 = arith.constant 0 : i32
      %dma_wait3A_245 = arith.constant 0 : i32
      %dma_wait3A_246 = tpu.memref_slice %arg11[%dma_wait3A, %dma_wait3A_244, %dma_wait3A_245] : memref<2x128x128xf32, #tpu.memory_space<vmem>> -> memref<1x128x128xf32, #tpu.memory_space<vmem>>
      %dma_wait3A_247 = tpu.memref_squeeze %dma_wait3A_246 : memref<1x128x128xf32, #tpu.memory_space<vmem>> -> memref<128x128xf32, #tpu.memory_space<vmem>>
      %dma_wait3A_248 = arith.constant 0 : i32
      %dma_wait3A_249 = arith.constant 0 : i32
      %dma_wait3A_250 = tpu.memref_slice %arg2[%dma_wait3A_248, %dma_wait3A_249] : memref<160000x128xf32, #tpu.memory_space<hbm>> -> memref<128x128xf32, #tpu.memory_space<hbm>>
      %dma_wait3A_251 = arith.constant 0 : i32
      %dma_wait3A_252 = arith.constant 0 : i32
      %dma_wait3A_253 = tpu.memref_slice %arg11[%dma_wait3A, %dma_wait3A_251, %dma_wait3A_252] : memref<2x128x128xf32, #tpu.memory_space<vmem>> -> memref<1x128x128xf32, #tpu.memory_space<vmem>>
      %dma_wait3A_254 = tpu.memref_squeeze %dma_wait3A_253 : memref<1x128x128xf32, #tpu.memory_space<vmem>> -> memref<128x128xf32, #tpu.memory_space<vmem>>
      %dma_wait3A_255 = arith.constant 0 : i32
      %dma_wait3A_256 = arith.constant 0 : i32
      %dma_wait3A_257 = tpu.memref_slice %arg2[%dma_wait3A_255, %dma_wait3A_256] : memref<160000x128xf32, #tpu.memory_space<hbm>> -> memref<128x128xf32, #tpu.memory_space<hbm>>
      tpu.wait_dma2 semaphore(%arg13 : memref<!tpu.dma_semaphore, #tpu.memory_space<semaphore_mem>>) src(%dma_wait3A_257 : memref<128x128xf32, #tpu.memory_space<hbm>>) dst(%dma_wait3A_254 : memref<128x128xf32, #tpu.memory_space<vmem>>)
      %run_scoped3A_258 = arith.constant 0 : i32
      %run_scoped3A_259 = arith.constant 0 : i32
      "tpu.region"() ({
        %run_scoped3A_284 = tpu.sem_alloc : memref<!tpu.dma_semaphore, #tpu.memory_space<semaphore_mem>>
        %dma_start3A_285 = arith.constant 0 : i32
        %dma_start3A_286 = arith.constant 0 : i32
        %dma_start3A_287 = tpu.memref_slice %arg11[%run_scoped3A_258, %dma_start3A_285, %dma_start3A_286] : memref<2x128x128xf32, #tpu.memory_space<vmem>> -> memref<1x128x128xf32, #tpu.memory_space<vmem>>
        %dma_start3A_288 = tpu.memref_squeeze %dma_start3A_287 : memref<1x128x128xf32, #tpu.memory_space<vmem>> -> memref<128x128xf32, #tpu.memory_space<vmem>>
        %dma_start3A_289 = arith.constant 0 : i32
        %dma_start3A_290 = tpu.memref_slice %arg10[%mul3A_225, %run_scoped3A_259, %dma_start3A_289] : memref<40x1x128xi32, #tpu.memory_space<vmem>> -> memref<1x1x128xi32, #tpu.memory_space<vmem>>
        %dma_start3A_291 = tpu.memref_squeeze %dma_start3A_290 : memref<1x1x128xi32, #tpu.memory_space<vmem>> -> memref<128xi32, #tpu.memory_space<vmem>>
        %dma_start3A_292 = arith.constant 0 : i32
        %dma_start3A_293 = arith.constant 0 : i32
        %dma_start3A_294 = tpu.memref_slice %arg12[%dma_start3A_292, %dma_start3A_293] : memref<10240x128xf32, #tpu.memory_space<vmem_shared>> -> memref<10240x128xf32, #tpu.memory_space<vmem_shared>>
        tpu.enqueue_indirect_dma source(%dma_start3A_288 : memref<128x128xf32, #tpu.memory_space<vmem>>) target(%dma_start3A_294 : memref<10240x128xf32, #tpu.memory_space<vmem_shared>>) offsets(%dma_start3A_291 : memref<128xi32, #tpu.memory_space<vmem>>) semaphore(%run_scoped3A_284 : memref<!tpu.dma_semaphore, #tpu.memory_space<semaphore_mem>>) {add = true}
        %dma_wait3A_295 = arith.constant 0 : i32
        %dma_wait3A_296 = arith.constant 0 : i32
        %dma_wait3A_297 = tpu.memref_slice %arg11[%run_scoped3A_258, %dma_wait3A_295, %dma_wait3A_296] : memref<2x128x128xf32, #tpu.memory_space<vmem>> -> memref<1x128x128xf32, #tpu.memory_space<vmem>>
        %dma_wait3A_298 = tpu.memref_squeeze %dma_wait3A_297 : memref<1x128x128xf32, #tpu.memory_space<vmem>> -> memref<128x128xf32, #tpu.memory_space<vmem>>
        %dma_wait3A_299 = arith.constant 0 : i32
        %dma_wait3A_300 = tpu.memref_slice %arg10[%mul3A_225, %run_scoped3A_259, %dma_wait3A_299] : memref<40x1x128xi32, #tpu.memory_space<vmem>> -> memref<1x1x128xi32, #tpu.memory_space<vmem>>
        %dma_wait3A_301 = tpu.memref_squeeze %dma_wait3A_300 : memref<1x1x128xi32, #tpu.memory_space<vmem>> -> memref<128xi32, #tpu.memory_space<vmem>>
        %dma_wait3A_302 = arith.constant 0 : i32
        %dma_wait3A_303 = arith.constant 0 : i32
        %dma_wait3A_304 = tpu.memref_slice %arg12[%dma_wait3A_302, %dma_wait3A_303] : memref<10240x128xf32, #tpu.memory_space<vmem_shared>> -> memref<10240x128xf32, #tpu.memory_space<vmem_shared>>
        tpu.wait_indirect_dma semaphore(%run_scoped3A_284 : memref<!tpu.dma_semaphore, #tpu.memory_space<semaphore_mem>>) src(%dma_wait3A_298 : memref<128x128xf32, #tpu.memory_space<vmem>>) dst(%dma_wait3A_304 : memref<10240x128xf32, #tpu.memory_space<vmem_shared>>)
        tpu.yield
      }) : () -> ()
      %lt3A_260 = arith.constant 18 : i32
      %lt3A_261 = arith.cmpi slt, %scan3A_223, %lt3A_260 : i32
      %convert_element_type3A_262 = arith.extui %lt3A_261 : i1 to i32
      %cond3A_263 = arith.constant 0 : i32
      %cond3A_264 = arith.cmpi ne, %convert_element_type3A_262, %cond3A_263 : i32
      scf.if %cond3A_264 {
        %add3A_284 = arith.constant 2 : i32
        %add3A_285 = arith.addi %mul3A_225, %add3A_284 : i32
        %add3A_286 = arith.addi %mul3A_4, %add3A_285 : i32
        %mul3A_287 = arith.constant 128 : i32
        %mul3A_288 = arith.muli %add3A_286, %mul3A_287 : i32
        %dma_start3A_289 = arith.constant 0 : i32
        %dma_start3A_290 = arith.constant 0 : i32
        %dma_start3A_291 = arith.constant 0 : i32
        %dma_start3A_292 = tpu.memref_slice %arg11[%dma_start3A_289, %dma_start3A_290, %dma_start3A_291] : memref<2x128x128xf32, #tpu.memory_space<vmem>> -> memref<1x128x128xf32, #tpu.memory_space<vmem>>
        %dma_start3A_293 = tpu.memref_squeeze %dma_start3A_292 : memref<1x128x128xf32, #tpu.memory_space<vmem>> -> memref<128x128xf32, #tpu.memory_space<vmem>>
        %dma_start3A_294 = arith.constant 0 : i32
        %dma_start3A_295 = tpu.memref_slice %arg2[%mul3A_288, %dma_start3A_294] : memref<160000x128xf32, #tpu.memory_space<hbm>> -> memref<128x128xf32, #tpu.memory_space<hbm>>
        %dma_start3A_296 = arith.constant 0 : i32
        %dma_start3A_297 = arith.constant 0 : i32
        %dma_start3A_298 = tpu.memref_slice %arg11[%dma_start3A_289, %dma_start3A_296, %dma_start3A_297] : memref<2x128x128xf32, #tpu.memory_space<vmem>> -> memref<1x128x128xf32, #tpu.memory_space<vmem>>
        %dma_start3A_299 = tpu.memref_squeeze %dma_start3A_298 : memref<1x128x128xf32, #tpu.memory_space<vmem>> -> memref<128x128xf32, #tpu.memory_space<vmem>>
        %dma_start3A_300 = arith.constant 0 : i32
        %dma_start3A_301 = tpu.memref_slice %arg2[%mul3A_288, %dma_start3A_300] : memref<160000x128xf32, #tpu.memory_space<hbm>> -> memref<128x128xf32, #tpu.memory_space<hbm>>
        tpu.enqueue_dma source(%dma_start3A_301 : memref<128x128xf32, #tpu.memory_space<hbm>>) target(%dma_start3A_299 : memref<128x128xf32, #tpu.memory_space<vmem>>) target_semaphore(%arg13 : memref<!tpu.dma_semaphore, #tpu.memory_space<semaphore_mem>>)
      } else {
      }
      %dma_wait3A_265 = arith.constant 1 : i32
      %dma_wait3A_266 = arith.constant 0 : i32
      %dma_wait3A_267 = arith.constant 0 : i32
      %dma_wait3A_268 = tpu.memref_slice %arg11[%dma_wait3A_265, %dma_wait3A_266, %dma_wait3A_267] : memref<2x128x128xf32, #tpu.memory_space<vmem>> -> memref<1x128x128xf32, #tpu.memory_space<vmem>>
      %dma_wait3A_269 = tpu.memref_squeeze %dma_wait3A_268 : memref<1x128x128xf32, #tpu.memory_space<vmem>> -> memref<128x128xf32, #tpu.memory_space<vmem>>
      %dma_wait3A_270 = arith.constant 0 : i32
      %dma_wait3A_271 = arith.constant 0 : i32
      %dma_wait3A_272 = tpu.memref_slice %arg2[%dma_wait3A_270, %dma_wait3A_271] : memref<160000x128xf32, #tpu.memory_space<hbm>> -> memref<128x128xf32, #tpu.memory_space<hbm>>
      %dma_wait3A_273 = arith.constant 0 : i32
      %dma_wait3A_274 = arith.constant 0 : i32
      %dma_wait3A_275 = tpu.memref_slice %arg11[%dma_wait3A_265, %dma_wait3A_273, %dma_wait3A_274] : memref<2x128x128xf32, #tpu.memory_space<vmem>> -> memref<1x128x128xf32, #tpu.memory_space<vmem>>
      %dma_wait3A_276 = tpu.memref_squeeze %dma_wait3A_275 : memref<1x128x128xf32, #tpu.memory_space<vmem>> -> memref<128x128xf32, #tpu.memory_space<vmem>>
      %dma_wait3A_277 = arith.constant 0 : i32
      %dma_wait3A_278 = arith.constant 0 : i32
      %dma_wait3A_279 = tpu.memref_slice %arg2[%dma_wait3A_277, %dma_wait3A_278] : memref<160000x128xf32, #tpu.memory_space<hbm>> -> memref<128x128xf32, #tpu.memory_space<hbm>>
      tpu.wait_dma2 semaphore(%arg14 : memref<!tpu.dma_semaphore, #tpu.memory_space<semaphore_mem>>) src(%dma_wait3A_279 : memref<128x128xf32, #tpu.memory_space<hbm>>) dst(%dma_wait3A_276 : memref<128x128xf32, #tpu.memory_space<vmem>>)
      %add3A_280 = arith.constant 1 : i32
      %add3A_281 = arith.addi %mul3A_225, %add3A_280 : i32
      %run_scoped3A_282 = arith.constant 1 : i32
      %run_scoped3A_283 = arith.constant 0 : i32
      "tpu.region"() ({
        %run_scoped3A_284 = tpu.sem_alloc : memref<!tpu.dma_semaphore, #tpu.memory_space<semaphore_mem>>
        %dma_start3A_285 = arith.constant 0 : i32
        %dma_start3A_286 = arith.constant 0 : i32
        %dma_start3A_287 = tpu.memref_slice %arg11[%run_scoped3A_282, %dma_start3A_285, %dma_start3A_286] : memref<2x128x128xf32, #tpu.memory_space<vmem>> -> memref<1x128x128xf32, #tpu.memory_space<vmem>>
        %dma_start3A_288 = tpu.memref_squeeze %dma_start3A_287 : memref<1x128x128xf32, #tpu.memory_space<vmem>> -> memref<128x128xf32, #tpu.memory_space<vmem>>
        %dma_start3A_289 = arith.constant 0 : i32
        %dma_start3A_290 = tpu.memref_slice %arg10[%add3A_281, %run_scoped3A_283, %dma_start3A_289] : memref<40x1x128xi32, #tpu.memory_space<vmem>> -> memref<1x1x128xi32, #tpu.memory_space<vmem>>
        %dma_start3A_291 = tpu.memref_squeeze %dma_start3A_290 : memref<1x1x128xi32, #tpu.memory_space<vmem>> -> memref<128xi32, #tpu.memory_space<vmem>>
        %dma_start3A_292 = arith.constant 0 : i32
        %dma_start3A_293 = arith.constant 0 : i32
        %dma_start3A_294 = tpu.memref_slice %arg12[%dma_start3A_292, %dma_start3A_293] : memref<10240x128xf32, #tpu.memory_space<vmem_shared>> -> memref<10240x128xf32, #tpu.memory_space<vmem_shared>>
        tpu.enqueue_indirect_dma source(%dma_start3A_288 : memref<128x128xf32, #tpu.memory_space<vmem>>) target(%dma_start3A_294 : memref<10240x128xf32, #tpu.memory_space<vmem_shared>>) offsets(%dma_start3A_291 : memref<128xi32, #tpu.memory_space<vmem>>) semaphore(%run_scoped3A_284 : memref<!tpu.dma_semaphore, #tpu.memory_space<semaphore_mem>>) {add = true}
        %dma_wait3A_295 = arith.constant 0 : i32
        %dma_wait3A_296 = arith.constant 0 : i32
        %dma_wait3A_297 = tpu.memref_slice %arg11[%run_scoped3A_282, %dma_wait3A_295, %dma_wait3A_296] : memref<2x128x128xf32, #tpu.memory_space<vmem>> -> memref<1x128x128xf32, #tpu.memory_space<vmem>>
        %dma_wait3A_298 = tpu.memref_squeeze %dma_wait3A_297 : memref<1x128x128xf32, #tpu.memory_space<vmem>> -> memref<128x128xf32, #tpu.memory_space<vmem>>
        %dma_wait3A_299 = arith.constant 0 : i32
        %dma_wait3A_300 = tpu.memref_slice %arg10[%add3A_281, %run_scoped3A_283, %dma_wait3A_299] : memref<40x1x128xi32, #tpu.memory_space<vmem>> -> memref<1x1x128xi32, #tpu.memory_space<vmem>>
        %dma_wait3A_301 = tpu.memref_squeeze %dma_wait3A_300 : memref<1x1x128xi32, #tpu.memory_space<vmem>> -> memref<128xi32, #tpu.memory_space<vmem>>
        %dma_wait3A_302 = arith.constant 0 : i32
        %dma_wait3A_303 = arith.constant 0 : i32
        %dma_wait3A_304 = tpu.memref_slice %arg12[%dma_wait3A_302, %dma_wait3A_303] : memref<10240x128xf32, #tpu.memory_space<vmem_shared>> -> memref<10240x128xf32, #tpu.memory_space<vmem_shared>>
        tpu.wait_indirect_dma semaphore(%run_scoped3A_284 : memref<!tpu.dma_semaphore, #tpu.memory_space<semaphore_mem>>) src(%dma_wait3A_298 : memref<128x128xf32, #tpu.memory_space<vmem>>) dst(%dma_wait3A_304 : memref<10240x128xf32, #tpu.memory_space<vmem_shared>>)
        tpu.yield
      }) : () -> ()
    }
    %scan3A_27 = arith.constant 19 : i32
    %add3A_28 = arith.constant 38 : i32
    %add3A_29 = arith.addi %mul3A_4, %add3A_28 : i32
    %mul3A_30 = arith.constant 128 : i32
    %mul3A_31 = arith.muli %add3A_29, %mul3A_30 : i32
    %run_scoped3A = arith.constant 0 : i32
    "tpu.region"() ({
      %run_scoped3A_223 = tpu.sem_alloc : memref<!tpu.dma_semaphore, #tpu.memory_space<semaphore_mem>>
      %dma_start3A_224 = arith.constant 0 : i32
      %dma_start3A_225 = arith.constant 0 : i32
      %dma_start3A_226 = tpu.memref_slice %arg11[%run_scoped3A, %dma_start3A_224, %dma_start3A_225] : memref<2x128x128xf32, #tpu.memory_space<vmem>> -> memref<1x128x128xf32, #tpu.memory_space<vmem>>
      %dma_start3A_227 = tpu.memref_squeeze %dma_start3A_226 : memref<1x128x128xf32, #tpu.memory_space<vmem>> -> memref<128x128xf32, #tpu.memory_space<vmem>>
      %dma_start3A_228 = arith.constant 0 : i32
      %dma_start3A_229 = tpu.memref_slice %arg2[%mul3A_31, %dma_start3A_228] : memref<160000x128xf32, #tpu.memory_space<hbm>> -> memref<128x128xf32, #tpu.memory_space<hbm>>
      %dma_start3A_230 = arith.constant 0 : i32
      %dma_start3A_231 = arith.constant 0 : i32
      %dma_start3A_232 = tpu.memref_slice %arg11[%run_scoped3A, %dma_start3A_230, %dma_start3A_231] : memref<2x128x128xf32, #tpu.memory_space<vmem>> -> memref<1x128x128xf32, #tpu.memory_space<vmem>>
      %dma_start3A_233 = tpu.memref_squeeze %dma_start3A_232 : memref<1x128x128xf32, #tpu.memory_space<vmem>> -> memref<128x128xf32, #tpu.memory_space<vmem>>
      %dma_start3A_234 = arith.constant 0 : i32
      %dma_start3A_235 = tpu.memref_slice %arg2[%mul3A_31, %dma_start3A_234] : memref<160000x128xf32, #tpu.memory_space<hbm>> -> memref<128x128xf32, #tpu.memory_space<hbm>>
      tpu.enqueue_dma source(%dma_start3A_235 : memref<128x128xf32, #tpu.memory_space<hbm>>) target(%dma_start3A_233 : memref<128x128xf32, #tpu.memory_space<vmem>>) target_semaphore(%run_scoped3A_223 : memref<!tpu.dma_semaphore, #tpu.memory_space<semaphore_mem>>)
      %dma_wait3A = arith.constant 0 : i32
      %dma_wait3A_236 = arith.constant 0 : i32
      %dma_wait3A_237 = tpu.memref_slice %arg11[%run_scoped3A, %dma_wait3A, %dma_wait3A_236] : memref<2x128x128xf32, #tpu.memory_space<vmem>> -> memref<1x128x128xf32, #tpu.memory_space<vmem>>
      %dma_wait3A_238 = tpu.memref_squeeze %dma_wait3A_237 : memref<1x128x128xf32, #tpu.memory_space<vmem>> -> memref<128x128xf32, #tpu.memory_space<vmem>>
      %dma_wait3A_239 = arith.constant 0 : i32
      %dma_wait3A_240 = tpu.memref_slice %arg2[%mul3A_31, %dma_wait3A_239] : memref<160000x128xf32, #tpu.memory_space<hbm>> -> memref<128x128xf32, #tpu.memory_space<hbm>>
      %dma_wait3A_241 = arith.constant 0 : i32
      %dma_wait3A_242 = arith.constant 0 : i32
      %dma_wait3A_243 = tpu.memref_slice %arg11[%run_scoped3A, %dma_wait3A_241, %dma_wait3A_242] : memref<2x128x128xf32, #tpu.memory_space<vmem>> -> memref<1x128x128xf32, #tpu.memory_space<vmem>>
      %dma_wait3A_244 = tpu.memref_squeeze %dma_wait3A_243 : memref<1x128x128xf32, #tpu.memory_space<vmem>> -> memref<128x128xf32, #tpu.memory_space<vmem>>
      %dma_wait3A_245 = arith.constant 0 : i32
      %dma_wait3A_246 = tpu.memref_slice %arg2[%mul3A_31, %dma_wait3A_245] : memref<160000x128xf32, #tpu.memory_space<hbm>> -> memref<128x128xf32, #tpu.memory_space<hbm>>
      tpu.wait_dma2 semaphore(%run_scoped3A_223 : memref<!tpu.dma_semaphore, #tpu.memory_space<semaphore_mem>>) src(%dma_wait3A_246 : memref<128x128xf32, #tpu.memory_space<hbm>>) dst(%dma_wait3A_244 : memref<128x128xf32, #tpu.memory_space<vmem>>)
      tpu.yield
    }) : () -> ()
    %run_scoped3A_32 = arith.constant 0 : i32
    %run_scoped3A_33 = arith.constant 38 : i32
    %run_scoped3A_34 = arith.constant 0 : i32
    "tpu.region"() ({
      %run_scoped3A_223 = tpu.sem_alloc : memref<!tpu.dma_semaphore, #tpu.memory_space<semaphore_mem>>
      %dma_start3A_224 = arith.constant 0 : i32
      %dma_start3A_225 = arith.constant 0 : i32
      %dma_start3A_226 = tpu.memref_slice %arg11[%run_scoped3A_32, %dma_start3A_224, %dma_start3A_225] : memref<2x128x128xf32, #tpu.memory_space<vmem>> -> memref<1x128x128xf32, #tpu.memory_space<vmem>>
      %dma_start3A_227 = tpu.memref_squeeze %dma_start3A_226 : memref<1x128x128xf32, #tpu.memory_space<vmem>> -> memref<128x128xf32, #tpu.memory_space<vmem>>
      %dma_start3A_228 = arith.constant 0 : i32
      %dma_start3A_229 = tpu.memref_slice %arg10[%run_scoped3A_33, %run_scoped3A_34, %dma_start3A_228] : memref<40x1x128xi32, #tpu.memory_space<vmem>> -> memref<1x1x128xi32, #tpu.memory_space<vmem>>
      %dma_start3A_230 = tpu.memref_squeeze %dma_start3A_229 : memref<1x1x128xi32, #tpu.memory_space<vmem>> -> memref<128xi32, #tpu.memory_space<vmem>>
      %dma_start3A_231 = arith.constant 0 : i32
      %dma_start3A_232 = arith.constant 0 : i32
      %dma_start3A_233 = tpu.memref_slice %arg12[%dma_start3A_231, %dma_start3A_232] : memref<10240x128xf32, #tpu.memory_space<vmem_shared>> -> memref<10240x128xf32, #tpu.memory_space<vmem_shared>>
      tpu.enqueue_indirect_dma source(%dma_start3A_227 : memref<128x128xf32, #tpu.memory_space<vmem>>) target(%dma_start3A_233 : memref<10240x128xf32, #tpu.memory_space<vmem_shared>>) offsets(%dma_start3A_230 : memref<128xi32, #tpu.memory_space<vmem>>) semaphore(%run_scoped3A_223 : memref<!tpu.dma_semaphore, #tpu.memory_space<semaphore_mem>>) {add = true}
      %dma_wait3A = arith.constant 0 : i32
      %dma_wait3A_234 = arith.constant 0 : i32
      %dma_wait3A_235 = tpu.memref_slice %arg11[%run_scoped3A_32, %dma_wait3A, %dma_wait3A_234] : memref<2x128x128xf32, #tpu.memory_space<vmem>> -> memref<1x128x128xf32, #tpu.memory_space<vmem>>
      %dma_wait3A_236 = tpu.memref_squeeze %dma_wait3A_235 : memref<1x128x128xf32, #tpu.memory_space<vmem>> -> memref<128x128xf32, #tpu.memory_space<vmem>>
      %dma_wait3A_237 = arith.constant 0 : i32
      %dma_wait3A_238 = tpu.memref_slice %arg10[%run_scoped3A_33, %run_scoped3A_34, %dma_wait3A_237] : memref<40x1x128xi32, #tpu.memory_space<vmem>> -> memref<1x1x128xi32, #tpu.memory_space<vmem>>
      %dma_wait3A_239 = tpu.memref_squeeze %dma_wait3A_238 : memref<1x1x128xi32, #tpu.memory_space<vmem>> -> memref<128xi32, #tpu.memory_space<vmem>>
      %dma_wait3A_240 = arith.constant 0 : i32
      %dma_wait3A_241 = arith.constant 0 : i32
      %dma_wait3A_242 = tpu.memref_slice %arg12[%dma_wait3A_240, %dma_wait3A_241] : memref<10240x128xf32, #tpu.memory_space<vmem_shared>> -> memref<10240x128xf32, #tpu.memory_space<vmem_shared>>
      tpu.wait_indirect_dma semaphore(%run_scoped3A_223 : memref<!tpu.dma_semaphore, #tpu.memory_space<semaphore_mem>>) src(%dma_wait3A_236 : memref<128x128xf32, #tpu.memory_space<vmem>>) dst(%dma_wait3A_242 : memref<10240x128xf32, #tpu.memory_space<vmem_shared>>)
      tpu.yield
    }) : () -> ()
    %lt3A_35 = arith.constant 2 : i32
    %lt3A_36 = arith.cmpi slt, %add3A, %lt3A_35 : i32
    %convert_element_type3A_37 = arith.extui %lt3A_36 : i1 to i32
    %cond3A_38 = arith.constant 0 : i32
    %cond3A_39 = arith.cmpi ne, %convert_element_type3A_37, %cond3A_38 : i32
    scf.if %cond3A_39 {
      %add3A_223 = arith.constant 1248 : i32
      %add3A_224 = arith.addi %add3A_223, %add3A : i32
      %mul3A_225 = arith.constant 128 : i32
      %mul3A_226 = arith.muli %add3A_224, %mul3A_225 : i32
      %run_scoped3A_227 = arith.constant 0 : i32
      "tpu.region"() ({
        %run_scoped3A_231 = tpu.sem_alloc : memref<!tpu.dma_semaphore, #tpu.memory_space<semaphore_mem>>
        %dma_start3A_232 = arith.constant 0 : i32
        %dma_start3A_233 = arith.constant 0 : i32
        %dma_start3A_234 = tpu.memref_slice %arg11[%run_scoped3A_227, %dma_start3A_232, %dma_start3A_233] : memref<2x128x128xf32, #tpu.memory_space<vmem>> -> memref<1x128x128xf32, #tpu.memory_space<vmem>>
        %dma_start3A_235 = tpu.memref_squeeze %dma_start3A_234 : memref<1x128x128xf32, #tpu.memory_space<vmem>> -> memref<128x128xf32, #tpu.memory_space<vmem>>
        %dma_start3A_236 = arith.constant 0 : i32
        %dma_start3A_237 = tpu.memref_slice %arg2[%mul3A_226, %dma_start3A_236] : memref<160000x128xf32, #tpu.memory_space<hbm>> -> memref<128x128xf32, #tpu.memory_space<hbm>>
        %dma_start3A_238 = arith.constant 0 : i32
        %dma_start3A_239 = arith.constant 0 : i32
        %dma_start3A_240 = tpu.memref_slice %arg11[%run_scoped3A_227, %dma_start3A_238, %dma_start3A_239] : memref<2x128x128xf32, #tpu.memory_space<vmem>> -> memref<1x128x128xf32, #tpu.memory_space<vmem>>
        %dma_start3A_241 = tpu.memref_squeeze %dma_start3A_240 : memref<1x128x128xf32, #tpu.memory_space<vmem>> -> memref<128x128xf32, #tpu.memory_space<vmem>>
        %dma_start3A_242 = arith.constant 0 : i32
        %dma_start3A_243 = tpu.memref_slice %arg2[%mul3A_226, %dma_start3A_242] : memref<160000x128xf32, #tpu.memory_space<hbm>> -> memref<128x128xf32, #tpu.memory_space<hbm>>
        tpu.enqueue_dma source(%dma_start3A_243 : memref<128x128xf32, #tpu.memory_space<hbm>>) target(%dma_start3A_241 : memref<128x128xf32, #tpu.memory_space<vmem>>) target_semaphore(%run_scoped3A_231 : memref<!tpu.dma_semaphore, #tpu.memory_space<semaphore_mem>>)
        %dma_wait3A = arith.constant 0 : i32
        %dma_wait3A_244 = arith.constant 0 : i32
        %dma_wait3A_245 = tpu.memref_slice %arg11[%run_scoped3A_227, %dma_wait3A, %dma_wait3A_244] : memref<2x128x128xf32, #tpu.memory_space<vmem>> -> memref<1x128x128xf32, #tpu.memory_space<vmem>>
        %dma_wait3A_246 = tpu.memref_squeeze %dma_wait3A_245 : memref<1x128x128xf32, #tpu.memory_space<vmem>> -> memref<128x128xf32, #tpu.memory_space<vmem>>
        %dma_wait3A_247 = arith.constant 0 : i32
        %dma_wait3A_248 = tpu.memref_slice %arg2[%mul3A_226, %dma_wait3A_247] : memref<160000x128xf32, #tpu.memory_space<hbm>> -> memref<128x128xf32, #tpu.memory_space<hbm>>
        %dma_wait3A_249 = arith.constant 0 : i32
        %dma_wait3A_250 = arith.constant 0 : i32
        %dma_wait3A_251 = tpu.memref_slice %arg11[%run_scoped3A_227, %dma_wait3A_249, %dma_wait3A_250] : memref<2x128x128xf32, #tpu.memory_space<vmem>> -> memref<1x128x128xf32, #tpu.memory_space<vmem>>
        %dma_wait3A_252 = tpu.memref_squeeze %dma_wait3A_251 : memref<1x128x128xf32, #tpu.memory_space<vmem>> -> memref<128x128xf32, #tpu.memory_space<vmem>>
        %dma_wait3A_253 = arith.constant 0 : i32
        %dma_wait3A_254 = tpu.memref_slice %arg2[%mul3A_226, %dma_wait3A_253] : memref<160000x128xf32, #tpu.memory_space<hbm>> -> memref<128x128xf32, #tpu.memory_space<hbm>>
        tpu.wait_dma2 semaphore(%run_scoped3A_231 : memref<!tpu.dma_semaphore, #tpu.memory_space<semaphore_mem>>) src(%dma_wait3A_254 : memref<128x128xf32, #tpu.memory_space<hbm>>) dst(%dma_wait3A_252 : memref<128x128xf32, #tpu.memory_space<vmem>>)
        tpu.yield
      }) : () -> ()
      %run_scoped3A_228 = arith.constant 0 : i32
      %run_scoped3A_229 = arith.constant 39 : i32
      %run_scoped3A_230 = arith.constant 0 : i32
      "tpu.region"() ({
        %run_scoped3A_231 = tpu.sem_alloc : memref<!tpu.dma_semaphore, #tpu.memory_space<semaphore_mem>>
        %dma_start3A_232 = arith.constant 0 : i32
        %dma_start3A_233 = arith.constant 0 : i32
        %dma_start3A_234 = tpu.memref_slice %arg11[%run_scoped3A_228, %dma_start3A_232, %dma_start3A_233] : memref<2x128x128xf32, #tpu.memory_space<vmem>> -> memref<1x128x128xf32, #tpu.memory_space<vmem>>
        %dma_start3A_235 = tpu.memref_squeeze %dma_start3A_234 : memref<1x128x128xf32, #tpu.memory_space<vmem>> -> memref<128x128xf32, #tpu.memory_space<vmem>>
        %dma_start3A_236 = arith.constant 0 : i32
        %dma_start3A_237 = tpu.memref_slice %arg10[%run_scoped3A_229, %run_scoped3A_230, %dma_start3A_236] : memref<40x1x128xi32, #tpu.memory_space<vmem>> -> memref<1x1x128xi32, #tpu.memory_space<vmem>>
        %dma_start3A_238 = tpu.memref_squeeze %dma_start3A_237 : memref<1x1x128xi32, #tpu.memory_space<vmem>> -> memref<128xi32, #tpu.memory_space<vmem>>
        %dma_start3A_239 = arith.constant 0 : i32
        %dma_start3A_240 = arith.constant 0 : i32
        %dma_start3A_241 = tpu.memref_slice %arg12[%dma_start3A_239, %dma_start3A_240] : memref<10240x128xf32, #tpu.memory_space<vmem_shared>> -> memref<10240x128xf32, #tpu.memory_space<vmem_shared>>
        tpu.enqueue_indirect_dma source(%dma_start3A_235 : memref<128x128xf32, #tpu.memory_space<vmem>>) target(%dma_start3A_241 : memref<10240x128xf32, #tpu.memory_space<vmem_shared>>) offsets(%dma_start3A_238 : memref<128xi32, #tpu.memory_space<vmem>>) semaphore(%run_scoped3A_231 : memref<!tpu.dma_semaphore, #tpu.memory_space<semaphore_mem>>) {add = true}
        %dma_wait3A = arith.constant 0 : i32
        %dma_wait3A_242 = arith.constant 0 : i32
        %dma_wait3A_243 = tpu.memref_slice %arg11[%run_scoped3A_228, %dma_wait3A, %dma_wait3A_242] : memref<2x128x128xf32, #tpu.memory_space<vmem>> -> memref<1x128x128xf32, #tpu.memory_space<vmem>>
        %dma_wait3A_244 = tpu.memref_squeeze %dma_wait3A_243 : memref<1x128x128xf32, #tpu.memory_space<vmem>> -> memref<128x128xf32, #tpu.memory_space<vmem>>
        %dma_wait3A_245 = arith.constant 0 : i32
        %dma_wait3A_246 = tpu.memref_slice %arg10[%run_scoped3A_229, %run_scoped3A_230, %dma_wait3A_245] : memref<40x1x128xi32, #tpu.memory_space<vmem>> -> memref<1x1x128xi32, #tpu.memory_space<vmem>>
        %dma_wait3A_247 = tpu.memref_squeeze %dma_wait3A_246 : memref<1x1x128xi32, #tpu.memory_space<vmem>> -> memref<128xi32, #tpu.memory_space<vmem>>
        %dma_wait3A_248 = arith.constant 0 : i32
        %dma_wait3A_249 = arith.constant 0 : i32
        %dma_wait3A_250 = tpu.memref_slice %arg12[%dma_wait3A_248, %dma_wait3A_249] : memref<10240x128xf32, #tpu.memory_space<vmem_shared>> -> memref<10240x128xf32, #tpu.memory_space<vmem_shared>>
        tpu.wait_indirect_dma semaphore(%run_scoped3A_231 : memref<!tpu.dma_semaphore, #tpu.memory_space<semaphore_mem>>) src(%dma_wait3A_244 : memref<128x128xf32, #tpu.memory_space<vmem>>) dst(%dma_wait3A_250 : memref<10240x128xf32, #tpu.memory_space<vmem_shared>>)
        tpu.yield
      }) : () -> ()
    } else {
    }
    %barrier3A_40 = arith.constant 0 : index
    tpu.barrier barrier_id(%barrier3A_40)
    %add3A_41 = arith.constant 0 : i32
    %add3A_42 = arith.addi %add3A_41, %arg0 : i32
    %mul3A_43 = arith.constant 10240 : i32
    %mul3A_44 = arith.muli %add3A_42, %mul3A_43 : i32
    %add3A_45 = arith.addi %mul3A_44, %mul3A_2 : i32
    "tpu.region"() ({
      %run_scoped3A_223 = tpu.sem_alloc : memref<!tpu.dma_semaphore, #tpu.memory_space<semaphore_mem>>
      %dma_start3A_224 = arith.constant 0 : i32
      %dma_start3A_225 = tpu.memref_slice %arg9[%add3A_45, %dma_start3A_224] : memref<102400x128xf32, #tpu.memory_space<hbm>> -> memref<640x128xf32, #tpu.memory_space<hbm>>
      %dma_start3A_226 = arith.constant 0 : i32
      %dma_start3A_227 = tpu.memref_slice %arg12[%mul3A_2, %dma_start3A_226] : memref<10240x128xf32, #tpu.memory_space<vmem_shared>> -> memref<640x128xf32, #tpu.memory_space<vmem_shared>>
      tpu.enqueue_dma source(%dma_start3A_227 : memref<640x128xf32, #tpu.memory_space<vmem_shared>>) target(%dma_start3A_225 : memref<640x128xf32, #tpu.memory_space<hbm>>) target_semaphore(%run_scoped3A_223 : memref<!tpu.dma_semaphore, #tpu.memory_space<semaphore_mem>>)
      %dma_wait3A = arith.constant 0 : i32
      %dma_wait3A_228 = tpu.memref_slice %arg9[%add3A_45, %dma_wait3A] : memref<102400x128xf32, #tpu.memory_space<hbm>> -> memref<640x128xf32, #tpu.memory_space<hbm>>
      %dma_wait3A_229 = arith.constant 0 : i32
      %dma_wait3A_230 = tpu.memref_slice %arg12[%mul3A_2, %dma_wait3A_229] : memref<10240x128xf32, #tpu.memory_space<vmem_shared>> -> memref<640x128xf32, #tpu.memory_space<vmem_shared>>
      tpu.wait_dma2 semaphore(%run_scoped3A_223 : memref<!tpu.dma_semaphore, #tpu.memory_space<semaphore_mem>>) src(%dma_wait3A_230 : memref<640x128xf32, #tpu.memory_space<vmem_shared>>) dst(%dma_wait3A_228 : memref<640x128xf32, #tpu.memory_space<hbm>>)
      tpu.yield
    }) : () -> ()
    %barrier3A_46 = arith.constant 0 : index
    tpu.barrier barrier_id(%barrier3A_46)
    "tpu.region"() ({
      %run_scoped3A_223 = tpu.sem_alloc : memref<!tpu.dma_semaphore, #tpu.memory_space<semaphore_mem>>
      %dma_start3A_224 = arith.constant 0 : i32
      %dma_start3A_225 = tpu.memref_slice %arg12[%mul3A_2, %dma_start3A_224] : memref<10240x128xf32, #tpu.memory_space<vmem_shared>> -> memref<640x128xf32, #tpu.memory_space<vmem_shared>>
      tpu.enqueue_dma source(%arg8 : memref<640x128xf32, #tpu.memory_space<hbm>>) target(%dma_start3A_225 : memref<640x128xf32, #tpu.memory_space<vmem_shared>>) target_semaphore(%run_scoped3A_223 : memref<!tpu.dma_semaphore, #tpu.memory_space<semaphore_mem>>)
      %dma_wait3A = arith.constant 0 : i32
      %dma_wait3A_226 = tpu.memref_slice %arg12[%mul3A_2, %dma_wait3A] : memref<10240x128xf32, #tpu.memory_space<vmem_shared>> -> memref<640x128xf32, #tpu.memory_space<vmem_shared>>
      tpu.wait_dma2 semaphore(%run_scoped3A_223 : memref<!tpu.dma_semaphore, #tpu.memory_space<semaphore_mem>>) src(%arg8 : memref<640x128xf32, #tpu.memory_space<hbm>>) dst(%dma_wait3A_226 : memref<640x128xf32, #tpu.memory_space<vmem_shared>>)
      tpu.yield
    }) : () -> ()
    %barrier3A_47 = arith.constant 0 : index
    tpu.barrier barrier_id(%barrier3A_47)
    %add3A_48 = arith.constant 0 : i32
    %add3A_49 = arith.addi %mul3A_4, %add3A_48 : i32
    %mul3A_50 = arith.constant 128 : i32
    %mul3A_51 = arith.muli %add3A_49, %mul3A_50 : i32
    %dma_start3A_52 = arith.constant 0 : i32
    %dma_start3A_53 = arith.constant 0 : i32
    %dma_start3A_54 = arith.constant 0 : i32
    %dma_start3A_55 = tpu.memref_slice %arg11[%dma_start3A_52, %dma_start3A_53, %dma_start3A_54] : memref<2x128x128xf32, #tpu.memory_space<vmem>> -> memref<1x128x128xf32, #tpu.memory_space<vmem>>
    %dma_start3A_56 = tpu.memref_squeeze %dma_start3A_55 : memref<1x128x128xf32, #tpu.memory_space<vmem>> -> memref<128x128xf32, #tpu.memory_space<vmem>>
    %dma_start3A_57 = arith.constant 0 : i32
    %dma_start3A_58 = tpu.memref_slice %arg3[%mul3A_51, %dma_start3A_57] : memref<160000x128xf32, #tpu.memory_space<hbm>> -> memref<128x128xf32, #tpu.memory_space<hbm>>
    %dma_start3A_59 = arith.constant 0 : i32
    %dma_start3A_60 = arith.constant 0 : i32
    %dma_start3A_61 = tpu.memref_slice %arg11[%dma_start3A_52, %dma_start3A_59, %dma_start3A_60] : memref<2x128x128xf32, #tpu.memory_space<vmem>> -> memref<1x128x128xf32, #tpu.memory_space<vmem>>
    %dma_start3A_62 = tpu.memref_squeeze %dma_start3A_61 : memref<1x128x128xf32, #tpu.memory_space<vmem>> -> memref<128x128xf32, #tpu.memory_space<vmem>>
    %dma_start3A_63 = arith.constant 0 : i32
    %dma_start3A_64 = tpu.memref_slice %arg3[%mul3A_51, %dma_start3A_63] : memref<160000x128xf32, #tpu.memory_space<hbm>> -> memref<128x128xf32, #tpu.memory_space<hbm>>
    tpu.enqueue_dma source(%dma_start3A_64 : memref<128x128xf32, #tpu.memory_space<hbm>>) target(%dma_start3A_62 : memref<128x128xf32, #tpu.memory_space<vmem>>) target_semaphore(%arg13 : memref<!tpu.dma_semaphore, #tpu.memory_space<semaphore_mem>>)
    %scan3A_65 = arith.constant 0 : i32
    %scan3A_66 = arith.constant 0 : i32
    %scan3A_67 = arith.constant 19 : i32
    %scan3A_68 = arith.addi %scan3A_66, %scan3A_67 : i32
    %scan3A_69 = arith.constant 1 : i32
    scf.for %scan3A_223 = %scan3A_66 to %scan3A_68 step %scan3A_69  : i32 {
      %mul3A_224 = arith.constant 2 : i32
      %mul3A_225 = arith.muli %mul3A_224, %scan3A_223 : i32
      %add3A_226 = arith.constant 1 : i32
      %add3A_227 = arith.addi %mul3A_225, %add3A_226 : i32
      %add3A_228 = arith.addi %mul3A_4, %add3A_227 : i32
      %mul3A_229 = arith.constant 128 : i32
      %mul3A_230 = arith.muli %add3A_228, %mul3A_229 : i32
      %dma_start3A_231 = arith.constant 1 : i32
      %dma_start3A_232 = arith.constant 0 : i32
      %dma_start3A_233 = arith.constant 0 : i32
      %dma_start3A_234 = tpu.memref_slice %arg11[%dma_start3A_231, %dma_start3A_232, %dma_start3A_233] : memref<2x128x128xf32, #tpu.memory_space<vmem>> -> memref<1x128x128xf32, #tpu.memory_space<vmem>>
      %dma_start3A_235 = tpu.memref_squeeze %dma_start3A_234 : memref<1x128x128xf32, #tpu.memory_space<vmem>> -> memref<128x128xf32, #tpu.memory_space<vmem>>
      %dma_start3A_236 = arith.constant 0 : i32
      %dma_start3A_237 = tpu.memref_slice %arg3[%mul3A_230, %dma_start3A_236] : memref<160000x128xf32, #tpu.memory_space<hbm>> -> memref<128x128xf32, #tpu.memory_space<hbm>>
      %dma_start3A_238 = arith.constant 0 : i32
      %dma_start3A_239 = arith.constant 0 : i32
      %dma_start3A_240 = tpu.memref_slice %arg11[%dma_start3A_231, %dma_start3A_238, %dma_start3A_239] : memref<2x128x128xf32, #tpu.memory_space<vmem>> -> memref<1x128x128xf32, #tpu.memory_space<vmem>>
      %dma_start3A_241 = tpu.memref_squeeze %dma_start3A_240 : memref<1x128x128xf32, #tpu.memory_space<vmem>> -> memref<128x128xf32, #tpu.memory_space<vmem>>
      %dma_start3A_242 = arith.constant 0 : i32
      %dma_start3A_243 = tpu.memref_slice %arg3[%mul3A_230, %dma_start3A_242] : memref<160000x128xf32, #tpu.memory_space<hbm>> -> memref<128x128xf32, #tpu.memory_space<hbm>>
      tpu.enqueue_dma source(%dma_start3A_243 : memref<128x128xf32, #tpu.memory_space<hbm>>) target(%dma_start3A_241 : memref<128x128xf32, #tpu.memory_space<vmem>>) target_semaphore(%arg14 : memref<!tpu.dma_semaphore, #tpu.memory_space<semaphore_mem>>)
      %dma_wait3A = arith.constant 0 : i32
      %dma_wait3A_244 = arith.constant 0 : i32
      %dma_wait3A_245 = arith.constant 0 : i32
      %dma_wait3A_246 = tpu.memref_slice %arg11[%dma_wait3A, %dma_wait3A_244, %dma_wait3A_245] : memref<2x128x128xf32, #tpu.memory_space<vmem>> -> memref<1x128x128xf32, #tpu.memory_space<vmem>>
      %dma_wait3A_247 = tpu.memref_squeeze %dma_wait3A_246 : memref<1x128x128xf32, #tpu.memory_space<vmem>> -> memref<128x128xf32, #tpu.memory_space<vmem>>
      %dma_wait3A_248 = arith.constant 0 : i32
      %dma_wait3A_249 = arith.constant 0 : i32
      %dma_wait3A_250 = tpu.memref_slice %arg3[%dma_wait3A_248, %dma_wait3A_249] : memref<160000x128xf32, #tpu.memory_space<hbm>> -> memref<128x128xf32, #tpu.memory_space<hbm>>
      %dma_wait3A_251 = arith.constant 0 : i32
      %dma_wait3A_252 = arith.constant 0 : i32
      %dma_wait3A_253 = tpu.memref_slice %arg11[%dma_wait3A, %dma_wait3A_251, %dma_wait3A_252] : memref<2x128x128xf32, #tpu.memory_space<vmem>> -> memref<1x128x128xf32, #tpu.memory_space<vmem>>
      %dma_wait3A_254 = tpu.memref_squeeze %dma_wait3A_253 : memref<1x128x128xf32, #tpu.memory_space<vmem>> -> memref<128x128xf32, #tpu.memory_space<vmem>>
      %dma_wait3A_255 = arith.constant 0 : i32
      %dma_wait3A_256 = arith.constant 0 : i32
      %dma_wait3A_257 = tpu.memref_slice %arg3[%dma_wait3A_255, %dma_wait3A_256] : memref<160000x128xf32, #tpu.memory_space<hbm>> -> memref<128x128xf32, #tpu.memory_space<hbm>>
      tpu.wait_dma2 semaphore(%arg13 : memref<!tpu.dma_semaphore, #tpu.memory_space<semaphore_mem>>) src(%dma_wait3A_257 : memref<128x128xf32, #tpu.memory_space<hbm>>) dst(%dma_wait3A_254 : memref<128x128xf32, #tpu.memory_space<vmem>>)
      %run_scoped3A_258 = arith.constant 0 : i32
      %run_scoped3A_259 = arith.constant 0 : i32
      "tpu.region"() ({
        %run_scoped3A_284 = tpu.sem_alloc : memref<!tpu.dma_semaphore, #tpu.memory_space<semaphore_mem>>
        %dma_start3A_285 = arith.constant 0 : i32
        %dma_start3A_286 = arith.constant 0 : i32
        %dma_start3A_287 = tpu.memref_slice %arg11[%run_scoped3A_258, %dma_start3A_285, %dma_start3A_286] : memref<2x128x128xf32, #tpu.memory_space<vmem>> -> memref<1x128x128xf32, #tpu.memory_space<vmem>>
        %dma_start3A_288 = tpu.memref_squeeze %dma_start3A_287 : memref<1x128x128xf32, #tpu.memory_space<vmem>> -> memref<128x128xf32, #tpu.memory_space<vmem>>
        %dma_start3A_289 = arith.constant 0 : i32
        %dma_start3A_290 = tpu.memref_slice %arg10[%mul3A_225, %run_scoped3A_259, %dma_start3A_289] : memref<40x1x128xi32, #tpu.memory_space<vmem>> -> memref<1x1x128xi32, #tpu.memory_space<vmem>>
        %dma_start3A_291 = tpu.memref_squeeze %dma_start3A_290 : memref<1x1x128xi32, #tpu.memory_space<vmem>> -> memref<128xi32, #tpu.memory_space<vmem>>
        %dma_start3A_292 = arith.constant 0 : i32
        %dma_start3A_293 = arith.constant 0 : i32
        %dma_start3A_294 = tpu.memref_slice %arg12[%dma_start3A_292, %dma_start3A_293] : memref<10240x128xf32, #tpu.memory_space<vmem_shared>> -> memref<10240x128xf32, #tpu.memory_space<vmem_shared>>
        tpu.enqueue_indirect_dma source(%dma_start3A_288 : memref<128x128xf32, #tpu.memory_space<vmem>>) target(%dma_start3A_294 : memref<10240x128xf32, #tpu.memory_space<vmem_shared>>) offsets(%dma_start3A_291 : memref<128xi32, #tpu.memory_space<vmem>>) semaphore(%run_scoped3A_284 : memref<!tpu.dma_semaphore, #tpu.memory_space<semaphore_mem>>) {add = true}
        %dma_wait3A_295 = arith.constant 0 : i32
        %dma_wait3A_296 = arith.constant 0 : i32
        %dma_wait3A_297 = tpu.memref_slice %arg11[%run_scoped3A_258, %dma_wait3A_295, %dma_wait3A_296] : memref<2x128x128xf32, #tpu.memory_space<vmem>> -> memref<1x128x128xf32, #tpu.memory_space<vmem>>
        %dma_wait3A_298 = tpu.memref_squeeze %dma_wait3A_297 : memref<1x128x128xf32, #tpu.memory_space<vmem>> -> memref<128x128xf32, #tpu.memory_space<vmem>>
        %dma_wait3A_299 = arith.constant 0 : i32
        %dma_wait3A_300 = tpu.memref_slice %arg10[%mul3A_225, %run_scoped3A_259, %dma_wait3A_299] : memref<40x1x128xi32, #tpu.memory_space<vmem>> -> memref<1x1x128xi32, #tpu.memory_space<vmem>>
        %dma_wait3A_301 = tpu.memref_squeeze %dma_wait3A_300 : memref<1x1x128xi32, #tpu.memory_space<vmem>> -> memref<128xi32, #tpu.memory_space<vmem>>
        %dma_wait3A_302 = arith.constant 0 : i32
        %dma_wait3A_303 = arith.constant 0 : i32
        %dma_wait3A_304 = tpu.memref_slice %arg12[%dma_wait3A_302, %dma_wait3A_303] : memref<10240x128xf32, #tpu.memory_space<vmem_shared>> -> memref<10240x128xf32, #tpu.memory_space<vmem_shared>>
        tpu.wait_indirect_dma semaphore(%run_scoped3A_284 : memref<!tpu.dma_semaphore, #tpu.memory_space<semaphore_mem>>) src(%dma_wait3A_298 : memref<128x128xf32, #tpu.memory_space<vmem>>) dst(%dma_wait3A_304 : memref<10240x128xf32, #tpu.memory_space<vmem_shared>>)
        tpu.yield
      }) : () -> ()
      %lt3A_260 = arith.constant 18 : i32
      %lt3A_261 = arith.cmpi slt, %scan3A_223, %lt3A_260 : i32
      %convert_element_type3A_262 = arith.extui %lt3A_261 : i1 to i32
      %cond3A_263 = arith.constant 0 : i32
      %cond3A_264 = arith.cmpi ne, %convert_element_type3A_262, %cond3A_263 : i32
      scf.if %cond3A_264 {
        %add3A_284 = arith.constant 2 : i32
        %add3A_285 = arith.addi %mul3A_225, %add3A_284 : i32
        %add3A_286 = arith.addi %mul3A_4, %add3A_285 : i32
        %mul3A_287 = arith.constant 128 : i32
        %mul3A_288 = arith.muli %add3A_286, %mul3A_287 : i32
        %dma_start3A_289 = arith.constant 0 : i32
        %dma_start3A_290 = arith.constant 0 : i32
        %dma_start3A_291 = arith.constant 0 : i32
        %dma_start3A_292 = tpu.memref_slice %arg11[%dma_start3A_289, %dma_start3A_290, %dma_start3A_291] : memref<2x128x128xf32, #tpu.memory_space<vmem>> -> memref<1x128x128xf32, #tpu.memory_space<vmem>>
        %dma_start3A_293 = tpu.memref_squeeze %dma_start3A_292 : memref<1x128x128xf32, #tpu.memory_space<vmem>> -> memref<128x128xf32, #tpu.memory_space<vmem>>
        %dma_start3A_294 = arith.constant 0 : i32
        %dma_start3A_295 = tpu.memref_slice %arg3[%mul3A_288, %dma_start3A_294] : memref<160000x128xf32, #tpu.memory_space<hbm>> -> memref<128x128xf32, #tpu.memory_space<hbm>>
        %dma_start3A_296 = arith.constant 0 : i32
        %dma_start3A_297 = arith.constant 0 : i32
        %dma_start3A_298 = tpu.memref_slice %arg11[%dma_start3A_289, %dma_start3A_296, %dma_start3A_297] : memref<2x128x128xf32, #tpu.memory_space<vmem>> -> memref<1x128x128xf32, #tpu.memory_space<vmem>>
        %dma_start3A_299 = tpu.memref_squeeze %dma_start3A_298 : memref<1x128x128xf32, #tpu.memory_space<vmem>> -> memref<128x128xf32, #tpu.memory_space<vmem>>
        %dma_start3A_300 = arith.constant 0 : i32
        %dma_start3A_301 = tpu.memref_slice %arg3[%mul3A_288, %dma_start3A_300] : memref<160000x128xf32, #tpu.memory_space<hbm>> -> memref<128x128xf32, #tpu.memory_space<hbm>>
        tpu.enqueue_dma source(%dma_start3A_301 : memref<128x128xf32, #tpu.memory_space<hbm>>) target(%dma_start3A_299 : memref<128x128xf32, #tpu.memory_space<vmem>>) target_semaphore(%arg13 : memref<!tpu.dma_semaphore, #tpu.memory_space<semaphore_mem>>)
      } else {
      }
      %dma_wait3A_265 = arith.constant 1 : i32
      %dma_wait3A_266 = arith.constant 0 : i32
      %dma_wait3A_267 = arith.constant 0 : i32
      %dma_wait3A_268 = tpu.memref_slice %arg11[%dma_wait3A_265, %dma_wait3A_266, %dma_wait3A_267] : memref<2x128x128xf32, #tpu.memory_space<vmem>> -> memref<1x128x128xf32, #tpu.memory_space<vmem>>
      %dma_wait3A_269 = tpu.memref_squeeze %dma_wait3A_268 : memref<1x128x128xf32, #tpu.memory_space<vmem>> -> memref<128x128xf32, #tpu.memory_space<vmem>>
      %dma_wait3A_270 = arith.constant 0 : i32
      %dma_wait3A_271 = arith.constant 0 : i32
      %dma_wait3A_272 = tpu.memref_slice %arg3[%dma_wait3A_270, %dma_wait3A_271] : memref<160000x128xf32, #tpu.memory_space<hbm>> -> memref<128x128xf32, #tpu.memory_space<hbm>>
      %dma_wait3A_273 = arith.constant 0 : i32
      %dma_wait3A_274 = arith.constant 0 : i32
      %dma_wait3A_275 = tpu.memref_slice %arg11[%dma_wait3A_265, %dma_wait3A_273, %dma_wait3A_274] : memref<2x128x128xf32, #tpu.memory_space<vmem>> -> memref<1x128x128xf32, #tpu.memory_space<vmem>>
      %dma_wait3A_276 = tpu.memref_squeeze %dma_wait3A_275 : memref<1x128x128xf32, #tpu.memory_space<vmem>> -> memref<128x128xf32, #tpu.memory_space<vmem>>
      %dma_wait3A_277 = arith.constant 0 : i32
      %dma_wait3A_278 = arith.constant 0 : i32
      %dma_wait3A_279 = tpu.memref_slice %arg3[%dma_wait3A_277, %dma_wait3A_278] : memref<160000x128xf32, #tpu.memory_space<hbm>> -> memref<128x128xf32, #tpu.memory_space<hbm>>
      tpu.wait_dma2 semaphore(%arg14 : memref<!tpu.dma_semaphore, #tpu.memory_space<semaphore_mem>>) src(%dma_wait3A_279 : memref<128x128xf32, #tpu.memory_space<hbm>>) dst(%dma_wait3A_276 : memref<128x128xf32, #tpu.memory_space<vmem>>)
      %add3A_280 = arith.constant 1 : i32
      %add3A_281 = arith.addi %mul3A_225, %add3A_280 : i32
      %run_scoped3A_282 = arith.constant 1 : i32
      %run_scoped3A_283 = arith.constant 0 : i32
      "tpu.region"() ({
        %run_scoped3A_284 = tpu.sem_alloc : memref<!tpu.dma_semaphore, #tpu.memory_space<semaphore_mem>>
        %dma_start3A_285 = arith.constant 0 : i32
        %dma_start3A_286 = arith.constant 0 : i32
        %dma_start3A_287 = tpu.memref_slice %arg11[%run_scoped3A_282, %dma_start3A_285, %dma_start3A_286] : memref<2x128x128xf32, #tpu.memory_space<vmem>> -> memref<1x128x128xf32, #tpu.memory_space<vmem>>
        %dma_start3A_288 = tpu.memref_squeeze %dma_start3A_287 : memref<1x128x128xf32, #tpu.memory_space<vmem>> -> memref<128x128xf32, #tpu.memory_space<vmem>>
        %dma_start3A_289 = arith.constant 0 : i32
        %dma_start3A_290 = tpu.memref_slice %arg10[%add3A_281, %run_scoped3A_283, %dma_start3A_289] : memref<40x1x128xi32, #tpu.memory_space<vmem>> -> memref<1x1x128xi32, #tpu.memory_space<vmem>>
        %dma_start3A_291 = tpu.memref_squeeze %dma_start3A_290 : memref<1x1x128xi32, #tpu.memory_space<vmem>> -> memref<128xi32, #tpu.memory_space<vmem>>
        %dma_start3A_292 = arith.constant 0 : i32
        %dma_start3A_293 = arith.constant 0 : i32
        %dma_start3A_294 = tpu.memref_slice %arg12[%dma_start3A_292, %dma_start3A_293] : memref<10240x128xf32, #tpu.memory_space<vmem_shared>> -> memref<10240x128xf32, #tpu.memory_space<vmem_shared>>
        tpu.enqueue_indirect_dma source(%dma_start3A_288 : memref<128x128xf32, #tpu.memory_space<vmem>>) target(%dma_start3A_294 : memref<10240x128xf32, #tpu.memory_space<vmem_shared>>) offsets(%dma_start3A_291 : memref<128xi32, #tpu.memory_space<vmem>>) semaphore(%run_scoped3A_284 : memref<!tpu.dma_semaphore, #tpu.memory_space<semaphore_mem>>) {add = true}
        %dma_wait3A_295 = arith.constant 0 : i32
        %dma_wait3A_296 = arith.constant 0 : i32
        %dma_wait3A_297 = tpu.memref_slice %arg11[%run_scoped3A_282, %dma_wait3A_295, %dma_wait3A_296] : memref<2x128x128xf32, #tpu.memory_space<vmem>> -> memref<1x128x128xf32, #tpu.memory_space<vmem>>
        %dma_wait3A_298 = tpu.memref_squeeze %dma_wait3A_297 : memref<1x128x128xf32, #tpu.memory_space<vmem>> -> memref<128x128xf32, #tpu.memory_space<vmem>>
        %dma_wait3A_299 = arith.constant 0 : i32
        %dma_wait3A_300 = tpu.memref_slice %arg10[%add3A_281, %run_scoped3A_283, %dma_wait3A_299] : memref<40x1x128xi32, #tpu.memory_space<vmem>> -> memref<1x1x128xi32, #tpu.memory_space<vmem>>
        %dma_wait3A_301 = tpu.memref_squeeze %dma_wait3A_300 : memref<1x1x128xi32, #tpu.memory_space<vmem>> -> memref<128xi32, #tpu.memory_space<vmem>>
        %dma_wait3A_302 = arith.constant 0 : i32
        %dma_wait3A_303 = arith.constant 0 : i32
        %dma_wait3A_304 = tpu.memref_slice %arg12[%dma_wait3A_302, %dma_wait3A_303] : memref<10240x128xf32, #tpu.memory_space<vmem_shared>> -> memref<10240x128xf32, #tpu.memory_space<vmem_shared>>
        tpu.wait_indirect_dma semaphore(%run_scoped3A_284 : memref<!tpu.dma_semaphore, #tpu.memory_space<semaphore_mem>>) src(%dma_wait3A_298 : memref<128x128xf32, #tpu.memory_space<vmem>>) dst(%dma_wait3A_304 : memref<10240x128xf32, #tpu.memory_space<vmem_shared>>)
        tpu.yield
      }) : () -> ()
    }
    %scan3A_70 = arith.constant 19 : i32
    %add3A_71 = arith.constant 38 : i32
    %add3A_72 = arith.addi %mul3A_4, %add3A_71 : i32
    %mul3A_73 = arith.constant 128 : i32
    %mul3A_74 = arith.muli %add3A_72, %mul3A_73 : i32
    %run_scoped3A_75 = arith.constant 0 : i32
    "tpu.region"() ({
      %run_scoped3A_223 = tpu.sem_alloc : memref<!tpu.dma_semaphore, #tpu.memory_space<semaphore_mem>>
      %dma_start3A_224 = arith.constant 0 : i32
      %dma_start3A_225 = arith.constant 0 : i32
      %dma_start3A_226 = tpu.memref_slice %arg11[%run_scoped3A_75, %dma_start3A_224, %dma_start3A_225] : memref<2x128x128xf32, #tpu.memory_space<vmem>> -> memref<1x128x128xf32, #tpu.memory_space<vmem>>
      %dma_start3A_227 = tpu.memref_squeeze %dma_start3A_226 : memref<1x128x128xf32, #tpu.memory_space<vmem>> -> memref<128x128xf32, #tpu.memory_space<vmem>>
      %dma_start3A_228 = arith.constant 0 : i32
      %dma_start3A_229 = tpu.memref_slice %arg3[%mul3A_74, %dma_start3A_228] : memref<160000x128xf32, #tpu.memory_space<hbm>> -> memref<128x128xf32, #tpu.memory_space<hbm>>
      %dma_start3A_230 = arith.constant 0 : i32
      %dma_start3A_231 = arith.constant 0 : i32
      %dma_start3A_232 = tpu.memref_slice %arg11[%run_scoped3A_75, %dma_start3A_230, %dma_start3A_231] : memref<2x128x128xf32, #tpu.memory_space<vmem>> -> memref<1x128x128xf32, #tpu.memory_space<vmem>>
      %dma_start3A_233 = tpu.memref_squeeze %dma_start3A_232 : memref<1x128x128xf32, #tpu.memory_space<vmem>> -> memref<128x128xf32, #tpu.memory_space<vmem>>
      %dma_start3A_234 = arith.constant 0 : i32
      %dma_start3A_235 = tpu.memref_slice %arg3[%mul3A_74, %dma_start3A_234] : memref<160000x128xf32, #tpu.memory_space<hbm>> -> memref<128x128xf32, #tpu.memory_space<hbm>>
      tpu.enqueue_dma source(%dma_start3A_235 : memref<128x128xf32, #tpu.memory_space<hbm>>) target(%dma_start3A_233 : memref<128x128xf32, #tpu.memory_space<vmem>>) target_semaphore(%run_scoped3A_223 : memref<!tpu.dma_semaphore, #tpu.memory_space<semaphore_mem>>)
      %dma_wait3A = arith.constant 0 : i32
      %dma_wait3A_236 = arith.constant 0 : i32
      %dma_wait3A_237 = tpu.memref_slice %arg11[%run_scoped3A_75, %dma_wait3A, %dma_wait3A_236] : memref<2x128x128xf32, #tpu.memory_space<vmem>> -> memref<1x128x128xf32, #tpu.memory_space<vmem>>
      %dma_wait3A_238 = tpu.memref_squeeze %dma_wait3A_237 : memref<1x128x128xf32, #tpu.memory_space<vmem>> -> memref<128x128xf32, #tpu.memory_space<vmem>>
      %dma_wait3A_239 = arith.constant 0 : i32
      %dma_wait3A_240 = tpu.memref_slice %arg3[%mul3A_74, %dma_wait3A_239] : memref<160000x128xf32, #tpu.memory_space<hbm>> -> memref<128x128xf32, #tpu.memory_space<hbm>>
      %dma_wait3A_241 = arith.constant 0 : i32
      %dma_wait3A_242 = arith.constant 0 : i32
      %dma_wait3A_243 = tpu.memref_slice %arg11[%run_scoped3A_75, %dma_wait3A_241, %dma_wait3A_242] : memref<2x128x128xf32, #tpu.memory_space<vmem>> -> memref<1x128x128xf32, #tpu.memory_space<vmem>>
      %dma_wait3A_244 = tpu.memref_squeeze %dma_wait3A_243 : memref<1x128x128xf32, #tpu.memory_space<vmem>> -> memref<128x128xf32, #tpu.memory_space<vmem>>
      %dma_wait3A_245 = arith.constant 0 : i32
      %dma_wait3A_246 = tpu.memref_slice %arg3[%mul3A_74, %dma_wait3A_245] : memref<160000x128xf32, #tpu.memory_space<hbm>> -> memref<128x128xf32, #tpu.memory_space<hbm>>
      tpu.wait_dma2 semaphore(%run_scoped3A_223 : memref<!tpu.dma_semaphore, #tpu.memory_space<semaphore_mem>>) src(%dma_wait3A_246 : memref<128x128xf32, #tpu.memory_space<hbm>>) dst(%dma_wait3A_244 : memref<128x128xf32, #tpu.memory_space<vmem>>)
      tpu.yield
    }) : () -> ()
    %run_scoped3A_76 = arith.constant 0 : i32
    %run_scoped3A_77 = arith.constant 38 : i32
    %run_scoped3A_78 = arith.constant 0 : i32
    "tpu.region"() ({
      %run_scoped3A_223 = tpu.sem_alloc : memref<!tpu.dma_semaphore, #tpu.memory_space<semaphore_mem>>
      %dma_start3A_224 = arith.constant 0 : i32
      %dma_start3A_225 = arith.constant 0 : i32
      %dma_start3A_226 = tpu.memref_slice %arg11[%run_scoped3A_76, %dma_start3A_224, %dma_start3A_225] : memref<2x128x128xf32, #tpu.memory_space<vmem>> -> memref<1x128x128xf32, #tpu.memory_space<vmem>>
      %dma_start3A_227 = tpu.memref_squeeze %dma_start3A_226 : memref<1x128x128xf32, #tpu.memory_space<vmem>> -> memref<128x128xf32, #tpu.memory_space<vmem>>
      %dma_start3A_228 = arith.constant 0 : i32
      %dma_start3A_229 = tpu.memref_slice %arg10[%run_scoped3A_77, %run_scoped3A_78, %dma_start3A_228] : memref<40x1x128xi32, #tpu.memory_space<vmem>> -> memref<1x1x128xi32, #tpu.memory_space<vmem>>
      %dma_start3A_230 = tpu.memref_squeeze %dma_start3A_229 : memref<1x1x128xi32, #tpu.memory_space<vmem>> -> memref<128xi32, #tpu.memory_space<vmem>>
      %dma_start3A_231 = arith.constant 0 : i32
      %dma_start3A_232 = arith.constant 0 : i32
      %dma_start3A_233 = tpu.memref_slice %arg12[%dma_start3A_231, %dma_start3A_232] : memref<10240x128xf32, #tpu.memory_space<vmem_shared>> -> memref<10240x128xf32, #tpu.memory_space<vmem_shared>>
      tpu.enqueue_indirect_dma source(%dma_start3A_227 : memref<128x128xf32, #tpu.memory_space<vmem>>) target(%dma_start3A_233 : memref<10240x128xf32, #tpu.memory_space<vmem_shared>>) offsets(%dma_start3A_230 : memref<128xi32, #tpu.memory_space<vmem>>) semaphore(%run_scoped3A_223 : memref<!tpu.dma_semaphore, #tpu.memory_space<semaphore_mem>>) {add = true}
      %dma_wait3A = arith.constant 0 : i32
      %dma_wait3A_234 = arith.constant 0 : i32
      %dma_wait3A_235 = tpu.memref_slice %arg11[%run_scoped3A_76, %dma_wait3A, %dma_wait3A_234] : memref<2x128x128xf32, #tpu.memory_space<vmem>> -> memref<1x128x128xf32, #tpu.memory_space<vmem>>
      %dma_wait3A_236 = tpu.memref_squeeze %dma_wait3A_235 : memref<1x128x128xf32, #tpu.memory_space<vmem>> -> memref<128x128xf32, #tpu.memory_space<vmem>>
      %dma_wait3A_237 = arith.constant 0 : i32
      %dma_wait3A_238 = tpu.memref_slice %arg10[%run_scoped3A_77, %run_scoped3A_78, %dma_wait3A_237] : memref<40x1x128xi32, #tpu.memory_space<vmem>> -> memref<1x1x128xi32, #tpu.memory_space<vmem>>
      %dma_wait3A_239 = tpu.memref_squeeze %dma_wait3A_238 : memref<1x1x128xi32, #tpu.memory_space<vmem>> -> memref<128xi32, #tpu.memory_space<vmem>>
      %dma_wait3A_240 = arith.constant 0 : i32
      %dma_wait3A_241 = arith.constant 0 : i32
      %dma_wait3A_242 = tpu.memref_slice %arg12[%dma_wait3A_240, %dma_wait3A_241] : memref<10240x128xf32, #tpu.memory_space<vmem_shared>> -> memref<10240x128xf32, #tpu.memory_space<vmem_shared>>
      tpu.wait_indirect_dma semaphore(%run_scoped3A_223 : memref<!tpu.dma_semaphore, #tpu.memory_space<semaphore_mem>>) src(%dma_wait3A_236 : memref<128x128xf32, #tpu.memory_space<vmem>>) dst(%dma_wait3A_242 : memref<10240x128xf32, #tpu.memory_space<vmem_shared>>)
      tpu.yield
    }) : () -> ()
    %lt3A_79 = arith.constant 2 : i32
    %lt3A_80 = arith.cmpi slt, %add3A, %lt3A_79 : i32
    %convert_element_type3A_81 = arith.extui %lt3A_80 : i1 to i32
    %cond3A_82 = arith.constant 0 : i32
    %cond3A_83 = arith.cmpi ne, %convert_element_type3A_81, %cond3A_82 : i32
    scf.if %cond3A_83 {
      %add3A_223 = arith.constant 1248 : i32
      %add3A_224 = arith.addi %add3A_223, %add3A : i32
      %mul3A_225 = arith.constant 128 : i32
      %mul3A_226 = arith.muli %add3A_224, %mul3A_225 : i32
      %run_scoped3A_227 = arith.constant 0 : i32
      "tpu.region"() ({
        %run_scoped3A_231 = tpu.sem_alloc : memref<!tpu.dma_semaphore, #tpu.memory_space<semaphore_mem>>
        %dma_start3A_232 = arith.constant 0 : i32
        %dma_start3A_233 = arith.constant 0 : i32
        %dma_start3A_234 = tpu.memref_slice %arg11[%run_scoped3A_227, %dma_start3A_232, %dma_start3A_233] : memref<2x128x128xf32, #tpu.memory_space<vmem>> -> memref<1x128x128xf32, #tpu.memory_space<vmem>>
        %dma_start3A_235 = tpu.memref_squeeze %dma_start3A_234 : memref<1x128x128xf32, #tpu.memory_space<vmem>> -> memref<128x128xf32, #tpu.memory_space<vmem>>
        %dma_start3A_236 = arith.constant 0 : i32
        %dma_start3A_237 = tpu.memref_slice %arg3[%mul3A_226, %dma_start3A_236] : memref<160000x128xf32, #tpu.memory_space<hbm>> -> memref<128x128xf32, #tpu.memory_space<hbm>>
        %dma_start3A_238 = arith.constant 0 : i32
        %dma_start3A_239 = arith.constant 0 : i32
        %dma_start3A_240 = tpu.memref_slice %arg11[%run_scoped3A_227, %dma_start3A_238, %dma_start3A_239] : memref<2x128x128xf32, #tpu.memory_space<vmem>> -> memref<1x128x128xf32, #tpu.memory_space<vmem>>
        %dma_start3A_241 = tpu.memref_squeeze %dma_start3A_240 : memref<1x128x128xf32, #tpu.memory_space<vmem>> -> memref<128x128xf32, #tpu.memory_space<vmem>>
        %dma_start3A_242 = arith.constant 0 : i32
        %dma_start3A_243 = tpu.memref_slice %arg3[%mul3A_226, %dma_start3A_242] : memref<160000x128xf32, #tpu.memory_space<hbm>> -> memref<128x128xf32, #tpu.memory_space<hbm>>
        tpu.enqueue_dma source(%dma_start3A_243 : memref<128x128xf32, #tpu.memory_space<hbm>>) target(%dma_start3A_241 : memref<128x128xf32, #tpu.memory_space<vmem>>) target_semaphore(%run_scoped3A_231 : memref<!tpu.dma_semaphore, #tpu.memory_space<semaphore_mem>>)
        %dma_wait3A = arith.constant 0 : i32
        %dma_wait3A_244 = arith.constant 0 : i32
        %dma_wait3A_245 = tpu.memref_slice %arg11[%run_scoped3A_227, %dma_wait3A, %dma_wait3A_244] : memref<2x128x128xf32, #tpu.memory_space<vmem>> -> memref<1x128x128xf32, #tpu.memory_space<vmem>>
        %dma_wait3A_246 = tpu.memref_squeeze %dma_wait3A_245 : memref<1x128x128xf32, #tpu.memory_space<vmem>> -> memref<128x128xf32, #tpu.memory_space<vmem>>
        %dma_wait3A_247 = arith.constant 0 : i32
        %dma_wait3A_248 = tpu.memref_slice %arg3[%mul3A_226, %dma_wait3A_247] : memref<160000x128xf32, #tpu.memory_space<hbm>> -> memref<128x128xf32, #tpu.memory_space<hbm>>
        %dma_wait3A_249 = arith.constant 0 : i32
        %dma_wait3A_250 = arith.constant 0 : i32
        %dma_wait3A_251 = tpu.memref_slice %arg11[%run_scoped3A_227, %dma_wait3A_249, %dma_wait3A_250] : memref<2x128x128xf32, #tpu.memory_space<vmem>> -> memref<1x128x128xf32, #tpu.memory_space<vmem>>
        %dma_wait3A_252 = tpu.memref_squeeze %dma_wait3A_251 : memref<1x128x128xf32, #tpu.memory_space<vmem>> -> memref<128x128xf32, #tpu.memory_space<vmem>>
        %dma_wait3A_253 = arith.constant 0 : i32
        %dma_wait3A_254 = tpu.memref_slice %arg3[%mul3A_226, %dma_wait3A_253] : memref<160000x128xf32, #tpu.memory_space<hbm>> -> memref<128x128xf32, #tpu.memory_space<hbm>>
        tpu.wait_dma2 semaphore(%run_scoped3A_231 : memref<!tpu.dma_semaphore, #tpu.memory_space<semaphore_mem>>) src(%dma_wait3A_254 : memref<128x128xf32, #tpu.memory_space<hbm>>) dst(%dma_wait3A_252 : memref<128x128xf32, #tpu.memory_space<vmem>>)
        tpu.yield
      }) : () -> ()
      %run_scoped3A_228 = arith.constant 0 : i32
      %run_scoped3A_229 = arith.constant 39 : i32
      %run_scoped3A_230 = arith.constant 0 : i32
      "tpu.region"() ({
        %run_scoped3A_231 = tpu.sem_alloc : memref<!tpu.dma_semaphore, #tpu.memory_space<semaphore_mem>>
        %dma_start3A_232 = arith.constant 0 : i32
        %dma_start3A_233 = arith.constant 0 : i32
        %dma_start3A_234 = tpu.memref_slice %arg11[%run_scoped3A_228, %dma_start3A_232, %dma_start3A_233] : memref<2x128x128xf32, #tpu.memory_space<vmem>> -> memref<1x128x128xf32, #tpu.memory_space<vmem>>
        %dma_start3A_235 = tpu.memref_squeeze %dma_start3A_234 : memref<1x128x128xf32, #tpu.memory_space<vmem>> -> memref<128x128xf32, #tpu.memory_space<vmem>>
        %dma_start3A_236 = arith.constant 0 : i32
        %dma_start3A_237 = tpu.memref_slice %arg10[%run_scoped3A_229, %run_scoped3A_230, %dma_start3A_236] : memref<40x1x128xi32, #tpu.memory_space<vmem>> -> memref<1x1x128xi32, #tpu.memory_space<vmem>>
        %dma_start3A_238 = tpu.memref_squeeze %dma_start3A_237 : memref<1x1x128xi32, #tpu.memory_space<vmem>> -> memref<128xi32, #tpu.memory_space<vmem>>
        %dma_start3A_239 = arith.constant 0 : i32
        %dma_start3A_240 = arith.constant 0 : i32
        %dma_start3A_241 = tpu.memref_slice %arg12[%dma_start3A_239, %dma_start3A_240] : memref<10240x128xf32, #tpu.memory_space<vmem_shared>> -> memref<10240x128xf32, #tpu.memory_space<vmem_shared>>
        tpu.enqueue_indirect_dma source(%dma_start3A_235 : memref<128x128xf32, #tpu.memory_space<vmem>>) target(%dma_start3A_241 : memref<10240x128xf32, #tpu.memory_space<vmem_shared>>) offsets(%dma_start3A_238 : memref<128xi32, #tpu.memory_space<vmem>>) semaphore(%run_scoped3A_231 : memref<!tpu.dma_semaphore, #tpu.memory_space<semaphore_mem>>) {add = true}
        %dma_wait3A = arith.constant 0 : i32
        %dma_wait3A_242 = arith.constant 0 : i32
        %dma_wait3A_243 = tpu.memref_slice %arg11[%run_scoped3A_228, %dma_wait3A, %dma_wait3A_242] : memref<2x128x128xf32, #tpu.memory_space<vmem>> -> memref<1x128x128xf32, #tpu.memory_space<vmem>>
        %dma_wait3A_244 = tpu.memref_squeeze %dma_wait3A_243 : memref<1x128x128xf32, #tpu.memory_space<vmem>> -> memref<128x128xf32, #tpu.memory_space<vmem>>
        %dma_wait3A_245 = arith.constant 0 : i32
        %dma_wait3A_246 = tpu.memref_slice %arg10[%run_scoped3A_229, %run_scoped3A_230, %dma_wait3A_245] : memref<40x1x128xi32, #tpu.memory_space<vmem>> -> memref<1x1x128xi32, #tpu.memory_space<vmem>>
        %dma_wait3A_247 = tpu.memref_squeeze %dma_wait3A_246 : memref<1x1x128xi32, #tpu.memory_space<vmem>> -> memref<128xi32, #tpu.memory_space<vmem>>
        %dma_wait3A_248 = arith.constant 0 : i32
        %dma_wait3A_249 = arith.constant 0 : i32
        %dma_wait3A_250 = tpu.memref_slice %arg12[%dma_wait3A_248, %dma_wait3A_249] : memref<10240x128xf32, #tpu.memory_space<vmem_shared>> -> memref<10240x128xf32, #tpu.memory_space<vmem_shared>>
        tpu.wait_indirect_dma semaphore(%run_scoped3A_231 : memref<!tpu.dma_semaphore, #tpu.memory_space<semaphore_mem>>) src(%dma_wait3A_244 : memref<128x128xf32, #tpu.memory_space<vmem>>) dst(%dma_wait3A_250 : memref<10240x128xf32, #tpu.memory_space<vmem_shared>>)
        tpu.yield
      }) : () -> ()
    } else {
    }
    %barrier3A_84 = arith.constant 0 : index
    tpu.barrier barrier_id(%barrier3A_84)
    %add3A_85 = arith.constant 2 : i32
    %add3A_86 = arith.addi %add3A_85, %arg0 : i32
    %mul3A_87 = arith.constant 10240 : i32
    %mul3A_88 = arith.muli %add3A_86, %mul3A_87 : i32
    %add3A_89 = arith.addi %mul3A_88, %mul3A_2 : i32
    "tpu.region"() ({
      %run_scoped3A_223 = tpu.sem_alloc : memref<!tpu.dma_semaphore, #tpu.memory_space<semaphore_mem>>
      %dma_start3A_224 = arith.constant 0 : i32
      %dma_start3A_225 = tpu.memref_slice %arg9[%add3A_89, %dma_start3A_224] : memref<102400x128xf32, #tpu.memory_space<hbm>> -> memref<640x128xf32, #tpu.memory_space<hbm>>
      %dma_start3A_226 = arith.constant 0 : i32
      %dma_start3A_227 = tpu.memref_slice %arg12[%mul3A_2, %dma_start3A_226] : memref<10240x128xf32, #tpu.memory_space<vmem_shared>> -> memref<640x128xf32, #tpu.memory_space<vmem_shared>>
      tpu.enqueue_dma source(%dma_start3A_227 : memref<640x128xf32, #tpu.memory_space<vmem_shared>>) target(%dma_start3A_225 : memref<640x128xf32, #tpu.memory_space<hbm>>) target_semaphore(%run_scoped3A_223 : memref<!tpu.dma_semaphore, #tpu.memory_space<semaphore_mem>>)
      %dma_wait3A = arith.constant 0 : i32
      %dma_wait3A_228 = tpu.memref_slice %arg9[%add3A_89, %dma_wait3A] : memref<102400x128xf32, #tpu.memory_space<hbm>> -> memref<640x128xf32, #tpu.memory_space<hbm>>
      %dma_wait3A_229 = arith.constant 0 : i32
      %dma_wait3A_230 = tpu.memref_slice %arg12[%mul3A_2, %dma_wait3A_229] : memref<10240x128xf32, #tpu.memory_space<vmem_shared>> -> memref<640x128xf32, #tpu.memory_space<vmem_shared>>
      tpu.wait_dma2 semaphore(%run_scoped3A_223 : memref<!tpu.dma_semaphore, #tpu.memory_space<semaphore_mem>>) src(%dma_wait3A_230 : memref<640x128xf32, #tpu.memory_space<vmem_shared>>) dst(%dma_wait3A_228 : memref<640x128xf32, #tpu.memory_space<hbm>>)
      tpu.yield
    }) : () -> ()
    %barrier3A_90 = arith.constant 0 : index
    tpu.barrier barrier_id(%barrier3A_90)
    "tpu.region"() ({
      %run_scoped3A_223 = tpu.sem_alloc : memref<!tpu.dma_semaphore, #tpu.memory_space<semaphore_mem>>
      %dma_start3A_224 = arith.constant 0 : i32
      %dma_start3A_225 = tpu.memref_slice %arg12[%mul3A_2, %dma_start3A_224] : memref<10240x128xf32, #tpu.memory_space<vmem_shared>> -> memref<640x128xf32, #tpu.memory_space<vmem_shared>>
      tpu.enqueue_dma source(%arg8 : memref<640x128xf32, #tpu.memory_space<hbm>>) target(%dma_start3A_225 : memref<640x128xf32, #tpu.memory_space<vmem_shared>>) target_semaphore(%run_scoped3A_223 : memref<!tpu.dma_semaphore, #tpu.memory_space<semaphore_mem>>)
      %dma_wait3A = arith.constant 0 : i32
      %dma_wait3A_226 = tpu.memref_slice %arg12[%mul3A_2, %dma_wait3A] : memref<10240x128xf32, #tpu.memory_space<vmem_shared>> -> memref<640x128xf32, #tpu.memory_space<vmem_shared>>
      tpu.wait_dma2 semaphore(%run_scoped3A_223 : memref<!tpu.dma_semaphore, #tpu.memory_space<semaphore_mem>>) src(%arg8 : memref<640x128xf32, #tpu.memory_space<hbm>>) dst(%dma_wait3A_226 : memref<640x128xf32, #tpu.memory_space<vmem_shared>>)
      tpu.yield
    }) : () -> ()
    %barrier3A_91 = arith.constant 0 : index
    tpu.barrier barrier_id(%barrier3A_91)
    %add3A_92 = arith.constant 0 : i32
    %add3A_93 = arith.addi %mul3A_4, %add3A_92 : i32
    %mul3A_94 = arith.constant 128 : i32
    %mul3A_95 = arith.muli %add3A_93, %mul3A_94 : i32
    %dma_start3A_96 = arith.constant 0 : i32
    %dma_start3A_97 = arith.constant 0 : i32
    %dma_start3A_98 = arith.constant 0 : i32
    %dma_start3A_99 = tpu.memref_slice %arg11[%dma_start3A_96, %dma_start3A_97, %dma_start3A_98] : memref<2x128x128xf32, #tpu.memory_space<vmem>> -> memref<1x128x128xf32, #tpu.memory_space<vmem>>
    %dma_start3A_100 = tpu.memref_squeeze %dma_start3A_99 : memref<1x128x128xf32, #tpu.memory_space<vmem>> -> memref<128x128xf32, #tpu.memory_space<vmem>>
    %dma_start3A_101 = arith.constant 0 : i32
    %dma_start3A_102 = tpu.memref_slice %arg4[%mul3A_95, %dma_start3A_101] : memref<160000x128xf32, #tpu.memory_space<hbm>> -> memref<128x128xf32, #tpu.memory_space<hbm>>
    %dma_start3A_103 = arith.constant 0 : i32
    %dma_start3A_104 = arith.constant 0 : i32
    %dma_start3A_105 = tpu.memref_slice %arg11[%dma_start3A_96, %dma_start3A_103, %dma_start3A_104] : memref<2x128x128xf32, #tpu.memory_space<vmem>> -> memref<1x128x128xf32, #tpu.memory_space<vmem>>
    %dma_start3A_106 = tpu.memref_squeeze %dma_start3A_105 : memref<1x128x128xf32, #tpu.memory_space<vmem>> -> memref<128x128xf32, #tpu.memory_space<vmem>>
    %dma_start3A_107 = arith.constant 0 : i32
    %dma_start3A_108 = tpu.memref_slice %arg4[%mul3A_95, %dma_start3A_107] : memref<160000x128xf32, #tpu.memory_space<hbm>> -> memref<128x128xf32, #tpu.memory_space<hbm>>
    tpu.enqueue_dma source(%dma_start3A_108 : memref<128x128xf32, #tpu.memory_space<hbm>>) target(%dma_start3A_106 : memref<128x128xf32, #tpu.memory_space<vmem>>) target_semaphore(%arg13 : memref<!tpu.dma_semaphore, #tpu.memory_space<semaphore_mem>>)
    %scan3A_109 = arith.constant 0 : i32
    %scan3A_110 = arith.constant 0 : i32
    %scan3A_111 = arith.constant 19 : i32
    %scan3A_112 = arith.addi %scan3A_110, %scan3A_111 : i32
    %scan3A_113 = arith.constant 1 : i32
    scf.for %scan3A_223 = %scan3A_110 to %scan3A_112 step %scan3A_113  : i32 {
      %mul3A_224 = arith.constant 2 : i32
      %mul3A_225 = arith.muli %mul3A_224, %scan3A_223 : i32
      %add3A_226 = arith.constant 1 : i32
      %add3A_227 = arith.addi %mul3A_225, %add3A_226 : i32
      %add3A_228 = arith.addi %mul3A_4, %add3A_227 : i32
      %mul3A_229 = arith.constant 128 : i32
      %mul3A_230 = arith.muli %add3A_228, %mul3A_229 : i32
      %dma_start3A_231 = arith.constant 1 : i32
      %dma_start3A_232 = arith.constant 0 : i32
      %dma_start3A_233 = arith.constant 0 : i32
      %dma_start3A_234 = tpu.memref_slice %arg11[%dma_start3A_231, %dma_start3A_232, %dma_start3A_233] : memref<2x128x128xf32, #tpu.memory_space<vmem>> -> memref<1x128x128xf32, #tpu.memory_space<vmem>>
      %dma_start3A_235 = tpu.memref_squeeze %dma_start3A_234 : memref<1x128x128xf32, #tpu.memory_space<vmem>> -> memref<128x128xf32, #tpu.memory_space<vmem>>
      %dma_start3A_236 = arith.constant 0 : i32
      %dma_start3A_237 = tpu.memref_slice %arg4[%mul3A_230, %dma_start3A_236] : memref<160000x128xf32, #tpu.memory_space<hbm>> -> memref<128x128xf32, #tpu.memory_space<hbm>>
      %dma_start3A_238 = arith.constant 0 : i32
      %dma_start3A_239 = arith.constant 0 : i32
      %dma_start3A_240 = tpu.memref_slice %arg11[%dma_start3A_231, %dma_start3A_238, %dma_start3A_239] : memref<2x128x128xf32, #tpu.memory_space<vmem>> -> memref<1x128x128xf32, #tpu.memory_space<vmem>>
      %dma_start3A_241 = tpu.memref_squeeze %dma_start3A_240 : memref<1x128x128xf32, #tpu.memory_space<vmem>> -> memref<128x128xf32, #tpu.memory_space<vmem>>
      %dma_start3A_242 = arith.constant 0 : i32
      %dma_start3A_243 = tpu.memref_slice %arg4[%mul3A_230, %dma_start3A_242] : memref<160000x128xf32, #tpu.memory_space<hbm>> -> memref<128x128xf32, #tpu.memory_space<hbm>>
      tpu.enqueue_dma source(%dma_start3A_243 : memref<128x128xf32, #tpu.memory_space<hbm>>) target(%dma_start3A_241 : memref<128x128xf32, #tpu.memory_space<vmem>>) target_semaphore(%arg14 : memref<!tpu.dma_semaphore, #tpu.memory_space<semaphore_mem>>)
      %dma_wait3A = arith.constant 0 : i32
      %dma_wait3A_244 = arith.constant 0 : i32
      %dma_wait3A_245 = arith.constant 0 : i32
      %dma_wait3A_246 = tpu.memref_slice %arg11[%dma_wait3A, %dma_wait3A_244, %dma_wait3A_245] : memref<2x128x128xf32, #tpu.memory_space<vmem>> -> memref<1x128x128xf32, #tpu.memory_space<vmem>>
      %dma_wait3A_247 = tpu.memref_squeeze %dma_wait3A_246 : memref<1x128x128xf32, #tpu.memory_space<vmem>> -> memref<128x128xf32, #tpu.memory_space<vmem>>
      %dma_wait3A_248 = arith.constant 0 : i32
      %dma_wait3A_249 = arith.constant 0 : i32
      %dma_wait3A_250 = tpu.memref_slice %arg4[%dma_wait3A_248, %dma_wait3A_249] : memref<160000x128xf32, #tpu.memory_space<hbm>> -> memref<128x128xf32, #tpu.memory_space<hbm>>
      %dma_wait3A_251 = arith.constant 0 : i32
      %dma_wait3A_252 = arith.constant 0 : i32
      %dma_wait3A_253 = tpu.memref_slice %arg11[%dma_wait3A, %dma_wait3A_251, %dma_wait3A_252] : memref<2x128x128xf32, #tpu.memory_space<vmem>> -> memref<1x128x128xf32, #tpu.memory_space<vmem>>
      %dma_wait3A_254 = tpu.memref_squeeze %dma_wait3A_253 : memref<1x128x128xf32, #tpu.memory_space<vmem>> -> memref<128x128xf32, #tpu.memory_space<vmem>>
      %dma_wait3A_255 = arith.constant 0 : i32
      %dma_wait3A_256 = arith.constant 0 : i32
      %dma_wait3A_257 = tpu.memref_slice %arg4[%dma_wait3A_255, %dma_wait3A_256] : memref<160000x128xf32, #tpu.memory_space<hbm>> -> memref<128x128xf32, #tpu.memory_space<hbm>>
      tpu.wait_dma2 semaphore(%arg13 : memref<!tpu.dma_semaphore, #tpu.memory_space<semaphore_mem>>) src(%dma_wait3A_257 : memref<128x128xf32, #tpu.memory_space<hbm>>) dst(%dma_wait3A_254 : memref<128x128xf32, #tpu.memory_space<vmem>>)
      %run_scoped3A_258 = arith.constant 0 : i32
      %run_scoped3A_259 = arith.constant 0 : i32
      "tpu.region"() ({
        %run_scoped3A_284 = tpu.sem_alloc : memref<!tpu.dma_semaphore, #tpu.memory_space<semaphore_mem>>
        %dma_start3A_285 = arith.constant 0 : i32
        %dma_start3A_286 = arith.constant 0 : i32
        %dma_start3A_287 = tpu.memref_slice %arg11[%run_scoped3A_258, %dma_start3A_285, %dma_start3A_286] : memref<2x128x128xf32, #tpu.memory_space<vmem>> -> memref<1x128x128xf32, #tpu.memory_space<vmem>>
        %dma_start3A_288 = tpu.memref_squeeze %dma_start3A_287 : memref<1x128x128xf32, #tpu.memory_space<vmem>> -> memref<128x128xf32, #tpu.memory_space<vmem>>
        %dma_start3A_289 = arith.constant 0 : i32
        %dma_start3A_290 = tpu.memref_slice %arg10[%mul3A_225, %run_scoped3A_259, %dma_start3A_289] : memref<40x1x128xi32, #tpu.memory_space<vmem>> -> memref<1x1x128xi32, #tpu.memory_space<vmem>>
        %dma_start3A_291 = tpu.memref_squeeze %dma_start3A_290 : memref<1x1x128xi32, #tpu.memory_space<vmem>> -> memref<128xi32, #tpu.memory_space<vmem>>
        %dma_start3A_292 = arith.constant 0 : i32
        %dma_start3A_293 = arith.constant 0 : i32
        %dma_start3A_294 = tpu.memref_slice %arg12[%dma_start3A_292, %dma_start3A_293] : memref<10240x128xf32, #tpu.memory_space<vmem_shared>> -> memref<10240x128xf32, #tpu.memory_space<vmem_shared>>
        tpu.enqueue_indirect_dma source(%dma_start3A_288 : memref<128x128xf32, #tpu.memory_space<vmem>>) target(%dma_start3A_294 : memref<10240x128xf32, #tpu.memory_space<vmem_shared>>) offsets(%dma_start3A_291 : memref<128xi32, #tpu.memory_space<vmem>>) semaphore(%run_scoped3A_284 : memref<!tpu.dma_semaphore, #tpu.memory_space<semaphore_mem>>) {add = true}
        %dma_wait3A_295 = arith.constant 0 : i32
        %dma_wait3A_296 = arith.constant 0 : i32
        %dma_wait3A_297 = tpu.memref_slice %arg11[%run_scoped3A_258, %dma_wait3A_295, %dma_wait3A_296] : memref<2x128x128xf32, #tpu.memory_space<vmem>> -> memref<1x128x128xf32, #tpu.memory_space<vmem>>
        %dma_wait3A_298 = tpu.memref_squeeze %dma_wait3A_297 : memref<1x128x128xf32, #tpu.memory_space<vmem>> -> memref<128x128xf32, #tpu.memory_space<vmem>>
        %dma_wait3A_299 = arith.constant 0 : i32
        %dma_wait3A_300 = tpu.memref_slice %arg10[%mul3A_225, %run_scoped3A_259, %dma_wait3A_299] : memref<40x1x128xi32, #tpu.memory_space<vmem>> -> memref<1x1x128xi32, #tpu.memory_space<vmem>>
        %dma_wait3A_301 = tpu.memref_squeeze %dma_wait3A_300 : memref<1x1x128xi32, #tpu.memory_space<vmem>> -> memref<128xi32, #tpu.memory_space<vmem>>
        %dma_wait3A_302 = arith.constant 0 : i32
        %dma_wait3A_303 = arith.constant 0 : i32
        %dma_wait3A_304 = tpu.memref_slice %arg12[%dma_wait3A_302, %dma_wait3A_303] : memref<10240x128xf32, #tpu.memory_space<vmem_shared>> -> memref<10240x128xf32, #tpu.memory_space<vmem_shared>>
        tpu.wait_indirect_dma semaphore(%run_scoped3A_284 : memref<!tpu.dma_semaphore, #tpu.memory_space<semaphore_mem>>) src(%dma_wait3A_298 : memref<128x128xf32, #tpu.memory_space<vmem>>) dst(%dma_wait3A_304 : memref<10240x128xf32, #tpu.memory_space<vmem_shared>>)
        tpu.yield
      }) : () -> ()
      %lt3A_260 = arith.constant 18 : i32
      %lt3A_261 = arith.cmpi slt, %scan3A_223, %lt3A_260 : i32
      %convert_element_type3A_262 = arith.extui %lt3A_261 : i1 to i32
      %cond3A_263 = arith.constant 0 : i32
      %cond3A_264 = arith.cmpi ne, %convert_element_type3A_262, %cond3A_263 : i32
      scf.if %cond3A_264 {
        %add3A_284 = arith.constant 2 : i32
        %add3A_285 = arith.addi %mul3A_225, %add3A_284 : i32
        %add3A_286 = arith.addi %mul3A_4, %add3A_285 : i32
        %mul3A_287 = arith.constant 128 : i32
        %mul3A_288 = arith.muli %add3A_286, %mul3A_287 : i32
        %dma_start3A_289 = arith.constant 0 : i32
        %dma_start3A_290 = arith.constant 0 : i32
        %dma_start3A_291 = arith.constant 0 : i32
        %dma_start3A_292 = tpu.memref_slice %arg11[%dma_start3A_289, %dma_start3A_290, %dma_start3A_291] : memref<2x128x128xf32, #tpu.memory_space<vmem>> -> memref<1x128x128xf32, #tpu.memory_space<vmem>>
        %dma_start3A_293 = tpu.memref_squeeze %dma_start3A_292 : memref<1x128x128xf32, #tpu.memory_space<vmem>> -> memref<128x128xf32, #tpu.memory_space<vmem>>
        %dma_start3A_294 = arith.constant 0 : i32
        %dma_start3A_295 = tpu.memref_slice %arg4[%mul3A_288, %dma_start3A_294] : memref<160000x128xf32, #tpu.memory_space<hbm>> -> memref<128x128xf32, #tpu.memory_space<hbm>>
        %dma_start3A_296 = arith.constant 0 : i32
        %dma_start3A_297 = arith.constant 0 : i32
        %dma_start3A_298 = tpu.memref_slice %arg11[%dma_start3A_289, %dma_start3A_296, %dma_start3A_297] : memref<2x128x128xf32, #tpu.memory_space<vmem>> -> memref<1x128x128xf32, #tpu.memory_space<vmem>>
        %dma_start3A_299 = tpu.memref_squeeze %dma_start3A_298 : memref<1x128x128xf32, #tpu.memory_space<vmem>> -> memref<128x128xf32, #tpu.memory_space<vmem>>
        %dma_start3A_300 = arith.constant 0 : i32
        %dma_start3A_301 = tpu.memref_slice %arg4[%mul3A_288, %dma_start3A_300] : memref<160000x128xf32, #tpu.memory_space<hbm>> -> memref<128x128xf32, #tpu.memory_space<hbm>>
        tpu.enqueue_dma source(%dma_start3A_301 : memref<128x128xf32, #tpu.memory_space<hbm>>) target(%dma_start3A_299 : memref<128x128xf32, #tpu.memory_space<vmem>>) target_semaphore(%arg13 : memref<!tpu.dma_semaphore, #tpu.memory_space<semaphore_mem>>)
      } else {
      }
      %dma_wait3A_265 = arith.constant 1 : i32
      %dma_wait3A_266 = arith.constant 0 : i32
      %dma_wait3A_267 = arith.constant 0 : i32
      %dma_wait3A_268 = tpu.memref_slice %arg11[%dma_wait3A_265, %dma_wait3A_266, %dma_wait3A_267] : memref<2x128x128xf32, #tpu.memory_space<vmem>> -> memref<1x128x128xf32, #tpu.memory_space<vmem>>
      %dma_wait3A_269 = tpu.memref_squeeze %dma_wait3A_268 : memref<1x128x128xf32, #tpu.memory_space<vmem>> -> memref<128x128xf32, #tpu.memory_space<vmem>>
      %dma_wait3A_270 = arith.constant 0 : i32
      %dma_wait3A_271 = arith.constant 0 : i32
      %dma_wait3A_272 = tpu.memref_slice %arg4[%dma_wait3A_270, %dma_wait3A_271] : memref<160000x128xf32, #tpu.memory_space<hbm>> -> memref<128x128xf32, #tpu.memory_space<hbm>>
      %dma_wait3A_273 = arith.constant 0 : i32
      %dma_wait3A_274 = arith.constant 0 : i32
      %dma_wait3A_275 = tpu.memref_slice %arg11[%dma_wait3A_265, %dma_wait3A_273, %dma_wait3A_274] : memref<2x128x128xf32, #tpu.memory_space<vmem>> -> memref<1x128x128xf32, #tpu.memory_space<vmem>>
      %dma_wait3A_276 = tpu.memref_squeeze %dma_wait3A_275 : memref<1x128x128xf32, #tpu.memory_space<vmem>> -> memref<128x128xf32, #tpu.memory_space<vmem>>
      %dma_wait3A_277 = arith.constant 0 : i32
      %dma_wait3A_278 = arith.constant 0 : i32
      %dma_wait3A_279 = tpu.memref_slice %arg4[%dma_wait3A_277, %dma_wait3A_278] : memref<160000x128xf32, #tpu.memory_space<hbm>> -> memref<128x128xf32, #tpu.memory_space<hbm>>
      tpu.wait_dma2 semaphore(%arg14 : memref<!tpu.dma_semaphore, #tpu.memory_space<semaphore_mem>>) src(%dma_wait3A_279 : memref<128x128xf32, #tpu.memory_space<hbm>>) dst(%dma_wait3A_276 : memref<128x128xf32, #tpu.memory_space<vmem>>)
      %add3A_280 = arith.constant 1 : i32
      %add3A_281 = arith.addi %mul3A_225, %add3A_280 : i32
      %run_scoped3A_282 = arith.constant 1 : i32
      %run_scoped3A_283 = arith.constant 0 : i32
      "tpu.region"() ({
        %run_scoped3A_284 = tpu.sem_alloc : memref<!tpu.dma_semaphore, #tpu.memory_space<semaphore_mem>>
        %dma_start3A_285 = arith.constant 0 : i32
        %dma_start3A_286 = arith.constant 0 : i32
        %dma_start3A_287 = tpu.memref_slice %arg11[%run_scoped3A_282, %dma_start3A_285, %dma_start3A_286] : memref<2x128x128xf32, #tpu.memory_space<vmem>> -> memref<1x128x128xf32, #tpu.memory_space<vmem>>
        %dma_start3A_288 = tpu.memref_squeeze %dma_start3A_287 : memref<1x128x128xf32, #tpu.memory_space<vmem>> -> memref<128x128xf32, #tpu.memory_space<vmem>>
        %dma_start3A_289 = arith.constant 0 : i32
        %dma_start3A_290 = tpu.memref_slice %arg10[%add3A_281, %run_scoped3A_283, %dma_start3A_289] : memref<40x1x128xi32, #tpu.memory_space<vmem>> -> memref<1x1x128xi32, #tpu.memory_space<vmem>>
        %dma_start3A_291 = tpu.memref_squeeze %dma_start3A_290 : memref<1x1x128xi32, #tpu.memory_space<vmem>> -> memref<128xi32, #tpu.memory_space<vmem>>
        %dma_start3A_292 = arith.constant 0 : i32
        %dma_start3A_293 = arith.constant 0 : i32
        %dma_start3A_294 = tpu.memref_slice %arg12[%dma_start3A_292, %dma_start3A_293] : memref<10240x128xf32, #tpu.memory_space<vmem_shared>> -> memref<10240x128xf32, #tpu.memory_space<vmem_shared>>
        tpu.enqueue_indirect_dma source(%dma_start3A_288 : memref<128x128xf32, #tpu.memory_space<vmem>>) target(%dma_start3A_294 : memref<10240x128xf32, #tpu.memory_space<vmem_shared>>) offsets(%dma_start3A_291 : memref<128xi32, #tpu.memory_space<vmem>>) semaphore(%run_scoped3A_284 : memref<!tpu.dma_semaphore, #tpu.memory_space<semaphore_mem>>) {add = true}
        %dma_wait3A_295 = arith.constant 0 : i32
        %dma_wait3A_296 = arith.constant 0 : i32
        %dma_wait3A_297 = tpu.memref_slice %arg11[%run_scoped3A_282, %dma_wait3A_295, %dma_wait3A_296] : memref<2x128x128xf32, #tpu.memory_space<vmem>> -> memref<1x128x128xf32, #tpu.memory_space<vmem>>
        %dma_wait3A_298 = tpu.memref_squeeze %dma_wait3A_297 : memref<1x128x128xf32, #tpu.memory_space<vmem>> -> memref<128x128xf32, #tpu.memory_space<vmem>>
        %dma_wait3A_299 = arith.constant 0 : i32
        %dma_wait3A_300 = tpu.memref_slice %arg10[%add3A_281, %run_scoped3A_283, %dma_wait3A_299] : memref<40x1x128xi32, #tpu.memory_space<vmem>> -> memref<1x1x128xi32, #tpu.memory_space<vmem>>
        %dma_wait3A_301 = tpu.memref_squeeze %dma_wait3A_300 : memref<1x1x128xi32, #tpu.memory_space<vmem>> -> memref<128xi32, #tpu.memory_space<vmem>>
        %dma_wait3A_302 = arith.constant 0 : i32
        %dma_wait3A_303 = arith.constant 0 : i32
        %dma_wait3A_304 = tpu.memref_slice %arg12[%dma_wait3A_302, %dma_wait3A_303] : memref<10240x128xf32, #tpu.memory_space<vmem_shared>> -> memref<10240x128xf32, #tpu.memory_space<vmem_shared>>
        tpu.wait_indirect_dma semaphore(%run_scoped3A_284 : memref<!tpu.dma_semaphore, #tpu.memory_space<semaphore_mem>>) src(%dma_wait3A_298 : memref<128x128xf32, #tpu.memory_space<vmem>>) dst(%dma_wait3A_304 : memref<10240x128xf32, #tpu.memory_space<vmem_shared>>)
        tpu.yield
      }) : () -> ()
    }
    %scan3A_114 = arith.constant 19 : i32
    %add3A_115 = arith.constant 38 : i32
    %add3A_116 = arith.addi %mul3A_4, %add3A_115 : i32
    %mul3A_117 = arith.constant 128 : i32
    %mul3A_118 = arith.muli %add3A_116, %mul3A_117 : i32
    %run_scoped3A_119 = arith.constant 0 : i32
    "tpu.region"() ({
      %run_scoped3A_223 = tpu.sem_alloc : memref<!tpu.dma_semaphore, #tpu.memory_space<semaphore_mem>>
      %dma_start3A_224 = arith.constant 0 : i32
      %dma_start3A_225 = arith.constant 0 : i32
      %dma_start3A_226 = tpu.memref_slice %arg11[%run_scoped3A_119, %dma_start3A_224, %dma_start3A_225] : memref<2x128x128xf32, #tpu.memory_space<vmem>> -> memref<1x128x128xf32, #tpu.memory_space<vmem>>
      %dma_start3A_227 = tpu.memref_squeeze %dma_start3A_226 : memref<1x128x128xf32, #tpu.memory_space<vmem>> -> memref<128x128xf32, #tpu.memory_space<vmem>>
      %dma_start3A_228 = arith.constant 0 : i32
      %dma_start3A_229 = tpu.memref_slice %arg4[%mul3A_118, %dma_start3A_228] : memref<160000x128xf32, #tpu.memory_space<hbm>> -> memref<128x128xf32, #tpu.memory_space<hbm>>
      %dma_start3A_230 = arith.constant 0 : i32
      %dma_start3A_231 = arith.constant 0 : i32
      %dma_start3A_232 = tpu.memref_slice %arg11[%run_scoped3A_119, %dma_start3A_230, %dma_start3A_231] : memref<2x128x128xf32, #tpu.memory_space<vmem>> -> memref<1x128x128xf32, #tpu.memory_space<vmem>>
      %dma_start3A_233 = tpu.memref_squeeze %dma_start3A_232 : memref<1x128x128xf32, #tpu.memory_space<vmem>> -> memref<128x128xf32, #tpu.memory_space<vmem>>
      %dma_start3A_234 = arith.constant 0 : i32
      %dma_start3A_235 = tpu.memref_slice %arg4[%mul3A_118, %dma_start3A_234] : memref<160000x128xf32, #tpu.memory_space<hbm>> -> memref<128x128xf32, #tpu.memory_space<hbm>>
      tpu.enqueue_dma source(%dma_start3A_235 : memref<128x128xf32, #tpu.memory_space<hbm>>) target(%dma_start3A_233 : memref<128x128xf32, #tpu.memory_space<vmem>>) target_semaphore(%run_scoped3A_223 : memref<!tpu.dma_semaphore, #tpu.memory_space<semaphore_mem>>)
      %dma_wait3A = arith.constant 0 : i32
      %dma_wait3A_236 = arith.constant 0 : i32
      %dma_wait3A_237 = tpu.memref_slice %arg11[%run_scoped3A_119, %dma_wait3A, %dma_wait3A_236] : memref<2x128x128xf32, #tpu.memory_space<vmem>> -> memref<1x128x128xf32, #tpu.memory_space<vmem>>
      %dma_wait3A_238 = tpu.memref_squeeze %dma_wait3A_237 : memref<1x128x128xf32, #tpu.memory_space<vmem>> -> memref<128x128xf32, #tpu.memory_space<vmem>>
      %dma_wait3A_239 = arith.constant 0 : i32
      %dma_wait3A_240 = tpu.memref_slice %arg4[%mul3A_118, %dma_wait3A_239] : memref<160000x128xf32, #tpu.memory_space<hbm>> -> memref<128x128xf32, #tpu.memory_space<hbm>>
      %dma_wait3A_241 = arith.constant 0 : i32
      %dma_wait3A_242 = arith.constant 0 : i32
      %dma_wait3A_243 = tpu.memref_slice %arg11[%run_scoped3A_119, %dma_wait3A_241, %dma_wait3A_242] : memref<2x128x128xf32, #tpu.memory_space<vmem>> -> memref<1x128x128xf32, #tpu.memory_space<vmem>>
      %dma_wait3A_244 = tpu.memref_squeeze %dma_wait3A_243 : memref<1x128x128xf32, #tpu.memory_space<vmem>> -> memref<128x128xf32, #tpu.memory_space<vmem>>
      %dma_wait3A_245 = arith.constant 0 : i32
      %dma_wait3A_246 = tpu.memref_slice %arg4[%mul3A_118, %dma_wait3A_245] : memref<160000x128xf32, #tpu.memory_space<hbm>> -> memref<128x128xf32, #tpu.memory_space<hbm>>
      tpu.wait_dma2 semaphore(%run_scoped3A_223 : memref<!tpu.dma_semaphore, #tpu.memory_space<semaphore_mem>>) src(%dma_wait3A_246 : memref<128x128xf32, #tpu.memory_space<hbm>>) dst(%dma_wait3A_244 : memref<128x128xf32, #tpu.memory_space<vmem>>)
      tpu.yield
    }) : () -> ()
    %run_scoped3A_120 = arith.constant 0 : i32
    %run_scoped3A_121 = arith.constant 38 : i32
    %run_scoped3A_122 = arith.constant 0 : i32
    "tpu.region"() ({
      %run_scoped3A_223 = tpu.sem_alloc : memref<!tpu.dma_semaphore, #tpu.memory_space<semaphore_mem>>
      %dma_start3A_224 = arith.constant 0 : i32
      %dma_start3A_225 = arith.constant 0 : i32
      %dma_start3A_226 = tpu.memref_slice %arg11[%run_scoped3A_120, %dma_start3A_224, %dma_start3A_225] : memref<2x128x128xf32, #tpu.memory_space<vmem>> -> memref<1x128x128xf32, #tpu.memory_space<vmem>>
      %dma_start3A_227 = tpu.memref_squeeze %dma_start3A_226 : memref<1x128x128xf32, #tpu.memory_space<vmem>> -> memref<128x128xf32, #tpu.memory_space<vmem>>
      %dma_start3A_228 = arith.constant 0 : i32
      %dma_start3A_229 = tpu.memref_slice %arg10[%run_scoped3A_121, %run_scoped3A_122, %dma_start3A_228] : memref<40x1x128xi32, #tpu.memory_space<vmem>> -> memref<1x1x128xi32, #tpu.memory_space<vmem>>
      %dma_start3A_230 = tpu.memref_squeeze %dma_start3A_229 : memref<1x1x128xi32, #tpu.memory_space<vmem>> -> memref<128xi32, #tpu.memory_space<vmem>>
      %dma_start3A_231 = arith.constant 0 : i32
      %dma_start3A_232 = arith.constant 0 : i32
      %dma_start3A_233 = tpu.memref_slice %arg12[%dma_start3A_231, %dma_start3A_232] : memref<10240x128xf32, #tpu.memory_space<vmem_shared>> -> memref<10240x128xf32, #tpu.memory_space<vmem_shared>>
      tpu.enqueue_indirect_dma source(%dma_start3A_227 : memref<128x128xf32, #tpu.memory_space<vmem>>) target(%dma_start3A_233 : memref<10240x128xf32, #tpu.memory_space<vmem_shared>>) offsets(%dma_start3A_230 : memref<128xi32, #tpu.memory_space<vmem>>) semaphore(%run_scoped3A_223 : memref<!tpu.dma_semaphore, #tpu.memory_space<semaphore_mem>>) {add = true}
      %dma_wait3A = arith.constant 0 : i32
      %dma_wait3A_234 = arith.constant 0 : i32
      %dma_wait3A_235 = tpu.memref_slice %arg11[%run_scoped3A_120, %dma_wait3A, %dma_wait3A_234] : memref<2x128x128xf32, #tpu.memory_space<vmem>> -> memref<1x128x128xf32, #tpu.memory_space<vmem>>
      %dma_wait3A_236 = tpu.memref_squeeze %dma_wait3A_235 : memref<1x128x128xf32, #tpu.memory_space<vmem>> -> memref<128x128xf32, #tpu.memory_space<vmem>>
      %dma_wait3A_237 = arith.constant 0 : i32
      %dma_wait3A_238 = tpu.memref_slice %arg10[%run_scoped3A_121, %run_scoped3A_122, %dma_wait3A_237] : memref<40x1x128xi32, #tpu.memory_space<vmem>> -> memref<1x1x128xi32, #tpu.memory_space<vmem>>
      %dma_wait3A_239 = tpu.memref_squeeze %dma_wait3A_238 : memref<1x1x128xi32, #tpu.memory_space<vmem>> -> memref<128xi32, #tpu.memory_space<vmem>>
      %dma_wait3A_240 = arith.constant 0 : i32
      %dma_wait3A_241 = arith.constant 0 : i32
      %dma_wait3A_242 = tpu.memref_slice %arg12[%dma_wait3A_240, %dma_wait3A_241] : memref<10240x128xf32, #tpu.memory_space<vmem_shared>> -> memref<10240x128xf32, #tpu.memory_space<vmem_shared>>
      tpu.wait_indirect_dma semaphore(%run_scoped3A_223 : memref<!tpu.dma_semaphore, #tpu.memory_space<semaphore_mem>>) src(%dma_wait3A_236 : memref<128x128xf32, #tpu.memory_space<vmem>>) dst(%dma_wait3A_242 : memref<10240x128xf32, #tpu.memory_space<vmem_shared>>)
      tpu.yield
    }) : () -> ()
    %lt3A_123 = arith.constant 2 : i32
    %lt3A_124 = arith.cmpi slt, %add3A, %lt3A_123 : i32
    %convert_element_type3A_125 = arith.extui %lt3A_124 : i1 to i32
    %cond3A_126 = arith.constant 0 : i32
    %cond3A_127 = arith.cmpi ne, %convert_element_type3A_125, %cond3A_126 : i32
    scf.if %cond3A_127 {
      %add3A_223 = arith.constant 1248 : i32
      %add3A_224 = arith.addi %add3A_223, %add3A : i32
      %mul3A_225 = arith.constant 128 : i32
      %mul3A_226 = arith.muli %add3A_224, %mul3A_225 : i32
      %run_scoped3A_227 = arith.constant 0 : i32
      "tpu.region"() ({
        %run_scoped3A_231 = tpu.sem_alloc : memref<!tpu.dma_semaphore, #tpu.memory_space<semaphore_mem>>
        %dma_start3A_232 = arith.constant 0 : i32
        %dma_start3A_233 = arith.constant 0 : i32
        %dma_start3A_234 = tpu.memref_slice %arg11[%run_scoped3A_227, %dma_start3A_232, %dma_start3A_233] : memref<2x128x128xf32, #tpu.memory_space<vmem>> -> memref<1x128x128xf32, #tpu.memory_space<vmem>>
        %dma_start3A_235 = tpu.memref_squeeze %dma_start3A_234 : memref<1x128x128xf32, #tpu.memory_space<vmem>> -> memref<128x128xf32, #tpu.memory_space<vmem>>
        %dma_start3A_236 = arith.constant 0 : i32
        %dma_start3A_237 = tpu.memref_slice %arg4[%mul3A_226, %dma_start3A_236] : memref<160000x128xf32, #tpu.memory_space<hbm>> -> memref<128x128xf32, #tpu.memory_space<hbm>>
        %dma_start3A_238 = arith.constant 0 : i32
        %dma_start3A_239 = arith.constant 0 : i32
        %dma_start3A_240 = tpu.memref_slice %arg11[%run_scoped3A_227, %dma_start3A_238, %dma_start3A_239] : memref<2x128x128xf32, #tpu.memory_space<vmem>> -> memref<1x128x128xf32, #tpu.memory_space<vmem>>
        %dma_start3A_241 = tpu.memref_squeeze %dma_start3A_240 : memref<1x128x128xf32, #tpu.memory_space<vmem>> -> memref<128x128xf32, #tpu.memory_space<vmem>>
        %dma_start3A_242 = arith.constant 0 : i32
        %dma_start3A_243 = tpu.memref_slice %arg4[%mul3A_226, %dma_start3A_242] : memref<160000x128xf32, #tpu.memory_space<hbm>> -> memref<128x128xf32, #tpu.memory_space<hbm>>
        tpu.enqueue_dma source(%dma_start3A_243 : memref<128x128xf32, #tpu.memory_space<hbm>>) target(%dma_start3A_241 : memref<128x128xf32, #tpu.memory_space<vmem>>) target_semaphore(%run_scoped3A_231 : memref<!tpu.dma_semaphore, #tpu.memory_space<semaphore_mem>>)
        %dma_wait3A = arith.constant 0 : i32
        %dma_wait3A_244 = arith.constant 0 : i32
        %dma_wait3A_245 = tpu.memref_slice %arg11[%run_scoped3A_227, %dma_wait3A, %dma_wait3A_244] : memref<2x128x128xf32, #tpu.memory_space<vmem>> -> memref<1x128x128xf32, #tpu.memory_space<vmem>>
        %dma_wait3A_246 = tpu.memref_squeeze %dma_wait3A_245 : memref<1x128x128xf32, #tpu.memory_space<vmem>> -> memref<128x128xf32, #tpu.memory_space<vmem>>
        %dma_wait3A_247 = arith.constant 0 : i32
        %dma_wait3A_248 = tpu.memref_slice %arg4[%mul3A_226, %dma_wait3A_247] : memref<160000x128xf32, #tpu.memory_space<hbm>> -> memref<128x128xf32, #tpu.memory_space<hbm>>
        %dma_wait3A_249 = arith.constant 0 : i32
        %dma_wait3A_250 = arith.constant 0 : i32
        %dma_wait3A_251 = tpu.memref_slice %arg11[%run_scoped3A_227, %dma_wait3A_249, %dma_wait3A_250] : memref<2x128x128xf32, #tpu.memory_space<vmem>> -> memref<1x128x128xf32, #tpu.memory_space<vmem>>
        %dma_wait3A_252 = tpu.memref_squeeze %dma_wait3A_251 : memref<1x128x128xf32, #tpu.memory_space<vmem>> -> memref<128x128xf32, #tpu.memory_space<vmem>>
        %dma_wait3A_253 = arith.constant 0 : i32
        %dma_wait3A_254 = tpu.memref_slice %arg4[%mul3A_226, %dma_wait3A_253] : memref<160000x128xf32, #tpu.memory_space<hbm>> -> memref<128x128xf32, #tpu.memory_space<hbm>>
        tpu.wait_dma2 semaphore(%run_scoped3A_231 : memref<!tpu.dma_semaphore, #tpu.memory_space<semaphore_mem>>) src(%dma_wait3A_254 : memref<128x128xf32, #tpu.memory_space<hbm>>) dst(%dma_wait3A_252 : memref<128x128xf32, #tpu.memory_space<vmem>>)
        tpu.yield
      }) : () -> ()
      %run_scoped3A_228 = arith.constant 0 : i32
      %run_scoped3A_229 = arith.constant 39 : i32
      %run_scoped3A_230 = arith.constant 0 : i32
      "tpu.region"() ({
        %run_scoped3A_231 = tpu.sem_alloc : memref<!tpu.dma_semaphore, #tpu.memory_space<semaphore_mem>>
        %dma_start3A_232 = arith.constant 0 : i32
        %dma_start3A_233 = arith.constant 0 : i32
        %dma_start3A_234 = tpu.memref_slice %arg11[%run_scoped3A_228, %dma_start3A_232, %dma_start3A_233] : memref<2x128x128xf32, #tpu.memory_space<vmem>> -> memref<1x128x128xf32, #tpu.memory_space<vmem>>
        %dma_start3A_235 = tpu.memref_squeeze %dma_start3A_234 : memref<1x128x128xf32, #tpu.memory_space<vmem>> -> memref<128x128xf32, #tpu.memory_space<vmem>>
        %dma_start3A_236 = arith.constant 0 : i32
        %dma_start3A_237 = tpu.memref_slice %arg10[%run_scoped3A_229, %run_scoped3A_230, %dma_start3A_236] : memref<40x1x128xi32, #tpu.memory_space<vmem>> -> memref<1x1x128xi32, #tpu.memory_space<vmem>>
        %dma_start3A_238 = tpu.memref_squeeze %dma_start3A_237 : memref<1x1x128xi32, #tpu.memory_space<vmem>> -> memref<128xi32, #tpu.memory_space<vmem>>
        %dma_start3A_239 = arith.constant 0 : i32
        %dma_start3A_240 = arith.constant 0 : i32
        %dma_start3A_241 = tpu.memref_slice %arg12[%dma_start3A_239, %dma_start3A_240] : memref<10240x128xf32, #tpu.memory_space<vmem_shared>> -> memref<10240x128xf32, #tpu.memory_space<vmem_shared>>
        tpu.enqueue_indirect_dma source(%dma_start3A_235 : memref<128x128xf32, #tpu.memory_space<vmem>>) target(%dma_start3A_241 : memref<10240x128xf32, #tpu.memory_space<vmem_shared>>) offsets(%dma_start3A_238 : memref<128xi32, #tpu.memory_space<vmem>>) semaphore(%run_scoped3A_231 : memref<!tpu.dma_semaphore, #tpu.memory_space<semaphore_mem>>) {add = true}
        %dma_wait3A = arith.constant 0 : i32
        %dma_wait3A_242 = arith.constant 0 : i32
        %dma_wait3A_243 = tpu.memref_slice %arg11[%run_scoped3A_228, %dma_wait3A, %dma_wait3A_242] : memref<2x128x128xf32, #tpu.memory_space<vmem>> -> memref<1x128x128xf32, #tpu.memory_space<vmem>>
        %dma_wait3A_244 = tpu.memref_squeeze %dma_wait3A_243 : memref<1x128x128xf32, #tpu.memory_space<vmem>> -> memref<128x128xf32, #tpu.memory_space<vmem>>
        %dma_wait3A_245 = arith.constant 0 : i32
        %dma_wait3A_246 = tpu.memref_slice %arg10[%run_scoped3A_229, %run_scoped3A_230, %dma_wait3A_245] : memref<40x1x128xi32, #tpu.memory_space<vmem>> -> memref<1x1x128xi32, #tpu.memory_space<vmem>>
        %dma_wait3A_247 = tpu.memref_squeeze %dma_wait3A_246 : memref<1x1x128xi32, #tpu.memory_space<vmem>> -> memref<128xi32, #tpu.memory_space<vmem>>
        %dma_wait3A_248 = arith.constant 0 : i32
        %dma_wait3A_249 = arith.constant 0 : i32
        %dma_wait3A_250 = tpu.memref_slice %arg12[%dma_wait3A_248, %dma_wait3A_249] : memref<10240x128xf32, #tpu.memory_space<vmem_shared>> -> memref<10240x128xf32, #tpu.memory_space<vmem_shared>>
        tpu.wait_indirect_dma semaphore(%run_scoped3A_231 : memref<!tpu.dma_semaphore, #tpu.memory_space<semaphore_mem>>) src(%dma_wait3A_244 : memref<128x128xf32, #tpu.memory_space<vmem>>) dst(%dma_wait3A_250 : memref<10240x128xf32, #tpu.memory_space<vmem_shared>>)
        tpu.yield
      }) : () -> ()
    } else {
    }
    %barrier3A_128 = arith.constant 0 : index
    tpu.barrier barrier_id(%barrier3A_128)
    %add3A_129 = arith.constant 4 : i32
    %add3A_130 = arith.addi %add3A_129, %arg0 : i32
    %mul3A_131 = arith.constant 10240 : i32
    %mul3A_132 = arith.muli %add3A_130, %mul3A_131 : i32
    %add3A_133 = arith.addi %mul3A_132, %mul3A_2 : i32
    "tpu.region"() ({
      %run_scoped3A_223 = tpu.sem_alloc : memref<!tpu.dma_semaphore, #tpu.memory_space<semaphore_mem>>
      %dma_start3A_224 = arith.constant 0 : i32
      %dma_start3A_225 = tpu.memref_slice %arg9[%add3A_133, %dma_start3A_224] : memref<102400x128xf32, #tpu.memory_space<hbm>> -> memref<640x128xf32, #tpu.memory_space<hbm>>
      %dma_start3A_226 = arith.constant 0 : i32
      %dma_start3A_227 = tpu.memref_slice %arg12[%mul3A_2, %dma_start3A_226] : memref<10240x128xf32, #tpu.memory_space<vmem_shared>> -> memref<640x128xf32, #tpu.memory_space<vmem_shared>>
      tpu.enqueue_dma source(%dma_start3A_227 : memref<640x128xf32, #tpu.memory_space<vmem_shared>>) target(%dma_start3A_225 : memref<640x128xf32, #tpu.memory_space<hbm>>) target_semaphore(%run_scoped3A_223 : memref<!tpu.dma_semaphore, #tpu.memory_space<semaphore_mem>>)
      %dma_wait3A = arith.constant 0 : i32
      %dma_wait3A_228 = tpu.memref_slice %arg9[%add3A_133, %dma_wait3A] : memref<102400x128xf32, #tpu.memory_space<hbm>> -> memref<640x128xf32, #tpu.memory_space<hbm>>
      %dma_wait3A_229 = arith.constant 0 : i32
      %dma_wait3A_230 = tpu.memref_slice %arg12[%mul3A_2, %dma_wait3A_229] : memref<10240x128xf32, #tpu.memory_space<vmem_shared>> -> memref<640x128xf32, #tpu.memory_space<vmem_shared>>
      tpu.wait_dma2 semaphore(%run_scoped3A_223 : memref<!tpu.dma_semaphore, #tpu.memory_space<semaphore_mem>>) src(%dma_wait3A_230 : memref<640x128xf32, #tpu.memory_space<vmem_shared>>) dst(%dma_wait3A_228 : memref<640x128xf32, #tpu.memory_space<hbm>>)
      tpu.yield
    }) : () -> ()
    %barrier3A_134 = arith.constant 0 : index
    tpu.barrier barrier_id(%barrier3A_134)
    "tpu.region"() ({
      %run_scoped3A_223 = tpu.sem_alloc : memref<!tpu.dma_semaphore, #tpu.memory_space<semaphore_mem>>
      %dma_start3A_224 = arith.constant 0 : i32
      %dma_start3A_225 = tpu.memref_slice %arg12[%mul3A_2, %dma_start3A_224] : memref<10240x128xf32, #tpu.memory_space<vmem_shared>> -> memref<640x128xf32, #tpu.memory_space<vmem_shared>>
      tpu.enqueue_dma source(%arg8 : memref<640x128xf32, #tpu.memory_space<hbm>>) target(%dma_start3A_225 : memref<640x128xf32, #tpu.memory_space<vmem_shared>>) target_semaphore(%run_scoped3A_223 : memref<!tpu.dma_semaphore, #tpu.memory_space<semaphore_mem>>)
      %dma_wait3A = arith.constant 0 : i32
      %dma_wait3A_226 = tpu.memref_slice %arg12[%mul3A_2, %dma_wait3A] : memref<10240x128xf32, #tpu.memory_space<vmem_shared>> -> memref<640x128xf32, #tpu.memory_space<vmem_shared>>
      tpu.wait_dma2 semaphore(%run_scoped3A_223 : memref<!tpu.dma_semaphore, #tpu.memory_space<semaphore_mem>>) src(%arg8 : memref<640x128xf32, #tpu.memory_space<hbm>>) dst(%dma_wait3A_226 : memref<640x128xf32, #tpu.memory_space<vmem_shared>>)
      tpu.yield
    }) : () -> ()
    %barrier3A_135 = arith.constant 0 : index
    tpu.barrier barrier_id(%barrier3A_135)
    %add3A_136 = arith.constant 0 : i32
    %add3A_137 = arith.addi %mul3A_4, %add3A_136 : i32
    %mul3A_138 = arith.constant 128 : i32
    %mul3A_139 = arith.muli %add3A_137, %mul3A_138 : i32
    %dma_start3A_140 = arith.constant 0 : i32
    %dma_start3A_141 = arith.constant 0 : i32
    %dma_start3A_142 = arith.constant 0 : i32
    %dma_start3A_143 = tpu.memref_slice %arg11[%dma_start3A_140, %dma_start3A_141, %dma_start3A_142] : memref<2x128x128xf32, #tpu.memory_space<vmem>> -> memref<1x128x128xf32, #tpu.memory_space<vmem>>
    %dma_start3A_144 = tpu.memref_squeeze %dma_start3A_143 : memref<1x128x128xf32, #tpu.memory_space<vmem>> -> memref<128x128xf32, #tpu.memory_space<vmem>>
    %dma_start3A_145 = arith.constant 0 : i32
    %dma_start3A_146 = tpu.memref_slice %arg5[%mul3A_139, %dma_start3A_145] : memref<160000x128xf32, #tpu.memory_space<hbm>> -> memref<128x128xf32, #tpu.memory_space<hbm>>
    %dma_start3A_147 = arith.constant 0 : i32
    %dma_start3A_148 = arith.constant 0 : i32
    %dma_start3A_149 = tpu.memref_slice %arg11[%dma_start3A_140, %dma_start3A_147, %dma_start3A_148] : memref<2x128x128xf32, #tpu.memory_space<vmem>> -> memref<1x128x128xf32, #tpu.memory_space<vmem>>
    %dma_start3A_150 = tpu.memref_squeeze %dma_start3A_149 : memref<1x128x128xf32, #tpu.memory_space<vmem>> -> memref<128x128xf32, #tpu.memory_space<vmem>>
    %dma_start3A_151 = arith.constant 0 : i32
    %dma_start3A_152 = tpu.memref_slice %arg5[%mul3A_139, %dma_start3A_151] : memref<160000x128xf32, #tpu.memory_space<hbm>> -> memref<128x128xf32, #tpu.memory_space<hbm>>
    tpu.enqueue_dma source(%dma_start3A_152 : memref<128x128xf32, #tpu.memory_space<hbm>>) target(%dma_start3A_150 : memref<128x128xf32, #tpu.memory_space<vmem>>) target_semaphore(%arg13 : memref<!tpu.dma_semaphore, #tpu.memory_space<semaphore_mem>>)
    %scan3A_153 = arith.constant 0 : i32
    %scan3A_154 = arith.constant 0 : i32
    %scan3A_155 = arith.constant 19 : i32
    %scan3A_156 = arith.addi %scan3A_154, %scan3A_155 : i32
    %scan3A_157 = arith.constant 1 : i32
    scf.for %scan3A_223 = %scan3A_154 to %scan3A_156 step %scan3A_157  : i32 {
      %mul3A_224 = arith.constant 2 : i32
      %mul3A_225 = arith.muli %mul3A_224, %scan3A_223 : i32
      %add3A_226 = arith.constant 1 : i32
      %add3A_227 = arith.addi %mul3A_225, %add3A_226 : i32
      %add3A_228 = arith.addi %mul3A_4, %add3A_227 : i32
      %mul3A_229 = arith.constant 128 : i32
      %mul3A_230 = arith.muli %add3A_228, %mul3A_229 : i32
      %dma_start3A_231 = arith.constant 1 : i32
      %dma_start3A_232 = arith.constant 0 : i32
      %dma_start3A_233 = arith.constant 0 : i32
      %dma_start3A_234 = tpu.memref_slice %arg11[%dma_start3A_231, %dma_start3A_232, %dma_start3A_233] : memref<2x128x128xf32, #tpu.memory_space<vmem>> -> memref<1x128x128xf32, #tpu.memory_space<vmem>>
      %dma_start3A_235 = tpu.memref_squeeze %dma_start3A_234 : memref<1x128x128xf32, #tpu.memory_space<vmem>> -> memref<128x128xf32, #tpu.memory_space<vmem>>
      %dma_start3A_236 = arith.constant 0 : i32
      %dma_start3A_237 = tpu.memref_slice %arg5[%mul3A_230, %dma_start3A_236] : memref<160000x128xf32, #tpu.memory_space<hbm>> -> memref<128x128xf32, #tpu.memory_space<hbm>>
      %dma_start3A_238 = arith.constant 0 : i32
      %dma_start3A_239 = arith.constant 0 : i32
      %dma_start3A_240 = tpu.memref_slice %arg11[%dma_start3A_231, %dma_start3A_238, %dma_start3A_239] : memref<2x128x128xf32, #tpu.memory_space<vmem>> -> memref<1x128x128xf32, #tpu.memory_space<vmem>>
      %dma_start3A_241 = tpu.memref_squeeze %dma_start3A_240 : memref<1x128x128xf32, #tpu.memory_space<vmem>> -> memref<128x128xf32, #tpu.memory_space<vmem>>
      %dma_start3A_242 = arith.constant 0 : i32
      %dma_start3A_243 = tpu.memref_slice %arg5[%mul3A_230, %dma_start3A_242] : memref<160000x128xf32, #tpu.memory_space<hbm>> -> memref<128x128xf32, #tpu.memory_space<hbm>>
      tpu.enqueue_dma source(%dma_start3A_243 : memref<128x128xf32, #tpu.memory_space<hbm>>) target(%dma_start3A_241 : memref<128x128xf32, #tpu.memory_space<vmem>>) target_semaphore(%arg14 : memref<!tpu.dma_semaphore, #tpu.memory_space<semaphore_mem>>)
      %dma_wait3A = arith.constant 0 : i32
      %dma_wait3A_244 = arith.constant 0 : i32
      %dma_wait3A_245 = arith.constant 0 : i32
      %dma_wait3A_246 = tpu.memref_slice %arg11[%dma_wait3A, %dma_wait3A_244, %dma_wait3A_245] : memref<2x128x128xf32, #tpu.memory_space<vmem>> -> memref<1x128x128xf32, #tpu.memory_space<vmem>>
      %dma_wait3A_247 = tpu.memref_squeeze %dma_wait3A_246 : memref<1x128x128xf32, #tpu.memory_space<vmem>> -> memref<128x128xf32, #tpu.memory_space<vmem>>
      %dma_wait3A_248 = arith.constant 0 : i32
      %dma_wait3A_249 = arith.constant 0 : i32
      %dma_wait3A_250 = tpu.memref_slice %arg5[%dma_wait3A_248, %dma_wait3A_249] : memref<160000x128xf32, #tpu.memory_space<hbm>> -> memref<128x128xf32, #tpu.memory_space<hbm>>
      %dma_wait3A_251 = arith.constant 0 : i32
      %dma_wait3A_252 = arith.constant 0 : i32
      %dma_wait3A_253 = tpu.memref_slice %arg11[%dma_wait3A, %dma_wait3A_251, %dma_wait3A_252] : memref<2x128x128xf32, #tpu.memory_space<vmem>> -> memref<1x128x128xf32, #tpu.memory_space<vmem>>
      %dma_wait3A_254 = tpu.memref_squeeze %dma_wait3A_253 : memref<1x128x128xf32, #tpu.memory_space<vmem>> -> memref<128x128xf32, #tpu.memory_space<vmem>>
      %dma_wait3A_255 = arith.constant 0 : i32
      %dma_wait3A_256 = arith.constant 0 : i32
      %dma_wait3A_257 = tpu.memref_slice %arg5[%dma_wait3A_255, %dma_wait3A_256] : memref<160000x128xf32, #tpu.memory_space<hbm>> -> memref<128x128xf32, #tpu.memory_space<hbm>>
      tpu.wait_dma2 semaphore(%arg13 : memref<!tpu.dma_semaphore, #tpu.memory_space<semaphore_mem>>) src(%dma_wait3A_257 : memref<128x128xf32, #tpu.memory_space<hbm>>) dst(%dma_wait3A_254 : memref<128x128xf32, #tpu.memory_space<vmem>>)
      %run_scoped3A_258 = arith.constant 0 : i32
      %run_scoped3A_259 = arith.constant 0 : i32
      "tpu.region"() ({
        %run_scoped3A_284 = tpu.sem_alloc : memref<!tpu.dma_semaphore, #tpu.memory_space<semaphore_mem>>
        %dma_start3A_285 = arith.constant 0 : i32
        %dma_start3A_286 = arith.constant 0 : i32
        %dma_start3A_287 = tpu.memref_slice %arg11[%run_scoped3A_258, %dma_start3A_285, %dma_start3A_286] : memref<2x128x128xf32, #tpu.memory_space<vmem>> -> memref<1x128x128xf32, #tpu.memory_space<vmem>>
        %dma_start3A_288 = tpu.memref_squeeze %dma_start3A_287 : memref<1x128x128xf32, #tpu.memory_space<vmem>> -> memref<128x128xf32, #tpu.memory_space<vmem>>
        %dma_start3A_289 = arith.constant 0 : i32
        %dma_start3A_290 = tpu.memref_slice %arg10[%mul3A_225, %run_scoped3A_259, %dma_start3A_289] : memref<40x1x128xi32, #tpu.memory_space<vmem>> -> memref<1x1x128xi32, #tpu.memory_space<vmem>>
        %dma_start3A_291 = tpu.memref_squeeze %dma_start3A_290 : memref<1x1x128xi32, #tpu.memory_space<vmem>> -> memref<128xi32, #tpu.memory_space<vmem>>
        %dma_start3A_292 = arith.constant 0 : i32
        %dma_start3A_293 = arith.constant 0 : i32
        %dma_start3A_294 = tpu.memref_slice %arg12[%dma_start3A_292, %dma_start3A_293] : memref<10240x128xf32, #tpu.memory_space<vmem_shared>> -> memref<10240x128xf32, #tpu.memory_space<vmem_shared>>
        tpu.enqueue_indirect_dma source(%dma_start3A_288 : memref<128x128xf32, #tpu.memory_space<vmem>>) target(%dma_start3A_294 : memref<10240x128xf32, #tpu.memory_space<vmem_shared>>) offsets(%dma_start3A_291 : memref<128xi32, #tpu.memory_space<vmem>>) semaphore(%run_scoped3A_284 : memref<!tpu.dma_semaphore, #tpu.memory_space<semaphore_mem>>) {add = true}
        %dma_wait3A_295 = arith.constant 0 : i32
        %dma_wait3A_296 = arith.constant 0 : i32
        %dma_wait3A_297 = tpu.memref_slice %arg11[%run_scoped3A_258, %dma_wait3A_295, %dma_wait3A_296] : memref<2x128x128xf32, #tpu.memory_space<vmem>> -> memref<1x128x128xf32, #tpu.memory_space<vmem>>
        %dma_wait3A_298 = tpu.memref_squeeze %dma_wait3A_297 : memref<1x128x128xf32, #tpu.memory_space<vmem>> -> memref<128x128xf32, #tpu.memory_space<vmem>>
        %dma_wait3A_299 = arith.constant 0 : i32
        %dma_wait3A_300 = tpu.memref_slice %arg10[%mul3A_225, %run_scoped3A_259, %dma_wait3A_299] : memref<40x1x128xi32, #tpu.memory_space<vmem>> -> memref<1x1x128xi32, #tpu.memory_space<vmem>>
        %dma_wait3A_301 = tpu.memref_squeeze %dma_wait3A_300 : memref<1x1x128xi32, #tpu.memory_space<vmem>> -> memref<128xi32, #tpu.memory_space<vmem>>
        %dma_wait3A_302 = arith.constant 0 : i32
        %dma_wait3A_303 = arith.constant 0 : i32
        %dma_wait3A_304 = tpu.memref_slice %arg12[%dma_wait3A_302, %dma_wait3A_303] : memref<10240x128xf32, #tpu.memory_space<vmem_shared>> -> memref<10240x128xf32, #tpu.memory_space<vmem_shared>>
        tpu.wait_indirect_dma semaphore(%run_scoped3A_284 : memref<!tpu.dma_semaphore, #tpu.memory_space<semaphore_mem>>) src(%dma_wait3A_298 : memref<128x128xf32, #tpu.memory_space<vmem>>) dst(%dma_wait3A_304 : memref<10240x128xf32, #tpu.memory_space<vmem_shared>>)
        tpu.yield
      }) : () -> ()
      %lt3A_260 = arith.constant 18 : i32
      %lt3A_261 = arith.cmpi slt, %scan3A_223, %lt3A_260 : i32
      %convert_element_type3A_262 = arith.extui %lt3A_261 : i1 to i32
      %cond3A_263 = arith.constant 0 : i32
      %cond3A_264 = arith.cmpi ne, %convert_element_type3A_262, %cond3A_263 : i32
      scf.if %cond3A_264 {
        %add3A_284 = arith.constant 2 : i32
        %add3A_285 = arith.addi %mul3A_225, %add3A_284 : i32
        %add3A_286 = arith.addi %mul3A_4, %add3A_285 : i32
        %mul3A_287 = arith.constant 128 : i32
        %mul3A_288 = arith.muli %add3A_286, %mul3A_287 : i32
        %dma_start3A_289 = arith.constant 0 : i32
        %dma_start3A_290 = arith.constant 0 : i32
        %dma_start3A_291 = arith.constant 0 : i32
        %dma_start3A_292 = tpu.memref_slice %arg11[%dma_start3A_289, %dma_start3A_290, %dma_start3A_291] : memref<2x128x128xf32, #tpu.memory_space<vmem>> -> memref<1x128x128xf32, #tpu.memory_space<vmem>>
        %dma_start3A_293 = tpu.memref_squeeze %dma_start3A_292 : memref<1x128x128xf32, #tpu.memory_space<vmem>> -> memref<128x128xf32, #tpu.memory_space<vmem>>
        %dma_start3A_294 = arith.constant 0 : i32
        %dma_start3A_295 = tpu.memref_slice %arg5[%mul3A_288, %dma_start3A_294] : memref<160000x128xf32, #tpu.memory_space<hbm>> -> memref<128x128xf32, #tpu.memory_space<hbm>>
        %dma_start3A_296 = arith.constant 0 : i32
        %dma_start3A_297 = arith.constant 0 : i32
        %dma_start3A_298 = tpu.memref_slice %arg11[%dma_start3A_289, %dma_start3A_296, %dma_start3A_297] : memref<2x128x128xf32, #tpu.memory_space<vmem>> -> memref<1x128x128xf32, #tpu.memory_space<vmem>>
        %dma_start3A_299 = tpu.memref_squeeze %dma_start3A_298 : memref<1x128x128xf32, #tpu.memory_space<vmem>> -> memref<128x128xf32, #tpu.memory_space<vmem>>
        %dma_start3A_300 = arith.constant 0 : i32
        %dma_start3A_301 = tpu.memref_slice %arg5[%mul3A_288, %dma_start3A_300] : memref<160000x128xf32, #tpu.memory_space<hbm>> -> memref<128x128xf32, #tpu.memory_space<hbm>>
        tpu.enqueue_dma source(%dma_start3A_301 : memref<128x128xf32, #tpu.memory_space<hbm>>) target(%dma_start3A_299 : memref<128x128xf32, #tpu.memory_space<vmem>>) target_semaphore(%arg13 : memref<!tpu.dma_semaphore, #tpu.memory_space<semaphore_mem>>)
      } else {
      }
      %dma_wait3A_265 = arith.constant 1 : i32
      %dma_wait3A_266 = arith.constant 0 : i32
      %dma_wait3A_267 = arith.constant 0 : i32
      %dma_wait3A_268 = tpu.memref_slice %arg11[%dma_wait3A_265, %dma_wait3A_266, %dma_wait3A_267] : memref<2x128x128xf32, #tpu.memory_space<vmem>> -> memref<1x128x128xf32, #tpu.memory_space<vmem>>
      %dma_wait3A_269 = tpu.memref_squeeze %dma_wait3A_268 : memref<1x128x128xf32, #tpu.memory_space<vmem>> -> memref<128x128xf32, #tpu.memory_space<vmem>>
      %dma_wait3A_270 = arith.constant 0 : i32
      %dma_wait3A_271 = arith.constant 0 : i32
      %dma_wait3A_272 = tpu.memref_slice %arg5[%dma_wait3A_270, %dma_wait3A_271] : memref<160000x128xf32, #tpu.memory_space<hbm>> -> memref<128x128xf32, #tpu.memory_space<hbm>>
      %dma_wait3A_273 = arith.constant 0 : i32
      %dma_wait3A_274 = arith.constant 0 : i32
      %dma_wait3A_275 = tpu.memref_slice %arg11[%dma_wait3A_265, %dma_wait3A_273, %dma_wait3A_274] : memref<2x128x128xf32, #tpu.memory_space<vmem>> -> memref<1x128x128xf32, #tpu.memory_space<vmem>>
      %dma_wait3A_276 = tpu.memref_squeeze %dma_wait3A_275 : memref<1x128x128xf32, #tpu.memory_space<vmem>> -> memref<128x128xf32, #tpu.memory_space<vmem>>
      %dma_wait3A_277 = arith.constant 0 : i32
      %dma_wait3A_278 = arith.constant 0 : i32
      %dma_wait3A_279 = tpu.memref_slice %arg5[%dma_wait3A_277, %dma_wait3A_278] : memref<160000x128xf32, #tpu.memory_space<hbm>> -> memref<128x128xf32, #tpu.memory_space<hbm>>
      tpu.wait_dma2 semaphore(%arg14 : memref<!tpu.dma_semaphore, #tpu.memory_space<semaphore_mem>>) src(%dma_wait3A_279 : memref<128x128xf32, #tpu.memory_space<hbm>>) dst(%dma_wait3A_276 : memref<128x128xf32, #tpu.memory_space<vmem>>)
      %add3A_280 = arith.constant 1 : i32
      %add3A_281 = arith.addi %mul3A_225, %add3A_280 : i32
      %run_scoped3A_282 = arith.constant 1 : i32
      %run_scoped3A_283 = arith.constant 0 : i32
      "tpu.region"() ({
        %run_scoped3A_284 = tpu.sem_alloc : memref<!tpu.dma_semaphore, #tpu.memory_space<semaphore_mem>>
        %dma_start3A_285 = arith.constant 0 : i32
        %dma_start3A_286 = arith.constant 0 : i32
        %dma_start3A_287 = tpu.memref_slice %arg11[%run_scoped3A_282, %dma_start3A_285, %dma_start3A_286] : memref<2x128x128xf32, #tpu.memory_space<vmem>> -> memref<1x128x128xf32, #tpu.memory_space<vmem>>
        %dma_start3A_288 = tpu.memref_squeeze %dma_start3A_287 : memref<1x128x128xf32, #tpu.memory_space<vmem>> -> memref<128x128xf32, #tpu.memory_space<vmem>>
        %dma_start3A_289 = arith.constant 0 : i32
        %dma_start3A_290 = tpu.memref_slice %arg10[%add3A_281, %run_scoped3A_283, %dma_start3A_289] : memref<40x1x128xi32, #tpu.memory_space<vmem>> -> memref<1x1x128xi32, #tpu.memory_space<vmem>>
        %dma_start3A_291 = tpu.memref_squeeze %dma_start3A_290 : memref<1x1x128xi32, #tpu.memory_space<vmem>> -> memref<128xi32, #tpu.memory_space<vmem>>
        %dma_start3A_292 = arith.constant 0 : i32
        %dma_start3A_293 = arith.constant 0 : i32
        %dma_start3A_294 = tpu.memref_slice %arg12[%dma_start3A_292, %dma_start3A_293] : memref<10240x128xf32, #tpu.memory_space<vmem_shared>> -> memref<10240x128xf32, #tpu.memory_space<vmem_shared>>
        tpu.enqueue_indirect_dma source(%dma_start3A_288 : memref<128x128xf32, #tpu.memory_space<vmem>>) target(%dma_start3A_294 : memref<10240x128xf32, #tpu.memory_space<vmem_shared>>) offsets(%dma_start3A_291 : memref<128xi32, #tpu.memory_space<vmem>>) semaphore(%run_scoped3A_284 : memref<!tpu.dma_semaphore, #tpu.memory_space<semaphore_mem>>) {add = true}
        %dma_wait3A_295 = arith.constant 0 : i32
        %dma_wait3A_296 = arith.constant 0 : i32
        %dma_wait3A_297 = tpu.memref_slice %arg11[%run_scoped3A_282, %dma_wait3A_295, %dma_wait3A_296] : memref<2x128x128xf32, #tpu.memory_space<vmem>> -> memref<1x128x128xf32, #tpu.memory_space<vmem>>
        %dma_wait3A_298 = tpu.memref_squeeze %dma_wait3A_297 : memref<1x128x128xf32, #tpu.memory_space<vmem>> -> memref<128x128xf32, #tpu.memory_space<vmem>>
        %dma_wait3A_299 = arith.constant 0 : i32
        %dma_wait3A_300 = tpu.memref_slice %arg10[%add3A_281, %run_scoped3A_283, %dma_wait3A_299] : memref<40x1x128xi32, #tpu.memory_space<vmem>> -> memref<1x1x128xi32, #tpu.memory_space<vmem>>
        %dma_wait3A_301 = tpu.memref_squeeze %dma_wait3A_300 : memref<1x1x128xi32, #tpu.memory_space<vmem>> -> memref<128xi32, #tpu.memory_space<vmem>>
        %dma_wait3A_302 = arith.constant 0 : i32
        %dma_wait3A_303 = arith.constant 0 : i32
        %dma_wait3A_304 = tpu.memref_slice %arg12[%dma_wait3A_302, %dma_wait3A_303] : memref<10240x128xf32, #tpu.memory_space<vmem_shared>> -> memref<10240x128xf32, #tpu.memory_space<vmem_shared>>
        tpu.wait_indirect_dma semaphore(%run_scoped3A_284 : memref<!tpu.dma_semaphore, #tpu.memory_space<semaphore_mem>>) src(%dma_wait3A_298 : memref<128x128xf32, #tpu.memory_space<vmem>>) dst(%dma_wait3A_304 : memref<10240x128xf32, #tpu.memory_space<vmem_shared>>)
        tpu.yield
      }) : () -> ()
    }
    %scan3A_158 = arith.constant 19 : i32
    %add3A_159 = arith.constant 38 : i32
    %add3A_160 = arith.addi %mul3A_4, %add3A_159 : i32
    %mul3A_161 = arith.constant 128 : i32
    %mul3A_162 = arith.muli %add3A_160, %mul3A_161 : i32
    %run_scoped3A_163 = arith.constant 0 : i32
    "tpu.region"() ({
      %run_scoped3A_223 = tpu.sem_alloc : memref<!tpu.dma_semaphore, #tpu.memory_space<semaphore_mem>>
      %dma_start3A_224 = arith.constant 0 : i32
      %dma_start3A_225 = arith.constant 0 : i32
      %dma_start3A_226 = tpu.memref_slice %arg11[%run_scoped3A_163, %dma_start3A_224, %dma_start3A_225] : memref<2x128x128xf32, #tpu.memory_space<vmem>> -> memref<1x128x128xf32, #tpu.memory_space<vmem>>
      %dma_start3A_227 = tpu.memref_squeeze %dma_start3A_226 : memref<1x128x128xf32, #tpu.memory_space<vmem>> -> memref<128x128xf32, #tpu.memory_space<vmem>>
      %dma_start3A_228 = arith.constant 0 : i32
      %dma_start3A_229 = tpu.memref_slice %arg5[%mul3A_162, %dma_start3A_228] : memref<160000x128xf32, #tpu.memory_space<hbm>> -> memref<128x128xf32, #tpu.memory_space<hbm>>
      %dma_start3A_230 = arith.constant 0 : i32
      %dma_start3A_231 = arith.constant 0 : i32
      %dma_start3A_232 = tpu.memref_slice %arg11[%run_scoped3A_163, %dma_start3A_230, %dma_start3A_231] : memref<2x128x128xf32, #tpu.memory_space<vmem>> -> memref<1x128x128xf32, #tpu.memory_space<vmem>>
      %dma_start3A_233 = tpu.memref_squeeze %dma_start3A_232 : memref<1x128x128xf32, #tpu.memory_space<vmem>> -> memref<128x128xf32, #tpu.memory_space<vmem>>
      %dma_start3A_234 = arith.constant 0 : i32
      %dma_start3A_235 = tpu.memref_slice %arg5[%mul3A_162, %dma_start3A_234] : memref<160000x128xf32, #tpu.memory_space<hbm>> -> memref<128x128xf32, #tpu.memory_space<hbm>>
      tpu.enqueue_dma source(%dma_start3A_235 : memref<128x128xf32, #tpu.memory_space<hbm>>) target(%dma_start3A_233 : memref<128x128xf32, #tpu.memory_space<vmem>>) target_semaphore(%run_scoped3A_223 : memref<!tpu.dma_semaphore, #tpu.memory_space<semaphore_mem>>)
      %dma_wait3A = arith.constant 0 : i32
      %dma_wait3A_236 = arith.constant 0 : i32
      %dma_wait3A_237 = tpu.memref_slice %arg11[%run_scoped3A_163, %dma_wait3A, %dma_wait3A_236] : memref<2x128x128xf32, #tpu.memory_space<vmem>> -> memref<1x128x128xf32, #tpu.memory_space<vmem>>
      %dma_wait3A_238 = tpu.memref_squeeze %dma_wait3A_237 : memref<1x128x128xf32, #tpu.memory_space<vmem>> -> memref<128x128xf32, #tpu.memory_space<vmem>>
      %dma_wait3A_239 = arith.constant 0 : i32
      %dma_wait3A_240 = tpu.memref_slice %arg5[%mul3A_162, %dma_wait3A_239] : memref<160000x128xf32, #tpu.memory_space<hbm>> -> memref<128x128xf32, #tpu.memory_space<hbm>>
      %dma_wait3A_241 = arith.constant 0 : i32
      %dma_wait3A_242 = arith.constant 0 : i32
      %dma_wait3A_243 = tpu.memref_slice %arg11[%run_scoped3A_163, %dma_wait3A_241, %dma_wait3A_242] : memref<2x128x128xf32, #tpu.memory_space<vmem>> -> memref<1x128x128xf32, #tpu.memory_space<vmem>>
      %dma_wait3A_244 = tpu.memref_squeeze %dma_wait3A_243 : memref<1x128x128xf32, #tpu.memory_space<vmem>> -> memref<128x128xf32, #tpu.memory_space<vmem>>
      %dma_wait3A_245 = arith.constant 0 : i32
      %dma_wait3A_246 = tpu.memref_slice %arg5[%mul3A_162, %dma_wait3A_245] : memref<160000x128xf32, #tpu.memory_space<hbm>> -> memref<128x128xf32, #tpu.memory_space<hbm>>
      tpu.wait_dma2 semaphore(%run_scoped3A_223 : memref<!tpu.dma_semaphore, #tpu.memory_space<semaphore_mem>>) src(%dma_wait3A_246 : memref<128x128xf32, #tpu.memory_space<hbm>>) dst(%dma_wait3A_244 : memref<128x128xf32, #tpu.memory_space<vmem>>)
      tpu.yield
    }) : () -> ()
    %run_scoped3A_164 = arith.constant 0 : i32
    %run_scoped3A_165 = arith.constant 38 : i32
    %run_scoped3A_166 = arith.constant 0 : i32
    "tpu.region"() ({
      %run_scoped3A_223 = tpu.sem_alloc : memref<!tpu.dma_semaphore, #tpu.memory_space<semaphore_mem>>
      %dma_start3A_224 = arith.constant 0 : i32
      %dma_start3A_225 = arith.constant 0 : i32
      %dma_start3A_226 = tpu.memref_slice %arg11[%run_scoped3A_164, %dma_start3A_224, %dma_start3A_225] : memref<2x128x128xf32, #tpu.memory_space<vmem>> -> memref<1x128x128xf32, #tpu.memory_space<vmem>>
      %dma_start3A_227 = tpu.memref_squeeze %dma_start3A_226 : memref<1x128x128xf32, #tpu.memory_space<vmem>> -> memref<128x128xf32, #tpu.memory_space<vmem>>
      %dma_start3A_228 = arith.constant 0 : i32
      %dma_start3A_229 = tpu.memref_slice %arg10[%run_scoped3A_165, %run_scoped3A_166, %dma_start3A_228] : memref<40x1x128xi32, #tpu.memory_space<vmem>> -> memref<1x1x128xi32, #tpu.memory_space<vmem>>
      %dma_start3A_230 = tpu.memref_squeeze %dma_start3A_229 : memref<1x1x128xi32, #tpu.memory_space<vmem>> -> memref<128xi32, #tpu.memory_space<vmem>>
      %dma_start3A_231 = arith.constant 0 : i32
      %dma_start3A_232 = arith.constant 0 : i32
      %dma_start3A_233 = tpu.memref_slice %arg12[%dma_start3A_231, %dma_start3A_232] : memref<10240x128xf32, #tpu.memory_space<vmem_shared>> -> memref<10240x128xf32, #tpu.memory_space<vmem_shared>>
      tpu.enqueue_indirect_dma source(%dma_start3A_227 : memref<128x128xf32, #tpu.memory_space<vmem>>) target(%dma_start3A_233 : memref<10240x128xf32, #tpu.memory_space<vmem_shared>>) offsets(%dma_start3A_230 : memref<128xi32, #tpu.memory_space<vmem>>) semaphore(%run_scoped3A_223 : memref<!tpu.dma_semaphore, #tpu.memory_space<semaphore_mem>>) {add = true}
      %dma_wait3A = arith.constant 0 : i32
      %dma_wait3A_234 = arith.constant 0 : i32
      %dma_wait3A_235 = tpu.memref_slice %arg11[%run_scoped3A_164, %dma_wait3A, %dma_wait3A_234] : memref<2x128x128xf32, #tpu.memory_space<vmem>> -> memref<1x128x128xf32, #tpu.memory_space<vmem>>
      %dma_wait3A_236 = tpu.memref_squeeze %dma_wait3A_235 : memref<1x128x128xf32, #tpu.memory_space<vmem>> -> memref<128x128xf32, #tpu.memory_space<vmem>>
      %dma_wait3A_237 = arith.constant 0 : i32
      %dma_wait3A_238 = tpu.memref_slice %arg10[%run_scoped3A_165, %run_scoped3A_166, %dma_wait3A_237] : memref<40x1x128xi32, #tpu.memory_space<vmem>> -> memref<1x1x128xi32, #tpu.memory_space<vmem>>
      %dma_wait3A_239 = tpu.memref_squeeze %dma_wait3A_238 : memref<1x1x128xi32, #tpu.memory_space<vmem>> -> memref<128xi32, #tpu.memory_space<vmem>>
      %dma_wait3A_240 = arith.constant 0 : i32
      %dma_wait3A_241 = arith.constant 0 : i32
      %dma_wait3A_242 = tpu.memref_slice %arg12[%dma_wait3A_240, %dma_wait3A_241] : memref<10240x128xf32, #tpu.memory_space<vmem_shared>> -> memref<10240x128xf32, #tpu.memory_space<vmem_shared>>
      tpu.wait_indirect_dma semaphore(%run_scoped3A_223 : memref<!tpu.dma_semaphore, #tpu.memory_space<semaphore_mem>>) src(%dma_wait3A_236 : memref<128x128xf32, #tpu.memory_space<vmem>>) dst(%dma_wait3A_242 : memref<10240x128xf32, #tpu.memory_space<vmem_shared>>)
      tpu.yield
    }) : () -> ()
    %lt3A_167 = arith.constant 2 : i32
    %lt3A_168 = arith.cmpi slt, %add3A, %lt3A_167 : i32
    %convert_element_type3A_169 = arith.extui %lt3A_168 : i1 to i32
    %cond3A_170 = arith.constant 0 : i32
    %cond3A_171 = arith.cmpi ne, %convert_element_type3A_169, %cond3A_170 : i32
    scf.if %cond3A_171 {
      %add3A_223 = arith.constant 1248 : i32
      %add3A_224 = arith.addi %add3A_223, %add3A : i32
      %mul3A_225 = arith.constant 128 : i32
      %mul3A_226 = arith.muli %add3A_224, %mul3A_225 : i32
      %run_scoped3A_227 = arith.constant 0 : i32
      "tpu.region"() ({
        %run_scoped3A_231 = tpu.sem_alloc : memref<!tpu.dma_semaphore, #tpu.memory_space<semaphore_mem>>
        %dma_start3A_232 = arith.constant 0 : i32
        %dma_start3A_233 = arith.constant 0 : i32
        %dma_start3A_234 = tpu.memref_slice %arg11[%run_scoped3A_227, %dma_start3A_232, %dma_start3A_233] : memref<2x128x128xf32, #tpu.memory_space<vmem>> -> memref<1x128x128xf32, #tpu.memory_space<vmem>>
        %dma_start3A_235 = tpu.memref_squeeze %dma_start3A_234 : memref<1x128x128xf32, #tpu.memory_space<vmem>> -> memref<128x128xf32, #tpu.memory_space<vmem>>
        %dma_start3A_236 = arith.constant 0 : i32
        %dma_start3A_237 = tpu.memref_slice %arg5[%mul3A_226, %dma_start3A_236] : memref<160000x128xf32, #tpu.memory_space<hbm>> -> memref<128x128xf32, #tpu.memory_space<hbm>>
        %dma_start3A_238 = arith.constant 0 : i32
        %dma_start3A_239 = arith.constant 0 : i32
        %dma_start3A_240 = tpu.memref_slice %arg11[%run_scoped3A_227, %dma_start3A_238, %dma_start3A_239] : memref<2x128x128xf32, #tpu.memory_space<vmem>> -> memref<1x128x128xf32, #tpu.memory_space<vmem>>
        %dma_start3A_241 = tpu.memref_squeeze %dma_start3A_240 : memref<1x128x128xf32, #tpu.memory_space<vmem>> -> memref<128x128xf32, #tpu.memory_space<vmem>>
        %dma_start3A_242 = arith.constant 0 : i32
        %dma_start3A_243 = tpu.memref_slice %arg5[%mul3A_226, %dma_start3A_242] : memref<160000x128xf32, #tpu.memory_space<hbm>> -> memref<128x128xf32, #tpu.memory_space<hbm>>
        tpu.enqueue_dma source(%dma_start3A_243 : memref<128x128xf32, #tpu.memory_space<hbm>>) target(%dma_start3A_241 : memref<128x128xf32, #tpu.memory_space<vmem>>) target_semaphore(%run_scoped3A_231 : memref<!tpu.dma_semaphore, #tpu.memory_space<semaphore_mem>>)
        %dma_wait3A = arith.constant 0 : i32
        %dma_wait3A_244 = arith.constant 0 : i32
        %dma_wait3A_245 = tpu.memref_slice %arg11[%run_scoped3A_227, %dma_wait3A, %dma_wait3A_244] : memref<2x128x128xf32, #tpu.memory_space<vmem>> -> memref<1x128x128xf32, #tpu.memory_space<vmem>>
        %dma_wait3A_246 = tpu.memref_squeeze %dma_wait3A_245 : memref<1x128x128xf32, #tpu.memory_space<vmem>> -> memref<128x128xf32, #tpu.memory_space<vmem>>
        %dma_wait3A_247 = arith.constant 0 : i32
        %dma_wait3A_248 = tpu.memref_slice %arg5[%mul3A_226, %dma_wait3A_247] : memref<160000x128xf32, #tpu.memory_space<hbm>> -> memref<128x128xf32, #tpu.memory_space<hbm>>
        %dma_wait3A_249 = arith.constant 0 : i32
        %dma_wait3A_250 = arith.constant 0 : i32
        %dma_wait3A_251 = tpu.memref_slice %arg11[%run_scoped3A_227, %dma_wait3A_249, %dma_wait3A_250] : memref<2x128x128xf32, #tpu.memory_space<vmem>> -> memref<1x128x128xf32, #tpu.memory_space<vmem>>
        %dma_wait3A_252 = tpu.memref_squeeze %dma_wait3A_251 : memref<1x128x128xf32, #tpu.memory_space<vmem>> -> memref<128x128xf32, #tpu.memory_space<vmem>>
        %dma_wait3A_253 = arith.constant 0 : i32
        %dma_wait3A_254 = tpu.memref_slice %arg5[%mul3A_226, %dma_wait3A_253] : memref<160000x128xf32, #tpu.memory_space<hbm>> -> memref<128x128xf32, #tpu.memory_space<hbm>>
        tpu.wait_dma2 semaphore(%run_scoped3A_231 : memref<!tpu.dma_semaphore, #tpu.memory_space<semaphore_mem>>) src(%dma_wait3A_254 : memref<128x128xf32, #tpu.memory_space<hbm>>) dst(%dma_wait3A_252 : memref<128x128xf32, #tpu.memory_space<vmem>>)
        tpu.yield
      }) : () -> ()
      %run_scoped3A_228 = arith.constant 0 : i32
      %run_scoped3A_229 = arith.constant 39 : i32
      %run_scoped3A_230 = arith.constant 0 : i32
      "tpu.region"() ({
        %run_scoped3A_231 = tpu.sem_alloc : memref<!tpu.dma_semaphore, #tpu.memory_space<semaphore_mem>>
        %dma_start3A_232 = arith.constant 0 : i32
        %dma_start3A_233 = arith.constant 0 : i32
        %dma_start3A_234 = tpu.memref_slice %arg11[%run_scoped3A_228, %dma_start3A_232, %dma_start3A_233] : memref<2x128x128xf32, #tpu.memory_space<vmem>> -> memref<1x128x128xf32, #tpu.memory_space<vmem>>
        %dma_start3A_235 = tpu.memref_squeeze %dma_start3A_234 : memref<1x128x128xf32, #tpu.memory_space<vmem>> -> memref<128x128xf32, #tpu.memory_space<vmem>>
        %dma_start3A_236 = arith.constant 0 : i32
        %dma_start3A_237 = tpu.memref_slice %arg10[%run_scoped3A_229, %run_scoped3A_230, %dma_start3A_236] : memref<40x1x128xi32, #tpu.memory_space<vmem>> -> memref<1x1x128xi32, #tpu.memory_space<vmem>>
        %dma_start3A_238 = tpu.memref_squeeze %dma_start3A_237 : memref<1x1x128xi32, #tpu.memory_space<vmem>> -> memref<128xi32, #tpu.memory_space<vmem>>
        %dma_start3A_239 = arith.constant 0 : i32
        %dma_start3A_240 = arith.constant 0 : i32
        %dma_start3A_241 = tpu.memref_slice %arg12[%dma_start3A_239, %dma_start3A_240] : memref<10240x128xf32, #tpu.memory_space<vmem_shared>> -> memref<10240x128xf32, #tpu.memory_space<vmem_shared>>
        tpu.enqueue_indirect_dma source(%dma_start3A_235 : memref<128x128xf32, #tpu.memory_space<vmem>>) target(%dma_start3A_241 : memref<10240x128xf32, #tpu.memory_space<vmem_shared>>) offsets(%dma_start3A_238 : memref<128xi32, #tpu.memory_space<vmem>>) semaphore(%run_scoped3A_231 : memref<!tpu.dma_semaphore, #tpu.memory_space<semaphore_mem>>) {add = true}
        %dma_wait3A = arith.constant 0 : i32
        %dma_wait3A_242 = arith.constant 0 : i32
        %dma_wait3A_243 = tpu.memref_slice %arg11[%run_scoped3A_228, %dma_wait3A, %dma_wait3A_242] : memref<2x128x128xf32, #tpu.memory_space<vmem>> -> memref<1x128x128xf32, #tpu.memory_space<vmem>>
        %dma_wait3A_244 = tpu.memref_squeeze %dma_wait3A_243 : memref<1x128x128xf32, #tpu.memory_space<vmem>> -> memref<128x128xf32, #tpu.memory_space<vmem>>
        %dma_wait3A_245 = arith.constant 0 : i32
        %dma_wait3A_246 = tpu.memref_slice %arg10[%run_scoped3A_229, %run_scoped3A_230, %dma_wait3A_245] : memref<40x1x128xi32, #tpu.memory_space<vmem>> -> memref<1x1x128xi32, #tpu.memory_space<vmem>>
        %dma_wait3A_247 = tpu.memref_squeeze %dma_wait3A_246 : memref<1x1x128xi32, #tpu.memory_space<vmem>> -> memref<128xi32, #tpu.memory_space<vmem>>
        %dma_wait3A_248 = arith.constant 0 : i32
        %dma_wait3A_249 = arith.constant 0 : i32
        %dma_wait3A_250 = tpu.memref_slice %arg12[%dma_wait3A_248, %dma_wait3A_249] : memref<10240x128xf32, #tpu.memory_space<vmem_shared>> -> memref<10240x128xf32, #tpu.memory_space<vmem_shared>>
        tpu.wait_indirect_dma semaphore(%run_scoped3A_231 : memref<!tpu.dma_semaphore, #tpu.memory_space<semaphore_mem>>) src(%dma_wait3A_244 : memref<128x128xf32, #tpu.memory_space<vmem>>) dst(%dma_wait3A_250 : memref<10240x128xf32, #tpu.memory_space<vmem_shared>>)
        tpu.yield
      }) : () -> ()
    } else {
    }
    %barrier3A_172 = arith.constant 0 : index
    tpu.barrier barrier_id(%barrier3A_172)
    %add3A_173 = arith.constant 6 : i32
    %add3A_174 = arith.addi %add3A_173, %arg0 : i32
    %mul3A_175 = arith.constant 10240 : i32
    %mul3A_176 = arith.muli %add3A_174, %mul3A_175 : i32
    %add3A_177 = arith.addi %mul3A_176, %mul3A_2 : i32
    "tpu.region"() ({
      %run_scoped3A_223 = tpu.sem_alloc : memref<!tpu.dma_semaphore, #tpu.memory_space<semaphore_mem>>
      %dma_start3A_224 = arith.constant 0 : i32
      %dma_start3A_225 = tpu.memref_slice %arg9[%add3A_177, %dma_start3A_224] : memref<102400x128xf32, #tpu.memory_space<hbm>> -> memref<640x128xf32, #tpu.memory_space<hbm>>
      %dma_start3A_226 = arith.constant 0 : i32
      %dma_start3A_227 = tpu.memref_slice %arg12[%mul3A_2, %dma_start3A_226] : memref<10240x128xf32, #tpu.memory_space<vmem_shared>> -> memref<640x128xf32, #tpu.memory_space<vmem_shared>>
      tpu.enqueue_dma source(%dma_start3A_227 : memref<640x128xf32, #tpu.memory_space<vmem_shared>>) target(%dma_start3A_225 : memref<640x128xf32, #tpu.memory_space<hbm>>) target_semaphore(%run_scoped3A_223 : memref<!tpu.dma_semaphore, #tpu.memory_space<semaphore_mem>>)
      %dma_wait3A = arith.constant 0 : i32
      %dma_wait3A_228 = tpu.memref_slice %arg9[%add3A_177, %dma_wait3A] : memref<102400x128xf32, #tpu.memory_space<hbm>> -> memref<640x128xf32, #tpu.memory_space<hbm>>
      %dma_wait3A_229 = arith.constant 0 : i32
      %dma_wait3A_230 = tpu.memref_slice %arg12[%mul3A_2, %dma_wait3A_229] : memref<10240x128xf32, #tpu.memory_space<vmem_shared>> -> memref<640x128xf32, #tpu.memory_space<vmem_shared>>
      tpu.wait_dma2 semaphore(%run_scoped3A_223 : memref<!tpu.dma_semaphore, #tpu.memory_space<semaphore_mem>>) src(%dma_wait3A_230 : memref<640x128xf32, #tpu.memory_space<vmem_shared>>) dst(%dma_wait3A_228 : memref<640x128xf32, #tpu.memory_space<hbm>>)
      tpu.yield
    }) : () -> ()
    %barrier3A_178 = arith.constant 0 : index
    tpu.barrier barrier_id(%barrier3A_178)
    "tpu.region"() ({
      %run_scoped3A_223 = tpu.sem_alloc : memref<!tpu.dma_semaphore, #tpu.memory_space<semaphore_mem>>
      %dma_start3A_224 = arith.constant 0 : i32
      %dma_start3A_225 = tpu.memref_slice %arg12[%mul3A_2, %dma_start3A_224] : memref<10240x128xf32, #tpu.memory_space<vmem_shared>> -> memref<640x128xf32, #tpu.memory_space<vmem_shared>>
      tpu.enqueue_dma source(%arg8 : memref<640x128xf32, #tpu.memory_space<hbm>>) target(%dma_start3A_225 : memref<640x128xf32, #tpu.memory_space<vmem_shared>>) target_semaphore(%run_scoped3A_223 : memref<!tpu.dma_semaphore, #tpu.memory_space<semaphore_mem>>)
      %dma_wait3A = arith.constant 0 : i32
      %dma_wait3A_226 = tpu.memref_slice %arg12[%mul3A_2, %dma_wait3A] : memref<10240x128xf32, #tpu.memory_space<vmem_shared>> -> memref<640x128xf32, #tpu.memory_space<vmem_shared>>
      tpu.wait_dma2 semaphore(%run_scoped3A_223 : memref<!tpu.dma_semaphore, #tpu.memory_space<semaphore_mem>>) src(%arg8 : memref<640x128xf32, #tpu.memory_space<hbm>>) dst(%dma_wait3A_226 : memref<640x128xf32, #tpu.memory_space<vmem_shared>>)
      tpu.yield
    }) : () -> ()
    %barrier3A_179 = arith.constant 0 : index
    tpu.barrier barrier_id(%barrier3A_179)
    %add3A_180 = arith.constant 0 : i32
    %add3A_181 = arith.addi %mul3A_4, %add3A_180 : i32
    %mul3A_182 = arith.constant 128 : i32
    %mul3A_183 = arith.muli %add3A_181, %mul3A_182 : i32
    %dma_start3A_184 = arith.constant 0 : i32
    %dma_start3A_185 = arith.constant 0 : i32
    %dma_start3A_186 = arith.constant 0 : i32
    %dma_start3A_187 = tpu.memref_slice %arg11[%dma_start3A_184, %dma_start3A_185, %dma_start3A_186] : memref<2x128x128xf32, #tpu.memory_space<vmem>> -> memref<1x128x128xf32, #tpu.memory_space<vmem>>
    %dma_start3A_188 = tpu.memref_squeeze %dma_start3A_187 : memref<1x128x128xf32, #tpu.memory_space<vmem>> -> memref<128x128xf32, #tpu.memory_space<vmem>>
    %dma_start3A_189 = arith.constant 0 : i32
    %dma_start3A_190 = tpu.memref_slice %arg6[%mul3A_183, %dma_start3A_189] : memref<160000x128xf32, #tpu.memory_space<hbm>> -> memref<128x128xf32, #tpu.memory_space<hbm>>
    %dma_start3A_191 = arith.constant 0 : i32
    %dma_start3A_192 = arith.constant 0 : i32
    %dma_start3A_193 = tpu.memref_slice %arg11[%dma_start3A_184, %dma_start3A_191, %dma_start3A_192] : memref<2x128x128xf32, #tpu.memory_space<vmem>> -> memref<1x128x128xf32, #tpu.memory_space<vmem>>
    %dma_start3A_194 = tpu.memref_squeeze %dma_start3A_193 : memref<1x128x128xf32, #tpu.memory_space<vmem>> -> memref<128x128xf32, #tpu.memory_space<vmem>>
    %dma_start3A_195 = arith.constant 0 : i32
    %dma_start3A_196 = tpu.memref_slice %arg6[%mul3A_183, %dma_start3A_195] : memref<160000x128xf32, #tpu.memory_space<hbm>> -> memref<128x128xf32, #tpu.memory_space<hbm>>
    tpu.enqueue_dma source(%dma_start3A_196 : memref<128x128xf32, #tpu.memory_space<hbm>>) target(%dma_start3A_194 : memref<128x128xf32, #tpu.memory_space<vmem>>) target_semaphore(%arg13 : memref<!tpu.dma_semaphore, #tpu.memory_space<semaphore_mem>>)
    %scan3A_197 = arith.constant 0 : i32
    %scan3A_198 = arith.constant 0 : i32
    %scan3A_199 = arith.constant 19 : i32
    %scan3A_200 = arith.addi %scan3A_198, %scan3A_199 : i32
    %scan3A_201 = arith.constant 1 : i32
    scf.for %scan3A_223 = %scan3A_198 to %scan3A_200 step %scan3A_201  : i32 {
      %mul3A_224 = arith.constant 2 : i32
      %mul3A_225 = arith.muli %mul3A_224, %scan3A_223 : i32
      %add3A_226 = arith.constant 1 : i32
      %add3A_227 = arith.addi %mul3A_225, %add3A_226 : i32
      %add3A_228 = arith.addi %mul3A_4, %add3A_227 : i32
      %mul3A_229 = arith.constant 128 : i32
      %mul3A_230 = arith.muli %add3A_228, %mul3A_229 : i32
      %dma_start3A_231 = arith.constant 1 : i32
      %dma_start3A_232 = arith.constant 0 : i32
      %dma_start3A_233 = arith.constant 0 : i32
      %dma_start3A_234 = tpu.memref_slice %arg11[%dma_start3A_231, %dma_start3A_232, %dma_start3A_233] : memref<2x128x128xf32, #tpu.memory_space<vmem>> -> memref<1x128x128xf32, #tpu.memory_space<vmem>>
      %dma_start3A_235 = tpu.memref_squeeze %dma_start3A_234 : memref<1x128x128xf32, #tpu.memory_space<vmem>> -> memref<128x128xf32, #tpu.memory_space<vmem>>
      %dma_start3A_236 = arith.constant 0 : i32
      %dma_start3A_237 = tpu.memref_slice %arg6[%mul3A_230, %dma_start3A_236] : memref<160000x128xf32, #tpu.memory_space<hbm>> -> memref<128x128xf32, #tpu.memory_space<hbm>>
      %dma_start3A_238 = arith.constant 0 : i32
      %dma_start3A_239 = arith.constant 0 : i32
      %dma_start3A_240 = tpu.memref_slice %arg11[%dma_start3A_231, %dma_start3A_238, %dma_start3A_239] : memref<2x128x128xf32, #tpu.memory_space<vmem>> -> memref<1x128x128xf32, #tpu.memory_space<vmem>>
      %dma_start3A_241 = tpu.memref_squeeze %dma_start3A_240 : memref<1x128x128xf32, #tpu.memory_space<vmem>> -> memref<128x128xf32, #tpu.memory_space<vmem>>
      %dma_start3A_242 = arith.constant 0 : i32
      %dma_start3A_243 = tpu.memref_slice %arg6[%mul3A_230, %dma_start3A_242] : memref<160000x128xf32, #tpu.memory_space<hbm>> -> memref<128x128xf32, #tpu.memory_space<hbm>>
      tpu.enqueue_dma source(%dma_start3A_243 : memref<128x128xf32, #tpu.memory_space<hbm>>) target(%dma_start3A_241 : memref<128x128xf32, #tpu.memory_space<vmem>>) target_semaphore(%arg14 : memref<!tpu.dma_semaphore, #tpu.memory_space<semaphore_mem>>)
      %dma_wait3A = arith.constant 0 : i32
      %dma_wait3A_244 = arith.constant 0 : i32
      %dma_wait3A_245 = arith.constant 0 : i32
      %dma_wait3A_246 = tpu.memref_slice %arg11[%dma_wait3A, %dma_wait3A_244, %dma_wait3A_245] : memref<2x128x128xf32, #tpu.memory_space<vmem>> -> memref<1x128x128xf32, #tpu.memory_space<vmem>>
      %dma_wait3A_247 = tpu.memref_squeeze %dma_wait3A_246 : memref<1x128x128xf32, #tpu.memory_space<vmem>> -> memref<128x128xf32, #tpu.memory_space<vmem>>
      %dma_wait3A_248 = arith.constant 0 : i32
      %dma_wait3A_249 = arith.constant 0 : i32
      %dma_wait3A_250 = tpu.memref_slice %arg6[%dma_wait3A_248, %dma_wait3A_249] : memref<160000x128xf32, #tpu.memory_space<hbm>> -> memref<128x128xf32, #tpu.memory_space<hbm>>
      %dma_wait3A_251 = arith.constant 0 : i32
      %dma_wait3A_252 = arith.constant 0 : i32
      %dma_wait3A_253 = tpu.memref_slice %arg11[%dma_wait3A, %dma_wait3A_251, %dma_wait3A_252] : memref<2x128x128xf32, #tpu.memory_space<vmem>> -> memref<1x128x128xf32, #tpu.memory_space<vmem>>
      %dma_wait3A_254 = tpu.memref_squeeze %dma_wait3A_253 : memref<1x128x128xf32, #tpu.memory_space<vmem>> -> memref<128x128xf32, #tpu.memory_space<vmem>>
      %dma_wait3A_255 = arith.constant 0 : i32
      %dma_wait3A_256 = arith.constant 0 : i32
      %dma_wait3A_257 = tpu.memref_slice %arg6[%dma_wait3A_255, %dma_wait3A_256] : memref<160000x128xf32, #tpu.memory_space<hbm>> -> memref<128x128xf32, #tpu.memory_space<hbm>>
      tpu.wait_dma2 semaphore(%arg13 : memref<!tpu.dma_semaphore, #tpu.memory_space<semaphore_mem>>) src(%dma_wait3A_257 : memref<128x128xf32, #tpu.memory_space<hbm>>) dst(%dma_wait3A_254 : memref<128x128xf32, #tpu.memory_space<vmem>>)
      %run_scoped3A_258 = arith.constant 0 : i32
      %run_scoped3A_259 = arith.constant 0 : i32
      "tpu.region"() ({
        %run_scoped3A_284 = tpu.sem_alloc : memref<!tpu.dma_semaphore, #tpu.memory_space<semaphore_mem>>
        %dma_start3A_285 = arith.constant 0 : i32
        %dma_start3A_286 = arith.constant 0 : i32
        %dma_start3A_287 = tpu.memref_slice %arg11[%run_scoped3A_258, %dma_start3A_285, %dma_start3A_286] : memref<2x128x128xf32, #tpu.memory_space<vmem>> -> memref<1x128x128xf32, #tpu.memory_space<vmem>>
        %dma_start3A_288 = tpu.memref_squeeze %dma_start3A_287 : memref<1x128x128xf32, #tpu.memory_space<vmem>> -> memref<128x128xf32, #tpu.memory_space<vmem>>
        %dma_start3A_289 = arith.constant 0 : i32
        %dma_start3A_290 = tpu.memref_slice %arg10[%mul3A_225, %run_scoped3A_259, %dma_start3A_289] : memref<40x1x128xi32, #tpu.memory_space<vmem>> -> memref<1x1x128xi32, #tpu.memory_space<vmem>>
        %dma_start3A_291 = tpu.memref_squeeze %dma_start3A_290 : memref<1x1x128xi32, #tpu.memory_space<vmem>> -> memref<128xi32, #tpu.memory_space<vmem>>
        %dma_start3A_292 = arith.constant 0 : i32
        %dma_start3A_293 = arith.constant 0 : i32
        %dma_start3A_294 = tpu.memref_slice %arg12[%dma_start3A_292, %dma_start3A_293] : memref<10240x128xf32, #tpu.memory_space<vmem_shared>> -> memref<10240x128xf32, #tpu.memory_space<vmem_shared>>
        tpu.enqueue_indirect_dma source(%dma_start3A_288 : memref<128x128xf32, #tpu.memory_space<vmem>>) target(%dma_start3A_294 : memref<10240x128xf32, #tpu.memory_space<vmem_shared>>) offsets(%dma_start3A_291 : memref<128xi32, #tpu.memory_space<vmem>>) semaphore(%run_scoped3A_284 : memref<!tpu.dma_semaphore, #tpu.memory_space<semaphore_mem>>) {add = true}
        %dma_wait3A_295 = arith.constant 0 : i32
        %dma_wait3A_296 = arith.constant 0 : i32
        %dma_wait3A_297 = tpu.memref_slice %arg11[%run_scoped3A_258, %dma_wait3A_295, %dma_wait3A_296] : memref<2x128x128xf32, #tpu.memory_space<vmem>> -> memref<1x128x128xf32, #tpu.memory_space<vmem>>
        %dma_wait3A_298 = tpu.memref_squeeze %dma_wait3A_297 : memref<1x128x128xf32, #tpu.memory_space<vmem>> -> memref<128x128xf32, #tpu.memory_space<vmem>>
        %dma_wait3A_299 = arith.constant 0 : i32
        %dma_wait3A_300 = tpu.memref_slice %arg10[%mul3A_225, %run_scoped3A_259, %dma_wait3A_299] : memref<40x1x128xi32, #tpu.memory_space<vmem>> -> memref<1x1x128xi32, #tpu.memory_space<vmem>>
        %dma_wait3A_301 = tpu.memref_squeeze %dma_wait3A_300 : memref<1x1x128xi32, #tpu.memory_space<vmem>> -> memref<128xi32, #tpu.memory_space<vmem>>
        %dma_wait3A_302 = arith.constant 0 : i32
        %dma_wait3A_303 = arith.constant 0 : i32
        %dma_wait3A_304 = tpu.memref_slice %arg12[%dma_wait3A_302, %dma_wait3A_303] : memref<10240x128xf32, #tpu.memory_space<vmem_shared>> -> memref<10240x128xf32, #tpu.memory_space<vmem_shared>>
        tpu.wait_indirect_dma semaphore(%run_scoped3A_284 : memref<!tpu.dma_semaphore, #tpu.memory_space<semaphore_mem>>) src(%dma_wait3A_298 : memref<128x128xf32, #tpu.memory_space<vmem>>) dst(%dma_wait3A_304 : memref<10240x128xf32, #tpu.memory_space<vmem_shared>>)
        tpu.yield
      }) : () -> ()
      %lt3A_260 = arith.constant 18 : i32
      %lt3A_261 = arith.cmpi slt, %scan3A_223, %lt3A_260 : i32
      %convert_element_type3A_262 = arith.extui %lt3A_261 : i1 to i32
      %cond3A_263 = arith.constant 0 : i32
      %cond3A_264 = arith.cmpi ne, %convert_element_type3A_262, %cond3A_263 : i32
      scf.if %cond3A_264 {
        %add3A_284 = arith.constant 2 : i32
        %add3A_285 = arith.addi %mul3A_225, %add3A_284 : i32
        %add3A_286 = arith.addi %mul3A_4, %add3A_285 : i32
        %mul3A_287 = arith.constant 128 : i32
        %mul3A_288 = arith.muli %add3A_286, %mul3A_287 : i32
        %dma_start3A_289 = arith.constant 0 : i32
        %dma_start3A_290 = arith.constant 0 : i32
        %dma_start3A_291 = arith.constant 0 : i32
        %dma_start3A_292 = tpu.memref_slice %arg11[%dma_start3A_289, %dma_start3A_290, %dma_start3A_291] : memref<2x128x128xf32, #tpu.memory_space<vmem>> -> memref<1x128x128xf32, #tpu.memory_space<vmem>>
        %dma_start3A_293 = tpu.memref_squeeze %dma_start3A_292 : memref<1x128x128xf32, #tpu.memory_space<vmem>> -> memref<128x128xf32, #tpu.memory_space<vmem>>
        %dma_start3A_294 = arith.constant 0 : i32
        %dma_start3A_295 = tpu.memref_slice %arg6[%mul3A_288, %dma_start3A_294] : memref<160000x128xf32, #tpu.memory_space<hbm>> -> memref<128x128xf32, #tpu.memory_space<hbm>>
        %dma_start3A_296 = arith.constant 0 : i32
        %dma_start3A_297 = arith.constant 0 : i32
        %dma_start3A_298 = tpu.memref_slice %arg11[%dma_start3A_289, %dma_start3A_296, %dma_start3A_297] : memref<2x128x128xf32, #tpu.memory_space<vmem>> -> memref<1x128x128xf32, #tpu.memory_space<vmem>>
        %dma_start3A_299 = tpu.memref_squeeze %dma_start3A_298 : memref<1x128x128xf32, #tpu.memory_space<vmem>> -> memref<128x128xf32, #tpu.memory_space<vmem>>
        %dma_start3A_300 = arith.constant 0 : i32
        %dma_start3A_301 = tpu.memref_slice %arg6[%mul3A_288, %dma_start3A_300] : memref<160000x128xf32, #tpu.memory_space<hbm>> -> memref<128x128xf32, #tpu.memory_space<hbm>>
        tpu.enqueue_dma source(%dma_start3A_301 : memref<128x128xf32, #tpu.memory_space<hbm>>) target(%dma_start3A_299 : memref<128x128xf32, #tpu.memory_space<vmem>>) target_semaphore(%arg13 : memref<!tpu.dma_semaphore, #tpu.memory_space<semaphore_mem>>)
      } else {
      }
      %dma_wait3A_265 = arith.constant 1 : i32
      %dma_wait3A_266 = arith.constant 0 : i32
      %dma_wait3A_267 = arith.constant 0 : i32
      %dma_wait3A_268 = tpu.memref_slice %arg11[%dma_wait3A_265, %dma_wait3A_266, %dma_wait3A_267] : memref<2x128x128xf32, #tpu.memory_space<vmem>> -> memref<1x128x128xf32, #tpu.memory_space<vmem>>
      %dma_wait3A_269 = tpu.memref_squeeze %dma_wait3A_268 : memref<1x128x128xf32, #tpu.memory_space<vmem>> -> memref<128x128xf32, #tpu.memory_space<vmem>>
      %dma_wait3A_270 = arith.constant 0 : i32
      %dma_wait3A_271 = arith.constant 0 : i32
      %dma_wait3A_272 = tpu.memref_slice %arg6[%dma_wait3A_270, %dma_wait3A_271] : memref<160000x128xf32, #tpu.memory_space<hbm>> -> memref<128x128xf32, #tpu.memory_space<hbm>>
      %dma_wait3A_273 = arith.constant 0 : i32
      %dma_wait3A_274 = arith.constant 0 : i32
      %dma_wait3A_275 = tpu.memref_slice %arg11[%dma_wait3A_265, %dma_wait3A_273, %dma_wait3A_274] : memref<2x128x128xf32, #tpu.memory_space<vmem>> -> memref<1x128x128xf32, #tpu.memory_space<vmem>>
      %dma_wait3A_276 = tpu.memref_squeeze %dma_wait3A_275 : memref<1x128x128xf32, #tpu.memory_space<vmem>> -> memref<128x128xf32, #tpu.memory_space<vmem>>
      %dma_wait3A_277 = arith.constant 0 : i32
      %dma_wait3A_278 = arith.constant 0 : i32
      %dma_wait3A_279 = tpu.memref_slice %arg6[%dma_wait3A_277, %dma_wait3A_278] : memref<160000x128xf32, #tpu.memory_space<hbm>> -> memref<128x128xf32, #tpu.memory_space<hbm>>
      tpu.wait_dma2 semaphore(%arg14 : memref<!tpu.dma_semaphore, #tpu.memory_space<semaphore_mem>>) src(%dma_wait3A_279 : memref<128x128xf32, #tpu.memory_space<hbm>>) dst(%dma_wait3A_276 : memref<128x128xf32, #tpu.memory_space<vmem>>)
      %add3A_280 = arith.constant 1 : i32
      %add3A_281 = arith.addi %mul3A_225, %add3A_280 : i32
      %run_scoped3A_282 = arith.constant 1 : i32
      %run_scoped3A_283 = arith.constant 0 : i32
      "tpu.region"() ({
        %run_scoped3A_284 = tpu.sem_alloc : memref<!tpu.dma_semaphore, #tpu.memory_space<semaphore_mem>>
        %dma_start3A_285 = arith.constant 0 : i32
        %dma_start3A_286 = arith.constant 0 : i32
        %dma_start3A_287 = tpu.memref_slice %arg11[%run_scoped3A_282, %dma_start3A_285, %dma_start3A_286] : memref<2x128x128xf32, #tpu.memory_space<vmem>> -> memref<1x128x128xf32, #tpu.memory_space<vmem>>
        %dma_start3A_288 = tpu.memref_squeeze %dma_start3A_287 : memref<1x128x128xf32, #tpu.memory_space<vmem>> -> memref<128x128xf32, #tpu.memory_space<vmem>>
        %dma_start3A_289 = arith.constant 0 : i32
        %dma_start3A_290 = tpu.memref_slice %arg10[%add3A_281, %run_scoped3A_283, %dma_start3A_289] : memref<40x1x128xi32, #tpu.memory_space<vmem>> -> memref<1x1x128xi32, #tpu.memory_space<vmem>>
        %dma_start3A_291 = tpu.memref_squeeze %dma_start3A_290 : memref<1x1x128xi32, #tpu.memory_space<vmem>> -> memref<128xi32, #tpu.memory_space<vmem>>
        %dma_start3A_292 = arith.constant 0 : i32
        %dma_start3A_293 = arith.constant 0 : i32
        %dma_start3A_294 = tpu.memref_slice %arg12[%dma_start3A_292, %dma_start3A_293] : memref<10240x128xf32, #tpu.memory_space<vmem_shared>> -> memref<10240x128xf32, #tpu.memory_space<vmem_shared>>
        tpu.enqueue_indirect_dma source(%dma_start3A_288 : memref<128x128xf32, #tpu.memory_space<vmem>>) target(%dma_start3A_294 : memref<10240x128xf32, #tpu.memory_space<vmem_shared>>) offsets(%dma_start3A_291 : memref<128xi32, #tpu.memory_space<vmem>>) semaphore(%run_scoped3A_284 : memref<!tpu.dma_semaphore, #tpu.memory_space<semaphore_mem>>) {add = true}
        %dma_wait3A_295 = arith.constant 0 : i32
        %dma_wait3A_296 = arith.constant 0 : i32
        %dma_wait3A_297 = tpu.memref_slice %arg11[%run_scoped3A_282, %dma_wait3A_295, %dma_wait3A_296] : memref<2x128x128xf32, #tpu.memory_space<vmem>> -> memref<1x128x128xf32, #tpu.memory_space<vmem>>
        %dma_wait3A_298 = tpu.memref_squeeze %dma_wait3A_297 : memref<1x128x128xf32, #tpu.memory_space<vmem>> -> memref<128x128xf32, #tpu.memory_space<vmem>>
        %dma_wait3A_299 = arith.constant 0 : i32
        %dma_wait3A_300 = tpu.memref_slice %arg10[%add3A_281, %run_scoped3A_283, %dma_wait3A_299] : memref<40x1x128xi32, #tpu.memory_space<vmem>> -> memref<1x1x128xi32, #tpu.memory_space<vmem>>
        %dma_wait3A_301 = tpu.memref_squeeze %dma_wait3A_300 : memref<1x1x128xi32, #tpu.memory_space<vmem>> -> memref<128xi32, #tpu.memory_space<vmem>>
        %dma_wait3A_302 = arith.constant 0 : i32
        %dma_wait3A_303 = arith.constant 0 : i32
        %dma_wait3A_304 = tpu.memref_slice %arg12[%dma_wait3A_302, %dma_wait3A_303] : memref<10240x128xf32, #tpu.memory_space<vmem_shared>> -> memref<10240x128xf32, #tpu.memory_space<vmem_shared>>
        tpu.wait_indirect_dma semaphore(%run_scoped3A_284 : memref<!tpu.dma_semaphore, #tpu.memory_space<semaphore_mem>>) src(%dma_wait3A_298 : memref<128x128xf32, #tpu.memory_space<vmem>>) dst(%dma_wait3A_304 : memref<10240x128xf32, #tpu.memory_space<vmem_shared>>)
        tpu.yield
      }) : () -> ()
    }
    %scan3A_202 = arith.constant 19 : i32
    %add3A_203 = arith.constant 38 : i32
    %add3A_204 = arith.addi %mul3A_4, %add3A_203 : i32
    %mul3A_205 = arith.constant 128 : i32
    %mul3A_206 = arith.muli %add3A_204, %mul3A_205 : i32
    %run_scoped3A_207 = arith.constant 0 : i32
    "tpu.region"() ({
      %run_scoped3A_223 = tpu.sem_alloc : memref<!tpu.dma_semaphore, #tpu.memory_space<semaphore_mem>>
      %dma_start3A_224 = arith.constant 0 : i32
      %dma_start3A_225 = arith.constant 0 : i32
      %dma_start3A_226 = tpu.memref_slice %arg11[%run_scoped3A_207, %dma_start3A_224, %dma_start3A_225] : memref<2x128x128xf32, #tpu.memory_space<vmem>> -> memref<1x128x128xf32, #tpu.memory_space<vmem>>
      %dma_start3A_227 = tpu.memref_squeeze %dma_start3A_226 : memref<1x128x128xf32, #tpu.memory_space<vmem>> -> memref<128x128xf32, #tpu.memory_space<vmem>>
      %dma_start3A_228 = arith.constant 0 : i32
      %dma_start3A_229 = tpu.memref_slice %arg6[%mul3A_206, %dma_start3A_228] : memref<160000x128xf32, #tpu.memory_space<hbm>> -> memref<128x128xf32, #tpu.memory_space<hbm>>
      %dma_start3A_230 = arith.constant 0 : i32
      %dma_start3A_231 = arith.constant 0 : i32
      %dma_start3A_232 = tpu.memref_slice %arg11[%run_scoped3A_207, %dma_start3A_230, %dma_start3A_231] : memref<2x128x128xf32, #tpu.memory_space<vmem>> -> memref<1x128x128xf32, #tpu.memory_space<vmem>>
      %dma_start3A_233 = tpu.memref_squeeze %dma_start3A_232 : memref<1x128x128xf32, #tpu.memory_space<vmem>> -> memref<128x128xf32, #tpu.memory_space<vmem>>
      %dma_start3A_234 = arith.constant 0 : i32
      %dma_start3A_235 = tpu.memref_slice %arg6[%mul3A_206, %dma_start3A_234] : memref<160000x128xf32, #tpu.memory_space<hbm>> -> memref<128x128xf32, #tpu.memory_space<hbm>>
      tpu.enqueue_dma source(%dma_start3A_235 : memref<128x128xf32, #tpu.memory_space<hbm>>) target(%dma_start3A_233 : memref<128x128xf32, #tpu.memory_space<vmem>>) target_semaphore(%run_scoped3A_223 : memref<!tpu.dma_semaphore, #tpu.memory_space<semaphore_mem>>)
      %dma_wait3A = arith.constant 0 : i32
      %dma_wait3A_236 = arith.constant 0 : i32
      %dma_wait3A_237 = tpu.memref_slice %arg11[%run_scoped3A_207, %dma_wait3A, %dma_wait3A_236] : memref<2x128x128xf32, #tpu.memory_space<vmem>> -> memref<1x128x128xf32, #tpu.memory_space<vmem>>
      %dma_wait3A_238 = tpu.memref_squeeze %dma_wait3A_237 : memref<1x128x128xf32, #tpu.memory_space<vmem>> -> memref<128x128xf32, #tpu.memory_space<vmem>>
      %dma_wait3A_239 = arith.constant 0 : i32
      %dma_wait3A_240 = tpu.memref_slice %arg6[%mul3A_206, %dma_wait3A_239] : memref<160000x128xf32, #tpu.memory_space<hbm>> -> memref<128x128xf32, #tpu.memory_space<hbm>>
      %dma_wait3A_241 = arith.constant 0 : i32
      %dma_wait3A_242 = arith.constant 0 : i32
      %dma_wait3A_243 = tpu.memref_slice %arg11[%run_scoped3A_207, %dma_wait3A_241, %dma_wait3A_242] : memref<2x128x128xf32, #tpu.memory_space<vmem>> -> memref<1x128x128xf32, #tpu.memory_space<vmem>>
      %dma_wait3A_244 = tpu.memref_squeeze %dma_wait3A_243 : memref<1x128x128xf32, #tpu.memory_space<vmem>> -> memref<128x128xf32, #tpu.memory_space<vmem>>
      %dma_wait3A_245 = arith.constant 0 : i32
      %dma_wait3A_246 = tpu.memref_slice %arg6[%mul3A_206, %dma_wait3A_245] : memref<160000x128xf32, #tpu.memory_space<hbm>> -> memref<128x128xf32, #tpu.memory_space<hbm>>
      tpu.wait_dma2 semaphore(%run_scoped3A_223 : memref<!tpu.dma_semaphore, #tpu.memory_space<semaphore_mem>>) src(%dma_wait3A_246 : memref<128x128xf32, #tpu.memory_space<hbm>>) dst(%dma_wait3A_244 : memref<128x128xf32, #tpu.memory_space<vmem>>)
      tpu.yield
    }) : () -> ()
    %run_scoped3A_208 = arith.constant 0 : i32
    %run_scoped3A_209 = arith.constant 38 : i32
    %run_scoped3A_210 = arith.constant 0 : i32
    "tpu.region"() ({
      %run_scoped3A_223 = tpu.sem_alloc : memref<!tpu.dma_semaphore, #tpu.memory_space<semaphore_mem>>
      %dma_start3A_224 = arith.constant 0 : i32
      %dma_start3A_225 = arith.constant 0 : i32
      %dma_start3A_226 = tpu.memref_slice %arg11[%run_scoped3A_208, %dma_start3A_224, %dma_start3A_225] : memref<2x128x128xf32, #tpu.memory_space<vmem>> -> memref<1x128x128xf32, #tpu.memory_space<vmem>>
      %dma_start3A_227 = tpu.memref_squeeze %dma_start3A_226 : memref<1x128x128xf32, #tpu.memory_space<vmem>> -> memref<128x128xf32, #tpu.memory_space<vmem>>
      %dma_start3A_228 = arith.constant 0 : i32
      %dma_start3A_229 = tpu.memref_slice %arg10[%run_scoped3A_209, %run_scoped3A_210, %dma_start3A_228] : memref<40x1x128xi32, #tpu.memory_space<vmem>> -> memref<1x1x128xi32, #tpu.memory_space<vmem>>
      %dma_start3A_230 = tpu.memref_squeeze %dma_start3A_229 : memref<1x1x128xi32, #tpu.memory_space<vmem>> -> memref<128xi32, #tpu.memory_space<vmem>>
      %dma_start3A_231 = arith.constant 0 : i32
      %dma_start3A_232 = arith.constant 0 : i32
      %dma_start3A_233 = tpu.memref_slice %arg12[%dma_start3A_231, %dma_start3A_232] : memref<10240x128xf32, #tpu.memory_space<vmem_shared>> -> memref<10240x128xf32, #tpu.memory_space<vmem_shared>>
      tpu.enqueue_indirect_dma source(%dma_start3A_227 : memref<128x128xf32, #tpu.memory_space<vmem>>) target(%dma_start3A_233 : memref<10240x128xf32, #tpu.memory_space<vmem_shared>>) offsets(%dma_start3A_230 : memref<128xi32, #tpu.memory_space<vmem>>) semaphore(%run_scoped3A_223 : memref<!tpu.dma_semaphore, #tpu.memory_space<semaphore_mem>>) {add = true}
      %dma_wait3A = arith.constant 0 : i32
      %dma_wait3A_234 = arith.constant 0 : i32
      %dma_wait3A_235 = tpu.memref_slice %arg11[%run_scoped3A_208, %dma_wait3A, %dma_wait3A_234] : memref<2x128x128xf32, #tpu.memory_space<vmem>> -> memref<1x128x128xf32, #tpu.memory_space<vmem>>
      %dma_wait3A_236 = tpu.memref_squeeze %dma_wait3A_235 : memref<1x128x128xf32, #tpu.memory_space<vmem>> -> memref<128x128xf32, #tpu.memory_space<vmem>>
      %dma_wait3A_237 = arith.constant 0 : i32
      %dma_wait3A_238 = tpu.memref_slice %arg10[%run_scoped3A_209, %run_scoped3A_210, %dma_wait3A_237] : memref<40x1x128xi32, #tpu.memory_space<vmem>> -> memref<1x1x128xi32, #tpu.memory_space<vmem>>
      %dma_wait3A_239 = tpu.memref_squeeze %dma_wait3A_238 : memref<1x1x128xi32, #tpu.memory_space<vmem>> -> memref<128xi32, #tpu.memory_space<vmem>>
      %dma_wait3A_240 = arith.constant 0 : i32
      %dma_wait3A_241 = arith.constant 0 : i32
      %dma_wait3A_242 = tpu.memref_slice %arg12[%dma_wait3A_240, %dma_wait3A_241] : memref<10240x128xf32, #tpu.memory_space<vmem_shared>> -> memref<10240x128xf32, #tpu.memory_space<vmem_shared>>
      tpu.wait_indirect_dma semaphore(%run_scoped3A_223 : memref<!tpu.dma_semaphore, #tpu.memory_space<semaphore_mem>>) src(%dma_wait3A_236 : memref<128x128xf32, #tpu.memory_space<vmem>>) dst(%dma_wait3A_242 : memref<10240x128xf32, #tpu.memory_space<vmem_shared>>)
      tpu.yield
    }) : () -> ()
    %lt3A_211 = arith.constant 2 : i32
    %lt3A_212 = arith.cmpi slt, %add3A, %lt3A_211 : i32
    %convert_element_type3A_213 = arith.extui %lt3A_212 : i1 to i32
    %cond3A_214 = arith.constant 0 : i32
    %cond3A_215 = arith.cmpi ne, %convert_element_type3A_213, %cond3A_214 : i32
    scf.if %cond3A_215 {
      %add3A_223 = arith.constant 1248 : i32
      %add3A_224 = arith.addi %add3A_223, %add3A : i32
      %mul3A_225 = arith.constant 128 : i32
      %mul3A_226 = arith.muli %add3A_224, %mul3A_225 : i32
      %run_scoped3A_227 = arith.constant 0 : i32
      "tpu.region"() ({
        %run_scoped3A_231 = tpu.sem_alloc : memref<!tpu.dma_semaphore, #tpu.memory_space<semaphore_mem>>
        %dma_start3A_232 = arith.constant 0 : i32
        %dma_start3A_233 = arith.constant 0 : i32
        %dma_start3A_234 = tpu.memref_slice %arg11[%run_scoped3A_227, %dma_start3A_232, %dma_start3A_233] : memref<2x128x128xf32, #tpu.memory_space<vmem>> -> memref<1x128x128xf32, #tpu.memory_space<vmem>>
        %dma_start3A_235 = tpu.memref_squeeze %dma_start3A_234 : memref<1x128x128xf32, #tpu.memory_space<vmem>> -> memref<128x128xf32, #tpu.memory_space<vmem>>
        %dma_start3A_236 = arith.constant 0 : i32
        %dma_start3A_237 = tpu.memref_slice %arg6[%mul3A_226, %dma_start3A_236] : memref<160000x128xf32, #tpu.memory_space<hbm>> -> memref<128x128xf32, #tpu.memory_space<hbm>>
        %dma_start3A_238 = arith.constant 0 : i32
        %dma_start3A_239 = arith.constant 0 : i32
        %dma_start3A_240 = tpu.memref_slice %arg11[%run_scoped3A_227, %dma_start3A_238, %dma_start3A_239] : memref<2x128x128xf32, #tpu.memory_space<vmem>> -> memref<1x128x128xf32, #tpu.memory_space<vmem>>
        %dma_start3A_241 = tpu.memref_squeeze %dma_start3A_240 : memref<1x128x128xf32, #tpu.memory_space<vmem>> -> memref<128x128xf32, #tpu.memory_space<vmem>>
        %dma_start3A_242 = arith.constant 0 : i32
        %dma_start3A_243 = tpu.memref_slice %arg6[%mul3A_226, %dma_start3A_242] : memref<160000x128xf32, #tpu.memory_space<hbm>> -> memref<128x128xf32, #tpu.memory_space<hbm>>
        tpu.enqueue_dma source(%dma_start3A_243 : memref<128x128xf32, #tpu.memory_space<hbm>>) target(%dma_start3A_241 : memref<128x128xf32, #tpu.memory_space<vmem>>) target_semaphore(%run_scoped3A_231 : memref<!tpu.dma_semaphore, #tpu.memory_space<semaphore_mem>>)
        %dma_wait3A = arith.constant 0 : i32
        %dma_wait3A_244 = arith.constant 0 : i32
        %dma_wait3A_245 = tpu.memref_slice %arg11[%run_scoped3A_227, %dma_wait3A, %dma_wait3A_244] : memref<2x128x128xf32, #tpu.memory_space<vmem>> -> memref<1x128x128xf32, #tpu.memory_space<vmem>>
        %dma_wait3A_246 = tpu.memref_squeeze %dma_wait3A_245 : memref<1x128x128xf32, #tpu.memory_space<vmem>> -> memref<128x128xf32, #tpu.memory_space<vmem>>
        %dma_wait3A_247 = arith.constant 0 : i32
        %dma_wait3A_248 = tpu.memref_slice %arg6[%mul3A_226, %dma_wait3A_247] : memref<160000x128xf32, #tpu.memory_space<hbm>> -> memref<128x128xf32, #tpu.memory_space<hbm>>
        %dma_wait3A_249 = arith.constant 0 : i32
        %dma_wait3A_250 = arith.constant 0 : i32
        %dma_wait3A_251 = tpu.memref_slice %arg11[%run_scoped3A_227, %dma_wait3A_249, %dma_wait3A_250] : memref<2x128x128xf32, #tpu.memory_space<vmem>> -> memref<1x128x128xf32, #tpu.memory_space<vmem>>
        %dma_wait3A_252 = tpu.memref_squeeze %dma_wait3A_251 : memref<1x128x128xf32, #tpu.memory_space<vmem>> -> memref<128x128xf32, #tpu.memory_space<vmem>>
        %dma_wait3A_253 = arith.constant 0 : i32
        %dma_wait3A_254 = tpu.memref_slice %arg6[%mul3A_226, %dma_wait3A_253] : memref<160000x128xf32, #tpu.memory_space<hbm>> -> memref<128x128xf32, #tpu.memory_space<hbm>>
        tpu.wait_dma2 semaphore(%run_scoped3A_231 : memref<!tpu.dma_semaphore, #tpu.memory_space<semaphore_mem>>) src(%dma_wait3A_254 : memref<128x128xf32, #tpu.memory_space<hbm>>) dst(%dma_wait3A_252 : memref<128x128xf32, #tpu.memory_space<vmem>>)
        tpu.yield
      }) : () -> ()
      %run_scoped3A_228 = arith.constant 0 : i32
      %run_scoped3A_229 = arith.constant 39 : i32
      %run_scoped3A_230 = arith.constant 0 : i32
      "tpu.region"() ({
        %run_scoped3A_231 = tpu.sem_alloc : memref<!tpu.dma_semaphore, #tpu.memory_space<semaphore_mem>>
        %dma_start3A_232 = arith.constant 0 : i32
        %dma_start3A_233 = arith.constant 0 : i32
        %dma_start3A_234 = tpu.memref_slice %arg11[%run_scoped3A_228, %dma_start3A_232, %dma_start3A_233] : memref<2x128x128xf32, #tpu.memory_space<vmem>> -> memref<1x128x128xf32, #tpu.memory_space<vmem>>
        %dma_start3A_235 = tpu.memref_squeeze %dma_start3A_234 : memref<1x128x128xf32, #tpu.memory_space<vmem>> -> memref<128x128xf32, #tpu.memory_space<vmem>>
        %dma_start3A_236 = arith.constant 0 : i32
        %dma_start3A_237 = tpu.memref_slice %arg10[%run_scoped3A_229, %run_scoped3A_230, %dma_start3A_236] : memref<40x1x128xi32, #tpu.memory_space<vmem>> -> memref<1x1x128xi32, #tpu.memory_space<vmem>>
        %dma_start3A_238 = tpu.memref_squeeze %dma_start3A_237 : memref<1x1x128xi32, #tpu.memory_space<vmem>> -> memref<128xi32, #tpu.memory_space<vmem>>
        %dma_start3A_239 = arith.constant 0 : i32
        %dma_start3A_240 = arith.constant 0 : i32
        %dma_start3A_241 = tpu.memref_slice %arg12[%dma_start3A_239, %dma_start3A_240] : memref<10240x128xf32, #tpu.memory_space<vmem_shared>> -> memref<10240x128xf32, #tpu.memory_space<vmem_shared>>
        tpu.enqueue_indirect_dma source(%dma_start3A_235 : memref<128x128xf32, #tpu.memory_space<vmem>>) target(%dma_start3A_241 : memref<10240x128xf32, #tpu.memory_space<vmem_shared>>) offsets(%dma_start3A_238 : memref<128xi32, #tpu.memory_space<vmem>>) semaphore(%run_scoped3A_231 : memref<!tpu.dma_semaphore, #tpu.memory_space<semaphore_mem>>) {add = true}
        %dma_wait3A = arith.constant 0 : i32
        %dma_wait3A_242 = arith.constant 0 : i32
        %dma_wait3A_243 = tpu.memref_slice %arg11[%run_scoped3A_228, %dma_wait3A, %dma_wait3A_242] : memref<2x128x128xf32, #tpu.memory_space<vmem>> -> memref<1x128x128xf32, #tpu.memory_space<vmem>>
        %dma_wait3A_244 = tpu.memref_squeeze %dma_wait3A_243 : memref<1x128x128xf32, #tpu.memory_space<vmem>> -> memref<128x128xf32, #tpu.memory_space<vmem>>
        %dma_wait3A_245 = arith.constant 0 : i32
        %dma_wait3A_246 = tpu.memref_slice %arg10[%run_scoped3A_229, %run_scoped3A_230, %dma_wait3A_245] : memref<40x1x128xi32, #tpu.memory_space<vmem>> -> memref<1x1x128xi32, #tpu.memory_space<vmem>>
        %dma_wait3A_247 = tpu.memref_squeeze %dma_wait3A_246 : memref<1x1x128xi32, #tpu.memory_space<vmem>> -> memref<128xi32, #tpu.memory_space<vmem>>
        %dma_wait3A_248 = arith.constant 0 : i32
        %dma_wait3A_249 = arith.constant 0 : i32
        %dma_wait3A_250 = tpu.memref_slice %arg12[%dma_wait3A_248, %dma_wait3A_249] : memref<10240x128xf32, #tpu.memory_space<vmem_shared>> -> memref<10240x128xf32, #tpu.memory_space<vmem_shared>>
        tpu.wait_indirect_dma semaphore(%run_scoped3A_231 : memref<!tpu.dma_semaphore, #tpu.memory_space<semaphore_mem>>) src(%dma_wait3A_244 : memref<128x128xf32, #tpu.memory_space<vmem>>) dst(%dma_wait3A_250 : memref<10240x128xf32, #tpu.memory_space<vmem_shared>>)
        tpu.yield
      }) : () -> ()
    } else {
    }
    %barrier3A_216 = arith.constant 0 : index
    tpu.barrier barrier_id(%barrier3A_216)
    %add3A_217 = arith.constant 8 : i32
    %add3A_218 = arith.addi %add3A_217, %arg0 : i32
    %mul3A_219 = arith.constant 10240 : i32
    %mul3A_220 = arith.muli %add3A_218, %mul3A_219 : i32
    %add3A_221 = arith.addi %mul3A_220, %mul3A_2 : i32
    "tpu.region"() ({
      %run_scoped3A_223 = tpu.sem_alloc : memref<!tpu.dma_semaphore, #tpu.memory_space<semaphore_mem>>
      %dma_start3A_224 = arith.constant 0 : i32
      %dma_start3A_225 = tpu.memref_slice %arg9[%add3A_221, %dma_start3A_224] : memref<102400x128xf32, #tpu.memory_space<hbm>> -> memref<640x128xf32, #tpu.memory_space<hbm>>
      %dma_start3A_226 = arith.constant 0 : i32
      %dma_start3A_227 = tpu.memref_slice %arg12[%mul3A_2, %dma_start3A_226] : memref<10240x128xf32, #tpu.memory_space<vmem_shared>> -> memref<640x128xf32, #tpu.memory_space<vmem_shared>>
      tpu.enqueue_dma source(%dma_start3A_227 : memref<640x128xf32, #tpu.memory_space<vmem_shared>>) target(%dma_start3A_225 : memref<640x128xf32, #tpu.memory_space<hbm>>) target_semaphore(%run_scoped3A_223 : memref<!tpu.dma_semaphore, #tpu.memory_space<semaphore_mem>>)
      %dma_wait3A = arith.constant 0 : i32
      %dma_wait3A_228 = tpu.memref_slice %arg9[%add3A_221, %dma_wait3A] : memref<102400x128xf32, #tpu.memory_space<hbm>> -> memref<640x128xf32, #tpu.memory_space<hbm>>
      %dma_wait3A_229 = arith.constant 0 : i32
      %dma_wait3A_230 = tpu.memref_slice %arg12[%mul3A_2, %dma_wait3A_229] : memref<10240x128xf32, #tpu.memory_space<vmem_shared>> -> memref<640x128xf32, #tpu.memory_space<vmem_shared>>
      tpu.wait_dma2 semaphore(%run_scoped3A_223 : memref<!tpu.dma_semaphore, #tpu.memory_space<semaphore_mem>>) src(%dma_wait3A_230 : memref<640x128xf32, #tpu.memory_space<vmem_shared>>) dst(%dma_wait3A_228 : memref<640x128xf32, #tpu.memory_space<hbm>>)
      tpu.yield
    }) : () -> ()
    %barrier3A_222 = arith.constant 0 : index
    tpu.barrier barrier_id(%barrier3A_222)
    return
  }
}

module attributes {stable_mosaic.version = 14 : i64} {
  func.func @body(%arg0: i32, %arg1: memref<1000x256xf32, #tpu.memory_space<vmem>>, %arg2: memref<256x768xf32, #tpu.memory_space<vmem>>, %arg3: memref<1x768xf32, #tpu.memory_space<vmem>>, %arg4: memref<1000x256xf32, #tpu.memory_space<vmem>>, %arg5: memref<1000x512xf32, #tpu.memory_space<vmem>>) attributes {dimension_semantics = [#tpu.dimension_semantics<arbitrary>], iteration_bounds = array<i64: 10>, scalar_prefetch = 0 : i64, scratch_operands = 0 : i64, tpu.core_type = #tpu.core_type<tc>, window_params = [{transform_indices = @transform_0, window_bounds = array<i64: 1000, 256>}, {pipeline_mode = #tpu.pipeline_mode<synchronous>, transform_indices = @transform_1, window_bounds = array<i64: 256, 768>}, {pipeline_mode = #tpu.pipeline_mode<synchronous>, transform_indices = @transform_2, window_bounds = array<i64: 1, 768>}, {transform_indices = @transform_3, window_bounds = array<i64: 1000, 256>}, {transform_indices = @transform_4, window_bounds = array<i64: 1000, 512>}]} {
    %get3A = arith.constant 0 : index
    %get3A_0 = arith.constant 0 : index
    %get3A_1 = vector.load %arg1[%get3A, %get3A_0] : memref<1000x256xf32, #tpu.memory_space<vmem>>, vector<1000x256xf32>
    %get3A_2 = arith.constant 0 : index
    %get3A_3 = arith.constant 0 : index
    %get3A_4 = vector.load %arg2[%get3A_2, %get3A_3] : memref<256x768xf32, #tpu.memory_space<vmem>>, vector<256x768xf32>
    %dot_general3A = arith.constant dense<0.000000e+00> : vector<1000x768xf32>
    %dot_general3A_5 = tpu.matmul %get3A_1, %get3A_4, %dot_general3A {dimension_numbers = #tpu.dot_dimension_numbers<[1], [0], [0], [1], [0, 0, 1, 1], [], []>, transpose_lhs_hint = false} : vector<1000x256xf32>, vector<256x768xf32>, vector<1000x768xf32> -> vector<1000x768xf32>
    %get3A_6 = arith.constant 0 : index
    %get3A_7 = arith.constant 0 : index
    %get3A_8 = vector.load %arg3[%get3A_6, %get3A_7] : memref<1x768xf32, #tpu.memory_space<vmem>>, vector<1x768xf32>
    %add3A = vector.broadcast %get3A_8 : vector<1x768xf32> to vector<1000x768xf32>
    %add3A_9 = arith.addf %dot_general3A_5, %add3A : vector<1000x768xf32>
    %slice3A = vector.extract_strided_slice %add3A_9 {offsets = [0, 0], sizes = [1000, 256], strides = [1, 1]} : vector<1000x768xf32> to vector<1000x256xf32>
    %swap3A = arith.constant 0 : index
    %swap3A_10 = arith.constant 0 : index
    %swap3A_11 = vector.load %arg4[%swap3A, %swap3A_10] : memref<1000x256xf32, #tpu.memory_space<vmem>>, vector<1000x256xf32>
    tpu.vector_store %arg4[%swap3A, %swap3A_10], %slice3A {strides = array<i32>} : memref<1000x256xf32, #tpu.memory_space<vmem>>, vector<1000x256xf32>,
    %slice3A_12 = vector.extract_strided_slice %add3A_9 {offsets = [0, 256], sizes = [1000, 512], strides = [1, 1]} : vector<1000x768xf32> to vector<1000x512xf32>
    %swap3A_13 = arith.constant 0 : index
    %swap3A_14 = arith.constant 0 : index
    %swap3A_15 = vector.load %arg5[%swap3A_13, %swap3A_14] : memref<1000x512xf32, #tpu.memory_space<vmem>>, vector<1000x512xf32>
    tpu.vector_store %arg5[%swap3A_13, %swap3A_14], %slice3A_12 {strides = array<i32>} : memref<1000x512xf32, #tpu.memory_space<vmem>>, vector<1000x512xf32>,
    return
  }
  func.func @transform_0(%arg0: i32) -> (i32, i32) {
    %c0_i32 = arith.constant 0 : i32
    %c0_i32_0 = arith.constant 0 : i32
    return %arg0, %c0_i32 : i32, i32
  }
  func.func @transform_1(%arg0: i32) -> (i32, i32) {
    %c0_i32 = arith.constant 0 : i32
    %c0_i32_0 = arith.constant 0 : i32
    %c0_i32_1 = arith.constant 0 : i32
    return %c0_i32, %c0_i32_0 : i32, i32
  }
  func.func @transform_2(%arg0: i32) -> (i32, i32) {
    %c0_i32 = arith.constant 0 : i32
    %c0_i32_0 = arith.constant 0 : i32
    %c0_i32_1 = arith.constant 0 : i32
    return %c0_i32, %c0_i32_0 : i32, i32
  }
  func.func @transform_3(%arg0: i32) -> (i32, i32) {
    %c0_i32 = arith.constant 0 : i32
    %c0_i32_0 = arith.constant 0 : i32
    return %arg0, %c0_i32 : i32, i32
  }
  func.func @transform_4(%arg0: i32) -> (i32, i32) {
    %c0_i32 = arith.constant 0 : i32
    %c0_i32_0 = arith.constant 0 : i32
    return %arg0, %c0_i32 : i32, i32
  }
}

module attributes {stable_mosaic.version = 14 : i64} {
  func.func @body(%arg0: i32, %arg1: memref<1000x256xf32, #tpu.memory_space<vmem>>, %arg2: memref<1000x512xf32, #tpu.memory_space<vmem>>, %arg3: memref<1000x256xf32, #tpu.memory_space<vmem>>, %arg4: memref<256x512xf32, #tpu.memory_space<vmem>>, %arg5: memref<1x512xf32, #tpu.memory_space<vmem>>, %arg6: memref<256x8xf32, #tpu.memory_space<vmem>>, %arg7: memref<8x256xf32, #tpu.memory_space<vmem>>, %arg8: memref<256x256xf32, #tpu.memory_space<vmem>>, %arg9: memref<1x256xf32, #tpu.memory_space<vmem>>, %arg10: memref<1000x128xf32, #tpu.memory_space<vmem>>, %arg11: memref<1000x128xf32, #tpu.memory_space<vmem>>, %arg12: memref<1000x128xf32, #tpu.memory_space<vmem>>, %arg13: memref<1000x128xf32, #tpu.memory_space<vmem>>, %arg14: memref<1000x128xf32, #tpu.memory_space<vmem>>, %arg15: memref<1000x256xf32, #tpu.memory_space<vmem>>, %arg16: memref<8x256xf32, #tpu.memory_space<vmem>>) attributes {dimension_semantics = [#tpu.dimension_semantics<arbitrary>], iteration_bounds = array<i64: 160>, scalar_prefetch = 0 : i64, scratch_operands = 0 : i64, tpu.core_type = #tpu.core_type<tc>, window_params = [{transform_indices = @transform_0, window_bounds = array<i64: 1000, 256>}, {transform_indices = @transform_1, window_bounds = array<i64: 1000, 512>}, {transform_indices = @transform_2, window_bounds = array<i64: 1000, 256>}, {pipeline_mode = #tpu.pipeline_mode<synchronous>, transform_indices = @transform_3, window_bounds = array<i64: 256, 512>}, {pipeline_mode = #tpu.pipeline_mode<synchronous>, transform_indices = @transform_4, window_bounds = array<i64: 1, 512>}, {pipeline_mode = #tpu.pipeline_mode<synchronous>, transform_indices = @transform_5, window_bounds = array<i64: 256, 8>}, {pipeline_mode = #tpu.pipeline_mode<synchronous>, transform_indices = @transform_6, window_bounds = array<i64: 8, 256>}, {pipeline_mode = #tpu.pipeline_mode<synchronous>, transform_indices = @transform_7, window_bounds = array<i64: 256, 256>}, {pipeline_mode = #tpu.pipeline_mode<synchronous>, transform_indices = @transform_8, window_bounds = array<i64: 1, 256>}, {transform_indices = @transform_9, window_bounds = array<i64: 1000, 128>}, {transform_indices = @transform_10, window_bounds = array<i64: 1000, 128>}, {transform_indices = @transform_11, window_bounds = array<i64: 1000, 128>}, {transform_indices = @transform_12, window_bounds = array<i64: 1000, 128>}, {transform_indices = @transform_13, window_bounds = array<i64: 1000, 128>}, {transform_indices = @transform_14, window_bounds = array<i64: 1000, 256>}, {pipeline_mode = #tpu.pipeline_mode<synchronous>, transform_indices = @transform_15, window_bounds = array<i64: 8, 256>}]} {
    %get3A = arith.constant 0 : index
    %get3A_0 = arith.constant 0 : index
    %get3A_1 = vector.load %arg1[%get3A, %get3A_0] : memref<1000x256xf32, #tpu.memory_space<vmem>>, vector<1000x256xf32>
    %get3A_2 = arith.constant 0 : index
    %get3A_3 = arith.constant 0 : index
    %get3A_4 = vector.load %arg4[%get3A_2, %get3A_3] : memref<256x512xf32, #tpu.memory_space<vmem>>, vector<256x512xf32>
    %dot_general3A = arith.constant dense<0.000000e+00> : vector<1000x512xf32>
    %dot_general3A_5 = tpu.matmul %get3A_1, %get3A_4, %dot_general3A {dimension_numbers = #tpu.dot_dimension_numbers<[1], [0], [0], [1], [0, 0, 1, 1], [], []>, transpose_lhs_hint = false} : vector<1000x256xf32>, vector<256x512xf32>, vector<1000x512xf32> -> vector<1000x512xf32>
    %get3A_6 = arith.constant 0 : index
    %get3A_7 = arith.constant 0 : index
    %get3A_8 = vector.load %arg5[%get3A_6, %get3A_7] : memref<1x512xf32, #tpu.memory_space<vmem>>, vector<1x512xf32>
    %add3A = vector.broadcast %get3A_8 : vector<1x512xf32> to vector<1000x512xf32>
    %add3A_9 = arith.addf %dot_general3A_5, %add3A : vector<1000x512xf32>
    %get3A_10 = arith.constant 0 : index
    %get3A_11 = arith.constant 0 : index
    %get3A_12 = vector.load %arg2[%get3A_10, %get3A_11] : memref<1000x512xf32, #tpu.memory_space<vmem>>, vector<1000x512xf32>
    %slice3A = vector.extract_strided_slice %get3A_12 {offsets = [0, 0], sizes = [1000, 256], strides = [1, 1]} : vector<1000x512xf32> to vector<1000x256xf32>
    %slice3A_13 = vector.extract_strided_slice %get3A_12 {offsets = [0, 256], sizes = [1000, 256], strides = [1, 1]} : vector<1000x512xf32> to vector<1000x256xf32>
    %slice3A_14 = vector.extract_strided_slice %add3A_9 {offsets = [0, 0], sizes = [1000, 256], strides = [1, 1]} : vector<1000x512xf32> to vector<1000x256xf32>
    %slice3A_15 = vector.extract_strided_slice %add3A_9 {offsets = [0, 256], sizes = [1000, 256], strides = [1, 1]} : vector<1000x512xf32> to vector<1000x256xf32>
    %get3A_16 = arith.constant 0 : index
    %get3A_17 = arith.constant 0 : index
    %get3A_18 = vector.load %arg3[%get3A_16, %get3A_17] : memref<1000x256xf32, #tpu.memory_space<vmem>>, vector<1000x256xf32>
    %add3A_19 = arith.addf %slice3A, %get3A_18 : vector<1000x256xf32>
    %mul3A = arith.mulf %add3A_19, %slice3A_14 : vector<1000x256xf32>
    %sign3A = tpu.bitcast %mul3A : vector<1000x256xf32> -> vector<1000x256xi32>
    %sign3A_20 = arith.constant -2147483648 : i32
    %sign3A_21 = vector.broadcast %sign3A_20 : i32 to vector<1000x256xi32>
    %sign3A_22 = arith.andi %sign3A, %sign3A_21 : vector<1000x256xi32>
    %sign3A_23 = arith.constant 1065353216 : i32
    %sign3A_24 = vector.broadcast %sign3A_23 : i32 to vector<1000x256xi32>
    %sign3A_25 = arith.ori %sign3A_24, %sign3A_22 : vector<1000x256xi32>
    %sign3A_26 = tpu.bitcast %sign3A_25 : vector<1000x256xi32> -> vector<1000x256xf32>
    %sign3A_27 = math.absf %mul3A : vector<1000x256xf32>
    %sign3A_28 = arith.constant 0.000000e+00 : f32
    %sign3A_29 = vector.broadcast %sign3A_28 : f32 to vector<1000x256xf32>
    %sign3A_30 = arith.cmpf ogt, %sign3A_27, %sign3A_29 : vector<1000x256xf32>
    %sign3A_31 = arith.select %sign3A_30, %sign3A_26, %mul3A : vector<1000x256xi1>, vector<1000x256xf32>
    %abs3A = math.absf %mul3A : vector<1000x256xf32>
    %sqrt3A = math.sqrt %abs3A : vector<1000x256xf32>
    %mul3A_32 = arith.mulf %sign3A_31, %sqrt3A : vector<1000x256xf32>
    %add3A_33 = arith.addf %mul3A_32, %slice3A_15 : vector<1000x256xf32>
    %max3A = arith.constant 0.000000e+00 : f32
    %max3A_34 = vector.broadcast %max3A : f32 to vector<1000x256xf32>
    %max3A_35 = arith.maximumf %add3A_33, %max3A_34 : vector<1000x256xf32>
    %get3A_36 = arith.constant 0 : index
    %get3A_37 = arith.constant 0 : index
    %get3A_38 = vector.load %arg6[%get3A_36, %get3A_37] : memref<256x8xf32, #tpu.memory_space<vmem>>, vector<256x8xf32>
    %dot_general3A_39 = arith.constant dense<0.000000e+00> : vector<1000x8xf32>
    %dot_general3A_40 = tpu.matmul %max3A_35, %get3A_38, %dot_general3A_39 {dimension_numbers = #tpu.dot_dimension_numbers<[1], [0], [0], [1], [0, 0, 1, 1], [], []>, transpose_lhs_hint = false} : vector<1000x256xf32>, vector<256x8xf32>, vector<1000x8xf32> -> vector<1000x8xf32>
    %jit3A = arith.constant -5.000000e+00 : f32
    %jit3A_41 = arith.constant 5.000000e+00 : f32
    %max3A_42 = vector.broadcast %jit3A : f32 to vector<1000x8xf32>
    %max3A_43 = arith.maximumf %max3A_42, %dot_general3A_40 : vector<1000x8xf32>
    %min3A = vector.broadcast %jit3A_41 : f32 to vector<1000x8xf32>
    %min3A_44 = arith.minimumf %min3A, %max3A_43 : vector<1000x8xf32>
    %sub3A = arith.constant 5.000000e+00 : f32
    %sub3A_45 = vector.broadcast %sub3A : f32 to vector<1000x8xf32>
    %sub3A_46 = arith.subf %min3A_44, %sub3A_45 : vector<1000x8xf32>
    %exp3A = math.exp %sub3A_46 : vector<1000x8xf32>
    %get3A_47 = arith.constant 0 : index
    %get3A_48 = arith.constant 0 : index
    %get3A_49 = vector.load %arg7[%get3A_47, %get3A_48] : memref<8x256xf32, #tpu.memory_space<vmem>>, vector<8x256xf32>
    %dot_general3A_50 = arith.constant dense<0.000000e+00> : vector<1000x256xf32>
    %dot_general3A_51 = tpu.matmul %exp3A, %get3A_49, %dot_general3A_50 {dimension_numbers = #tpu.dot_dimension_numbers<[1], [0], [0], [1], [0, 0, 1, 1], [], []>, transpose_lhs_hint = false} : vector<1000x8xf32>, vector<8x256xf32>, vector<1000x256xf32> -> vector<1000x256xf32>
    %mul3A_52 = arith.mulf %slice3A_13, %dot_general3A_51 : vector<1000x256xf32>
    %mul3A_53 = arith.mulf %max3A_35, %dot_general3A_51 : vector<1000x256xf32>
    %slice3A_54 = vector.extract_strided_slice %mul3A_52 {offsets = [0, 0], sizes = [1000, 128], strides = [1, 1]} : vector<1000x256xf32> to vector<1000x128xf32>
    %swap3A = arith.constant 0 : index
    %swap3A_55 = arith.constant 0 : index
    %swap3A_56 = vector.load %arg10[%swap3A, %swap3A_55] : memref<1000x128xf32, #tpu.memory_space<vmem>>, vector<1000x128xf32>
    tpu.vector_store %arg10[%swap3A, %swap3A_55], %slice3A_54 {strides = array<i32>} : memref<1000x128xf32, #tpu.memory_space<vmem>>, vector<1000x128xf32>,
    %slice3A_57 = vector.extract_strided_slice %mul3A_52 {offsets = [0, 128], sizes = [1000, 128], strides = [1, 1]} : vector<1000x256xf32> to vector<1000x128xf32>
    %swap3A_58 = arith.constant 0 : index
    %swap3A_59 = arith.constant 0 : index
    %swap3A_60 = vector.load %arg11[%swap3A_58, %swap3A_59] : memref<1000x128xf32, #tpu.memory_space<vmem>>, vector<1000x128xf32>
    tpu.vector_store %arg11[%swap3A_58, %swap3A_59], %slice3A_57 {strides = array<i32>} : memref<1000x128xf32, #tpu.memory_space<vmem>>, vector<1000x128xf32>,
    %slice3A_61 = vector.extract_strided_slice %mul3A_53 {offsets = [0, 0], sizes = [1000, 128], strides = [1, 1]} : vector<1000x256xf32> to vector<1000x128xf32>
    %swap3A_62 = arith.constant 0 : index
    %swap3A_63 = arith.constant 0 : index
    %swap3A_64 = vector.load %arg12[%swap3A_62, %swap3A_63] : memref<1000x128xf32, #tpu.memory_space<vmem>>, vector<1000x128xf32>
    tpu.vector_store %arg12[%swap3A_62, %swap3A_63], %slice3A_61 {strides = array<i32>} : memref<1000x128xf32, #tpu.memory_space<vmem>>, vector<1000x128xf32>,
    %slice3A_65 = vector.extract_strided_slice %mul3A_53 {offsets = [0, 128], sizes = [1000, 128], strides = [1, 1]} : vector<1000x256xf32> to vector<1000x128xf32>
    %swap3A_66 = arith.constant 0 : index
    %swap3A_67 = arith.constant 0 : index
    %swap3A_68 = vector.load %arg13[%swap3A_66, %swap3A_67] : memref<1000x128xf32, #tpu.memory_space<vmem>>, vector<1000x128xf32>
    tpu.vector_store %arg13[%swap3A_66, %swap3A_67], %slice3A_65 {strides = array<i32>} : memref<1000x128xf32, #tpu.memory_space<vmem>>, vector<1000x128xf32>,
    %broadcast_in_dim3A = arith.constant 1.000000e+00 : f32
    %broadcast_in_dim3A_69 = vector.broadcast %broadcast_in_dim3A : f32 to vector<1000x8xf32>
    %broadcast_in_dim3A_70 = arith.constant 0.000000e+00 : f32
    %broadcast_in_dim3A_71 = vector.broadcast %broadcast_in_dim3A_70 : f32 to vector<1000x112xf32>
    %concatenate3A = tpu.concatenate %exp3A, %broadcast_in_dim3A_69, %broadcast_in_dim3A_71 in 1 : vector<1000x8xf32>, vector<1000x8xf32>, vector<1000x112xf32> -> vector<1000x128xf32>
    %swap3A_72 = arith.constant 0 : index
    %swap3A_73 = arith.constant 0 : index
    %swap3A_74 = vector.load %arg14[%swap3A_72, %swap3A_73] : memref<1000x128xf32, #tpu.memory_space<vmem>>, vector<1000x128xf32>
    tpu.vector_store %arg14[%swap3A_72, %swap3A_73], %concatenate3A {strides = array<i32>} : memref<1000x128xf32, #tpu.memory_space<vmem>>, vector<1000x128xf32>,
    %get3A_75 = arith.constant 0 : index
    %get3A_76 = arith.constant 0 : index
    %get3A_77 = vector.load %arg8[%get3A_75, %get3A_76] : memref<256x256xf32, #tpu.memory_space<vmem>>, vector<256x256xf32>
    %dot_general3A_78 = arith.constant dense<0.000000e+00> : vector<1000x256xf32>
    %dot_general3A_79 = tpu.matmul %max3A_35, %get3A_77, %dot_general3A_78 {dimension_numbers = #tpu.dot_dimension_numbers<[1], [0], [0], [1], [0, 0, 1, 1], [], []>, transpose_lhs_hint = false} : vector<1000x256xf32>, vector<256x256xf32>, vector<1000x256xf32> -> vector<1000x256xf32>
    %add3A_80 = arith.addf %get3A_1, %dot_general3A_79 : vector<1000x256xf32>
    %get3A_81 = arith.constant 0 : index
    %get3A_82 = arith.constant 0 : index
    %get3A_83 = vector.load %arg9[%get3A_81, %get3A_82] : memref<1x256xf32, #tpu.memory_space<vmem>>, vector<1x256xf32>
    %add3A_84 = vector.broadcast %get3A_83 : vector<1x256xf32> to vector<1000x256xf32>
    %add3A_85 = arith.addf %add3A_80, %add3A_84 : vector<1000x256xf32>
    %swap3A_86 = arith.constant 0 : index
    %swap3A_87 = arith.constant 0 : index
    %swap3A_88 = vector.load %arg15[%swap3A_86, %swap3A_87] : memref<1000x256xf32, #tpu.memory_space<vmem>>, vector<1000x256xf32>
    tpu.vector_store %arg15[%swap3A_86, %swap3A_87], %add3A_85 {strides = array<i32>} : memref<1000x256xf32, #tpu.memory_space<vmem>>, vector<1000x256xf32>,
    %eq3A = arith.constant 0 : i32
    %eq3A_89 = arith.cmpi eq, %arg0, %eq3A : i32
    %convert_element_type3A = arith.extui %eq3A_89 : i1 to i32
    %cond3A = arith.constant 0 : i32
    %cond3A_90 = arith.cmpi ne, %convert_element_type3A, %cond3A : i32
    scf.if %cond3A_90 {
      %broadcast_in_dim3A_107 = arith.constant 0.000000e+00 : f32
      %broadcast_in_dim3A_108 = vector.broadcast %broadcast_in_dim3A_107 : f32 to vector<8x256xf32>
      %swap3A_109 = arith.constant 0 : index
      %swap3A_110 = arith.constant 0 : index
      %swap3A_111 = vector.load %arg16[%swap3A_109, %swap3A_110] : memref<8x256xf32, #tpu.memory_space<vmem>>, vector<8x256xf32>
      tpu.vector_store %arg16[%swap3A_109, %swap3A_110], %broadcast_in_dim3A_108 {strides = array<i32>} : memref<8x256xf32, #tpu.memory_space<vmem>>, vector<8x256xf32>,
    } else {
    }
    %get3A_91 = arith.constant 0 : index
    %get3A_92 = arith.constant 0 : index
    %get3A_93 = vector.load %arg16[%get3A_91, %get3A_92] : memref<8x256xf32, #tpu.memory_space<vmem>>, vector<8x256xf32>
    %reduce_sum3A = arith.constant dense<0.000000e+00> : vector<256xf32>
    %reduce_sum3A_94 = vector.multi_reduction <add>, %add3A_85, %reduce_sum3A [0] : vector<1000x256xf32> to vector<256xf32>
    %broadcast_in_dim3A_95 = vector.shape_cast %reduce_sum3A_94 : vector<256xf32> to vector<1x256xf32>
    %mul3A_96 = arith.mulf %add3A_85, %add3A_85 : vector<1000x256xf32>
    %reduce_sum3A_97 = arith.constant dense<0.000000e+00> : vector<256xf32>
    %reduce_sum3A_98 = vector.multi_reduction <add>, %mul3A_96, %reduce_sum3A_97 [0] : vector<1000x256xf32> to vector<256xf32>
    %broadcast_in_dim3A_99 = vector.shape_cast %reduce_sum3A_98 : vector<256xf32> to vector<1x256xf32>
    %broadcast_in_dim3A_100 = arith.constant 0.000000e+00 : f32
    %broadcast_in_dim3A_101 = vector.broadcast %broadcast_in_dim3A_100 : f32 to vector<6x256xf32>
    %concatenate3A_102 = tpu.concatenate %broadcast_in_dim3A_95, %broadcast_in_dim3A_99, %broadcast_in_dim3A_101 in 0 : vector<1x256xf32>, vector<1x256xf32>, vector<6x256xf32> -> vector<8x256xf32>
    %add3A_103 = arith.addf %get3A_93, %concatenate3A_102 : vector<8x256xf32>
    %swap3A_104 = arith.constant 0 : index
    %swap3A_105 = arith.constant 0 : index
    %swap3A_106 = vector.load %arg16[%swap3A_104, %swap3A_105] : memref<8x256xf32, #tpu.memory_space<vmem>>, vector<8x256xf32>
    tpu.vector_store %arg16[%swap3A_104, %swap3A_105], %add3A_103 {strides = array<i32>} : memref<8x256xf32, #tpu.memory_space<vmem>>, vector<8x256xf32>,
    return
  }
  func.func @transform_0(%arg0: i32) -> (i32, i32) {
    %c0_i32 = arith.constant 0 : i32
    %c0_i32_0 = arith.constant 0 : i32
    return %arg0, %c0_i32 : i32, i32
  }
  func.func @transform_1(%arg0: i32) -> (i32, i32) {
    %c0_i32 = arith.constant 0 : i32
    %c0_i32_0 = arith.constant 0 : i32
    return %arg0, %c0_i32 : i32, i32
  }
  func.func @transform_2(%arg0: i32) -> (i32, i32) {
    %c0_i32 = arith.constant 0 : i32
    %c0_i32_0 = arith.constant 0 : i32
    return %arg0, %c0_i32 : i32, i32
  }
  func.func @transform_3(%arg0: i32) -> (i32, i32) {
    %c0_i32 = arith.constant 0 : i32
    %c0_i32_0 = arith.constant 0 : i32
    %c0_i32_1 = arith.constant 0 : i32
    return %c0_i32, %c0_i32_0 : i32, i32
  }
  func.func @transform_4(%arg0: i32) -> (i32, i32) {
    %c0_i32 = arith.constant 0 : i32
    %c0_i32_0 = arith.constant 0 : i32
    %c0_i32_1 = arith.constant 0 : i32
    return %c0_i32, %c0_i32_0 : i32, i32
  }
  func.func @transform_5(%arg0: i32) -> (i32, i32) {
    %c0_i32 = arith.constant 0 : i32
    %c0_i32_0 = arith.constant 0 : i32
    %c0_i32_1 = arith.constant 0 : i32
    return %c0_i32, %c0_i32_0 : i32, i32
  }
  func.func @transform_6(%arg0: i32) -> (i32, i32) {
    %c0_i32 = arith.constant 0 : i32
    %c0_i32_0 = arith.constant 0 : i32
    %c0_i32_1 = arith.constant 0 : i32
    return %c0_i32, %c0_i32_0 : i32, i32
  }
  func.func @transform_7(%arg0: i32) -> (i32, i32) {
    %c0_i32 = arith.constant 0 : i32
    %c0_i32_0 = arith.constant 0 : i32
    %c0_i32_1 = arith.constant 0 : i32
    return %c0_i32, %c0_i32_0 : i32, i32
  }
  func.func @transform_8(%arg0: i32) -> (i32, i32) {
    %c0_i32 = arith.constant 0 : i32
    %c0_i32_0 = arith.constant 0 : i32
    %c0_i32_1 = arith.constant 0 : i32
    return %c0_i32, %c0_i32_0 : i32, i32
  }
  func.func @transform_9(%arg0: i32) -> (i32, i32) {
    %c0_i32 = arith.constant 0 : i32
    %c0_i32_0 = arith.constant 0 : i32
    return %arg0, %c0_i32 : i32, i32
  }
  func.func @transform_10(%arg0: i32) -> (i32, i32) {
    %c0_i32 = arith.constant 0 : i32
    %c0_i32_0 = arith.constant 0 : i32
    return %arg0, %c0_i32 : i32, i32
  }
  func.func @transform_11(%arg0: i32) -> (i32, i32) {
    %c0_i32 = arith.constant 0 : i32
    %c0_i32_0 = arith.constant 0 : i32
    return %arg0, %c0_i32 : i32, i32
  }
  func.func @transform_12(%arg0: i32) -> (i32, i32) {
    %c0_i32 = arith.constant 0 : i32
    %c0_i32_0 = arith.constant 0 : i32
    return %arg0, %c0_i32 : i32, i32
  }
  func.func @transform_13(%arg0: i32) -> (i32, i32) {
    %c0_i32 = arith.constant 0 : i32
    %c0_i32_0 = arith.constant 0 : i32
    return %arg0, %c0_i32 : i32, i32
  }
  func.func @transform_14(%arg0: i32) -> (i32, i32) {
    %c0_i32 = arith.constant 0 : i32
    %c0_i32_0 = arith.constant 0 : i32
    return %arg0, %c0_i32 : i32, i32
  }
  func.func @transform_15(%arg0: i32) -> (i32, i32) {
    %c0_i32 = arith.constant 0 : i32
    %c0_i32_0 = arith.constant 0 : i32
    %c0_i32_1 = arith.constant 0 : i32
    return %c0_i32, %c0_i32_0 : i32, i32
  }
}

module attributes {stable_mosaic.version = 14 : i64} {
  func.func @body(%arg0: i32, %arg1: memref<1000x256xf32, #tpu.memory_space<vmem>>, %arg2: memref<8x256xf32, #tpu.memory_space<vmem>>, %arg3: memref<2x256xf32, #tpu.memory_space<vmem>>, %arg4: memref<1000x256xf32, #tpu.memory_space<vmem>>) attributes {dimension_semantics = [#tpu.dimension_semantics<arbitrary>], iteration_bounds = array<i64: 160>, scalar_prefetch = 0 : i64, scratch_operands = 0 : i64, tpu.core_type = #tpu.core_type<tc>, window_params = [{transform_indices = @transform_0, window_bounds = array<i64: 1000, 256>}, {pipeline_mode = #tpu.pipeline_mode<synchronous>, transform_indices = @transform_1, window_bounds = array<i64: 8, 256>}, {pipeline_mode = #tpu.pipeline_mode<synchronous>, transform_indices = @transform_2, window_bounds = array<i64: 2, 256>}, {transform_indices = @transform_3, window_bounds = array<i64: 1000, 256>}]} {
    %get3A = arith.constant 0 : index
    %get3A_0 = arith.constant 0 : index
    %get3A_1 = vector.load %arg2[%get3A, %get3A_0] : memref<8x256xf32, #tpu.memory_space<vmem>>, vector<8x256xf32>
    %slice3A = vector.extract_strided_slice %get3A_1 {offsets = [0, 0], sizes = [1, 256], strides = [1, 1]} : vector<8x256xf32> to vector<1x256xf32>
    %mul3A = arith.constant 6.250000e-06 : f32
    %mul3A_2 = vector.broadcast %mul3A : f32 to vector<1x256xf32>
    %mul3A_3 = arith.mulf %slice3A, %mul3A_2 : vector<1x256xf32>
    %slice3A_4 = vector.extract_strided_slice %get3A_1 {offsets = [1, 0], sizes = [1, 256], strides = [1, 1]} : vector<8x256xf32> to vector<1x256xf32>
    %mul3A_5 = arith.constant 6.250000e-06 : f32
    %mul3A_6 = vector.broadcast %mul3A_5 : f32 to vector<1x256xf32>
    %mul3A_7 = arith.mulf %slice3A_4, %mul3A_6 : vector<1x256xf32>
    %mul3A_8 = arith.mulf %mul3A_3, %mul3A_3 : vector<1x256xf32>
    %sub3A = arith.subf %mul3A_7, %mul3A_8 : vector<1x256xf32>
    %add3A = arith.constant 9.99999974E-6 : f32
    %add3A_9 = vector.broadcast %add3A : f32 to vector<1x256xf32>
    %add3A_10 = arith.addf %sub3A, %add3A_9 : vector<1x256xf32>
    %rsqrt3A = math.rsqrt %add3A_10 : vector<1x256xf32>
    %get3A_11 = arith.constant 0 : index
    %get3A_12 = arith.constant 0 : index
    %get3A_13 = vector.load %arg3[%get3A_11, %get3A_12] : memref<2x256xf32, #tpu.memory_space<vmem>>, vector<1x256xf32>
    %get3A_14 = arith.constant 0 : index
    %get3A_15 = arith.constant 0 : index
    %get3A_16 = vector.load %arg1[%get3A_14, %get3A_15] : memref<1000x256xf32, #tpu.memory_space<vmem>>, vector<1000x256xf32>
    %sub3A_17 = vector.broadcast %mul3A_3 : vector<1x256xf32> to vector<1000x256xf32>
    %sub3A_18 = arith.subf %get3A_16, %sub3A_17 : vector<1000x256xf32>
    %mul3A_19 = vector.broadcast %get3A_13 : vector<1x256xf32> to vector<1000x256xf32>
    %mul3A_20 = arith.mulf %mul3A_19, %sub3A_18 : vector<1000x256xf32>
    %mul3A_21 = vector.broadcast %rsqrt3A : vector<1x256xf32> to vector<1000x256xf32>
    %mul3A_22 = arith.mulf %mul3A_20, %mul3A_21 : vector<1000x256xf32>
    %get3A_23 = arith.constant 1 : index
    %get3A_24 = arith.constant 0 : index
    %get3A_25 = vector.load %arg3[%get3A_23, %get3A_24] : memref<2x256xf32, #tpu.memory_space<vmem>>, vector<1x256xf32>
    %add3A_26 = vector.broadcast %get3A_25 : vector<1x256xf32> to vector<1000x256xf32>
    %add3A_27 = arith.addf %mul3A_22, %add3A_26 : vector<1000x256xf32>
    %swap3A = arith.constant 0 : index
    %swap3A_28 = arith.constant 0 : index
    %swap3A_29 = vector.load %arg4[%swap3A, %swap3A_28] : memref<1000x256xf32, #tpu.memory_space<vmem>>, vector<1000x256xf32>
    tpu.vector_store %arg4[%swap3A, %swap3A_28], %add3A_27 {strides = array<i32>} : memref<1000x256xf32, #tpu.memory_space<vmem>>, vector<1000x256xf32>,
    return
  }
  func.func @transform_0(%arg0: i32) -> (i32, i32) {
    %c0_i32 = arith.constant 0 : i32
    %c0_i32_0 = arith.constant 0 : i32
    return %arg0, %c0_i32 : i32, i32
  }
  func.func @transform_1(%arg0: i32) -> (i32, i32) {
    %c0_i32 = arith.constant 0 : i32
    %c0_i32_0 = arith.constant 0 : i32
    %c0_i32_1 = arith.constant 0 : i32
    return %c0_i32, %c0_i32_0 : i32, i32
  }
  func.func @transform_2(%arg0: i32) -> (i32, i32) {
    %c0_i32 = arith.constant 0 : i32
    %c0_i32_0 = arith.constant 0 : i32
    %c0_i32_1 = arith.constant 0 : i32
    return %c0_i32, %c0_i32_0 : i32, i32
  }
  func.func @transform_3(%arg0: i32) -> (i32, i32) {
    %c0_i32 = arith.constant 0 : i32
    %c0_i32_0 = arith.constant 0 : i32
    return %arg0, %c0_i32 : i32, i32
  }
}

module attributes {stable_mosaic.version = 14 : i64} {
  func.func @body(%arg0: i32, %arg1: memref<2x1000x128xf32, #tpu.memory_space<vmem>>, %arg2: memref<2x1000x128xf32, #tpu.memory_space<vmem>>, %arg3: memref<2x1000x128xf32, #tpu.memory_space<vmem>>, %arg4: memref<2x1000x128xf32, #tpu.memory_space<vmem>>, %arg5: memref<2x1000x128xf32, #tpu.memory_space<vmem>>, %arg6: memref<1000x256xf32, #tpu.memory_space<vmem>>, %arg7: memref<8x256xf32, #tpu.memory_space<vmem>>, %arg8: memref<256x256xf32, #tpu.memory_space<vmem>>, %arg9: memref<2x256xf32, #tpu.memory_space<vmem>>, %arg10: memref<256x256xf32, #tpu.memory_space<vmem>>, %arg11: memref<1x256xf32, #tpu.memory_space<vmem>>, %arg12: memref<1000x256xf32, #tpu.memory_space<vmem>>) attributes {dimension_semantics = [#tpu.dimension_semantics<arbitrary>], iteration_bounds = array<i64: 10>, scalar_prefetch = 0 : i64, scratch_operands = 0 : i64, tpu.core_type = #tpu.core_type<tc>, window_params = [{transform_indices = @transform_0, window_bounds = array<i64: 2, 1000, 128>}, {transform_indices = @transform_1, window_bounds = array<i64: 2, 1000, 128>}, {transform_indices = @transform_2, window_bounds = array<i64: 2, 1000, 128>}, {transform_indices = @transform_3, window_bounds = array<i64: 2, 1000, 128>}, {transform_indices = @transform_4, window_bounds = array<i64: 2, 1000, 128>}, {transform_indices = @transform_5, window_bounds = array<i64: 1000, 256>}, {pipeline_mode = #tpu.pipeline_mode<synchronous>, transform_indices = @transform_6, window_bounds = array<i64: 8, 256>}, {pipeline_mode = #tpu.pipeline_mode<synchronous>, transform_indices = @transform_7, window_bounds = array<i64: 256, 256>}, {pipeline_mode = #tpu.pipeline_mode<synchronous>, transform_indices = @transform_8, window_bounds = array<i64: 2, 256>}, {pipeline_mode = #tpu.pipeline_mode<synchronous>, transform_indices = @transform_9, window_bounds = array<i64: 256, 256>}, {pipeline_mode = #tpu.pipeline_mode<synchronous>, transform_indices = @transform_10, window_bounds = array<i64: 1, 256>}, {transform_indices = @transform_11, window_bounds = array<i64: 1000, 256>}]} {
    %get3A = arith.constant 0 : index
    %get3A_0 = arith.constant 0 : index
    %get3A_1 = arith.constant 0 : index
    %get3A_2 = vector.load %arg1[%get3A, %get3A_0, %get3A_1] : memref<2x1000x128xf32, #tpu.memory_space<vmem>>, vector<1x1000x128xf32>
    %get3A_3 = vector.shape_cast %get3A_2 : vector<1x1000x128xf32> to vector<1000x128xf32>
    %get3A_4 = arith.constant 1 : index
    %get3A_5 = arith.constant 0 : index
    %get3A_6 = arith.constant 0 : index
    %get3A_7 = vector.load %arg1[%get3A_4, %get3A_5, %get3A_6] : memref<2x1000x128xf32, #tpu.memory_space<vmem>>, vector<1x1000x128xf32>
    %get3A_8 = vector.shape_cast %get3A_7 : vector<1x1000x128xf32> to vector<1000x128xf32>
    %add3A = arith.addf %get3A_3, %get3A_8 : vector<1000x128xf32>
    %get3A_9 = arith.constant 0 : index
    %get3A_10 = arith.constant 0 : index
    %get3A_11 = arith.constant 0 : index
    %get3A_12 = vector.load %arg2[%get3A_9, %get3A_10, %get3A_11] : memref<2x1000x128xf32, #tpu.memory_space<vmem>>, vector<1x1000x128xf32>
    %get3A_13 = vector.shape_cast %get3A_12 : vector<1x1000x128xf32> to vector<1000x128xf32>
    %get3A_14 = arith.constant 1 : index
    %get3A_15 = arith.constant 0 : index
    %get3A_16 = arith.constant 0 : index
    %get3A_17 = vector.load %arg2[%get3A_14, %get3A_15, %get3A_16] : memref<2x1000x128xf32, #tpu.memory_space<vmem>>, vector<1x1000x128xf32>
    %get3A_18 = vector.shape_cast %get3A_17 : vector<1x1000x128xf32> to vector<1000x128xf32>
    %add3A_19 = arith.addf %get3A_13, %get3A_18 : vector<1000x128xf32>
    %concatenate3A = tpu.concatenate %add3A, %add3A_19 in 1 : vector<1000x128xf32>, vector<1000x128xf32> -> vector<1000x256xf32>
    %get3A_20 = arith.constant 0 : index
    %get3A_21 = arith.constant 0 : index
    %get3A_22 = arith.constant 0 : index
    %get3A_23 = vector.load %arg3[%get3A_20, %get3A_21, %get3A_22] : memref<2x1000x128xf32, #tpu.memory_space<vmem>>, vector<1x1000x128xf32>
    %get3A_24 = vector.shape_cast %get3A_23 : vector<1x1000x128xf32> to vector<1000x128xf32>
    %get3A_25 = arith.constant 1 : index
    %get3A_26 = arith.constant 0 : index
    %get3A_27 = arith.constant 0 : index
    %get3A_28 = vector.load %arg3[%get3A_25, %get3A_26, %get3A_27] : memref<2x1000x128xf32, #tpu.memory_space<vmem>>, vector<1x1000x128xf32>
    %get3A_29 = vector.shape_cast %get3A_28 : vector<1x1000x128xf32> to vector<1000x128xf32>
    %add3A_30 = arith.addf %get3A_24, %get3A_29 : vector<1000x128xf32>
    %get3A_31 = arith.constant 0 : index
    %get3A_32 = arith.constant 0 : index
    %get3A_33 = arith.constant 0 : index
    %get3A_34 = vector.load %arg4[%get3A_31, %get3A_32, %get3A_33] : memref<2x1000x128xf32, #tpu.memory_space<vmem>>, vector<1x1000x128xf32>
    %get3A_35 = vector.shape_cast %get3A_34 : vector<1x1000x128xf32> to vector<1000x128xf32>
    %get3A_36 = arith.constant 1 : index
    %get3A_37 = arith.constant 0 : index
    %get3A_38 = arith.constant 0 : index
    %get3A_39 = vector.load %arg4[%get3A_36, %get3A_37, %get3A_38] : memref<2x1000x128xf32, #tpu.memory_space<vmem>>, vector<1x1000x128xf32>
    %get3A_40 = vector.shape_cast %get3A_39 : vector<1x1000x128xf32> to vector<1000x128xf32>
    %add3A_41 = arith.addf %get3A_35, %get3A_40 : vector<1000x128xf32>
    %concatenate3A_42 = tpu.concatenate %add3A_30, %add3A_41 in 1 : vector<1000x128xf32>, vector<1000x128xf32> -> vector<1000x256xf32>
    %get3A_43 = arith.constant 0 : index
    %get3A_44 = arith.constant 0 : index
    %get3A_45 = arith.constant 0 : index
    %get3A_46 = vector.load %arg5[%get3A_43, %get3A_44, %get3A_45] : memref<2x1000x128xf32, #tpu.memory_space<vmem>>, vector<1x1000x128xf32>
    %get3A_47 = vector.shape_cast %get3A_46 : vector<1x1000x128xf32> to vector<1000x128xf32>
    %get3A_48 = arith.constant 1 : index
    %get3A_49 = arith.constant 0 : index
    %get3A_50 = arith.constant 0 : index
    %get3A_51 = vector.load %arg5[%get3A_48, %get3A_49, %get3A_50] : memref<2x1000x128xf32, #tpu.memory_space<vmem>>, vector<1x1000x128xf32>
    %get3A_52 = vector.shape_cast %get3A_51 : vector<1x1000x128xf32> to vector<1000x128xf32>
    %add3A_53 = arith.addf %get3A_47, %get3A_52 : vector<1000x128xf32>
    %slice3A = vector.extract_strided_slice %add3A_53 {offsets = [0, 0], sizes = [1000, 8], strides = [1, 1]} : vector<1000x128xf32> to vector<1000x8xf32>
    %slice3A_54 = vector.extract_strided_slice %add3A_53 {offsets = [0, 8], sizes = [1000, 1], strides = [1, 1]} : vector<1000x128xf32> to vector<1000x1xf32>
    %get3A_55 = arith.constant 0 : index
    %get3A_56 = arith.constant 0 : index
    %get3A_57 = vector.load %arg7[%get3A_55, %get3A_56] : memref<8x256xf32, #tpu.memory_space<vmem>>, vector<8x256xf32>
    %dot_general3A = arith.constant dense<0.000000e+00> : vector<1000x256xf32>
    %dot_general3A_58 = tpu.matmul %slice3A, %get3A_57, %dot_general3A {dimension_numbers = #tpu.dot_dimension_numbers<[1], [0], [0], [1], [0, 0, 1, 1], [], []>, transpose_lhs_hint = false} : vector<1000x8xf32>, vector<8x256xf32>, vector<1000x256xf32> -> vector<1000x256xf32>
    %add3A_59 = arith.constant 1.000000e-16 : f32
    %add3A_60 = vector.broadcast %add3A_59 : f32 to vector<1000x256xf32>
    %add3A_61 = arith.addf %dot_general3A_58, %add3A_60 : vector<1000x256xf32>
    %div3A = arith.divf %concatenate3A, %add3A_61 : vector<1000x256xf32>
    %div3A_62 = arith.divf %concatenate3A_42, %add3A_61 : vector<1000x256xf32>
    %get3A_63 = arith.constant 0 : index
    %get3A_64 = arith.constant 0 : index
    %get3A_65 = vector.load %arg8[%get3A_63, %get3A_64] : memref<256x256xf32, #tpu.memory_space<vmem>>, vector<256x256xf32>
    %dot_general3A_66 = arith.constant dense<0.000000e+00> : vector<1000x256xf32>
    %dot_general3A_67 = tpu.matmul %div3A_62, %get3A_65, %dot_general3A_66 {dimension_numbers = #tpu.dot_dimension_numbers<[1], [0], [0], [1], [0, 0, 1, 1], [], []>, transpose_lhs_hint = false} : vector<1000x256xf32>, vector<256x256xf32>, vector<1000x256xf32> -> vector<1000x256xf32>
    %add3A_68 = arith.addf %div3A, %dot_general3A_67 : vector<1000x256xf32>
    %add3A_69 = arith.constant 1.000000e+00 : f32
    %add3A_70 = vector.broadcast %add3A_69 : f32 to vector<1000x1xf32>
    %add3A_71 = arith.addf %slice3A_54, %add3A_70 : vector<1000x1xf32>
    %log3A = math.log %add3A_71 : vector<1000x1xf32>
    %get3A_72 = arith.constant 0 : index
    %get3A_73 = arith.constant 0 : index
    %get3A_74 = vector.load %arg9[%get3A_72, %get3A_73] : memref<2x256xf32, #tpu.memory_space<vmem>>, vector<1x256xf32>
    %mul3A = vector.broadcast %get3A_74 : vector<1x256xf32> to vector<1000x256xf32>
    %mul3A_75 = arith.mulf %add3A_68, %mul3A : vector<1000x256xf32>
    %mul3A_76 = vector.broadcast %log3A : vector<1000x1xf32> to vector<1000x256xf32>
    %mul3A_77 = arith.mulf %add3A_68, %mul3A_76 : vector<1000x256xf32>
    %get3A_78 = arith.constant 1 : index
    %get3A_79 = arith.constant 0 : index
    %get3A_80 = vector.load %arg9[%get3A_78, %get3A_79] : memref<2x256xf32, #tpu.memory_space<vmem>>, vector<1x256xf32>
    %mul3A_81 = vector.broadcast %get3A_80 : vector<1x256xf32> to vector<1000x256xf32>
    %mul3A_82 = arith.mulf %mul3A_77, %mul3A_81 : vector<1000x256xf32>
    %add3A_83 = arith.addf %mul3A_75, %mul3A_82 : vector<1000x256xf32>
    %get3A_84 = arith.constant 0 : index
    %get3A_85 = arith.constant 0 : index
    %get3A_86 = vector.load %arg6[%get3A_84, %get3A_85] : memref<1000x256xf32, #tpu.memory_space<vmem>>, vector<1000x256xf32>
    %get3A_87 = arith.constant 0 : index
    %get3A_88 = arith.constant 0 : index
    %get3A_89 = vector.load %arg10[%get3A_87, %get3A_88] : memref<256x256xf32, #tpu.memory_space<vmem>>, vector<256x256xf32>
    %dot_general3A_90 = arith.constant dense<0.000000e+00> : vector<1000x256xf32>
    %dot_general3A_91 = tpu.matmul %add3A_83, %get3A_89, %dot_general3A_90 {dimension_numbers = #tpu.dot_dimension_numbers<[1], [0], [0], [1], [0, 0, 1, 1], [], []>, transpose_lhs_hint = false} : vector<1000x256xf32>, vector<256x256xf32>, vector<1000x256xf32> -> vector<1000x256xf32>
    %add3A_92 = arith.addf %get3A_86, %dot_general3A_91 : vector<1000x256xf32>
    %get3A_93 = arith.constant 0 : index
    %get3A_94 = arith.constant 0 : index
    %get3A_95 = vector.load %arg11[%get3A_93, %get3A_94] : memref<1x256xf32, #tpu.memory_space<vmem>>, vector<1x256xf32>
    %add3A_96 = vector.broadcast %get3A_95 : vector<1x256xf32> to vector<1000x256xf32>
    %add3A_97 = arith.addf %add3A_92, %add3A_96 : vector<1000x256xf32>
    %swap3A = arith.constant 0 : index
    %swap3A_98 = arith.constant 0 : index
    %swap3A_99 = vector.load %arg12[%swap3A, %swap3A_98] : memref<1000x256xf32, #tpu.memory_space<vmem>>, vector<1000x256xf32>
    tpu.vector_store %arg12[%swap3A, %swap3A_98], %add3A_97 {strides = array<i32>} : memref<1000x256xf32, #tpu.memory_space<vmem>>, vector<1000x256xf32>,
    return
  }
  func.func @transform_0(%arg0: i32) -> (i32, i32, i32) {
    %c0_i32 = arith.constant 0 : i32
    %c0_i32_0 = arith.constant 0 : i32
    %c0_i32_1 = arith.constant 0 : i32
    return %c0_i32, %arg0, %c0_i32_0 : i32, i32, i32
  }
  func.func @transform_1(%arg0: i32) -> (i32, i32, i32) {
    %c0_i32 = arith.constant 0 : i32
    %c0_i32_0 = arith.constant 0 : i32
    %c0_i32_1 = arith.constant 0 : i32
    return %c0_i32, %arg0, %c0_i32_0 : i32, i32, i32
  }
  func.func @transform_2(%arg0: i32) -> (i32, i32, i32) {
    %c0_i32 = arith.constant 0 : i32
    %c0_i32_0 = arith.constant 0 : i32
    %c0_i32_1 = arith.constant 0 : i32
    return %c0_i32, %arg0, %c0_i32_0 : i32, i32, i32
  }
  func.func @transform_3(%arg0: i32) -> (i32, i32, i32) {
    %c0_i32 = arith.constant 0 : i32
    %c0_i32_0 = arith.constant 0 : i32
    %c0_i32_1 = arith.constant 0 : i32
    return %c0_i32, %arg0, %c0_i32_0 : i32, i32, i32
  }
  func.func @transform_4(%arg0: i32) -> (i32, i32, i32) {
    %c0_i32 = arith.constant 0 : i32
    %c0_i32_0 = arith.constant 0 : i32
    %c0_i32_1 = arith.constant 0 : i32
    return %c0_i32, %arg0, %c0_i32_0 : i32, i32, i32
  }
  func.func @transform_5(%arg0: i32) -> (i32, i32) {
    %c0_i32 = arith.constant 0 : i32
    %c0_i32_0 = arith.constant 0 : i32
    return %arg0, %c0_i32 : i32, i32
  }
  func.func @transform_6(%arg0: i32) -> (i32, i32) {
    %c0_i32 = arith.constant 0 : i32
    %c0_i32_0 = arith.constant 0 : i32
    %c0_i32_1 = arith.constant 0 : i32
    return %c0_i32, %c0_i32_0 : i32, i32
  }
  func.func @transform_7(%arg0: i32) -> (i32, i32) {
    %c0_i32 = arith.constant 0 : i32
    %c0_i32_0 = arith.constant 0 : i32
    %c0_i32_1 = arith.constant 0 : i32
    return %c0_i32, %c0_i32_0 : i32, i32
  }
  func.func @transform_8(%arg0: i32) -> (i32, i32) {
    %c0_i32 = arith.constant 0 : i32
    %c0_i32_0 = arith.constant 0 : i32
    %c0_i32_1 = arith.constant 0 : i32
    return %c0_i32, %c0_i32_0 : i32, i32
  }
  func.func @transform_9(%arg0: i32) -> (i32, i32) {
    %c0_i32 = arith.constant 0 : i32
    %c0_i32_0 = arith.constant 0 : i32
    %c0_i32_1 = arith.constant 0 : i32
    return %c0_i32, %c0_i32_0 : i32, i32
  }
  func.func @transform_10(%arg0: i32) -> (i32, i32) {
    %c0_i32 = arith.constant 0 : i32
    %c0_i32_0 = arith.constant 0 : i32
    %c0_i32_1 = arith.constant 0 : i32
    return %c0_i32, %c0_i32_0 : i32, i32
  }
  func.func @transform_11(%arg0: i32) -> (i32, i32) {
    %c0_i32 = arith.constant 0 : i32
    %c0_i32_0 = arith.constant 0 : i32
    return %arg0, %c0_i32 : i32, i32
  }
}

module attributes {stable_mosaic.version = 14 : i64} {
  func.func @body(%arg0: i32, %arg1: memref<1000x256xf32, #tpu.memory_space<vmem>>, %arg2: memref<8x256xf32, #tpu.memory_space<vmem>>) attributes {dimension_semantics = [#tpu.dimension_semantics<arbitrary>], iteration_bounds = array<i64: 10>, scalar_prefetch = 0 : i64, scratch_operands = 0 : i64, tpu.core_type = #tpu.core_type<tc>, window_params = [{transform_indices = @transform_0, window_bounds = array<i64: 1000, 256>}, {pipeline_mode = #tpu.pipeline_mode<synchronous>, transform_indices = @transform_1, window_bounds = array<i64: 8, 256>}]} {
    %eq3A = arith.constant 0 : i32
    %eq3A_0 = arith.cmpi eq, %arg0, %eq3A : i32
    %convert_element_type3A = arith.extui %eq3A_0 : i1 to i32
    %cond3A = arith.constant 0 : i32
    %cond3A_1 = arith.cmpi ne, %convert_element_type3A, %cond3A : i32
    scf.if %cond3A_1 {
      %broadcast_in_dim3A_15 = arith.constant 0.000000e+00 : f32
      %broadcast_in_dim3A_16 = vector.broadcast %broadcast_in_dim3A_15 : f32 to vector<8x256xf32>
      %swap3A_17 = arith.constant 0 : index
      %swap3A_18 = arith.constant 0 : index
      %swap3A_19 = vector.load %arg2[%swap3A_17, %swap3A_18] : memref<8x256xf32, #tpu.memory_space<vmem>>, vector<8x256xf32>
      tpu.vector_store %arg2[%swap3A_17, %swap3A_18], %broadcast_in_dim3A_16 {strides = array<i32>} : memref<8x256xf32, #tpu.memory_space<vmem>>, vector<8x256xf32>,
    } else {
    }
    %get3A = arith.constant 0 : index
    %get3A_2 = arith.constant 0 : index
    %get3A_3 = vector.load %arg1[%get3A, %get3A_2] : memref<1000x256xf32, #tpu.memory_space<vmem>>, vector<1000x256xf32>
    %reduce_sum3A = arith.constant dense<0.000000e+00> : vector<256xf32>
    %reduce_sum3A_4 = vector.multi_reduction <add>, %get3A_3, %reduce_sum3A [0] : vector<1000x256xf32> to vector<256xf32>
    %broadcast_in_dim3A = vector.shape_cast %reduce_sum3A_4 : vector<256xf32> to vector<1x256xf32>
    %mul3A = arith.mulf %get3A_3, %get3A_3 : vector<1000x256xf32>
    %reduce_sum3A_5 = arith.constant dense<0.000000e+00> : vector<256xf32>
    %reduce_sum3A_6 = vector.multi_reduction <add>, %mul3A, %reduce_sum3A_5 [0] : vector<1000x256xf32> to vector<256xf32>
    %broadcast_in_dim3A_7 = vector.shape_cast %reduce_sum3A_6 : vector<256xf32> to vector<1x256xf32>
    %broadcast_in_dim3A_8 = arith.constant 0.000000e+00 : f32
    %broadcast_in_dim3A_9 = vector.broadcast %broadcast_in_dim3A_8 : f32 to vector<6x256xf32>
    %concatenate3A = tpu.concatenate %broadcast_in_dim3A, %broadcast_in_dim3A_7, %broadcast_in_dim3A_9 in 0 : vector<1x256xf32>, vector<1x256xf32>, vector<6x256xf32> -> vector<8x256xf32>
    %get3A_10 = arith.constant 0 : index
    %get3A_11 = arith.constant 0 : index
    %get3A_12 = vector.load %arg2[%get3A_10, %get3A_11] : memref<8x256xf32, #tpu.memory_space<vmem>>, vector<8x256xf32>
    %add3A = arith.addf %get3A_12, %concatenate3A : vector<8x256xf32>
    %swap3A = arith.constant 0 : index
    %swap3A_13 = arith.constant 0 : index
    %swap3A_14 = vector.load %arg2[%swap3A, %swap3A_13] : memref<8x256xf32, #tpu.memory_space<vmem>>, vector<8x256xf32>
    tpu.vector_store %arg2[%swap3A, %swap3A_13], %add3A {strides = array<i32>} : memref<8x256xf32, #tpu.memory_space<vmem>>, vector<8x256xf32>,
    return
  }
  func.func @transform_0(%arg0: i32) -> (i32, i32) {
    %c0_i32 = arith.constant 0 : i32
    %c0_i32_0 = arith.constant 0 : i32
    return %arg0, %c0_i32 : i32, i32
  }
  func.func @transform_1(%arg0: i32) -> (i32, i32) {
    %c0_i32 = arith.constant 0 : i32
    %c0_i32_0 = arith.constant 0 : i32
    %c0_i32_1 = arith.constant 0 : i32
    return %c0_i32, %c0_i32_0 : i32, i32
  }
}

module attributes {stable_mosaic.version = 14 : i64} {
  func.func @body(%arg0: i32, %arg1: memref<1000x256xf32, #tpu.memory_space<vmem>>, %arg2: memref<8x256xf32, #tpu.memory_space<vmem>>, %arg3: memref<2x256xf32, #tpu.memory_space<vmem>>, %arg4: memref<256x512xf32, #tpu.memory_space<vmem>>, %arg5: memref<1x512xf32, #tpu.memory_space<vmem>>, %arg6: memref<512x256xf32, #tpu.memory_space<vmem>>, %arg7: memref<1x256xf32, #tpu.memory_space<vmem>>, %arg8: memref<1000x256xf32, #tpu.memory_space<vmem>>, %arg9: memref<8x256xf32, #tpu.memory_space<vmem>>) attributes {dimension_semantics = [#tpu.dimension_semantics<arbitrary>], iteration_bounds = array<i64: 10>, scalar_prefetch = 0 : i64, scratch_operands = 0 : i64, tpu.core_type = #tpu.core_type<tc>, window_params = [{transform_indices = @transform_0, window_bounds = array<i64: 1000, 256>}, {pipeline_mode = #tpu.pipeline_mode<synchronous>, transform_indices = @transform_1, window_bounds = array<i64: 8, 256>}, {pipeline_mode = #tpu.pipeline_mode<synchronous>, transform_indices = @transform_2, window_bounds = array<i64: 2, 256>}, {pipeline_mode = #tpu.pipeline_mode<synchronous>, transform_indices = @transform_3, window_bounds = array<i64: 256, 512>}, {pipeline_mode = #tpu.pipeline_mode<synchronous>, transform_indices = @transform_4, window_bounds = array<i64: 1, 512>}, {pipeline_mode = #tpu.pipeline_mode<synchronous>, transform_indices = @transform_5, window_bounds = array<i64: 512, 256>}, {pipeline_mode = #tpu.pipeline_mode<synchronous>, transform_indices = @transform_6, window_bounds = array<i64: 1, 256>}, {transform_indices = @transform_7, window_bounds = array<i64: 1000, 256>}, {pipeline_mode = #tpu.pipeline_mode<synchronous>, transform_indices = @transform_8, window_bounds = array<i64: 8, 256>}]} {
    %get3A = arith.constant 0 : index
    %get3A_0 = arith.constant 0 : index
    %get3A_1 = vector.load %arg2[%get3A, %get3A_0] : memref<8x256xf32, #tpu.memory_space<vmem>>, vector<8x256xf32>
    %slice3A = vector.extract_strided_slice %get3A_1 {offsets = [0, 0], sizes = [1, 256], strides = [1, 1]} : vector<8x256xf32> to vector<1x256xf32>
    %mul3A = arith.constant 9.99999974E-5 : f32
    %mul3A_2 = vector.broadcast %mul3A : f32 to vector<1x256xf32>
    %mul3A_3 = arith.mulf %slice3A, %mul3A_2 : vector<1x256xf32>
    %slice3A_4 = vector.extract_strided_slice %get3A_1 {offsets = [1, 0], sizes = [1, 256], strides = [1, 1]} : vector<8x256xf32> to vector<1x256xf32>
    %mul3A_5 = arith.constant 9.99999974E-5 : f32
    %mul3A_6 = vector.broadcast %mul3A_5 : f32 to vector<1x256xf32>
    %mul3A_7 = arith.mulf %slice3A_4, %mul3A_6 : vector<1x256xf32>
    %mul3A_8 = arith.mulf %mul3A_3, %mul3A_3 : vector<1x256xf32>
    %sub3A = arith.subf %mul3A_7, %mul3A_8 : vector<1x256xf32>
    %add3A = arith.constant 9.99999974E-6 : f32
    %add3A_9 = vector.broadcast %add3A : f32 to vector<1x256xf32>
    %add3A_10 = arith.addf %sub3A, %add3A_9 : vector<1x256xf32>
    %rsqrt3A = math.rsqrt %add3A_10 : vector<1x256xf32>
    %get3A_11 = arith.constant 0 : index
    %get3A_12 = arith.constant 0 : index
    %get3A_13 = vector.load %arg3[%get3A_11, %get3A_12] : memref<2x256xf32, #tpu.memory_space<vmem>>, vector<1x256xf32>
    %get3A_14 = arith.constant 0 : index
    %get3A_15 = arith.constant 0 : index
    %get3A_16 = vector.load %arg1[%get3A_14, %get3A_15] : memref<1000x256xf32, #tpu.memory_space<vmem>>, vector<1000x256xf32>
    %sub3A_17 = vector.broadcast %mul3A_3 : vector<1x256xf32> to vector<1000x256xf32>
    %sub3A_18 = arith.subf %get3A_16, %sub3A_17 : vector<1000x256xf32>
    %mul3A_19 = vector.broadcast %get3A_13 : vector<1x256xf32> to vector<1000x256xf32>
    %mul3A_20 = arith.mulf %mul3A_19, %sub3A_18 : vector<1000x256xf32>
    %mul3A_21 = vector.broadcast %rsqrt3A : vector<1x256xf32> to vector<1000x256xf32>
    %mul3A_22 = arith.mulf %mul3A_20, %mul3A_21 : vector<1000x256xf32>
    %get3A_23 = arith.constant 1 : index
    %get3A_24 = arith.constant 0 : index
    %get3A_25 = vector.load %arg3[%get3A_23, %get3A_24] : memref<2x256xf32, #tpu.memory_space<vmem>>, vector<1x256xf32>
    %add3A_26 = vector.broadcast %get3A_25 : vector<1x256xf32> to vector<1000x256xf32>
    %add3A_27 = arith.addf %mul3A_22, %add3A_26 : vector<1000x256xf32>
    %get3A_28 = arith.constant 0 : index
    %get3A_29 = arith.constant 0 : index
    %get3A_30 = vector.load %arg4[%get3A_28, %get3A_29] : memref<256x512xf32, #tpu.memory_space<vmem>>, vector<256x512xf32>
    %dot_general3A = arith.constant dense<0.000000e+00> : vector<1000x512xf32>
    %dot_general3A_31 = tpu.matmul %add3A_27, %get3A_30, %dot_general3A {dimension_numbers = #tpu.dot_dimension_numbers<[1], [0], [0], [1], [0, 0, 1, 1], [], []>, transpose_lhs_hint = false} : vector<1000x256xf32>, vector<256x512xf32>, vector<1000x512xf32> -> vector<1000x512xf32>
    %get3A_32 = arith.constant 0 : index
    %get3A_33 = arith.constant 0 : index
    %get3A_34 = vector.load %arg5[%get3A_32, %get3A_33] : memref<1x512xf32, #tpu.memory_space<vmem>>, vector<1x512xf32>
    %add3A_35 = vector.broadcast %get3A_34 : vector<1x512xf32> to vector<1000x512xf32>
    %add3A_36 = arith.addf %dot_general3A_31, %add3A_35 : vector<1000x512xf32>
    %max3A = arith.constant 0.000000e+00 : f32
    %max3A_37 = vector.broadcast %max3A : f32 to vector<1000x512xf32>
    %max3A_38 = arith.maximumf %add3A_36, %max3A_37 : vector<1000x512xf32>
    %get3A_39 = arith.constant 0 : index
    %get3A_40 = arith.constant 0 : index
    %get3A_41 = vector.load %arg6[%get3A_39, %get3A_40] : memref<512x256xf32, #tpu.memory_space<vmem>>, vector<512x256xf32>
    %dot_general3A_42 = arith.constant dense<0.000000e+00> : vector<1000x256xf32>
    %dot_general3A_43 = tpu.matmul %max3A_38, %get3A_41, %dot_general3A_42 {dimension_numbers = #tpu.dot_dimension_numbers<[1], [0], [0], [1], [0, 0, 1, 1], [], []>, transpose_lhs_hint = false} : vector<1000x512xf32>, vector<512x256xf32>, vector<1000x256xf32> -> vector<1000x256xf32>
    %get3A_44 = arith.constant 0 : index
    %get3A_45 = arith.constant 0 : index
    %get3A_46 = vector.load %arg7[%get3A_44, %get3A_45] : memref<1x256xf32, #tpu.memory_space<vmem>>, vector<1x256xf32>
    %add3A_47 = vector.broadcast %get3A_46 : vector<1x256xf32> to vector<1000x256xf32>
    %add3A_48 = arith.addf %dot_general3A_43, %add3A_47 : vector<1000x256xf32>
    %add3A_49 = arith.addf %add3A_27, %add3A_48 : vector<1000x256xf32>
    %swap3A = arith.constant 0 : index
    %swap3A_50 = arith.constant 0 : index
    %swap3A_51 = vector.load %arg8[%swap3A, %swap3A_50] : memref<1000x256xf32, #tpu.memory_space<vmem>>, vector<1000x256xf32>
    tpu.vector_store %arg8[%swap3A, %swap3A_50], %add3A_49 {strides = array<i32>} : memref<1000x256xf32, #tpu.memory_space<vmem>>, vector<1000x256xf32>,
    %eq3A = arith.constant 0 : i32
    %eq3A_52 = arith.cmpi eq, %arg0, %eq3A : i32
    %convert_element_type3A = arith.extui %eq3A_52 : i1 to i32
    %cond3A = arith.constant 0 : i32
    %cond3A_53 = arith.cmpi ne, %convert_element_type3A, %cond3A : i32
    scf.if %cond3A_53 {
      %broadcast_in_dim3A_68 = arith.constant 0.000000e+00 : f32
      %broadcast_in_dim3A_69 = vector.broadcast %broadcast_in_dim3A_68 : f32 to vector<8x256xf32>
      %swap3A_70 = arith.constant 0 : index
      %swap3A_71 = arith.constant 0 : index
      %swap3A_72 = vector.load %arg9[%swap3A_70, %swap3A_71] : memref<8x256xf32, #tpu.memory_space<vmem>>, vector<8x256xf32>
      tpu.vector_store %arg9[%swap3A_70, %swap3A_71], %broadcast_in_dim3A_69 {strides = array<i32>} : memref<8x256xf32, #tpu.memory_space<vmem>>, vector<8x256xf32>,
    } else {
    }
    %get3A_54 = arith.constant 0 : index
    %get3A_55 = arith.constant 0 : index
    %get3A_56 = vector.load %arg9[%get3A_54, %get3A_55] : memref<8x256xf32, #tpu.memory_space<vmem>>, vector<8x256xf32>
    %reduce_sum3A = arith.constant dense<0.000000e+00> : vector<256xf32>
    %reduce_sum3A_57 = vector.multi_reduction <add>, %add3A_49, %reduce_sum3A [0] : vector<1000x256xf32> to vector<256xf32>
    %broadcast_in_dim3A = vector.shape_cast %reduce_sum3A_57 : vector<256xf32> to vector<1x256xf32>
    %mul3A_58 = arith.mulf %add3A_49, %add3A_49 : vector<1000x256xf32>
    %reduce_sum3A_59 = arith.constant dense<0.000000e+00> : vector<256xf32>
    %reduce_sum3A_60 = vector.multi_reduction <add>, %mul3A_58, %reduce_sum3A_59 [0] : vector<1000x256xf32> to vector<256xf32>
    %broadcast_in_dim3A_61 = vector.shape_cast %reduce_sum3A_60 : vector<256xf32> to vector<1x256xf32>
    %broadcast_in_dim3A_62 = arith.constant 0.000000e+00 : f32
    %broadcast_in_dim3A_63 = vector.broadcast %broadcast_in_dim3A_62 : f32 to vector<6x256xf32>
    %concatenate3A = tpu.concatenate %broadcast_in_dim3A, %broadcast_in_dim3A_61, %broadcast_in_dim3A_63 in 0 : vector<1x256xf32>, vector<1x256xf32>, vector<6x256xf32> -> vector<8x256xf32>
    %add3A_64 = arith.addf %get3A_56, %concatenate3A : vector<8x256xf32>
    %swap3A_65 = arith.constant 0 : index
    %swap3A_66 = arith.constant 0 : index
    %swap3A_67 = vector.load %arg9[%swap3A_65, %swap3A_66] : memref<8x256xf32, #tpu.memory_space<vmem>>, vector<8x256xf32>
    tpu.vector_store %arg9[%swap3A_65, %swap3A_66], %add3A_64 {strides = array<i32>} : memref<8x256xf32, #tpu.memory_space<vmem>>, vector<8x256xf32>,
    return
  }
  func.func @transform_0(%arg0: i32) -> (i32, i32) {
    %c0_i32 = arith.constant 0 : i32
    %c0_i32_0 = arith.constant 0 : i32
    return %arg0, %c0_i32 : i32, i32
  }
  func.func @transform_1(%arg0: i32) -> (i32, i32) {
    %c0_i32 = arith.constant 0 : i32
    %c0_i32_0 = arith.constant 0 : i32
    %c0_i32_1 = arith.constant 0 : i32
    return %c0_i32, %c0_i32_0 : i32, i32
  }
  func.func @transform_2(%arg0: i32) -> (i32, i32) {
    %c0_i32 = arith.constant 0 : i32
    %c0_i32_0 = arith.constant 0 : i32
    %c0_i32_1 = arith.constant 0 : i32
    return %c0_i32, %c0_i32_0 : i32, i32
  }
  func.func @transform_3(%arg0: i32) -> (i32, i32) {
    %c0_i32 = arith.constant 0 : i32
    %c0_i32_0 = arith.constant 0 : i32
    %c0_i32_1 = arith.constant 0 : i32
    return %c0_i32, %c0_i32_0 : i32, i32
  }
  func.func @transform_4(%arg0: i32) -> (i32, i32) {
    %c0_i32 = arith.constant 0 : i32
    %c0_i32_0 = arith.constant 0 : i32
    %c0_i32_1 = arith.constant 0 : i32
    return %c0_i32, %c0_i32_0 : i32, i32
  }
  func.func @transform_5(%arg0: i32) -> (i32, i32) {
    %c0_i32 = arith.constant 0 : i32
    %c0_i32_0 = arith.constant 0 : i32
    %c0_i32_1 = arith.constant 0 : i32
    return %c0_i32, %c0_i32_0 : i32, i32
  }
  func.func @transform_6(%arg0: i32) -> (i32, i32) {
    %c0_i32 = arith.constant 0 : i32
    %c0_i32_0 = arith.constant 0 : i32
    %c0_i32_1 = arith.constant 0 : i32
    return %c0_i32, %c0_i32_0 : i32, i32
  }
  func.func @transform_7(%arg0: i32) -> (i32, i32) {
    %c0_i32 = arith.constant 0 : i32
    %c0_i32_0 = arith.constant 0 : i32
    return %arg0, %c0_i32 : i32, i32
  }
  func.func @transform_8(%arg0: i32) -> (i32, i32) {
    %c0_i32 = arith.constant 0 : i32
    %c0_i32_0 = arith.constant 0 : i32
    %c0_i32_1 = arith.constant 0 : i32
    return %c0_i32, %c0_i32_0 : i32, i32
  }
}

module attributes {stable_mosaic.version = 14 : i64} {
  func.func @body(%arg0: i32, %arg1: memref<1000x256xf32, #tpu.memory_space<vmem>>, %arg2: memref<8x256xf32, #tpu.memory_space<vmem>>, %arg3: memref<2x256xf32, #tpu.memory_space<vmem>>, %arg4: memref<1000x256xf32, #tpu.memory_space<vmem>>) attributes {dimension_semantics = [#tpu.dimension_semantics<arbitrary>], iteration_bounds = array<i64: 10>, scalar_prefetch = 0 : i64, scratch_operands = 0 : i64, tpu.core_type = #tpu.core_type<tc>, window_params = [{transform_indices = @transform_0, window_bounds = array<i64: 1000, 256>}, {pipeline_mode = #tpu.pipeline_mode<synchronous>, transform_indices = @transform_1, window_bounds = array<i64: 8, 256>}, {pipeline_mode = #tpu.pipeline_mode<synchronous>, transform_indices = @transform_2, window_bounds = array<i64: 2, 256>}, {transform_indices = @transform_3, window_bounds = array<i64: 1000, 256>}]} {
    %get3A = arith.constant 0 : index
    %get3A_0 = arith.constant 0 : index
    %get3A_1 = vector.load %arg2[%get3A, %get3A_0] : memref<8x256xf32, #tpu.memory_space<vmem>>, vector<8x256xf32>
    %slice3A = vector.extract_strided_slice %get3A_1 {offsets = [0, 0], sizes = [1, 256], strides = [1, 1]} : vector<8x256xf32> to vector<1x256xf32>
    %mul3A = arith.constant 9.99999974E-5 : f32
    %mul3A_2 = vector.broadcast %mul3A : f32 to vector<1x256xf32>
    %mul3A_3 = arith.mulf %slice3A, %mul3A_2 : vector<1x256xf32>
    %slice3A_4 = vector.extract_strided_slice %get3A_1 {offsets = [1, 0], sizes = [1, 256], strides = [1, 1]} : vector<8x256xf32> to vector<1x256xf32>
    %mul3A_5 = arith.constant 9.99999974E-5 : f32
    %mul3A_6 = vector.broadcast %mul3A_5 : f32 to vector<1x256xf32>
    %mul3A_7 = arith.mulf %slice3A_4, %mul3A_6 : vector<1x256xf32>
    %mul3A_8 = arith.mulf %mul3A_3, %mul3A_3 : vector<1x256xf32>
    %sub3A = arith.subf %mul3A_7, %mul3A_8 : vector<1x256xf32>
    %add3A = arith.constant 9.99999974E-6 : f32
    %add3A_9 = vector.broadcast %add3A : f32 to vector<1x256xf32>
    %add3A_10 = arith.addf %sub3A, %add3A_9 : vector<1x256xf32>
    %rsqrt3A = math.rsqrt %add3A_10 : vector<1x256xf32>
    %get3A_11 = arith.constant 0 : index
    %get3A_12 = arith.constant 0 : index
    %get3A_13 = vector.load %arg3[%get3A_11, %get3A_12] : memref<2x256xf32, #tpu.memory_space<vmem>>, vector<1x256xf32>
    %get3A_14 = arith.constant 0 : index
    %get3A_15 = arith.constant 0 : index
    %get3A_16 = vector.load %arg1[%get3A_14, %get3A_15] : memref<1000x256xf32, #tpu.memory_space<vmem>>, vector<1000x256xf32>
    %sub3A_17 = vector.broadcast %mul3A_3 : vector<1x256xf32> to vector<1000x256xf32>
    %sub3A_18 = arith.subf %get3A_16, %sub3A_17 : vector<1000x256xf32>
    %mul3A_19 = vector.broadcast %get3A_13 : vector<1x256xf32> to vector<1000x256xf32>
    %mul3A_20 = arith.mulf %mul3A_19, %sub3A_18 : vector<1000x256xf32>
    %mul3A_21 = vector.broadcast %rsqrt3A : vector<1x256xf32> to vector<1000x256xf32>
    %mul3A_22 = arith.mulf %mul3A_20, %mul3A_21 : vector<1000x256xf32>
    %get3A_23 = arith.constant 1 : index
    %get3A_24 = arith.constant 0 : index
    %get3A_25 = vector.load %arg3[%get3A_23, %get3A_24] : memref<2x256xf32, #tpu.memory_space<vmem>>, vector<1x256xf32>
    %add3A_26 = vector.broadcast %get3A_25 : vector<1x256xf32> to vector<1000x256xf32>
    %add3A_27 = arith.addf %mul3A_22, %add3A_26 : vector<1000x256xf32>
    %swap3A = arith.constant 0 : index
    %swap3A_28 = arith.constant 0 : index
    %swap3A_29 = vector.load %arg4[%swap3A, %swap3A_28] : memref<1000x256xf32, #tpu.memory_space<vmem>>, vector<1000x256xf32>
    tpu.vector_store %arg4[%swap3A, %swap3A_28], %add3A_27 {strides = array<i32>} : memref<1000x256xf32, #tpu.memory_space<vmem>>, vector<1000x256xf32>,
    return
  }
  func.func @transform_0(%arg0: i32) -> (i32, i32) {
    %c0_i32 = arith.constant 0 : i32
    %c0_i32_0 = arith.constant 0 : i32
    return %arg0, %c0_i32 : i32, i32
  }
  func.func @transform_1(%arg0: i32) -> (i32, i32) {
    %c0_i32 = arith.constant 0 : i32
    %c0_i32_0 = arith.constant 0 : i32
    %c0_i32_1 = arith.constant 0 : i32
    return %c0_i32, %c0_i32_0 : i32, i32
  }
  func.func @transform_2(%arg0: i32) -> (i32, i32) {
    %c0_i32 = arith.constant 0 : i32
    %c0_i32_0 = arith.constant 0 : i32
    %c0_i32_1 = arith.constant 0 : i32
    return %c0_i32, %c0_i32_0 : i32, i32
  }
  func.func @transform_3(%arg0: i32) -> (i32, i32) {
    %c0_i32 = arith.constant 0 : i32
    %c0_i32_0 = arith.constant 0 : i32
    return %arg0, %c0_i32 : i32, i32
  }
}

</mosaic_0001>

<sc_bundles>
// kernel: kernel.12.cloned.1.call-start
scs
__scs_entry_jumppad:
0x0: {  	(pc) =	sbr.rel $0x88, $3  }
0x1: {  	(tag) =	ssettag $0x0;
	lr =	simm.s32 $0x1  }
0x2: {  	[smem:$0x3F87] =	sst lr;
	_ =	strace $0xD0000000  }
0x3: {  	_ = 	snop  }
0x4: {  	_ = 	snop  }
0x5: {  	_ = 	snop  }
0x6: {  	_ = 	snop  }
0x7: {  	_ = 	snop  }
__scs_overlays_trampoline_lowered:
0x8: {  	[smem:$0x3F96] =	sst s0  }
0x9: {  	[smem:$0x3F97] =	sst s1  }
0xa: {  	[smem:$0x3F98] =	sst s2  }
0xb: {  	[smem:$0x3F99] =	sst s3  }
0xc: {  	[smem:$0x3F9A] =	sst s4  }
0xd: {  	[smem:$0x3F9B] =	sst s5  }
0xe: {  	[smem:$0x3F9C] =	sst s6  }
0xf: {  	[smem:$0x3F9D] =	sst s7  }
0x10: {  	[smem:$0x3F9E] =	sst s8  }
0x11: {  	[smem:$0x3F9F] =	sst s9;
	s0 =	simm.s32 @!p0 $0x0  }
0x12: {  	s1 =	sld [smem:$0x3F85];
	s0 =	simm.s32 @p0 $0x1  }
0x13: {  	[smem:$0x3FA0] =	sst s0;
	s0 =	simm.s32 @!p1 $0x0  }
0x14: {  	s2 =	sld [smem:$0x3F84];
	s0 =	simm.s32 @p1 $0x1  }
0x15: {  	[smem:$0x3FA1] =	sst s0;
	s0 =	simm.s32 @!p2 $0x0  }
0x16: {  	s3 =	sld [smem:$0x3FDB];
	s0 =	simm.s32 @p2 $0x1  }
0x17: {  	s4 =	simm.s32 $0x1BF5;
	[smem:$0x3FA3] =	sst s0  }
0x18: {  	s0 =	sld [smem:$0x3F86];
	_ =	swait.ge [sflag:s4], $0x0  }
0x19: {  	s7 =	sld [smem:$0x3F87]  }
0x1a: {  	s8 =	sadd.s32 $0xFFFFE003, lr  }
0x1b: {  	s9 =	sadd.s32 $0xFFFFFEF7, lr;
	s5 =	simm.s32 $0xFFFFFFFF;
	p2 =	slt.u32 s8, $0xFFFFF086  }
0x1c: {  	p1 =	slt.u32 s9, $0xF7A;
	s5 =	simm.s32 @!p2 $0x0  }
0x1d: {  	s5 =	simm.s32 @p1 $0x1;
	p0 =	seq.s32 s7, s2  }
0x1e: {  	s7 =	smul.u32 @!p0 $0xF7A, s2;
	p2 =	seq.s32 @!p0 s5, $0x0  }
0x1f: {  	s9 =	smul.u32 $0xF7A, s1;
	s8 =	simm.s32 @!p0 $0x1BF5;
	p2 =	por !p2, p0  }
0x20: {  	[sflag:s8] =	ssyncset.s32 @!p0 $0xFFFFF086;
	s6 =	sadd.s32 @!p0 s3, s7;
	s7 =	simm.s32 @!p0 $0x108  }
0x21: {  	s3 =	sadd.s32 s3, s9;
	s6 =	sadd.s32 @!p0 $0x88, s6;
	s7 =	simm.s32 @p2 $0x1082  }
0x22: {  	[simem:s7], [sflag:s8] =	dma.local @!p0 [hbm:s6], $0xF7A  }
0x23: {  	s9 =	sor.u32 $0xD0000000, s2;
	s6 =	simm.s32 $0x108;
	_ =	swait.ge @!p0 [sflag:s8], $0x0  }
0x24: {  	s3 =	sadd.s32 $0x88, s3;
	s6 =	simm.s32 @!p1 $0x1082;
	[sflag:s4] =	ssyncset.s32 $0xFFFFF086  }
0x25: {  	[simem:s6], [sflag:s4] =	dma.local [hbm:s3], $0xF7A  }
0x26: {  	[smem:$0x3F87] =	sst s1;
	(tag) =	ssettag s2;
	_ =	strace s9  }
0x27: {  	s1 =	sld [smem:$0x3F97]  }
0x28: {  	s2 =	sld [smem:$0x3F98]  }
0x29: {  	s4 =	sld [smem:$0x3F9A]  }
0x2a: {  	p0 =	seq.s32 s5, $0x0;
	s5 =	sld [smem:$0x3F9B]  }
0x2b: {  	s6 =	sld [smem:$0x3F9C]  }
0x2c: {  	s7 =	sld [smem:$0x3F9D]  }
0x2d: {  	s3 =	simm.s32 $0x108;
	s8 =	sld [smem:$0x3F9E]  }
0x2e: {  	s3 =	simm.s32 @!p0 $0x1082;
	s9 =	sld [smem:$0x3F9F]  }
0x2f: {  	lr =	sadd.s32 s0, s3;
	s0 =	sld [smem:$0x3F96]  }
0x30: {  	s3 =	sld [smem:$0x3F99]  }
0x31: {  	[smem:$0x3FA2] =	sst s10  }
0x32: {  	s10 =	sld [smem:$0x3FA0];
	_ =	sdelay $0x3  }
0x33: {  	p0 =	seq.s32 s10, $0x1;
	s10 =	sld [smem:$0x3FA2];
	_ =	sdelay $0x3  }
0x34: {  	[smem:$0x3FA2] =	sst s10  }
0x35: {  	s10 =	sld [smem:$0x3FA1];
	_ =	sdelay $0x3  }
0x36: {  	p1 =	seq.s32 s10, $0x1;
	s10 =	sld [smem:$0x3FA2];
	_ =	sdelay $0x3  }
0x37: {  	[smem:$0x3FA2] =	sst s10  }
0x38: {  	s10 =	sld [smem:$0x3FA3]  }
0x39: {  	_ = 	snop;
	(pc) =	sbr.ind lr, $3  }
0x3a: {  	_ = 	snop  }
0x3b: {  	_ = 	snop  }
0x3c: {  	p2 =	seq.s32 s10, $0x1;
	s10 =	sld [smem:$0x3FA2]  }
0x3d: {  	_ =	shalt  }
0x3e: {  	_ =	shalt  }
0x3f: {  	_ =	shalt  }
0x40: {  	_ =	shalt  }
0x41: {  	_ =	shalt  }
0x42: {  	_ =	shalt  }
0x43: {  	_ =	shalt  }
0x44: {  	_ =	shalt  }
0x45: {  	_ =	shalt  }
0x46: {  	_ =	shalt  }
0x47: {  	_ =	shalt  }
0x48: {  	_ =	shalt  }
0x49: {  	_ =	shalt  }
0x4a: {  	_ =	shalt  }
0x4b: {  	_ =	shalt  }
0x4c: {  	_ =	shalt  }
0x4d: {  	_ =	shalt  }
0x4e: {  	_ =	shalt  }
0x4f: {  	_ =	shalt  }
0x50: {  	_ =	shalt  }
0x51: {  	_ =	shalt  }
0x52: {  	_ =	shalt  }
0x53: {  	_ =	shalt  }
0x54: {  	_ =	shalt  }
0x55: {  	_ =	shalt  }
0x56: {  	_ =	shalt  }
0x57: {  	_ =	shalt  }
0x58: {  	_ =	shalt  }
0x59: {  	_ =	shalt  }
0x5a: {  	_ =	shalt  }
0x5b: {  	_ =	shalt  }
0x5c: {  	_ =	shalt  }
0x5d: {  	_ =	shalt  }
0x5e: {  	_ =	shalt  }
0x5f: {  	_ =	shalt  }
0x60: {  	_ =	shalt  }
0x61: {  	_ =	shalt  }
0x62: {  	_ =	shalt  }
0x63: {  	_ =	shalt  }
0x64: {  	_ =	shalt  }
0x65: {  	_ =	shalt  }
0x66: {  	_ =	shalt  }
0x67: {  	_ =	shalt  }
0x68: {  	_ =	shalt  }
0x69: {  	_ =	shalt  }
0x6a: {  	_ =	shalt  }
0x6b: {  	_ =	shalt  }
0x6c: {  	_ =	shalt  }
0x6d: {  	_ =	shalt  }
0x6e: {  	_ =	shalt  }
0x6f: {  	_ =	shalt  }
0x70: {  	_ =	shalt  }
0x71: {  	_ =	shalt  }
0x72: {  	_ =	shalt  }
0x73: {  	_ =	shalt  }
0x74: {  	_ =	shalt  }
0x75: {  	_ =	shalt  }
0x76: {  	_ =	shalt  }
0x77: {  	_ =	shalt  }
0x78: {  	_ =	shalt  }
0x79: {  	_ =	shalt  }
0x7a: {  	_ =	shalt  }
0x7b: {  	_ =	shalt  }
0x7c: {  	_ =	shalt  }
0x7d: {  	_ =	shalt  }
0x7e: {  	_ =	shalt  }
0x7f: {  	_ =	shalt  }
0x80: {  	_ =	shalt  }
0x81: {  	_ =	shalt  }
0x82: {  	_ =	shalt  }
0x83: {  	_ =	shalt  }
0x84: {  	_ =	shalt  }
0x85: {  	_ =	shalt  }
0x86: {  	_ =	shalt  }
0x87: {  	_ =	shalt  }
.Lfunc_end0:
.L_simem_size_0:
called_computation_lowered:
.L_overlay_start_0:
0x88: {  	s2 =	sld [smem:$0x3FD9]  }
0x89: {  	s3 =	sld [smem:$0x3FFE];
	_ =	sdelay $0x1  }
0x8a: {  	s1 =	srdreg.scid  }
0x8b: {  	s0 =	sand.u32 $0x1, s1  }
0x8c: {  	s16 =	sshll.u32 s0, $0xA;
	s2 =	sadd.s32 s3, s2  }
0x8d: {  	s2 =	sadd.s32 s2, s16  }
0x8e: {  	[smem:$0x3FAE] =	sst s2  }
0x8f: {  	_ = 	snop  }
0x90: {  	(tm) =	ssettm $0x1  }
0x91: {  	s17 =	sld [smem:$0x3FFB];
	_ =	sdelay $0x3  }
0x92: {  	_ =	strace s17  }
0x93: {  	s2 =	sld [smem:$0x3FFC];
	_ =	sdelay $0x3  }
0x94: {  	_ =	strace s2  }
0x95: {  	s2 =	sld [smem:$0x3FFD];
	_ =	sdelay $0x3  }
0x96: {  	_ =	strace s2  }
0x97: {  	_ =	strace $0x8FFFFFFF  }
0x98: {  	s18 =	sld [smem:$0x3FDB];
	_ =	sdelay $0x1  }
0x99: {  	s19 =	simm.s32 $_scs_section_size  }
0x9a: {  	s4 =	simm.s32 $_size__tile_overlayer_lowered;
	s5 =	simm.s32 $_tile_overlayer_lowered  }
0x9b: {  	s22 =	simm.s32 $0x1BFF;
	s21 =	sshll.u32 s5, $0x1;
	s2 =	sadd.s32 s19, s18  }
0x9c: {  	s6 =	simm.s32 $0x0;
	s20 =	sshll.u32 s4, $0x1;
	s4 =	sadd.s32 s21, s2  }
0x9d: {  	[timem:s6], [sflag:s22] =	dma.local [hbm:s4], s20  }
0x9e: {  	_ =	swait.ge [sflag:s22], s20  }
0x9f: {  	s3 =	ssub.s32 $0x0, s20;
	[sflag:s22] =	ssyncset.done $0x0  }
0xa0: {  	[sflag:s22] =	ssyncadd.s32 s3;
	_ =	sdelay $0x1  }
0xa1: {  	s23 =	simm.s32 $0x1B8B  }
0xa2: {  	_ =	swait.ge [sflag:s23], $0x1  }
0xa3: {  	[sflag:s23] =	ssyncset.done $0x0  }
0xa4: {  	s25 =	simm.s32 $0x1B8E;
	s24 =	sld [smem:$0x3FFE];
	[sflag:s23] =	ssyncadd.s32 $0xFFFFFFFF  }
0xa5: {  	s26 =	simm.s32 $execute0_lowered;
	[smem:$0x3FD2] =	sst s25  }
0xa6: {  	s4 =	sshll.u32 s26, $0x1;
	_ =	strace $0x80000046;
	[dreg:$0x1] =	wrdreg $0xFFFFFFFF  }
0xa7: {  	s28 =	simm.s32 $_size_execute0_lowered;
	s2 =	sadd.s32 s2, s4;
	[dreg:$0x0] =	wrdreg $0x0  }
0xa8: {  	s4 =	sshll.u32 s28, $0x1;
	[dreg:$0x2] =	wrdreg s2  }
0xa9: {  	[dreg:$0x3] =	wrdreg s4  }
0xaa: {  	[dreg:$0x4] =	wrdreg $0xC0  }
0xab: {  	_ =	task [dreg:s6], $0x5FFFF  }
0xac: {  	[dreg:$0x1] =	wrdreg $0xFFFFFFFF  }
0xad: {  	[dreg:$0x0] =	wrdreg $0x60  }
0xae: {  	[dreg:$0x2] =	wrdreg s24  }
0xaf: {  	[dreg:$0x3] =	wrdreg $0x9  }
0xb0: {  	_ =	task.clear_ibuf [dreg:s6], $0x4FFFF;
	_ =	strace $0x90000046  }
0xb1: {  	s29 =	simm.s32 $0x9;
	_ =	strace $0x80000048  }
0xb2: {  	_ =	swait.ge [sflag:s29], $0x1  }
0xb3: {  	[sflag:s29] =	ssyncadd.s32 $0xFFFFFFFF  }
0xb4: {  	_ =	strace $0x90000048  }
0xb5: {  	_ =	sfence  }
0xb6: {  	s30 =	sld [smem:$0x0];
	_ =	sdelay $0x2  }
0xb7: {  	s31 =	sshll.u32 s1, $0xD;
	s1 =	sshrl.u32 s1, $0x2  }
0xb8: {  	s3 =	sand.u32 $0x4000, s31;
	s1 =	sadd.s32 s1, s30  }
0xb9: {  	s0 =	sor.u32 s3, s0;
	s1 =	sshll.u32 s1, $0x11  }
0xba: {  	s0 =	sor.u32 s1, s0  }
0xbb: {  	s0 =	sadd.s32 $0x8F2B, s0  }
0xbc: {  	[sflag:s0] =	ssyncadd.remote.s32 $0x1  }
0xbd: {  	_ =	sfence.sel $0xFFFF  }
0xbe: {  	[dreg:$0x0] =	wrdreg $0xFFFFFFFF;
	(pc) =	sbr.abs _section_cstart, $3  }
0xbf: {  	[dreg:$0x1] =	wrdreg $0xFFFFFFFF  }
0xc0: {  	_ =	task.clear_ibuf [dreg:s6], $0x2FFFF;
	_ =	strace $0x9FFFFFFF  }
0xc1: {  	(tm) =	ssettm $0x7FFFFFFF  }
tec
execute0_lowered:
.L_overlay_start_1:
0x0: {  	(tag) =	ssettag $0x1  }
0x1: {  	s0 =	rddreg [dreg:$0x0];
	s1 =	simm.s32 $0x0;
	s2 =	srdreg.scid  }
0x2: {  	s10 =	stileid.u32;
	s15 =	simm.s32 $0x1;
	[smem:$0x7FF] =	sst s1  }
0x3: {  	s4 =	sand.u32 $0x1, s2;
	s2 =	sadd.s32 $0x13A00, s0;
	s5 =	sadd.s32 $0x4A00, s0  }
0x4: {  	s6 =	sadd.s32 $0xAFE00, s0;
	s11 =	sshll.u32 s10, $0x8;
	s28 =	sshll.u32 s10, $0xE  }
0x5: {  	_ =	strace $0x80000047;
	s3 =	ssub.s32 $0x2, s4;
	s8 =	sshll.u32 s4, $0x7  }
0x6: {  	s29 =	sadd.s32 s28, s6;
	s4 =	sshll.u32 s4, $0xD;
	s7 =	sshrl.u32 s3, $0x1  }
0x7: {  	s9 =	sor.u32 $0x27000, s8;
	s8 =	sor.u32 s8, s11;
	s31 =	sadd.s32 s4, s29  }
0x8: {  	s7 =	ssub.s32 s3, s7;
	s3 =	sadd.s32 $0x13B00, s0;
	s24 =	sshrl.u32 s9, $0x3  }
.Ltmp0:
0x9: {  	[dreg:$0x6] =	wrdreg s31;
	s0 =	sadd.s32 s5, s24;
	(pc) =	sbr.rel .LBB2_1-.Ltmp0, $4  }
0xa: {  	s25 =	sshll.u32 s9, $0x6;
	s30 =	smax.u32 s7, $0x1;
	[dreg:$0x3] =	wrdreg s0  }
0xb: {  	v2 =	vlaneseq.u32;
	s26 =	sshrl.u32 s8, $0x3;
	s0 =	sadd.s32 s6, s25;
	[dreg:$0x5] =	wrdreg s30  }
0xc: {  	vm0 =	vmmov $0xffff;
	p0 =	sne.s32 s10, $0x0;
	v1 =	vshrl.u32 v2, $0x3;
	[dreg:$0x4] =	wrdreg s0;
	s0 =	sadd.s32 s26, s5  }
0xd: {  	v0 =	vand.u32 $0x7, v2;
	v2 =	vor.u32 $0x8, v2;
	v1 =	vmul.u32 $0x8, v1;
	s8 =	simm.s32 $0x2;
	s9 =	simm.s32 $0x0;
	[dreg:$0x2] =	wrdreg s0  }
.LBB2_5:
0xe: {  	s9 =	sadd.s32 $0x1, s9;
	s16 =	rddreg [dreg:$0x5]  }
0xf: {  	p1 =	sne.s32 s9, s16  }
.Ltmp1:
0x10: {  	_ = 	snop;
	(pc) =	sbr.rel @!p1 .LBB2_6-.Ltmp1, $1  }
0x11: {  	_ =	sdelay $0x3  }
.LBB2_1:
0x12: {  	[dreg:$0x7] =	wrdreg s9  }
0x13: {  	s16 =	rddreg [dreg:$0x6];
	s4 =	simm.s32 $0x7880;
	s5 =	simm.s32 $0x8080  }
0x14: {  	s6 =	simm.s32 $0x8880;
	s7 =	simm.s32 $0x9080;
	s10 =	simm.s32 $0x9880  }
0x15: {  	s11 =	simm.s32 $0xA080;
	s12 =	simm.s32 $0xA880;
	s13 =	simm.s32 $0xB080  }
0x16: {  	s14 =	simm.s32 $0xB880;
	s9 =	simm.s32 $0xC080;
	s20 =	simm.s32 $0x80  }
0x17: {  	s30 =	simm.s32 $0x6080;
	s28 =	simm.s32 $0x5080;
	s25 =	simm.s32 $0x4080  }
0x18: {  	s23 =	simm.s32 $0x3080;
	s17 =	simm.s32 $0x0;
	s22 =	simm.s32 $0xC880  }
0x19: {  	s24 =	simm.s32 $0xD080;
	s26 =	simm.s32 $0xD880;
	s29 =	simm.s32 $0xE080  }
0x1a: {  	s31 =	simm.s32 $0xE880;
	s0 =	simm.s32 $0xF080;
	s19 =	simm.s32 $0xF880  }
.LBB2_2:
0x1b: {  	s18 =	rddreg [dreg:$0x2]  }
0x1c: {  	s18 =	sadd.s32 s17, s18  }
0x1d: {  	[tilespmem:s1], [sflag:$0x2] =	stream.linear.gather [hbm4b:s18+s1], $0x80, $0x38;
	[tilespmem:$0x10080] =	vst v63  }
0x1e: {  	_ =	swait.ge [sflag:s8], $0x80  }
0x1f: {  	[sflag:s8] =	ssyncset.done $0x0  }
0x20: {  	[sflag:s8] =	ssyncadd.s32 $0xFFFFFF80  }
0x21: {  	v3 =	vld [tilespmem:$0x0];
	_ =	sdelay $0x4  }
0x22: {  	v4 =	vshll.u32 v3, $0x2  }
0x23: {  	v3 =	vand.u32 $0x7, v3;
	v4 =	vand.u32 $0xFFFFFFE0, v4  }
0x24: {  	v3 =	vor.u32 v3, v4  }
0x25: {  	v4 =	vperm.xlane v3, v0;
	_ =	sdelay $0x1  }
0x26: {  	v4 =	vadd.s32 v1, v4;
	_ =	sdelay $0x1  }
0x27: {  	v3 =	vperm.xlane v3, v2;
	_ =	sdelay $0x1  }
0x28: {  	v3 =	vadd.s32 v1, v3  }
0x29: {  	[tilespmem:s20], [sflag:$0x1] =	stream.indirect_vreg.gather [hbm4b:s2+s1], $0x80, v4, vm0, $0xb8;
	[tilespmem:$0x10080] =	vst v63  }
0x2a: {  	s18 =	simm.s32 $0x880  }
0x2b: {  	[tilespmem:s18], [sflag:$0x1] =	stream.indirect_vreg.gather [hbm4b:s3+s1], $0x80, v4, vm0, $0xb8;
	[tilespmem:$0x10080] =	vst v63  }
0x2c: {  	s21 =	simm.s32 $0x1080  }
0x2d: {  	[tilespmem:s21], [sflag:$0x1] =	stream.indirect_vreg.gather [hbm4b:s2+s1], $0x80, v3, vm0, $0xb8;
	[tilespmem:$0x10080] =	vst v63  }
0x2e: {  	s21 =	simm.s32 $0x1880  }
0x2f: {  	[tilespmem:s21], [sflag:$0x1] =	stream.indirect_vreg.gather [hbm4b:s3+s1], $0x80, v3, vm0, $0xb8;
	[tilespmem:$0x10080] =	vst v63  }
0x30: {  	v3 =	vld [tilespmem:$0x10];
	_ =	sdelay $0x4  }
0x31: {  	v57 =	vshll.u32 v3, $0x2  }
0x32: {  	v3 =	vand.u32 $0x7, v3;
	v4 =	vand.u32 $0xFFFFFFE0, v57  }
0x33: {  	v3 =	vor.u32 v3, v4  }
0x34: {  	v4 =	vperm.xlane v3, v0;
	_ =	sdelay $0x1  }
0x35: {  	v4 =	vadd.s32 v1, v4;
	_ =	sdelay $0x1  }
0x36: {  	v3 =	vperm.xlane v3, v2;
	_ =	sdelay $0x1  }
0x37: {  	s21 =	simm.s32 $0x2080;
	v3 =	vadd.s32 v1, v3  }
0x38: {  	[tilespmem:s21], [sflag:$0x1] =	stream.indirect_vreg.gather [hbm4b:s2+s1], $0x80, v4, vm0, $0xb8;
	[tilespmem:$0x10080] =	vst v63  }
0x39: {  	s21 =	simm.s32 $0x2880  }
0x3a: {  	[tilespmem:s21], [sflag:$0x1] =	stream.indirect_vreg.gather [hbm4b:s3+s1], $0x80, v4, vm0, $0xb8;
	[tilespmem:$0x10080] =	vst v63  }
0x3b: {  	_ = 	snop  }
0x3c: {  	[tilespmem:s23], [sflag:$0x1] =	stream.indirect_vreg.gather [hbm4b:s2+s1], $0x80, v3, vm0, $0xb8;
	[tilespmem:$0x10080] =	vst v63  }
0x3d: {  	s21 =	simm.s32 $0x3880  }
0x3e: {  	[tilespmem:s21], [sflag:$0x1] =	stream.indirect_vreg.gather [hbm4b:s3+s1], $0x80, v3, vm0, $0xb8;
	[tilespmem:$0x10080] =	vst v63  }
0x3f: {  	v3 =	vld [tilespmem:$0x20];
	_ =	sdelay $0x4  }
0x40: {  	v58 =	vshll.u32 v3, $0x2  }
0x41: {  	v3 =	vand.u32 $0x7, v3;
	v4 =	vand.u32 $0xFFFFFFE0, v58  }
0x42: {  	v3 =	vor.u32 v3, v4  }
0x43: {  	v4 =	vperm.xlane v3, v0;
	_ =	sdelay $0x1  }
0x44: {  	v4 =	vadd.s32 v1, v4;
	_ =	sdelay $0x1  }
0x45: {  	v3 =	vperm.xlane v3, v2;
	_ =	sdelay $0x1  }
0x46: {  	v3 =	vadd.s32 v1, v3  }
0x47: {  	[tilespmem:s25], [sflag:$0x1] =	stream.indirect_vreg.gather [hbm4b:s2+s1], $0x80, v4, vm0, $0xb8;
	[tilespmem:$0x10080] =	vst v63  }
0x48: {  	s21 =	simm.s32 $0x4880  }
0x49: {  	[tilespmem:s21], [sflag:$0x1] =	stream.indirect_vreg.gather [hbm4b:s3+s1], $0x80, v4, vm0, $0xb8;
	[tilespmem:$0x10080] =	vst v63  }
0x4a: {  	_ = 	snop  }
0x4b: {  	[tilespmem:s28], [sflag:$0x1] =	stream.indirect_vreg.gather [hbm4b:s2+s1], $0x80, v3, vm0, $0xb8;
	[tilespmem:$0x10080] =	vst v63  }
0x4c: {  	s21 =	simm.s32 $0x5880  }
0x4d: {  	[tilespmem:s21], [sflag:$0x1] =	stream.indirect_vreg.gather [hbm4b:s3+s1], $0x80, v3, vm0, $0xb8;
	[tilespmem:$0x10080] =	vst v63  }
0x4e: {  	v3 =	vld [tilespmem:$0x30];
	_ =	sdelay $0x4  }
0x4f: {  	v59 =	vshll.u32 v3, $0x2  }
0x50: {  	v3 =	vand.u32 $0x7, v3;
	v4 =	vand.u32 $0xFFFFFFE0, v59  }
0x51: {  	v3 =	vor.u32 v3, v4  }
0x52: {  	v4 =	vperm.xlane v3, v0;
	_ =	sdelay $0x1  }
0x53: {  	v4 =	vadd.s32 v1, v4;
	_ =	sdelay $0x1  }
0x54: {  	v3 =	vperm.xlane v3, v2;
	_ =	sdelay $0x1  }
0x55: {  	v3 =	vadd.s32 v1, v3  }
0x56: {  	[tilespmem:s30], [sflag:$0x1] =	stream.indirect_vreg.gather [hbm4b:s2+s1], $0x80, v4, vm0, $0xb8;
	[tilespmem:$0x10080] =	vst v63  }
0x57: {  	s21 =	simm.s32 $0x6880  }
0x58: {  	[tilespmem:s21], [sflag:$0x1] =	stream.indirect_vreg.gather [hbm4b:s3+s1], $0x80, v4, vm0, $0xb8;
	[tilespmem:$0x10080] =	vst v63  }
0x59: {  	s21 =	simm.s32 $0x7080  }
0x5a: {  	[tilespmem:s21], [sflag:$0x1] =	stream.indirect_vreg.gather [hbm4b:s2+s1], $0x80, v3, vm0, $0xb8;
	[tilespmem:$0x10080] =	vst v63  }
0x5b: {  	_ = 	snop  }
0x5c: {  	[tilespmem:s4], [sflag:$0x1] =	stream.indirect_vreg.gather [hbm4b:s3+s1], $0x80, v3, vm0, $0xb8;
	[tilespmem:$0x10080] =	vst v63  }
0x5d: {  	v3 =	vld [tilespmem:$0x40];
	_ =	sdelay $0x4  }
0x5e: {  	v60 =	vshll.u32 v3, $0x2  }
0x5f: {  	v3 =	vand.u32 $0x7, v3;
	v4 =	vand.u32 $0xFFFFFFE0, v60  }
0x60: {  	v3 =	vor.u32 v3, v4  }
0x61: {  	v4 =	vperm.xlane v3, v0;
	_ =	sdelay $0x1  }
0x62: {  	v4 =	vadd.s32 v1, v4;
	_ =	sdelay $0x1  }
0x63: {  	v3 =	vperm.xlane v3, v2;
	_ =	sdelay $0x1  }
0x64: {  	v3 =	vadd.s32 v1, v3  }
0x65: {  	[tilespmem:s5], [sflag:$0x1] =	stream.indirect_vreg.gather [hbm4b:s2+s1], $0x80, v4, vm0, $0xb8;
	[tilespmem:$0x10080] =	vst v63  }
0x66: {  	_ = 	snop  }
0x67: {  	[tilespmem:s6], [sflag:$0x1] =	stream.indirect_vreg.gather [hbm4b:s3+s1], $0x80, v4, vm0, $0xb8;
	[tilespmem:$0x10080] =	vst v63  }
0x68: {  	_ = 	snop  }
0x69: {  	[tilespmem:s7], [sflag:$0x1] =	stream.indirect_vreg.gather [hbm4b:s2+s1], $0x80, v3, vm0, $0xb8;
	[tilespmem:$0x10080] =	vst v63  }
0x6a: {  	_ = 	snop  }
0x6b: {  	[tilespmem:s10], [sflag:$0x1] =	stream.indirect_vreg.gather [hbm4b:s3+s1], $0x80, v3, vm0, $0xb8;
	[tilespmem:$0x10080] =	vst v63  }
0x6c: {  	v3 =	vld [tilespmem:$0x50];
	_ =	sdelay $0x4  }
0x6d: {  	v61 =	vshll.u32 v3, $0x2  }
0x6e: {  	v3 =	vand.u32 $0x7, v3;
	v4 =	vand.u32 $0xFFFFFFE0, v61  }
0x6f: {  	v3 =	vor.u32 v3, v4  }
0x70: {  	v4 =	vperm.xlane v3, v0;
	_ =	sdelay $0x1  }
0x71: {  	v4 =	vadd.s32 v1, v4;
	_ =	sdelay $0x1  }
0x72: {  	v3 =	vperm.xlane v3, v2;
	_ =	sdelay $0x1  }
0x73: {  	v3 =	vadd.s32 v1, v3  }
0x74: {  	[tilespmem:s11], [sflag:$0x1] =	stream.indirect_vreg.gather [hbm4b:s2+s1], $0x80, v4, vm0, $0xb8;
	[tilespmem:$0x10080] =	vst v63  }
0x75: {  	_ = 	snop  }
0x76: {  	[tilespmem:s12], [sflag:$0x1] =	stream.indirect_vreg.gather [hbm4b:s3+s1], $0x80, v4, vm0, $0xb8;
	[tilespmem:$0x10080] =	vst v63  }
0x77: {  	_ = 	snop  }
0x78: {  	[tilespmem:s13], [sflag:$0x1] =	stream.indirect_vreg.gather [hbm4b:s2+s1], $0x80, v3, vm0, $0xb8;
	[tilespmem:$0x10080] =	vst v63  }
0x79: {  	_ = 	snop  }
0x7a: {  	[tilespmem:s14], [sflag:$0x1] =	stream.indirect_vreg.gather [hbm4b:s3+s1], $0x80, v3, vm0, $0xb8;
	[tilespmem:$0x10080] =	vst v63  }
0x7b: {  	v3 =	vld [tilespmem:$0x60];
	_ =	sdelay $0x4  }
0x7c: {  	v62 =	vshll.u32 v3, $0x2  }
0x7d: {  	v3 =	vand.u32 $0x7, v3;
	v4 =	vand.u32 $0xFFFFFFE0, v62  }
0x7e: {  	v3 =	vor.u32 v3, v4  }
0x7f: {  	v4 =	vperm.xlane v3, v0;
	_ =	sdelay $0x1  }
0x80: {  	v4 =	vadd.s32 v1, v4;
	_ =	sdelay $0x1  }
0x81: {  	v3 =	vperm.xlane v3, v2;
	_ =	sdelay $0x1  }
0x82: {  	v3 =	vadd.s32 v1, v3  }
0x83: {  	[tilespmem:s9], [sflag:$0x1] =	stream.indirect_vreg.gather [hbm4b:s2+s1], $0x80, v4, vm0, $0xb8;
	[tilespmem:$0x10080] =	vst v63  }
0x84: {  	_ = 	snop  }
0x85: {  	[tilespmem:s22], [sflag:$0x1] =	stream.indirect_vreg.gather [hbm4b:s3+s1], $0x80, v4, vm0, $0xb8;
	[tilespmem:$0x10080] =	vst v63  }
0x86: {  	_ = 	snop  }
0x87: {  	[tilespmem:s24], [sflag:$0x1] =	stream.indirect_vreg.gather [hbm4b:s2+s1], $0x80, v3, vm0, $0xb8;
	[tilespmem:$0x10080] =	vst v63  }
0x88: {  	_ = 	snop  }
0x89: {  	[tilespmem:s26], [sflag:$0x1] =	stream.indirect_vreg.gather [hbm4b:s3+s1], $0x80, v3, vm0, $0xb8;
	[tilespmem:$0x10080] =	vst v63  }
0x8a: {  	v3 =	vld [tilespmem:$0x70];
	_ =	sdelay $0x4  }
0x8b: {  	v63 =	vshll.u32 v3, $0x2  }
0x8c: {  	v3 =	vand.u32 $0x7, v3;
	v4 =	vand.u32 $0xFFFFFFE0, v63  }
0x8d: {  	v3 =	vor.u32 v3, v4  }
0x8e: {  	v4 =	vperm.xlane v3, v0;
	_ =	sdelay $0x1  }
0x8f: {  	v4 =	vadd.s32 v1, v4;
	_ =	sdelay $0x1  }
0x90: {  	v3 =	vperm.xlane v3, v2;
	_ =	sdelay $0x1  }
0x91: {  	v3 =	vadd.s32 v1, v3  }
0x92: {  	[tilespmem:s29], [sflag:$0x1] =	stream.indirect_vreg.gather [hbm4b:s2+s1], $0x80, v4, vm0, $0xb8;
	[tilespmem:$0x10080] =	vst v63  }
0x93: {  	_ = 	snop  }
0x94: {  	[tilespmem:s31], [sflag:$0x1] =	stream.indirect_vreg.gather [hbm4b:s3+s1], $0x80, v4, vm0, $0xb8;
	[tilespmem:$0x10080] =	vst v63  }
0x95: {  	_ = 	snop  }
0x96: {  	[tilespmem:s0], [sflag:$0x1] =	stream.indirect_vreg.gather [hbm4b:s2+s1], $0x80, v3, vm0, $0xb8;
	[tilespmem:$0x10080] =	vst v63  }
0x97: {  	_ = 	snop  }
0x98: {  	[tilespmem:s19], [sflag:$0x1] =	stream.indirect_vreg.gather [hbm4b:s3+s1], $0x80, v3, vm0, $0xb8;
	[tilespmem:$0x10080] =	vst v63  }
0x99: {  	_ =	swait.ge [sflag:s15], $0x10000  }
0x9a: {  	p1 =	sne.s32 s17, $0x4C00;
	[sflag:s15] =	ssyncset.done $0x0  }
.Ltmp2:
0x9b: {  	[sflag:s15] =	ssyncadd.s32 $0xFFFF0000;
	(pc) =	sbr.rel @p1 .LBB2_2-.Ltmp2, $4  }
0x9c: {  	[hbm4b:s16+s1] =	stream.linear.scatter [tilespmem:s20], [sflag:$0x2], $0x10000, $0x38;
	[tilespmem:$0x10080] =	vst v63  }
0x9d: {  	_ =	swait.ge [sflag:s8], $0x10000  }
0x9e: {  	[sflag:s8] =	ssyncset.done $0x0  }
0x9f: {  	s17 =	sadd.s32 $0x200, s17;
	s16 =	sadd.s32 $0x40000, s16;
	[sflag:s8] =	ssyncadd.s32 $0xFFFF0000  }
0xa0: {  	s17 =	simm.s32 $0x1080  }
0xa1: {  	s19 =	simm.s32 $0x1880;
	s20 =	simm.s32 $0x2080;
	s21 =	simm.s32 $0x2880  }
0xa2: {  	s22 =	simm.s32 $0x3080;
	s23 =	simm.s32 $0x3880;
	s24 =	simm.s32 $0x4080  }
0xa3: {  	s25 =	simm.s32 $0x4880;
	s26 =	simm.s32 $0x5080;
	s28 =	simm.s32 $0x5880  }
.Ltmp3:
0xa4: {  	s29 =	simm.s32 $0x6080;
	s30 =	simm.s32 $0x6880;
	(pc) =	sbr.rel @p0 .LBB2_5-.Ltmp3, $4  }
0xa5: {  	s0 =	simm.s32 $0x7080;
	s4 =	simm.s32 $0x7880;
	s5 =	simm.s32 $0x8080  }
0xa6: {  	s6 =	simm.s32 $0x8880;
	s7 =	simm.s32 $0x9080;
	s10 =	simm.s32 $0x9880  }
0xa7: {  	s11 =	simm.s32 $0xA080;
	s12 =	simm.s32 $0xA880;
	s13 =	simm.s32 $0xB080  }
0xa8: {  	s14 =	simm.s32 $0xB880;
	s31 =	simm.s32 $0x80;
	s9 =	rddreg [dreg:$0x7]  }
0xa9: {  	s16 =	rddreg [dreg:$0x3]  }
0xaa: {  	[tilespmem:s1], [sflag:$0x2] =	stream.linear.gather [hbm4b:s16+s1], $0x80, $0x38;
	[tilespmem:$0x10080] =	vst v63  }
0xab: {  	_ =	swait.ge [sflag:s8], $0x80  }
0xac: {  	[sflag:s8] =	ssyncset.done $0x0  }
0xad: {  	[sflag:s8] =	ssyncadd.s32 $0xFFFFFF80  }
0xae: {  	v3 =	vld [tilespmem:$0x0];
	_ =	sdelay $0x4  }
0xaf: {  	v4 =	vshll.u32 v3, $0x2  }
0xb0: {  	v3 =	vand.u32 $0x7, v3;
	v4 =	vand.u32 $0xFFFFFFE0, v4  }
0xb1: {  	v3 =	vor.u32 v3, v4  }
0xb2: {  	v4 =	vperm.xlane v3, v0;
	_ =	sdelay $0x1  }
0xb3: {  	v4 =	vadd.s32 v1, v4;
	_ =	sdelay $0x1  }
0xb4: {  	v3 =	vperm.xlane v3, v2;
	_ =	sdelay $0x1  }
0xb5: {  	v3 =	vadd.s32 v1, v3  }
0xb6: {  	[tilespmem:s31], [sflag:$0x1] =	stream.indirect_vreg.gather [hbm4b:s2+s1], $0x80, v4, vm0, $0xb8;
	[tilespmem:$0x10080] =	vst v63  }
0xb7: {  	_ = 	snop  }
0xb8: {  	[tilespmem:s18], [sflag:$0x1] =	stream.indirect_vreg.gather [hbm4b:s3+s1], $0x80, v4, vm0, $0xb8;
	[tilespmem:$0x10080] =	vst v63  }
0xb9: {  	_ = 	snop  }
0xba: {  	[tilespmem:s17], [sflag:$0x1] =	stream.indirect_vreg.gather [hbm4b:s2+s1], $0x80, v3, vm0, $0xb8;
	[tilespmem:$0x10080] =	vst v63  }
0xbb: {  	_ = 	snop  }
0xbc: {  	[tilespmem:s19], [sflag:$0x1] =	stream.indirect_vreg.gather [hbm4b:s3+s1], $0x80, v3, vm0, $0xb8;
	[tilespmem:$0x10080] =	vst v63  }
0xbd: {  	v3 =	vld [tilespmem:$0x10];
	_ =	sdelay $0x4  }
0xbe: {  	v57 =	vshll.u32 v3, $0x2  }
0xbf: {  	v3 =	vand.u32 $0x7, v3;
	v4 =	vand.u32 $0xFFFFFFE0, v57  }
0xc0: {  	v3 =	vor.u32 v3, v4  }
0xc1: {  	v4 =	vperm.xlane v3, v0;
	_ =	sdelay $0x1  }
0xc2: {  	v4 =	vadd.s32 v1, v4;
	_ =	sdelay $0x1  }
0xc3: {  	v3 =	vperm.xlane v3, v2;
	_ =	sdelay $0x1  }
0xc4: {  	v3 =	vadd.s32 v1, v3  }
0xc5: {  	[tilespmem:s20], [sflag:$0x1] =	stream.indirect_vreg.gather [hbm4b:s2+s1], $0x80, v4, vm0, $0xb8;
	[tilespmem:$0x10080] =	vst v63  }
0xc6: {  	_ = 	snop  }
0xc7: {  	[tilespmem:s21], [sflag:$0x1] =	stream.indirect_vreg.gather [hbm4b:s3+s1], $0x80, v4, vm0, $0xb8;
	[tilespmem:$0x10080] =	vst v63  }
0xc8: {  	_ = 	snop  }
0xc9: {  	[tilespmem:s22], [sflag:$0x1] =	stream.indirect_vreg.gather [hbm4b:s2+s1], $0x80, v3, vm0, $0xb8;
	[tilespmem:$0x10080] =	vst v63  }
0xca: {  	_ = 	snop  }
0xcb: {  	[tilespmem:s23], [sflag:$0x1] =	stream.indirect_vreg.gather [hbm4b:s3+s1], $0x80, v3, vm0, $0xb8;
	[tilespmem:$0x10080] =	vst v63  }
0xcc: {  	v3 =	vld [tilespmem:$0x20];
	_ =	sdelay $0x4  }
0xcd: {  	v58 =	vshll.u32 v3, $0x2  }
0xce: {  	v3 =	vand.u32 $0x7, v3;
	v4 =	vand.u32 $0xFFFFFFE0, v58  }
0xcf: {  	v3 =	vor.u32 v3, v4  }
0xd0: {  	v4 =	vperm.xlane v3, v0;
	_ =	sdelay $0x1  }
0xd1: {  	v4 =	vadd.s32 v1, v4;
	_ =	sdelay $0x1  }
0xd2: {  	v3 =	vperm.xlane v3, v2;
	_ =	sdelay $0x1  }
0xd3: {  	v3 =	vadd.s32 v1, v3  }
0xd4: {  	[tilespmem:s24], [sflag:$0x1] =	stream.indirect_vreg.gather [hbm4b:s2+s1], $0x80, v4, vm0, $0xb8;
	[tilespmem:$0x10080] =	vst v63  }
0xd5: {  	_ = 	snop  }
0xd6: {  	[tilespmem:s25], [sflag:$0x1] =	stream.indirect_vreg.gather [hbm4b:s3+s1], $0x80, v4, vm0, $0xb8;
	[tilespmem:$0x10080] =	vst v63  }
0xd7: {  	_ = 	snop  }
0xd8: {  	[tilespmem:s26], [sflag:$0x1] =	stream.indirect_vreg.gather [hbm4b:s2+s1], $0x80, v3, vm0, $0xb8;
	[tilespmem:$0x10080] =	vst v63  }
0xd9: {  	_ = 	snop  }
0xda: {  	[tilespmem:s28], [sflag:$0x1] =	stream.indirect_vreg.gather [hbm4b:s3+s1], $0x80, v3, vm0, $0xb8;
	[tilespmem:$0x10080] =	vst v63  }
0xdb: {  	v3 =	vld [tilespmem:$0x30];
	_ =	sdelay $0x4  }
0xdc: {  	v59 =	vshll.u32 v3, $0x2  }
0xdd: {  	v3 =	vand.u32 $0x7, v3;
	v4 =	vand.u32 $0xFFFFFFE0, v59  }
0xde: {  	v3 =	vor.u32 v3, v4  }
0xdf: {  	v4 =	vperm.xlane v3, v0;
	_ =	sdelay $0x1  }
0xe0: {  	v4 =	vadd.s32 v1, v4;
	_ =	sdelay $0x1  }
0xe1: {  	v3 =	vperm.xlane v3, v2;
	_ =	sdelay $0x1  }
0xe2: {  	v3 =	vadd.s32 v1, v3  }
0xe3: {  	[tilespmem:s29], [sflag:$0x1] =	stream.indirect_vreg.gather [hbm4b:s2+s1], $0x80, v4, vm0, $0xb8;
	[tilespmem:$0x10080] =	vst v63  }
0xe4: {  	_ = 	snop  }
0xe5: {  	[tilespmem:s30], [sflag:$0x1] =	stream.indirect_vreg.gather [hbm4b:s3+s1], $0x80, v4, vm0, $0xb8;
	[tilespmem:$0x10080] =	vst v63  }
0xe6: {  	_ = 	snop  }
0xe7: {  	[tilespmem:s0], [sflag:$0x1] =	stream.indirect_vreg.gather [hbm4b:s2+s1], $0x80, v3, vm0, $0xb8;
	[tilespmem:$0x10080] =	vst v63  }
0xe8: {  	_ = 	snop  }
0xe9: {  	[tilespmem:s4], [sflag:$0x1] =	stream.indirect_vreg.gather [hbm4b:s3+s1], $0x80, v3, vm0, $0xb8;
	[tilespmem:$0x10080] =	vst v63  }
0xea: {  	v3 =	vld [tilespmem:$0x40];
	_ =	sdelay $0x4  }
0xeb: {  	v60 =	vshll.u32 v3, $0x2  }
0xec: {  	v3 =	vand.u32 $0x7, v3;
	v4 =	vand.u32 $0xFFFFFFE0, v60  }
0xed: {  	v3 =	vor.u32 v3, v4  }
0xee: {  	v4 =	vperm.xlane v3, v0;
	_ =	sdelay $0x1  }
0xef: {  	v4 =	vadd.s32 v1, v4;
	_ =	sdelay $0x1  }
0xf0: {  	v3 =	vperm.xlane v3, v2;
	_ =	sdelay $0x1  }
0xf1: {  	v3 =	vadd.s32 v1, v3  }
0xf2: {  	[tilespmem:s5], [sflag:$0x1] =	stream.indirect_vreg.gather [hbm4b:s2+s1], $0x80, v4, vm0, $0xb8;
	[tilespmem:$0x10080] =	vst v63  }
0xf3: {  	_ = 	snop  }
0xf4: {  	[tilespmem:s6], [sflag:$0x1] =	stream.indirect_vreg.gather [hbm4b:s3+s1], $0x80, v4, vm0, $0xb8;
	[tilespmem:$0x10080] =	vst v63  }
0xf5: {  	_ = 	snop  }
0xf6: {  	[tilespmem:s7], [sflag:$0x1] =	stream.indirect_vreg.gather [hbm4b:s2+s1], $0x80, v3, vm0, $0xb8;
	[tilespmem:$0x10080] =	vst v63  }
0xf7: {  	_ = 	snop  }
0xf8: {  	[tilespmem:s10], [sflag:$0x1] =	stream.indirect_vreg.gather [hbm4b:s3+s1], $0x80, v3, vm0, $0xb8;
	[tilespmem:$0x10080] =	vst v63  }
0xf9: {  	v3 =	vld [tilespmem:$0x50];
	_ =	sdelay $0x4  }
0xfa: {  	v61 =	vshll.u32 v3, $0x2  }
0xfb: {  	v3 =	vand.u32 $0x7, v3;
	v4 =	vand.u32 $0xFFFFFFE0, v61  }
0xfc: {  	v3 =	vor.u32 v3, v4  }
0xfd: {  	v4 =	vperm.xlane v3, v0;
	_ =	sdelay $0x1  }
0xfe: {  	v4 =	vadd.s32 v1, v4;
	_ =	sdelay $0x1  }
0xff: {  	v3 =	vperm.xlane v3, v2;
	_ =	sdelay $0x1  }
0x100: {  	v3 =	vadd.s32 v1, v3  }
0x101: {  	[tilespmem:s11], [sflag:$0x1] =	stream.indirect_vreg.gather [hbm4b:s2+s1], $0x80, v4, vm0, $0xb8;
	[tilespmem:$0x10080] =	vst v63  }
0x102: {  	_ = 	snop  }
0x103: {  	[tilespmem:s12], [sflag:$0x1] =	stream.indirect_vreg.gather [hbm4b:s3+s1], $0x80, v4, vm0, $0xb8;
	[tilespmem:$0x10080] =	vst v63  }
0x104: {  	_ = 	snop  }
0x105: {  	[tilespmem:s13], [sflag:$0x1] =	stream.indirect_vreg.gather [hbm4b:s2+s1], $0x80, v3, vm0, $0xb8;
	[tilespmem:$0x10080] =	vst v63  }
0x106: {  	_ = 	snop  }
0x107: {  	[tilespmem:s14], [sflag:$0x1] =	stream.indirect_vreg.gather [hbm4b:s3+s1], $0x80, v3, vm0, $0xb8;
	[tilespmem:$0x10080] =	vst v63  }
0x108: {  	v3 =	vld [tilespmem:$0x60];
	_ =	sdelay $0x4  }
0x109: {  	v62 =	vshll.u32 v3, $0x2  }
0x10a: {  	v3 =	vand.u32 $0x7, v3;
	v4 =	vand.u32 $0xFFFFFFE0, v62  }
0x10b: {  	v3 =	vor.u32 v3, v4  }
0x10c: {  	v4 =	vperm.xlane v3, v0;
	_ =	sdelay $0x1  }
0x10d: {  	v4 =	vadd.s32 v1, v4;
	_ =	sdelay $0x1  }
0x10e: {  	v3 =	vperm.xlane v3, v2;
	_ =	sdelay $0x1  }
0x10f: {  	s21 =	simm.s32 $0xC080;
	v3 =	vadd.s32 v1, v3  }
0x110: {  	[tilespmem:s21], [sflag:$0x1] =	stream.indirect_vreg.gather [hbm4b:s2+s1], $0x80, v4, vm0, $0xb8;
	[tilespmem:$0x10080] =	vst v63  }
0x111: {  	s22 =	simm.s32 $0xC880  }
0x112: {  	[tilespmem:s22], [sflag:$0x1] =	stream.indirect_vreg.gather [hbm4b:s3+s1], $0x80, v4, vm0, $0xb8;
	[tilespmem:$0x10080] =	vst v63  }
0x113: {  	s23 =	simm.s32 $0xD080  }
0x114: {  	[tilespmem:s23], [sflag:$0x1] =	stream.indirect_vreg.gather [hbm4b:s2+s1], $0x80, v3, vm0, $0xb8;
	[tilespmem:$0x10080] =	vst v63  }
0x115: {  	s24 =	simm.s32 $0xD880  }
0x116: {  	[tilespmem:s24], [sflag:$0x1] =	stream.indirect_vreg.gather [hbm4b:s3+s1], $0x80, v3, vm0, $0xb8;
	[tilespmem:$0x10080] =	vst v63  }
0x117: {  	v3 =	vld [tilespmem:$0x70];
	_ =	sdelay $0x4  }
0x118: {  	v63 =	vshll.u32 v3, $0x2  }
0x119: {  	v3 =	vand.u32 $0x7, v3;
	v4 =	vand.u32 $0xFFFFFFE0, v63  }
0x11a: {  	v3 =	vor.u32 v3, v4  }
0x11b: {  	v4 =	vperm.xlane v3, v0;
	_ =	sdelay $0x1  }
0x11c: {  	v4 =	vadd.s32 v1, v4;
	_ =	sdelay $0x1  }
0x11d: {  	v3 =	vperm.xlane v3, v2;
	_ =	sdelay $0x1  }
0x11e: {  	s25 =	simm.s32 $0xE080;
	v3 =	vadd.s32 v1, v3  }
0x11f: {  	[tilespmem:s25], [sflag:$0x1] =	stream.indirect_vreg.gather [hbm4b:s2+s1], $0x80, v4, vm0, $0xb8;
	[tilespmem:$0x10080] =	vst v63  }
0x120: {  	s26 =	simm.s32 $0xE880  }
0x121: {  	[tilespmem:s26], [sflag:$0x1] =	stream.indirect_vreg.gather [hbm4b:s3+s1], $0x80, v4, vm0, $0xb8;
	[tilespmem:$0x10080] =	vst v63  }
0x122: {  	s28 =	simm.s32 $0xF080  }
0x123: {  	[tilespmem:s28], [sflag:$0x1] =	stream.indirect_vreg.gather [hbm4b:s2+s1], $0x80, v3, vm0, $0xb8;
	[tilespmem:$0x10080] =	vst v63  }
0x124: {  	s29 =	simm.s32 $0xF880  }
0x125: {  	[tilespmem:s29], [sflag:$0x1] =	stream.indirect_vreg.gather [hbm4b:s3+s1], $0x80, v3, vm0, $0xb8;
	[tilespmem:$0x10080] =	vst v63  }
0x126: {  	_ =	swait.ge [sflag:s15], $0x10000  }
0x127: {  	[sflag:s15] =	ssyncset.done $0x0  }
.Ltmp4:
0x128: {  	s30 =	rddreg [dreg:$0x4];
	[sflag:s15] =	ssyncadd.s32 $0xFFFF0000;
	(pc) =	sbr.rel .LBB2_5-.Ltmp4, $4  }
0x129: {  	[hbm4b:s30+s1] =	stream.linear.scatter [tilespmem:s31], [sflag:$0x2], $0x10000, $0x38;
	[tilespmem:$0x10080] =	vst v63  }
0x12a: {  	_ =	swait.ge [sflag:s8], $0x10000  }
0x12b: {  	[sflag:s8] =	ssyncset.done $0x0  }
0x12c: {  	[sflag:s8] =	ssyncadd.s32 $0xFFFF0000  }
.LBB2_6:
0x12d: {  	_ =	sfence.sel $0x180000  }
0x12e: {  	[bflag:$0x0] =	sbarrier.arrive $0xFFFF  }
0x12f: {  	_ =	strace $0x90000047  }
0x130: {  	[bflag:$0x2] =	sbarrier.arrive $0xFFFF  }
0x131: {  	s0 =	rddreg [dreg:$0x1]  }
0x132: {  	s0 =	sadd.s32 @!p0 $0x100000, s0  }
0x133: {  	[sflag:s0] =	ssyncadd.tile.s32 @!p0 $0x1;
	_ =	shalt  }
.Lfunc_end2:
_tile_overlayer_lowered:
.L_overlay_start_2:
0x134: {  	(tag) =	ssettag $0x2  }
0x135: {  	s0 =	rddreg [dreg:$0x0];
	s2 =	stileid.u32  }
0x136: {  	s1 =	rddreg [dreg:$0x1];
	p0 =	sne.s32 s2, $0x0  }
0x137: {  	s3 =	rddreg [dreg:$0x2];
	[bflag:$0x3] =	sbarrier.arrive $0xFFFF;
	s2 =	simm.s32 @!p0 $0x1C02  }
0x138: {  	[timem:s3], [sflag:s2] =	dma.local @!p0 [hbm:s0], s1  }
0x139: {  	s0 =	simm.s32 @!p0 $0x2  }
0x13a: {  	_ =	swait.ge @!p0 [sflag:s0], s1  }
0x13b: {  	s1 =	ssub.s32 @!p0 $0x0, s1;
	[sflag:s0] =	ssyncset.done @!p0 $0x0  }
0x13c: {  	[sflag:s0] =	ssyncadd.s32 @!p0 s1  }
0x13d: {  	[bflag:$0x3] =	sbarrier.arrive $0xFFFF  }
0x13e: {  	_ =	shalt  }

// kernel: kernel.15.cloned.1.call-start
scs
__scs_entry_jumppad:
0x0: {  	(pc) =	sbr.rel $0x88, $3  }
0x1: {  	(tag) =	ssettag $0x0;
	lr =	simm.s32 $0x1  }
0x2: {  	[smem:$0x3F87] =	sst lr;
	_ =	strace $0xD0000000  }
0x3: {  	_ = 	snop  }
0x4: {  	_ = 	snop  }
0x5: {  	_ = 	snop  }
0x6: {  	_ = 	snop  }
0x7: {  	_ = 	snop  }
__scs_overlays_trampoline_lowered:
0x8: {  	[smem:$0x3F96] =	sst s0  }
0x9: {  	[smem:$0x3F97] =	sst s1  }
0xa: {  	[smem:$0x3F98] =	sst s2  }
0xb: {  	[smem:$0x3F99] =	sst s3  }
0xc: {  	[smem:$0x3F9A] =	sst s4  }
0xd: {  	[smem:$0x3F9B] =	sst s5  }
0xe: {  	[smem:$0x3F9C] =	sst s6  }
0xf: {  	[smem:$0x3F9D] =	sst s7  }
0x10: {  	[smem:$0x3F9E] =	sst s8  }
0x11: {  	[smem:$0x3F9F] =	sst s9;
	s0 =	simm.s32 @!p0 $0x0  }
0x12: {  	s1 =	sld [smem:$0x3F85];
	s0 =	simm.s32 @p0 $0x1  }
0x13: {  	[smem:$0x3FA0] =	sst s0;
	s0 =	simm.s32 @!p1 $0x0  }
0x14: {  	s2 =	sld [smem:$0x3F84];
	s0 =	simm.s32 @p1 $0x1  }
0x15: {  	[smem:$0x3FA1] =	sst s0;
	s0 =	simm.s32 @!p2 $0x0  }
0x16: {  	s3 =	sld [smem:$0x3FDB];
	s0 =	simm.s32 @p2 $0x1  }
0x17: {  	s4 =	simm.s32 $0x1BF5;
	[smem:$0x3FA3] =	sst s0  }
0x18: {  	s0 =	sld [smem:$0x3F86];
	_ =	swait.ge [sflag:s4], $0x0  }
0x19: {  	s7 =	sld [smem:$0x3F87]  }
0x1a: {  	s8 =	sadd.s32 $0xFFFFE003, lr  }
0x1b: {  	s9 =	sadd.s32 $0xFFFFFEF7, lr;
	s5 =	simm.s32 $0xFFFFFFFF;
	p2 =	slt.u32 s8, $0xFFFFF086  }
0x1c: {  	p1 =	slt.u32 s9, $0xF7A;
	s5 =	simm.s32 @!p2 $0x0  }
0x1d: {  	s5 =	simm.s32 @p1 $0x1;
	p0 =	seq.s32 s7, s2  }
0x1e: {  	s7 =	smul.u32 @!p0 $0xF7A, s2;
	p2 =	seq.s32 @!p0 s5, $0x0  }
0x1f: {  	s9 =	smul.u32 $0xF7A, s1;
	s8 =	simm.s32 @!p0 $0x1BF5;
	p2 =	por !p2, p0  }
0x20: {  	[sflag:s8] =	ssyncset.s32 @!p0 $0xFFFFF086;
	s6 =	sadd.s32 @!p0 s3, s7;
	s7 =	simm.s32 @!p0 $0x108  }
0x21: {  	s3 =	sadd.s32 s3, s9;
	s6 =	sadd.s32 @!p0 $0x88, s6;
	s7 =	simm.s32 @p2 $0x1082  }
0x22: {  	[simem:s7], [sflag:s8] =	dma.local @!p0 [hbm:s6], $0xF7A  }
0x23: {  	s9 =	sor.u32 $0xD0000000, s2;
	s6 =	simm.s32 $0x108;
	_ =	swait.ge @!p0 [sflag:s8], $0x0  }
0x24: {  	s3 =	sadd.s32 $0x88, s3;
	s6 =	simm.s32 @!p1 $0x1082;
	[sflag:s4] =	ssyncset.s32 $0xFFFFF086  }
0x25: {  	[simem:s6], [sflag:s4] =	dma.local [hbm:s3], $0xF7A  }
0x26: {  	[smem:$0x3F87] =	sst s1;
	(tag) =	ssettag s2;
	_ =	strace s9  }
0x27: {  	s1 =	sld [smem:$0x3F97]  }
0x28: {  	s2 =	sld [smem:$0x3F98]  }
0x29: {  	s4 =	sld [smem:$0x3F9A]  }
0x2a: {  	p0 =	seq.s32 s5, $0x0;
	s5 =	sld [smem:$0x3F9B]  }
0x2b: {  	s6 =	sld [smem:$0x3F9C]  }
0x2c: {  	s7 =	sld [smem:$0x3F9D]  }
0x2d: {  	s3 =	simm.s32 $0x108;
	s8 =	sld [smem:$0x3F9E]  }
0x2e: {  	s3 =	simm.s32 @!p0 $0x1082;
	s9 =	sld [smem:$0x3F9F]  }
0x2f: {  	lr =	sadd.s32 s0, s3;
	s0 =	sld [smem:$0x3F96]  }
0x30: {  	s3 =	sld [smem:$0x3F99]  }
0x31: {  	[smem:$0x3FA2] =	sst s10  }
0x32: {  	s10 =	sld [smem:$0x3FA0];
	_ =	sdelay $0x3  }
0x33: {  	p0 =	seq.s32 s10, $0x1;
	s10 =	sld [smem:$0x3FA2];
	_ =	sdelay $0x3  }
0x34: {  	[smem:$0x3FA2] =	sst s10  }
0x35: {  	s10 =	sld [smem:$0x3FA1];
	_ =	sdelay $0x3  }
0x36: {  	p1 =	seq.s32 s10, $0x1;
	s10 =	sld [smem:$0x3FA2];
	_ =	sdelay $0x3  }
0x37: {  	[smem:$0x3FA2] =	sst s10  }
0x38: {  	s10 =	sld [smem:$0x3FA3]  }
0x39: {  	_ = 	snop;
	(pc) =	sbr.ind lr, $3  }
0x3a: {  	_ = 	snop  }
0x3b: {  	_ = 	snop  }
0x3c: {  	p2 =	seq.s32 s10, $0x1;
	s10 =	sld [smem:$0x3FA2]  }
0x3d: {  	_ =	shalt  }
0x3e: {  	_ =	shalt  }
0x3f: {  	_ =	shalt  }
0x40: {  	_ =	shalt  }
0x41: {  	_ =	shalt  }
0x42: {  	_ =	shalt  }
0x43: {  	_ =	shalt  }
0x44: {  	_ =	shalt  }
0x45: {  	_ =	shalt  }
0x46: {  	_ =	shalt  }
0x47: {  	_ =	shalt  }
0x48: {  	_ =	shalt  }
0x49: {  	_ =	shalt  }
0x4a: {  	_ =	shalt  }
0x4b: {  	_ =	shalt  }
0x4c: {  	_ =	shalt  }
0x4d: {  	_ =	shalt  }
0x4e: {  	_ =	shalt  }
0x4f: {  	_ =	shalt  }
0x50: {  	_ =	shalt  }
0x51: {  	_ =	shalt  }
0x52: {  	_ =	shalt  }
0x53: {  	_ =	shalt  }
0x54: {  	_ =	shalt  }
0x55: {  	_ =	shalt  }
0x56: {  	_ =	shalt  }
0x57: {  	_ =	shalt  }
0x58: {  	_ =	shalt  }
0x59: {  	_ =	shalt  }
0x5a: {  	_ =	shalt  }
0x5b: {  	_ =	shalt  }
0x5c: {  	_ =	shalt  }
0x5d: {  	_ =	shalt  }
0x5e: {  	_ =	shalt  }
0x5f: {  	_ =	shalt  }
0x60: {  	_ =	shalt  }
0x61: {  	_ =	shalt  }
0x62: {  	_ =	shalt  }
0x63: {  	_ =	shalt  }
0x64: {  	_ =	shalt  }
0x65: {  	_ =	shalt  }
0x66: {  	_ =	shalt  }
0x67: {  	_ =	shalt  }
0x68: {  	_ =	shalt  }
0x69: {  	_ =	shalt  }
0x6a: {  	_ =	shalt  }
0x6b: {  	_ =	shalt  }
0x6c: {  	_ =	shalt  }
0x6d: {  	_ =	shalt  }
0x6e: {  	_ =	shalt  }
0x6f: {  	_ =	shalt  }
0x70: {  	_ =	shalt  }
0x71: {  	_ =	shalt  }
0x72: {  	_ =	shalt  }
0x73: {  	_ =	shalt  }
0x74: {  	_ =	shalt  }
0x75: {  	_ =	shalt  }
0x76: {  	_ =	shalt  }
0x77: {  	_ =	shalt  }
0x78: {  	_ =	shalt  }
0x79: {  	_ =	shalt  }
0x7a: {  	_ =	shalt  }
0x7b: {  	_ =	shalt  }
0x7c: {  	_ =	shalt  }
0x7d: {  	_ =	shalt  }
0x7e: {  	_ =	shalt  }
0x7f: {  	_ =	shalt  }
0x80: {  	_ =	shalt  }
0x81: {  	_ =	shalt  }
0x82: {  	_ =	shalt  }
0x83: {  	_ =	shalt  }
0x84: {  	_ =	shalt  }
0x85: {  	_ =	shalt  }
0x86: {  	_ =	shalt  }
0x87: {  	_ =	shalt  }
.Lfunc_end0:
.L_simem_size_0:
called_computation.1_lowered:
.L_overlay_start_0:
0x88: {  	s2 =	sld [smem:$0x3FD9]  }
0x89: {  	s3 =	sld [smem:$0x3FFE];
	_ =	sdelay $0x1  }
0x8a: {  	s1 =	srdreg.scid  }
0x8b: {  	s0 =	sand.u32 $0x1, s1  }
0x8c: {  	s15 =	sshll.u32 s0, $0xA;
	s2 =	sadd.s32 s3, s2  }
0x8d: {  	s2 =	sadd.s32 s2, s15  }
0x8e: {  	[smem:$0x3FAE] =	sst s2  }
0x8f: {  	_ = 	snop  }
0x90: {  	s2 =	sld [smem:$0x3FD0];
	_ =	sdelay $0x2  }
0x91: {  	s16 =	simm.s32 $0xB;
	s4 =	simm.s32 $0x10  }
0x92: {  	[smem:s4], [sflag:s16] =	dma.local [hbm:s2], $0x1  }
0x93: {  	_ =	swait.eq [sflag:s16], $0x1  }
0x94: {  	[sflag:s16] =	ssyncset.done $0x0  }
0x95: {  	s17 =	sld [smem:$0x10];
	[sflag:s16] =	ssyncadd.s32 $0xFFFFFFFF  }
0x96: {  	s18 =	sld [smem:$0x11];
	(tm) =	ssettm $0x1  }
0x97: {  	s19 =	sld [smem:$0x3FFB];
	_ =	sdelay $0x3  }
0x98: {  	_ =	strace s19  }
0x99: {  	s2 =	sld [smem:$0x3FFC];
	_ =	sdelay $0x3  }
0x9a: {  	_ =	strace s2  }
0x9b: {  	s2 =	sld [smem:$0x3FFD];
	_ =	sdelay $0x3  }
0x9c: {  	_ =	strace s2  }
0x9d: {  	_ =	strace $0x8FFFFFFF  }
0x9e: {  	s20 =	sld [smem:$0x3FDB];
	_ =	sdelay $0x1  }
0x9f: {  	s5 =	simm.s32 $_scs_section_size  }
0xa0: {  	s6 =	simm.s32 $_size__tile_overlayer_lowered;
	s7 =	simm.s32 $_tile_overlayer_lowered  }
0xa1: {  	s8 =	simm.s32 $0x1BFF;
	s21 =	sshll.u32 s7, $0x1;
	s5 =	sadd.s32 s5, s20  }
0xa2: {  	s22 =	simm.s32 $0x0;
	s6 =	sshll.u32 s6, $0x1;
	s7 =	sadd.s32 s21, s5  }
0xa3: {  	[timem:s22], [sflag:s8] =	dma.local [hbm:s7], s6  }
0xa4: {  	_ =	swait.ge [sflag:s8], s6  }
0xa5: {  	s6 =	ssub.s32 $0x0, s6;
	[sflag:s8] =	ssyncset.done $0x0  }
0xa6: {  	[sflag:s8] =	ssyncadd.s32 s6;
	_ =	sdelay $0x1  }
0xa7: {  	s23 =	simm.s32 $0x1B8B  }
0xa8: {  	_ =	swait.ge [sflag:s23], $0x1  }
0xa9: {  	[sflag:s23] =	ssyncset.done $0x0  }
0xaa: {  	[sflag:s23] =	ssyncadd.s32 $0xFFFFFFFF  }
0xab: {  	s6 =	sld [smem:$0x0]  }
0xac: {  	s7 =	sand.u32 $0xFFFFFFFE, s1  }
0xad: {  	p0 =	sne.s32 s1, s7  }
0xae: {  	s7 =	sshll.u32 @p0 s7, $0xE  }
0xaf: {  	s7 =	sadd.s32 @p0 $0x11B8D, s7;
	s8 =	sshll.u32 @p0 s6, $0x11  }
0xb0: {  	s7 =	sor.u32 @p0 s8, s7  }
0xb1: {  	[sflag:s7] =	ssyncadd.remote.s32 @p0 $0x1;
	_ =	sdelay $0x1  }
0xb2: {  	s7 =	simm.s32 @p0 $0x1B8D  }
0xb3: {  	_ =	swait.eq @p0 [sflag:s7], $0x1  }
0xb4: {  	[sflag:s7] =	ssyncadd.s32 @p0 $0xFFFFFFFF  }
0xb5: {  	s8 =	sshll.u32 @!p0 s1, $0xE  }
0xb6: {  	s8 =	sor.u32 @!p0 $0x4000, s8;
	s7 =	simm.s32 @!p0 $0x1B8D  }
0xb7: {  	s6 =	sshll.u32 @!p0 s6, $0x11;
	s8 =	sadd.s32 @!p0 $0x11B8D, s8;
	_ =	swait.eq @!p0 [sflag:s7], $0x1  }
0xb8: {  	s6 =	sor.u32 @!p0 s6, s8;
	[sflag:s7] =	ssyncadd.s32 @!p0 $0xFFFFFFFF  }
0xb9: {  	s25 =	simm.s32 $0x1B8E;
	s24 =	sld [smem:$0x3FFE];
	[sflag:s6] =	ssyncadd.remote.s32 @!p0 $0x1  }
0xba: {  	s26 =	simm.s32 $execute0_lowered;
	[smem:$0x3FD2] =	sst s25  }
0xbb: {  	s7 =	sshll.u32 s26, $0x1;
	_ =	strace $0x80000049;
	[dreg:$0x1] =	wrdreg $0xFFFFFFFF  }
0xbc: {  	s28 =	simm.s32 $_size_execute0_lowered;
	s5 =	sadd.s32 s5, s7;
	[dreg:$0x0] =	wrdreg $0x0  }
0xbd: {  	s7 =	sshll.u32 s28, $0x1;
	[dreg:$0x2] =	wrdreg s5  }
0xbe: {  	[dreg:$0x3] =	wrdreg s7  }
0xbf: {  	[dreg:$0x4] =	wrdreg $0xC0  }
0xc0: {  	_ =	task [dreg:s22], $0x5FFFF  }
0xc1: {  	[dreg:$0x1] =	wrdreg $0xFFFFFFFF  }
0xc2: {  	[dreg:$0x0] =	wrdreg $0x60  }
0xc3: {  	[dreg:$0x2] =	wrdreg s17  }
0xc4: {  	[dreg:$0x3] =	wrdreg s24  }
0xc5: {  	[dreg:$0x4] =	wrdreg s18  }
0xc6: {  	[dreg:$0x5] =	wrdreg $0xA  }
0xc7: {  	_ =	task.clear_ibuf [dreg:s22], $0x6FFFF;
	_ =	strace $0x90000049  }
0xc8: {  	s29 =	simm.s32 $0xA;
	_ =	strace $0x8000004B  }
0xc9: {  	_ =	swait.ge [sflag:s29], $0x1  }
0xca: {  	[sflag:s29] =	ssyncadd.s32 $0xFFFFFFFF  }
0xcb: {  	_ =	strace $0x9000004B  }
0xcc: {  	_ =	sfence  }
0xcd: {  	s30 =	sld [smem:$0x0];
	_ =	sdelay $0x2  }
0xce: {  	s31 =	sshll.u32 s1, $0xD;
	s1 =	sshrl.u32 s1, $0x2  }
0xcf: {  	s4 =	sand.u32 $0x4000, s31;
	s1 =	sadd.s32 s1, s30  }
0xd0: {  	s0 =	sor.u32 s4, s0;
	s1 =	sshll.u32 s1, $0x11  }
0xd1: {  	s0 =	sor.u32 s1, s0  }
0xd2: {  	s0 =	sadd.s32 $0x8F2B, s0  }
0xd3: {  	[sflag:s0] =	ssyncadd.remote.s32 $0x1  }
0xd4: {  	_ =	sfence.sel $0xFFFF  }
0xd5: {  	[dreg:$0x0] =	wrdreg $0xFFFFFFFF;
	(pc) =	sbr.abs _section_cstart, $3  }
0xd6: {  	[dreg:$0x1] =	wrdreg $0xFFFFFFFF  }
0xd7: {  	_ =	task.clear_ibuf [dreg:s22], $0x2FFFF;
	_ =	strace $0x9FFFFFFF  }
0xd8: {  	(tm) =	ssettm $0x7FFFFFFF  }
0xd9: {  	_ =	shalt  }
tec
execute0_lowered:
.L_overlay_start_1:
0x0: {  	(tag) =	ssettag $0x1  }
0x1: {  	s1 =	rddreg [dreg:$0x0]  }
0x2: {  	s3 =	rddreg [dreg:$0x1]  }
0x3: {  	s7 =	rddreg [dreg:$0x2]  }
0x4: {  	s0 =	rddreg [dreg:$0x3];
	s2 =	simm.s32 $0x0  }
0x5: {  	s4 =	srdreg.scid;
	s25 =	stileid.u32;
	s12 =	simm.s32 $0x1880  }
0x6: {  	s13 =	simm.s32 $0x2080;
	s14 =	simm.s32 $0x2880;
	s15 =	simm.s32 $0x3080  }
0x7: {  	s16 =	simm.s32 $0x3880;
	s17 =	simm.s32 $0x4080;
	s18 =	simm.s32 $0x4880  }
0x8: {  	s19 =	simm.s32 $0x5080;
	s20 =	simm.s32 $0x5880;
	s21 =	simm.s32 $0x6080  }
0x9: {  	s22 =	simm.s32 $0x6880;
	s23 =	simm.s32 $0x7080;
	s24 =	simm.s32 $0x7880  }
0xa: {  	[smem:$0x7FF] =	sst s2;
	s8 =	sand.u32 $0x1, s4;
	s6 =	sadd.s32 $0x9A00, s3  }
0xb: {  	s10 =	sshll.u32 s25, $0x8;
	s31 =	sshll.u32 s25, $0xD;
	p0 =	sne.s32 s25, $0x0  }
0xc: {  	s25 =	simm.s32 $0x1;
	_ =	strace $0x8000004A;
	s4 =	ssub.s32 $0x2, s8  }
0xd: {  	s5 =	sshll.u32 s8, $0x7;
	s8 =	sshll.u32 s8, $0xC;
	s26 =	sshrl.u32 s4, $0x1  }
0xe: {  	s28 =	sor.u32 $0x27000, s5;
	s10 =	sor.u32 s5, s10;
	s9 =	ssub.s32 s4, s26  }
.Ltmp0:
0xf: {  	s29 =	sshrl.u32 s28, $0x3;
	s11 =	sshll.u32 s28, $0x5;
	(pc) =	sbr.rel .LBB2_1-.Ltmp0, $4  }
0x10: {  	s30 =	sshrl.u32 s10, $0x3;
	s10 =	simm.s32 $0x880;
	s26 =	simm.s32 $0x0  }
0x11: {  	v2 =	vlaneseq.u32;
	s3 =	sadd.s32 s6, s29;
	s4 =	sadd.s32 s7, s11;
	s5 =	smax.u32 s9, $0x1  }
0x12: {  	vm0 =	vmmov $0xffff;
	v1 =	vshrl.u32 v2, $0x3;
	s6 =	sadd.s32 s30, s6;
	s7 =	sadd.s32 s31, s7;
	s9 =	simm.s32 $0x80  }
0x13: {  	v0 =	vand.u32 $0x7, v2;
	v2 =	vor.u32 $0x8, v2;
	v1 =	vmul.u32 $0x8, v1;
	s11 =	simm.s32 $0x1080;
	s7 =	sadd.s32 s8, s7;
	s8 =	simm.s32 $0x2  }
.LBB2_5:
0x14: {  	s26 =	sadd.s32 $0x1, s26  }
0x15: {  	p1 =	sne.s32 s26, s5  }
.Ltmp1:
0x16: {  	_ = 	snop;
	(pc) =	sbr.rel @!p1 .LBB2_6-.Ltmp1, $1  }
0x17: {  	_ =	sdelay $0x3  }
.LBB2_1:
0x18: {  	s28 =	smov.u32 s7;
	s29 =	simm.s32 $0x0  }
.LBB2_2:
0x19: {  	s30 =	sadd.s32 s29, s6  }
0x1a: {  	[tilespmem:s2], [sflag:$0x2] =	stream.linear.gather [hbm4b:s30+s2], $0x80, $0x38;
	[tilespmem:$0x8080] =	vst v63  }
0x1b: {  	_ =	swait.ge [sflag:s8], $0x80  }
0x1c: {  	[sflag:s8] =	ssyncset.done $0x0  }
0x1d: {  	[sflag:s8] =	ssyncadd.s32 $0xFFFFFF80  }
0x1e: {  	v3 =	vld [tilespmem:$0x0];
	_ =	sdelay $0x4  }
0x1f: {  	v4 =	vshll.u32 v3, $0x1  }
0x20: {  	v3 =	vand.u32 $0x7, v3;
	v4 =	vand.u32 $0xFFFFFFF0, v4  }
0x21: {  	v3 =	vor.u32 v3, v4  }
0x22: {  	v4 =	vperm.xlane v3, v0;
	_ =	sdelay $0x1  }
0x23: {  	v3 =	vperm.xlane v3, v2;
	v4 =	vadd.s32 v1, v4;
	_ =	sdelay $0x1  }
0x24: {  	v3 =	vadd.s32 v1, v3;
	_ =	sdelay $0x2  }
0x25: {  	[tilespmem:s9], [sflag:$0x1] =	stream.indirect_vreg.gather [hbm4b:s1+s2], $0x80, v4, vm0, $0xb8;
	[tilespmem:$0x8080] =	vst v63  }
0x26: {  	_ = 	snop  }
0x27: {  	[tilespmem:s10], [sflag:$0x1] =	stream.indirect_vreg.gather [hbm4b:s1+s2], $0x80, v3, vm0, $0xb8;
	[tilespmem:$0x8080] =	vst v63  }
0x28: {  	v3 =	vld [tilespmem:$0x10];
	_ =	sdelay $0x4  }
0x29: {  	v57 =	vshll.u32 v3, $0x1  }
0x2a: {  	v3 =	vand.u32 $0x7, v3;
	v4 =	vand.u32 $0xFFFFFFF0, v57  }
0x2b: {  	v3 =	vor.u32 v3, v4  }
0x2c: {  	v4 =	vperm.xlane v3, v0;
	_ =	sdelay $0x1  }
0x2d: {  	v3 =	vperm.xlane v3, v2;
	v4 =	vadd.s32 v1, v4;
	_ =	sdelay $0x1  }
0x2e: {  	v3 =	vadd.s32 v1, v3;
	_ =	sdelay $0x2  }
0x2f: {  	[tilespmem:s11], [sflag:$0x1] =	stream.indirect_vreg.gather [hbm4b:s1+s2], $0x80, v4, vm0, $0xb8;
	[tilespmem:$0x8080] =	vst v63  }
0x30: {  	_ = 	snop  }
0x31: {  	[tilespmem:s12], [sflag:$0x1] =	stream.indirect_vreg.gather [hbm4b:s1+s2], $0x80, v3, vm0, $0xb8;
	[tilespmem:$0x8080] =	vst v63  }
0x32: {  	v3 =	vld [tilespmem:$0x20];
	_ =	sdelay $0x4  }
0x33: {  	v58 =	vshll.u32 v3, $0x1  }
0x34: {  	v3 =	vand.u32 $0x7, v3;
	v4 =	vand.u32 $0xFFFFFFF0, v58  }
0x35: {  	v3 =	vor.u32 v3, v4  }
0x36: {  	v4 =	vperm.xlane v3, v0;
	_ =	sdelay $0x1  }
0x37: {  	v3 =	vperm.xlane v3, v2;
	v4 =	vadd.s32 v1, v4;
	_ =	sdelay $0x1  }
0x38: {  	v3 =	vadd.s32 v1, v3;
	_ =	sdelay $0x2  }
0x39: {  	[tilespmem:s13], [sflag:$0x1] =	stream.indirect_vreg.gather [hbm4b:s1+s2], $0x80, v4, vm0, $0xb8;
	[tilespmem:$0x8080] =	vst v63  }
0x3a: {  	_ = 	snop  }
0x3b: {  	[tilespmem:s14], [sflag:$0x1] =	stream.indirect_vreg.gather [hbm4b:s1+s2], $0x80, v3, vm0, $0xb8;
	[tilespmem:$0x8080] =	vst v63  }
0x3c: {  	v3 =	vld [tilespmem:$0x30];
	_ =	sdelay $0x4  }
0x3d: {  	v59 =	vshll.u32 v3, $0x1  }
0x3e: {  	v3 =	vand.u32 $0x7, v3;
	v4 =	vand.u32 $0xFFFFFFF0, v59  }
0x3f: {  	v3 =	vor.u32 v3, v4  }
0x40: {  	v4 =	vperm.xlane v3, v0;
	_ =	sdelay $0x1  }
0x41: {  	v3 =	vperm.xlane v3, v2;
	v4 =	vadd.s32 v1, v4;
	_ =	sdelay $0x1  }
0x42: {  	v3 =	vadd.s32 v1, v3;
	_ =	sdelay $0x2  }
0x43: {  	[tilespmem:s15], [sflag:$0x1] =	stream.indirect_vreg.gather [hbm4b:s1+s2], $0x80, v4, vm0, $0xb8;
	[tilespmem:$0x8080] =	vst v63  }
0x44: {  	_ = 	snop  }
0x45: {  	[tilespmem:s16], [sflag:$0x1] =	stream.indirect_vreg.gather [hbm4b:s1+s2], $0x80, v3, vm0, $0xb8;
	[tilespmem:$0x8080] =	vst v63  }
0x46: {  	v3 =	vld [tilespmem:$0x40];
	_ =	sdelay $0x4  }
0x47: {  	v60 =	vshll.u32 v3, $0x1  }
0x48: {  	v3 =	vand.u32 $0x7, v3;
	v4 =	vand.u32 $0xFFFFFFF0, v60  }
0x49: {  	v3 =	vor.u32 v3, v4  }
0x4a: {  	v4 =	vperm.xlane v3, v0;
	_ =	sdelay $0x1  }
0x4b: {  	v3 =	vperm.xlane v3, v2;
	v4 =	vadd.s32 v1, v4;
	_ =	sdelay $0x1  }
0x4c: {  	v3 =	vadd.s32 v1, v3;
	_ =	sdelay $0x2  }
0x4d: {  	[tilespmem:s17], [sflag:$0x1] =	stream.indirect_vreg.gather [hbm4b:s1+s2], $0x80, v4, vm0, $0xb8;
	[tilespmem:$0x8080] =	vst v63  }
0x4e: {  	_ = 	snop  }
0x4f: {  	[tilespmem:s18], [sflag:$0x1] =	stream.indirect_vreg.gather [hbm4b:s1+s2], $0x80, v3, vm0, $0xb8;
	[tilespmem:$0x8080] =	vst v63  }
0x50: {  	v3 =	vld [tilespmem:$0x50];
	_ =	sdelay $0x4  }
0x51: {  	v61 =	vshll.u32 v3, $0x1  }
0x52: {  	v3 =	vand.u32 $0x7, v3;
	v4 =	vand.u32 $0xFFFFFFF0, v61  }
0x53: {  	v3 =	vor.u32 v3, v4  }
0x54: {  	v4 =	vperm.xlane v3, v0;
	_ =	sdelay $0x1  }
0x55: {  	v3 =	vperm.xlane v3, v2;
	v4 =	vadd.s32 v1, v4;
	_ =	sdelay $0x1  }
0x56: {  	v3 =	vadd.s32 v1, v3;
	_ =	sdelay $0x2  }
0x57: {  	[tilespmem:s19], [sflag:$0x1] =	stream.indirect_vreg.gather [hbm4b:s1+s2], $0x80, v4, vm0, $0xb8;
	[tilespmem:$0x8080] =	vst v63  }
0x58: {  	_ = 	snop  }
0x59: {  	[tilespmem:s20], [sflag:$0x1] =	stream.indirect_vreg.gather [hbm4b:s1+s2], $0x80, v3, vm0, $0xb8;
	[tilespmem:$0x8080] =	vst v63  }
0x5a: {  	v3 =	vld [tilespmem:$0x60];
	_ =	sdelay $0x4  }
0x5b: {  	v62 =	vshll.u32 v3, $0x1  }
0x5c: {  	v3 =	vand.u32 $0x7, v3;
	v4 =	vand.u32 $0xFFFFFFF0, v62  }
0x5d: {  	v3 =	vor.u32 v3, v4  }
0x5e: {  	v4 =	vperm.xlane v3, v0;
	_ =	sdelay $0x1  }
0x5f: {  	v3 =	vperm.xlane v3, v2;
	v4 =	vadd.s32 v1, v4;
	_ =	sdelay $0x1  }
0x60: {  	v3 =	vadd.s32 v1, v3;
	_ =	sdelay $0x2  }
0x61: {  	[tilespmem:s21], [sflag:$0x1] =	stream.indirect_vreg.gather [hbm4b:s1+s2], $0x80, v4, vm0, $0xb8;
	[tilespmem:$0x8080] =	vst v63  }
0x62: {  	_ = 	snop  }
0x63: {  	[tilespmem:s22], [sflag:$0x1] =	stream.indirect_vreg.gather [hbm4b:s1+s2], $0x80, v3, vm0, $0xb8;
	[tilespmem:$0x8080] =	vst v63  }
0x64: {  	v3 =	vld [tilespmem:$0x70];
	_ =	sdelay $0x4  }
0x65: {  	v63 =	vshll.u32 v3, $0x1  }
0x66: {  	v3 =	vand.u32 $0x7, v3;
	v4 =	vand.u32 $0xFFFFFFF0, v63  }
0x67: {  	v3 =	vor.u32 v3, v4  }
0x68: {  	v4 =	vperm.xlane v3, v0;
	_ =	sdelay $0x1  }
0x69: {  	v3 =	vperm.xlane v3, v2;
	v4 =	vadd.s32 v1, v4;
	_ =	sdelay $0x1  }
0x6a: {  	v3 =	vadd.s32 v1, v3;
	_ =	sdelay $0x2  }
0x6b: {  	[tilespmem:s23], [sflag:$0x1] =	stream.indirect_vreg.gather [hbm4b:s1+s2], $0x80, v4, vm0, $0xb8;
	[tilespmem:$0x8080] =	vst v63  }
0x6c: {  	_ = 	snop  }
0x6d: {  	[tilespmem:s24], [sflag:$0x1] =	stream.indirect_vreg.gather [hbm4b:s1+s2], $0x80, v3, vm0, $0xb8;
	[tilespmem:$0x8080] =	vst v63  }
0x6e: {  	_ =	swait.ge [sflag:s25], $0x8000  }
0x6f: {  	p1 =	sne.s32 s29, $0x4C00;
	[sflag:s25] =	ssyncset.done $0x0  }
.Ltmp2:
0x70: {  	[sflag:s25] =	ssyncadd.s32 $0xFFFF8000;
	(pc) =	sbr.rel @p1 .LBB2_2-.Ltmp2, $4  }
0x71: {  	[hbm4b:s28+s2] =	stream.linear.scatter [tilespmem:s9], [sflag:$0x2], $0x8000, $0x38;
	[tilespmem:$0x8080] =	vst v63  }
0x72: {  	_ =	swait.ge [sflag:s8], $0x8000  }
0x73: {  	[sflag:s8] =	ssyncset.done $0x0  }
0x74: {  	s29 =	sadd.s32 $0x200, s29;
	s28 =	sadd.s32 $0x20000, s28;
	[sflag:s8] =	ssyncadd.s32 $0xFFFF8000  }
.Ltmp3:
0x75: {  	(pc) =	sbr.rel @p0 .LBB2_5-.Ltmp3, $1  }
0x76: {  	_ =	sdelay $0x3  }
0x77: {  	[tilespmem:s2], [sflag:$0x2] =	stream.linear.gather [hbm4b:s3+s2], $0x80, $0x38;
	[tilespmem:$0x8080] =	vst v63  }
0x78: {  	_ =	swait.ge [sflag:s8], $0x80  }
0x79: {  	[sflag:s8] =	ssyncset.done $0x0  }
0x7a: {  	[sflag:s8] =	ssyncadd.s32 $0xFFFFFF80  }
0x7b: {  	v3 =	vld [tilespmem:$0x0];
	_ =	sdelay $0x4  }
0x7c: {  	v4 =	vshll.u32 v3, $0x1  }
0x7d: {  	v3 =	vand.u32 $0x7, v3;
	v4 =	vand.u32 $0xFFFFFFF0, v4  }
0x7e: {  	v3 =	vor.u32 v3, v4  }
0x7f: {  	v4 =	vperm.xlane v3, v0;
	_ =	sdelay $0x1  }
0x80: {  	v3 =	vperm.xlane v3, v2;
	v4 =	vadd.s32 v1, v4;
	_ =	sdelay $0x1  }
0x81: {  	v3 =	vadd.s32 v1, v3;
	_ =	sdelay $0x2  }
0x82: {  	[tilespmem:s9], [sflag:$0x1] =	stream.indirect_vreg.gather [hbm4b:s1+s2], $0x80, v4, vm0, $0xb8;
	[tilespmem:$0x8080] =	vst v63  }
0x83: {  	_ = 	snop  }
0x84: {  	[tilespmem:s10], [sflag:$0x1] =	stream.indirect_vreg.gather [hbm4b:s1+s2], $0x80, v3, vm0, $0xb8;
	[tilespmem:$0x8080] =	vst v63  }
0x85: {  	v3 =	vld [tilespmem:$0x10];
	_ =	sdelay $0x4  }
0x86: {  	v57 =	vshll.u32 v3, $0x1  }
0x87: {  	v3 =	vand.u32 $0x7, v3;
	v4 =	vand.u32 $0xFFFFFFF0, v57  }
0x88: {  	v3 =	vor.u32 v3, v4  }
0x89: {  	v4 =	vperm.xlane v3, v0;
	_ =	sdelay $0x1  }
0x8a: {  	v3 =	vperm.xlane v3, v2;
	v4 =	vadd.s32 v1, v4;
	_ =	sdelay $0x1  }
0x8b: {  	v3 =	vadd.s32 v1, v3;
	_ =	sdelay $0x2  }
0x8c: {  	[tilespmem:s11], [sflag:$0x1] =	stream.indirect_vreg.gather [hbm4b:s1+s2], $0x80, v4, vm0, $0xb8;
	[tilespmem:$0x8080] =	vst v63  }
0x8d: {  	_ = 	snop  }
0x8e: {  	[tilespmem:s12], [sflag:$0x1] =	stream.indirect_vreg.gather [hbm4b:s1+s2], $0x80, v3, vm0, $0xb8;
	[tilespmem:$0x8080] =	vst v63  }
0x8f: {  	v3 =	vld [tilespmem:$0x20];
	_ =	sdelay $0x4  }
0x90: {  	v58 =	vshll.u32 v3, $0x1  }
0x91: {  	v3 =	vand.u32 $0x7, v3;
	v4 =	vand.u32 $0xFFFFFFF0, v58  }
0x92: {  	v3 =	vor.u32 v3, v4  }
0x93: {  	v4 =	vperm.xlane v3, v0;
	_ =	sdelay $0x1  }
0x94: {  	v3 =	vperm.xlane v3, v2;
	v4 =	vadd.s32 v1, v4;
	_ =	sdelay $0x1  }
0x95: {  	v3 =	vadd.s32 v1, v3;
	_ =	sdelay $0x2  }
0x96: {  	[tilespmem:s13], [sflag:$0x1] =	stream.indirect_vreg.gather [hbm4b:s1+s2], $0x80, v4, vm0, $0xb8;
	[tilespmem:$0x8080] =	vst v63  }
0x97: {  	_ = 	snop  }
0x98: {  	[tilespmem:s14], [sflag:$0x1] =	stream.indirect_vreg.gather [hbm4b:s1+s2], $0x80, v3, vm0, $0xb8;
	[tilespmem:$0x8080] =	vst v63  }
0x99: {  	v3 =	vld [tilespmem:$0x30];
	_ =	sdelay $0x4  }
0x9a: {  	v59 =	vshll.u32 v3, $0x1  }
0x9b: {  	v3 =	vand.u32 $0x7, v3;
	v4 =	vand.u32 $0xFFFFFFF0, v59  }
0x9c: {  	v3 =	vor.u32 v3, v4  }
0x9d: {  	v4 =	vperm.xlane v3, v0;
	_ =	sdelay $0x1  }
0x9e: {  	v3 =	vperm.xlane v3, v2;
	v4 =	vadd.s32 v1, v4;
	_ =	sdelay $0x1  }
0x9f: {  	v3 =	vadd.s32 v1, v3;
	_ =	sdelay $0x2  }
0xa0: {  	[tilespmem:s15], [sflag:$0x1] =	stream.indirect_vreg.gather [hbm4b:s1+s2], $0x80, v4, vm0, $0xb8;
	[tilespmem:$0x8080] =	vst v63  }
0xa1: {  	_ = 	snop  }
0xa2: {  	[tilespmem:s16], [sflag:$0x1] =	stream.indirect_vreg.gather [hbm4b:s1+s2], $0x80, v3, vm0, $0xb8;
	[tilespmem:$0x8080] =	vst v63  }
0xa3: {  	v3 =	vld [tilespmem:$0x40];
	_ =	sdelay $0x4  }
0xa4: {  	v60 =	vshll.u32 v3, $0x1  }
0xa5: {  	v3 =	vand.u32 $0x7, v3;
	v4 =	vand.u32 $0xFFFFFFF0, v60  }
0xa6: {  	v3 =	vor.u32 v3, v4  }
0xa7: {  	v4 =	vperm.xlane v3, v0;
	_ =	sdelay $0x1  }
0xa8: {  	v3 =	vperm.xlane v3, v2;
	v4 =	vadd.s32 v1, v4;
	_ =	sdelay $0x1  }
0xa9: {  	v3 =	vadd.s32 v1, v3;
	_ =	sdelay $0x2  }
0xaa: {  	[tilespmem:s17], [sflag:$0x1] =	stream.indirect_vreg.gather [hbm4b:s1+s2], $0x80, v4, vm0, $0xb8;
	[tilespmem:$0x8080] =	vst v63  }
0xab: {  	_ = 	snop  }
0xac: {  	[tilespmem:s18], [sflag:$0x1] =	stream.indirect_vreg.gather [hbm4b:s1+s2], $0x80, v3, vm0, $0xb8;
	[tilespmem:$0x8080] =	vst v63  }
0xad: {  	v3 =	vld [tilespmem:$0x50];
	_ =	sdelay $0x4  }
0xae: {  	v61 =	vshll.u32 v3, $0x1  }
0xaf: {  	v3 =	vand.u32 $0x7, v3;
	v4 =	vand.u32 $0xFFFFFFF0, v61  }
0xb0: {  	v3 =	vor.u32 v3, v4  }
0xb1: {  	v4 =	vperm.xlane v3, v0;
	_ =	sdelay $0x1  }
0xb2: {  	v3 =	vperm.xlane v3, v2;
	v4 =	vadd.s32 v1, v4;
	_ =	sdelay $0x1  }
0xb3: {  	v3 =	vadd.s32 v1, v3;
	_ =	sdelay $0x2  }
0xb4: {  	[tilespmem:s19], [sflag:$0x1] =	stream.indirect_vreg.gather [hbm4b:s1+s2], $0x80, v4, vm0, $0xb8;
	[tilespmem:$0x8080] =	vst v63  }
0xb5: {  	_ = 	snop  }
0xb6: {  	[tilespmem:s20], [sflag:$0x1] =	stream.indirect_vreg.gather [hbm4b:s1+s2], $0x80, v3, vm0, $0xb8;
	[tilespmem:$0x8080] =	vst v63  }
0xb7: {  	v3 =	vld [tilespmem:$0x60];
	_ =	sdelay $0x4  }
0xb8: {  	v62 =	vshll.u32 v3, $0x1  }
0xb9: {  	v3 =	vand.u32 $0x7, v3;
	v4 =	vand.u32 $0xFFFFFFF0, v62  }
0xba: {  	v3 =	vor.u32 v3, v4  }
0xbb: {  	v4 =	vperm.xlane v3, v0;
	_ =	sdelay $0x1  }
0xbc: {  	v3 =	vperm.xlane v3, v2;
	v4 =	vadd.s32 v1, v4;
	_ =	sdelay $0x1  }
0xbd: {  	v3 =	vadd.s32 v1, v3;
	_ =	sdelay $0x2  }
0xbe: {  	[tilespmem:s21], [sflag:$0x1] =	stream.indirect_vreg.gather [hbm4b:s1+s2], $0x80, v4, vm0, $0xb8;
	[tilespmem:$0x8080] =	vst v63  }
0xbf: {  	_ = 	snop  }
0xc0: {  	[tilespmem:s22], [sflag:$0x1] =	stream.indirect_vreg.gather [hbm4b:s1+s2], $0x80, v3, vm0, $0xb8;
	[tilespmem:$0x8080] =	vst v63  }
0xc1: {  	v3 =	vld [tilespmem:$0x70];
	_ =	sdelay $0x4  }
0xc2: {  	v63 =	vshll.u32 v3, $0x1  }
0xc3: {  	v3 =	vand.u32 $0x7, v3;
	v4 =	vand.u32 $0xFFFFFFF0, v63  }
0xc4: {  	v3 =	vor.u32 v3, v4  }
0xc5: {  	v4 =	vperm.xlane v3, v0;
	_ =	sdelay $0x1  }
0xc6: {  	v3 =	vperm.xlane v3, v2;
	v4 =	vadd.s32 v1, v4;
	_ =	sdelay $0x1  }
0xc7: {  	v3 =	vadd.s32 v1, v3;
	_ =	sdelay $0x2  }
0xc8: {  	[tilespmem:s23], [sflag:$0x1] =	stream.indirect_vreg.gather [hbm4b:s1+s2], $0x80, v4, vm0, $0xb8;
	[tilespmem:$0x8080] =	vst v63  }
0xc9: {  	_ = 	snop  }
0xca: {  	[tilespmem:s24], [sflag:$0x1] =	stream.indirect_vreg.gather [hbm4b:s1+s2], $0x80, v3, vm0, $0xb8;
	[tilespmem:$0x8080] =	vst v63  }
0xcb: {  	_ =	swait.ge [sflag:s25], $0x8000  }
0xcc: {  	[sflag:s25] =	ssyncset.done $0x0  }
.Ltmp4:
0xcd: {  	[sflag:s25] =	ssyncadd.s32 $0xFFFF8000;
	(pc) =	sbr.rel .LBB2_5-.Ltmp4, $4  }
0xce: {  	[hbm4b:s4+s2] =	stream.linear.scatter [tilespmem:s9], [sflag:$0x2], $0x8000, $0x38;
	[tilespmem:$0x8080] =	vst v63  }
0xcf: {  	_ =	swait.ge [sflag:s8], $0x8000  }
0xd0: {  	[sflag:s8] =	ssyncset.done $0x0  }
0xd1: {  	[sflag:s8] =	ssyncadd.s32 $0xFFFF8000  }
.LBB2_6:
0xd2: {  	_ =	sfence.sel $0x180000  }
0xd3: {  	[bflag:$0x0] =	sbarrier.arrive $0xFFFF  }
0xd4: {  	_ =	strace $0x9000004A  }
0xd5: {  	s0 =	sadd.s32 @!p0 $0x100000, s0;
	[bflag:$0x2] =	sbarrier.arrive $0xFFFF  }
0xd6: {  	[sflag:s0] =	ssyncadd.tile.s32 @!p0 $0x1;
	_ =	shalt  }
.Lfunc_end2:
_tile_overlayer_lowered:
.L_overlay_start_2:
0xd7: {  	(tag) =	ssettag $0x2  }
0xd8: {  	s0 =	rddreg [dreg:$0x0];
	s2 =	stileid.u32  }
0xd9: {  	s1 =	rddreg [dreg:$0x1];
	p0 =	sne.s32 s2, $0x0  }
0xda: {  	s3 =	rddreg [dreg:$0x2];
	[bflag:$0x3] =	sbarrier.arrive $0xFFFF;
	s2 =	simm.s32 @!p0 $0x1C02  }
0xdb: {  	[timem:s3], [sflag:s2] =	dma.local @!p0 [hbm:s0], s1  }
0xdc: {  	s0 =	simm.s32 @!p0 $0x2  }
0xdd: {  	_ =	swait.ge @!p0 [sflag:s0], s1  }
0xde: {  	s1 =	ssub.s32 @!p0 $0x0, s1;
	[sflag:s0] =	ssyncset.done @!p0 $0x0  }
0xdf: {  	[sflag:s0] =	ssyncadd.s32 @!p0 s1  }
0xe0: {  	[bflag:$0x3] =	sbarrier.arrive $0xFFFF  }
0xe1: {  	_ =	shalt  }

// kernel: kernel.18.cloned.1.call-start
scs
__scs_entry_jumppad:
0x0: {  	(pc) =	sbr.rel $0x88, $3  }
0x1: {  	(tag) =	ssettag $0x0;
	lr =	simm.s32 $0x1  }
0x2: {  	[smem:$0x3F87] =	sst lr;
	_ =	strace $0xD0000000  }
0x3: {  	_ = 	snop  }
0x4: {  	_ = 	snop  }
0x5: {  	_ = 	snop  }
0x6: {  	_ = 	snop  }
0x7: {  	_ = 	snop  }
__scs_overlays_trampoline_lowered:
0x8: {  	[smem:$0x3F96] =	sst s0  }
0x9: {  	[smem:$0x3F97] =	sst s1  }
0xa: {  	[smem:$0x3F98] =	sst s2  }
0xb: {  	[smem:$0x3F99] =	sst s3  }
0xc: {  	[smem:$0x3F9A] =	sst s4  }
0xd: {  	[smem:$0x3F9B] =	sst s5  }
0xe: {  	[smem:$0x3F9C] =	sst s6  }
0xf: {  	[smem:$0x3F9D] =	sst s7  }
0x10: {  	[smem:$0x3F9E] =	sst s8  }
0x11: {  	[smem:$0x3F9F] =	sst s9;
	s0 =	simm.s32 @!p0 $0x0  }
0x12: {  	s1 =	sld [smem:$0x3F85];
	s0 =	simm.s32 @p0 $0x1  }
0x13: {  	[smem:$0x3FA0] =	sst s0;
	s0 =	simm.s32 @!p1 $0x0  }
0x14: {  	s2 =	sld [smem:$0x3F84];
	s0 =	simm.s32 @p1 $0x1  }
0x15: {  	[smem:$0x3FA1] =	sst s0;
	s0 =	simm.s32 @!p2 $0x0  }
0x16: {  	s3 =	sld [smem:$0x3FDB];
	s0 =	simm.s32 @p2 $0x1  }
0x17: {  	s4 =	simm.s32 $0x1BF5;
	[smem:$0x3FA3] =	sst s0  }
0x18: {  	s0 =	sld [smem:$0x3F86];
	_ =	swait.ge [sflag:s4], $0x0  }
0x19: {  	s7 =	sld [smem:$0x3F87]  }
0x1a: {  	s8 =	sadd.s32 $0xFFFFE003, lr  }
0x1b: {  	s9 =	sadd.s32 $0xFFFFFEF7, lr;
	s5 =	simm.s32 $0xFFFFFFFF;
	p2 =	slt.u32 s8, $0xFFFFF086  }
0x1c: {  	p1 =	slt.u32 s9, $0xF7A;
	s5 =	simm.s32 @!p2 $0x0  }
0x1d: {  	s5 =	simm.s32 @p1 $0x1;
	p0 =	seq.s32 s7, s2  }
0x1e: {  	s7 =	smul.u32 @!p0 $0xF7A, s2;
	p2 =	seq.s32 @!p0 s5, $0x0  }
0x1f: {  	s9 =	smul.u32 $0xF7A, s1;
	s8 =	simm.s32 @!p0 $0x1BF5;
	p2 =	por !p2, p0  }
0x20: {  	[sflag:s8] =	ssyncset.s32 @!p0 $0xFFFFF086;
	s6 =	sadd.s32 @!p0 s3, s7;
	s7 =	simm.s32 @!p0 $0x108  }
0x21: {  	s3 =	sadd.s32 s3, s9;
	s6 =	sadd.s32 @!p0 $0x88, s6;
	s7 =	simm.s32 @p2 $0x1082  }
0x22: {  	[simem:s7], [sflag:s8] =	dma.local @!p0 [hbm:s6], $0xF7A  }
0x23: {  	s9 =	sor.u32 $0xD0000000, s2;
	s6 =	simm.s32 $0x108;
	_ =	swait.ge @!p0 [sflag:s8], $0x0  }
0x24: {  	s3 =	sadd.s32 $0x88, s3;
	s6 =	simm.s32 @!p1 $0x1082;
	[sflag:s4] =	ssyncset.s32 $0xFFFFF086  }
0x25: {  	[simem:s6], [sflag:s4] =	dma.local [hbm:s3], $0xF7A  }
0x26: {  	[smem:$0x3F87] =	sst s1;
	(tag) =	ssettag s2;
	_ =	strace s9  }
0x27: {  	s1 =	sld [smem:$0x3F97]  }
0x28: {  	s2 =	sld [smem:$0x3F98]  }
0x29: {  	s4 =	sld [smem:$0x3F9A]  }
0x2a: {  	p0 =	seq.s32 s5, $0x0;
	s5 =	sld [smem:$0x3F9B]  }
0x2b: {  	s6 =	sld [smem:$0x3F9C]  }
0x2c: {  	s7 =	sld [smem:$0x3F9D]  }
0x2d: {  	s3 =	simm.s32 $0x108;
	s8 =	sld [smem:$0x3F9E]  }
0x2e: {  	s3 =	simm.s32 @!p0 $0x1082;
	s9 =	sld [smem:$0x3F9F]  }
0x2f: {  	lr =	sadd.s32 s0, s3;
	s0 =	sld [smem:$0x3F96]  }
0x30: {  	s3 =	sld [smem:$0x3F99]  }
0x31: {  	[smem:$0x3FA2] =	sst s10  }
0x32: {  	s10 =	sld [smem:$0x3FA0];
	_ =	sdelay $0x3  }
0x33: {  	p0 =	seq.s32 s10, $0x1;
	s10 =	sld [smem:$0x3FA2];
	_ =	sdelay $0x3  }
0x34: {  	[smem:$0x3FA2] =	sst s10  }
0x35: {  	s10 =	sld [smem:$0x3FA1];
	_ =	sdelay $0x3  }
0x36: {  	p1 =	seq.s32 s10, $0x1;
	s10 =	sld [smem:$0x3FA2];
	_ =	sdelay $0x3  }
0x37: {  	[smem:$0x3FA2] =	sst s10  }
0x38: {  	s10 =	sld [smem:$0x3FA3]  }
0x39: {  	_ = 	snop;
	(pc) =	sbr.ind lr, $3  }
0x3a: {  	_ = 	snop  }
0x3b: {  	_ = 	snop  }
0x3c: {  	p2 =	seq.s32 s10, $0x1;
	s10 =	sld [smem:$0x3FA2]  }
0x3d: {  	_ =	shalt  }
0x3e: {  	_ =	shalt  }
0x3f: {  	_ =	shalt  }
0x40: {  	_ =	shalt  }
0x41: {  	_ =	shalt  }
0x42: {  	_ =	shalt  }
0x43: {  	_ =	shalt  }
0x44: {  	_ =	shalt  }
0x45: {  	_ =	shalt  }
0x46: {  	_ =	shalt  }
0x47: {  	_ =	shalt  }
0x48: {  	_ =	shalt  }
0x49: {  	_ =	shalt  }
0x4a: {  	_ =	shalt  }
0x4b: {  	_ =	shalt  }
0x4c: {  	_ =	shalt  }
0x4d: {  	_ =	shalt  }
0x4e: {  	_ =	shalt  }
0x4f: {  	_ =	shalt  }
0x50: {  	_ =	shalt  }
0x51: {  	_ =	shalt  }
0x52: {  	_ =	shalt  }
0x53: {  	_ =	shalt  }
0x54: {  	_ =	shalt  }
0x55: {  	_ =	shalt  }
0x56: {  	_ =	shalt  }
0x57: {  	_ =	shalt  }
0x58: {  	_ =	shalt  }
0x59: {  	_ =	shalt  }
0x5a: {  	_ =	shalt  }
0x5b: {  	_ =	shalt  }
0x5c: {  	_ =	shalt  }
0x5d: {  	_ =	shalt  }
0x5e: {  	_ =	shalt  }
0x5f: {  	_ =	shalt  }
0x60: {  	_ =	shalt  }
0x61: {  	_ =	shalt  }
0x62: {  	_ =	shalt  }
0x63: {  	_ =	shalt  }
0x64: {  	_ =	shalt  }
0x65: {  	_ =	shalt  }
0x66: {  	_ =	shalt  }
0x67: {  	_ =	shalt  }
0x68: {  	_ =	shalt  }
0x69: {  	_ =	shalt  }
0x6a: {  	_ =	shalt  }
0x6b: {  	_ =	shalt  }
0x6c: {  	_ =	shalt  }
0x6d: {  	_ =	shalt  }
0x6e: {  	_ =	shalt  }
0x6f: {  	_ =	shalt  }
0x70: {  	_ =	shalt  }
0x71: {  	_ =	shalt  }
0x72: {  	_ =	shalt  }
0x73: {  	_ =	shalt  }
0x74: {  	_ =	shalt  }
0x75: {  	_ =	shalt  }
0x76: {  	_ =	shalt  }
0x77: {  	_ =	shalt  }
0x78: {  	_ =	shalt  }
0x79: {  	_ =	shalt  }
0x7a: {  	_ =	shalt  }
0x7b: {  	_ =	shalt  }
0x7c: {  	_ =	shalt  }
0x7d: {  	_ =	shalt  }
0x7e: {  	_ =	shalt  }
0x7f: {  	_ =	shalt  }
0x80: {  	_ =	shalt  }
0x81: {  	_ =	shalt  }
0x82: {  	_ =	shalt  }
0x83: {  	_ =	shalt  }
0x84: {  	_ =	shalt  }
0x85: {  	_ =	shalt  }
0x86: {  	_ =	shalt  }
0x87: {  	_ =	shalt  }
.Lfunc_end0:
.L_simem_size_0:
called_computation.2_lowered:
.L_overlay_start_0:
0x88: {  	s2 =	sld [smem:$0x3FD9]  }
0x89: {  	s3 =	sld [smem:$0x3FFE];
	_ =	sdelay $0x1  }
0x8a: {  	s1 =	srdreg.scid  }
0x8b: {  	s0 =	sand.u32 $0x1, s1  }
0x8c: {  	s14 =	sshll.u32 s0, $0xA;
	s2 =	sadd.s32 s3, s2  }
0x8d: {  	s2 =	sadd.s32 s2, s14  }
0x8e: {  	[smem:$0x3FAE] =	sst s2  }
0x8f: {  	_ = 	snop  }
0x90: {  	s2 =	sld [smem:$0x3FD0];
	_ =	sdelay $0x2  }
0x91: {  	s15 =	simm.s32 $0xB;
	s4 =	simm.s32 $0x10  }
0x92: {  	[smem:s4], [sflag:s15] =	dma.local [hbm:s2], $0x1  }
0x93: {  	_ =	swait.eq [sflag:s15], $0x1  }
0x94: {  	[sflag:s15] =	ssyncset.done $0x0  }
0x95: {  	[sflag:s15] =	ssyncadd.s32 $0xFFFFFFFF  }
0x96: {  	s16 =	sld [smem:$0x10];
	(tm) =	ssettm $0x1  }
0x97: {  	s17 =	sld [smem:$0x3FFB];
	_ =	sdelay $0x3  }
0x98: {  	_ =	strace s17  }
0x99: {  	s3 =	sld [smem:$0x3FFC];
	_ =	sdelay $0x3  }
0x9a: {  	_ =	strace s3  }
0x9b: {  	s3 =	sld [smem:$0x3FFD];
	_ =	sdelay $0x3  }
0x9c: {  	_ =	strace s3  }
0x9d: {  	_ =	strace $0x8FFFFFFF  }
0x9e: {  	s18 =	sld [smem:$0x3FDB];
	_ =	sdelay $0x1  }
0x9f: {  	s19 =	simm.s32 $_scs_section_size  }
0xa0: {  	s5 =	simm.s32 $_size__tile_overlayer_lowered;
	s6 =	simm.s32 $_tile_overlayer_lowered  }
0xa1: {  	s22 =	simm.s32 $0x1BFF;
	s21 =	sshll.u32 s6, $0x1;
	s3 =	sadd.s32 s19, s18  }
0xa2: {  	s7 =	simm.s32 $0x0;
	s20 =	sshll.u32 s5, $0x1;
	s5 =	sadd.s32 s21, s3  }
0xa3: {  	[timem:s7], [sflag:s22] =	dma.local [hbm:s5], s20  }
0xa4: {  	_ =	swait.ge [sflag:s22], s20  }
0xa5: {  	s4 =	ssub.s32 $0x0, s20;
	[sflag:s22] =	ssyncset.done $0x0  }
0xa6: {  	[sflag:s22] =	ssyncadd.s32 s4;
	_ =	sdelay $0x1  }
0xa7: {  	s23 =	simm.s32 $0x1B8B  }
0xa8: {  	_ =	swait.ge [sflag:s23], $0x1  }
0xa9: {  	[sflag:s23] =	ssyncset.done $0x0  }
0xaa: {  	s25 =	simm.s32 $0x1B8E;
	s24 =	sld [smem:$0x3FFE];
	[sflag:s23] =	ssyncadd.s32 $0xFFFFFFFF  }
0xab: {  	s26 =	simm.s32 $execute0_lowered;
	[smem:$0x3FD2] =	sst s25  }
0xac: {  	s5 =	sshll.u32 s26, $0x1;
	_ =	strace $0x8000004C;
	[dreg:$0x1] =	wrdreg $0xFFFFFFFF  }
0xad: {  	s28 =	simm.s32 $_size_execute0_lowered;
	s3 =	sadd.s32 s3, s5;
	[dreg:$0x0] =	wrdreg $0x0  }
0xae: {  	s5 =	sshll.u32 s28, $0x1;
	[dreg:$0x2] =	wrdreg s3  }
0xaf: {  	[dreg:$0x3] =	wrdreg s5  }
0xb0: {  	[dreg:$0x4] =	wrdreg $0xC0  }
0xb1: {  	_ =	task [dreg:s7], $0x5FFFF  }
0xb2: {  	[dreg:$0x1] =	wrdreg $0xFFFFFFFF  }
0xb3: {  	[dreg:$0x0] =	wrdreg $0x60  }
0xb4: {  	[dreg:$0x2] =	wrdreg s24  }
0xb5: {  	[dreg:$0x3] =	wrdreg s16  }
0xb6: {  	[dreg:$0x4] =	wrdreg $0x94000  }
0xb7: {  	[dreg:$0x5] =	wrdreg $0x9  }
0xb8: {  	_ =	task.clear_ibuf [dreg:s7], $0x6FFFF;
	_ =	strace $0x9000004C  }
0xb9: {  	s29 =	simm.s32 $0x9;
	_ =	strace $0x8000004E  }
0xba: {  	_ =	swait.ge [sflag:s29], $0x1  }
0xbb: {  	[sflag:s29] =	ssyncadd.s32 $0xFFFFFFFF  }
0xbc: {  	_ =	strace $0x9000004E  }
0xbd: {  	_ =	sfence  }
0xbe: {  	s30 =	sld [smem:$0x0];
	_ =	sdelay $0x2  }
0xbf: {  	s31 =	sshll.u32 s1, $0xD;
	s1 =	sshrl.u32 s1, $0x2  }
0xc0: {  	s3 =	sand.u32 $0x4000, s31;
	s1 =	sadd.s32 s1, s30  }
0xc1: {  	s0 =	sor.u32 s3, s0;
	s1 =	sshll.u32 s1, $0x11  }
0xc2: {  	s0 =	sor.u32 s1, s0  }
0xc3: {  	s0 =	sadd.s32 $0x8F2B, s0  }
0xc4: {  	[sflag:s0] =	ssyncadd.remote.s32 $0x1  }
0xc5: {  	_ =	sfence.sel $0xFFFF  }
0xc6: {  	[dreg:$0x0] =	wrdreg $0xFFFFFFFF;
	(pc) =	sbr.abs _section_cstart, $3  }
0xc7: {  	[dreg:$0x1] =	wrdreg $0xFFFFFFFF  }
0xc8: {  	_ =	task.clear_ibuf [dreg:s7], $0x2FFFF;
	_ =	strace $0x9FFFFFFF  }
0xc9: {  	(tm) =	ssettm $0x7FFFFFFF  }
tec
execute0_lowered:
.L_overlay_start_1:
0x0: {  	(tag) =	ssettag $0x1  }
0x1: {  	s1 =	rddreg [dreg:$0x0]  }
0x2: {  	s0 =	simm.s32 $0x0;
	s22 =	stileid.u32;
	s2 =	sadd.s32 $0xF55E00, s1  }
0x3: {  	s4 =	srdreg.scid;
	s3 =	sadd.s32 $0x11C6E00, s1;
	s6 =	smul.u32 $0x280, s22  }
0x4: {  	s4 =	sand.u32 $0x1, s4;
	s11 =	sshll.u32 s22, $0x1;
	s26 =	smul.u32 $0x4E, s22  }
0x5: {  	s7 =	smul.u32 $0x2800, s4;
	s18 =	ssub.s32 $0x2, s4;
	s11 =	sor.u32 s4, s11  }
0x6: {  	s20 =	sshll.u32 s4, $0x4;
	s25 =	sshll.u32 s4, $0xB;
	s4 =	smul.u32 $0x27, s4  }
0x7: {  	s28 =	simm.s32 $0x1200;
	s5 =	sadd.s32 $0x1437E00, s1;
	s13 =	smul.u32 $0x9C000, s11  }
0x8: {  	s29 =	simm.s32 $0x1280;
	s8 =	sadd.s32 $0x16A8E00, s1;
	s19 =	smul.u32 $0x270, s11  }
0x9: {  	[smem:$0x7FF] =	sst s0;
	s9 =	sadd.s32 $0x1919E00, s1;
	s11 =	smul.u32 $0x13800, s11  }
0xa: {  	s10 =	sadd.s32 $0xEA00, s1;
	s12 =	sshrl.u32 s18, $0x1;
	s6 =	sadd.s32 s6, s7  }
0xb: {  	s7 =	ssub.s32 s18, s12;
	s4 =	sadd.s32 s4, s26;
	s23 =	sadd.s32 s2, s11  }
0xc: {  	s26 =	smul.u32 $0x50000, s22;
	s14 =	sadd.s32 s3, s11;
	[dreg:$0x5] =	wrdreg s23  }
0xd: {  	s6 =	sshll.u32 s6, $0x4;
	s16 =	sadd.s32 s5, s11;
	[dreg:$0x7] =	wrdreg s14  }
0xe: {  	s13 =	sshrl.u32 s13, $0x3;
	s18 =	sadd.s32 s8, s11;
	[dreg:$0x9] =	wrdreg s16  }
0xf: {  	s1 =	sadd.s32 s6, s1;
	s6 =	sadd.s32 s10, s19;
	[dreg:$0xd] =	wrdreg s18  }
0x10: {  	s21 =	sadd.s32 $0x13000, s13;
	s19 =	sadd.s32 s9, s11;
	[dreg:$0x4] =	wrdreg s6  }
0x11: {  	s4 =	sshll.u32 s4, $0xB;
	s24 =	sadd.s32 s2, s21;
	[dreg:$0xe] =	wrdreg s19  }
0x12: {  	s13 =	sadd.s32 s25, s2;
	s15 =	sadd.s32 s3, s21;
	[dreg:$0x6] =	wrdreg s24  }
0x13: {  	s11 =	sadd.s32 $0x12800, s11;
	s17 =	sadd.s32 s5, s21;
	[dreg:$0x8] =	wrdreg s15  }
0x14: {  	s6 =	sadd.s32 s20, s10;
	s10 =	sadd.s32 s9, s21;
	[dreg:$0xa] =	wrdreg s17  }
0x15: {  	s16 =	sadd.s32 s25, s5;
	s20 =	sadd.s32 s2, s11;
	[dreg:$0xc] =	wrdreg s10  }
0x16: {  	s14 =	sadd.s32 s25, s8;
	s23 =	sadd.s32 s5, s11;
	[dreg:$0xf] =	wrdreg s20  }
0x17: {  	s12 =	sadd.s32 s4, s2;
	s17 =	sadd.s32 s8, s21;
	[dreg:$0x11] =	wrdreg s23  }
0x18: {  	s15 =	sadd.s32 s25, s3;
	s21 =	sadd.s32 s3, s11;
	[dreg:$0xb] =	wrdreg s17  }
0x19: {  	s10 =	sadd.s32 s25, s9;
	s24 =	sadd.s32 s8, s11;
	[dreg:$0x10] =	wrdreg s21  }
0x1a: {  	s11 =	sadd.s32 s9, s11;
	s25 =	sadd.s32 $0x800, s4;
	[dreg:$0x12] =	wrdreg s24  }
0x1b: {  	s6 =	sadd.s32 $0x4E00, s6;
	[dreg:$0x13] =	wrdreg s11;
	s18 =	sadd.s32 s25, s2  }
0x1c: {  	s2 =	sadd.s32 s4, s3;
	s19 =	sadd.s32 s25, s3;
	s3 =	sadd.s32 s4, s5  }
0x1d: {  	s20 =	sadd.s32 s25, s5;
	s21 =	rddreg [dreg:$0x1];
	s17 =	sadd.s32 s4, s8  }
0x1e: {  	s23 =	sadd.s32 s25, s8;
	s24 =	rddreg [dreg:$0x2];
	s5 =	sshrl.u32 s26, $0x2  }
0x1f: {  	s26 =	sadd.s32 $0x270000, s13;
	_ =	strace $0x8000004D;
	[dreg:$0x14] =	wrdreg s6  }
0x20: {  	s4 =	sadd.s32 s4, s9;
	s8 =	sadd.s32 $0x270000, s16;
	[dreg:$0x16] =	wrdreg s26  }
0x21: {  	s25 =	sadd.s32 s25, s9;
	s9 =	sadd.s32 $0x270000, s14;
	[dreg:$0x18] =	wrdreg s8  }
0x22: {  	s30 =	simm.s32 $0x1300;
	s11 =	sadd.s32 $0x270000, s10;
	[dreg:$0x19] =	wrdreg s9  }
0x23: {  	s31 =	simm.s32 $0x0;
	s13 =	sadd.s32 $0x13A00, s1;
	[dreg:$0x1a] =	wrdreg s11  }
0x24: {  	p0 =	sne.s32 s22, $0x0;
	s14 =	sadd.s32 $0x63A00, s1;
	[dreg:$0x1b] =	wrdreg s13  }
0x25: {  	s16 =	sadd.s32 $0x103A00, s1;
	s5 =	sadd.s32 s5, s24;
	[dreg:$0x1c] =	wrdreg s14  }
0x26: {  	s6 =	sadd.s32 $0x270000, s15;
	s15 =	sadd.s32 $0xB3A00, s1;
	[dreg:$0x1e] =	wrdreg s16  }
0x27: {  	s1 =	sadd.s32 $0x153A00, s1;
	s26 =	smax.u32 s7, $0x1;
	s8 =	sadd.s32 $0x1000, s12  }
0x28: {  	s9 =	sadd.s32 $0x1000, s2;
	s10 =	sadd.s32 $0x1000, s3;
	[dreg:$0x15] =	wrdreg s5  }
0x29: {  	s11 =	sadd.s32 $0x1000, s17;
	s12 =	sadd.s32 $0x1000, s4;
	[dreg:$0x17] =	wrdreg s6  }
0x2a: {  	s13 =	simm.s32 $0x3;
	s14 =	simm.s32 $0x1400;
	[dreg:$0x1d] =	wrdreg s15  }
0x2b: {  	s16 =	simm.s32 $0x1;
	s17 =	simm.s32 $0x80;
	[dreg:$0x1f] =	wrdreg s1  }
0x2c: {  	[smem:$0x7FD] =	sst s26;
	s15 =	simm.s32 $0x5400;
	s26 =	simm.s32 $0x2  }
.LBB2_1:
0x2d: {  	s1 =	rddreg [dreg:$0x4]  }
0x2e: {  	[tilespmem:s0], [sflag:$0x3] =	stream.linear.gather [hbm4b:s1+s0], $0x1380, $0x38;
	[tilespmem:$0x1D400] =	vst v63  }
0x2f: {  	_ =	swait.ge [sflag:s13], $0x1380  }
0x30: {  	s2 =	simm.s32 @!p0 $0x1380;
	[sflag:s13] =	ssyncset.done $0x0  }
0x31: {  	s1 =	simm.s32 @!p0 $0x0;
	s3 =	rddreg [dreg:$0x14];
	[sflag:s13] =	ssyncadd.s32 $0xFFFFEC80  }
0x32: {  	[tilespmem:s2], [sflag:$0x3] =	stream.linear.gather @!p0 [hbm4b:s3+s1], $0x80, $0x38;
	[tilespmem:$0x1D400] =	vst v63  }
0x33: {  	s1 =	simm.s32 @!p0 $0x3  }
0x34: {  	s22 =	stileid.u32;
	_ =	swait.ge @!p0 [sflag:s1], $0x80  }
0x35: {  	s2 =	sshll.u32 s22, $0x6;
	[sflag:s1] =	ssyncset.done @!p0 $0x0;
	s3 =	rddreg [dreg:$0x15]  }
0x36: {  	s22 =	sor.u32 $0x1C03, s2;
	[sflag:s1] =	ssyncadd.s32 @!p0 $0xFFFFFF80;
	s1 =	sshrl.u32 s3, $0x3  }
0x37: {  	[spmem:s1], [sflag:s22] =	dma.local [hbm:s21], $0x2800  }
0x38: {  	_ =	swait.ge [sflag:s13], $0x2800  }
0x39: {  	[sflag:s13] =	ssyncset.done $0x0  }
0x3a: {  	[sflag:s13] =	ssyncadd.s32 $0xFFFFD800  }
0x3b: {  	[bflag:$0x0] =	sbarrier.arrive $0xFFFF  }
0x3c: {  	s4 =	rddreg [dreg:$0x5]  }
0x3d: {  	[tilespmem:s14], [sflag:$0x1] =	stream.linear.gather [hbm4b:s4+s0], $0x4000, $0x38;
	[tilespmem:$0x1D400] =	vst v63  }
0x3e: {  	s5 =	sadd.s32 $0x0, s18  }
0x3f: {  	[tilespmem:s15], [sflag:$0x2] =	stream.linear.gather [hbm4b:s5+s0], $0x4000, $0x38;
	[tilespmem:$0x1D400] =	vst v63  }
0x40: {  	_ =	swait.ge [sflag:s16], $0x4000  }
0x41: {  	[sflag:s16] =	ssyncset.done $0x0  }
0x42: {  	[sflag:s16] =	ssyncadd.s32 $0xFFFFC000  }
0x43: {  	[spmem:s24] =	stream.indirect.scatter.add.f32 [tilespmem:s14], [sflag:$0x3], $0x80, s0, s17, $0xb8;
	[tilespmem:$0x1D400] =	vst v63  }
0x44: {  	_ =	swait.ge [sflag:s13], $0x4000  }
0x45: {  	[sflag:s13] =	ssyncset.done $0x0  }
0x46: {  	s6 =	sadd.s32 $0x0, s8;
	[sflag:s13] =	ssyncadd.s32 $0xFFFFC000  }
0x47: {  	[tilespmem:s14], [sflag:$0x1] =	stream.linear.gather [hbm4b:s6+s0], $0x4000, $0x38;
	[tilespmem:$0x1D400] =	vst v63  }
0x48: {  	_ =	swait.ge [sflag:s26], $0x4000  }
0x49: {  	[sflag:s26] =	ssyncset.done $0x0  }
0x4a: {  	s7 =	simm.s32 $0x80;
	[sflag:s26] =	ssyncadd.s32 $0xFFFFC000  }
0x4b: {  	[spmem:s24] =	stream.indirect.scatter.add.f32 [tilespmem:s15], [sflag:$0x3], $0x80, s7, s17, $0xb8;
	[tilespmem:$0x1D400] =	vst v63  }
0x4c: {  	s2 =	simm.s32 $0x100;
	_ =	swait.ge [sflag:s13], $0x4000  }
0x4d: {  	s3 =	simm.s32 $0x1000;
	s4 =	simm.s32 $0x2000;
	[sflag:s13] =	ssyncset.done $0x0  }
.LBB2_2:
0x4e: {  	s5 =	sadd.s32 s3, s18  }
0x4f: {  	[sflag:s13] =	ssyncadd.s32 $0xFFFFC000;
	s6 =	smov.u32 s4;
	s7 =	sadd.s32 $0x1000, s4  }
0x50: {  	[tilespmem:s15], [sflag:$0x2] =	stream.linear.gather [hbm4b:s5+s0], $0x4000, $0x38;
	[tilespmem:$0x1D400] =	vst v63  }
0x51: {  	p1 =	sne.s32 s4, $0x11000;
	_ =	swait.ge [sflag:s16], $0x4000  }
0x52: {  	[sflag:s16] =	ssyncset.done $0x0  }
0x53: {  	[sflag:s16] =	ssyncadd.s32 $0xFFFFC000  }
0x54: {  	[spmem:s24] =	stream.indirect.scatter.add.f32 [tilespmem:s14], [sflag:$0x3], $0x80, s2, s17, $0xb8;
	[tilespmem:$0x1D400] =	vst v63  }
0x55: {  	_ =	swait.ge [sflag:s13], $0x4000  }
0x56: {  	[sflag:s13] =	ssyncset.done $0x0  }
0x57: {  	s4 =	sadd.s32 s3, s8;
	s3 =	smov.u32 s6;
	[sflag:s13] =	ssyncadd.s32 $0xFFFFC000  }
0x58: {  	[tilespmem:s14], [sflag:$0x1] =	stream.linear.gather [hbm4b:s4+s0], $0x4000, $0x38;
	[tilespmem:$0x1D400] =	vst v63  }
0x59: {  	_ =	swait.ge [sflag:s26], $0x4000  }
.Ltmp0:
0x5a: {  	[sflag:s26] =	ssyncset.done $0x0;
	(pc) =	sbr.rel @p1 .LBB2_2-.Ltmp0, $4  }
0x5b: {  	s4 =	sadd.s32 $0x80, s2;
	[sflag:s26] =	ssyncadd.s32 $0xFFFFC000  }
0x5c: {  	[spmem:s24] =	stream.indirect.scatter.add.f32 [tilespmem:s15], [sflag:$0x3], $0x80, s4, s17, $0xb8;
	[tilespmem:$0x1D400] =	vst v63  }
0x5d: {  	_ =	swait.ge [sflag:s13], $0x4000  }
0x5e: {  	s2 =	sadd.s32 $0x100, s2;
	s4 =	smov.u32 s7;
	[sflag:s13] =	ssyncset.done $0x0  }
0x5f: {  	s4 =	sadd.s32 s3, s18;
	[sflag:s13] =	ssyncadd.s32 $0xFFFFC000  }
0x60: {  	[tilespmem:s15], [sflag:$0x2] =	stream.linear.gather [hbm4b:s4+s0], $0x4000, $0x38;
	[tilespmem:$0x1D400] =	vst v63  }
0x61: {  	_ =	swait.ge [sflag:s16], $0x4000  }
0x62: {  	[sflag:s16] =	ssyncset.done $0x0  }
0x63: {  	[sflag:s16] =	ssyncadd.s32 $0xFFFFC000  }
0x64: {  	[spmem:s24] =	stream.indirect.scatter.add.f32 [tilespmem:s14], [sflag:$0x3], $0x80, s2, s17, $0xb8;
	[tilespmem:$0x1D400] =	vst v63  }
0x65: {  	_ =	swait.ge [sflag:s13], $0x4000  }
0x66: {  	[sflag:s13] =	ssyncset.done $0x0  }
0x67: {  	s7 =	sadd.s32 s3, s8;
	[sflag:s13] =	ssyncadd.s32 $0xFFFFC000  }
0x68: {  	[tilespmem:s14], [sflag:$0x1] =	stream.linear.gather [hbm4b:s7+s0], $0x4000, $0x38;
	[tilespmem:$0x1D400] =	vst v63  }
0x69: {  	_ =	swait.ge [sflag:s26], $0x4000  }
0x6a: {  	[sflag:s26] =	ssyncset.done $0x0  }
0x6b: {  	s3 =	sadd.s32 $0x80, s2;
	[sflag:s26] =	ssyncadd.s32 $0xFFFFC000  }
0x6c: {  	[spmem:s24] =	stream.indirect.scatter.add.f32 [tilespmem:s15], [sflag:$0x3], $0x80, s3, s17, $0xb8;
	[tilespmem:$0x1D400] =	vst v63  }
0x6d: {  	_ =	swait.ge [sflag:s13], $0x4000  }
0x6e: {  	[sflag:s13] =	ssyncset.done $0x0  }
0x6f: {  	s4 =	rddreg [dreg:$0xf];
	[sflag:s13] =	ssyncadd.s32 $0xFFFFC000  }
0x70: {  	[tilespmem:s15], [sflag:$0x2] =	stream.linear.gather [hbm4b:s4+s0], $0x4000, $0x38;
	[tilespmem:$0x1D400] =	vst v63  }
0x71: {  	_ =	swait.ge [sflag:s16], $0x4000  }
0x72: {  	[sflag:s16] =	ssyncset.done $0x0  }
0x73: {  	[sflag:s16] =	ssyncadd.s32 $0xFFFFC000  }
0x74: {  	[spmem:s24] =	stream.indirect.scatter.add.f32 [tilespmem:s14], [sflag:$0x3], $0x80, s28, s17, $0xb8;
	[tilespmem:$0x1D400] =	vst v63  }
0x75: {  	_ =	swait.ge [sflag:s13], $0x4000  }
0x76: {  	[sflag:s13] =	ssyncset.done $0x0  }
0x77: {  	[sflag:s13] =	ssyncadd.s32 $0xFFFFC000  }
0x78: {  	_ =	swait.ge [sflag:s26], $0x4000  }
0x79: {  	[sflag:s26] =	ssyncset.done $0x0  }
0x7a: {  	[sflag:s26] =	ssyncadd.s32 $0xFFFFC000  }
0x7b: {  	[spmem:s24] =	stream.indirect.scatter.add.f32 [tilespmem:s15], [sflag:$0x3], $0x80, s29, s17, $0xb8;
	[tilespmem:$0x1D400] =	vst v63  }
0x7c: {  	_ =	swait.ge [sflag:s13], $0x4000  }
0x7d: {  	[sflag:s13] =	ssyncset.done $0x0  }
0x7e: {  	s5 =	rddreg [dreg:$0x6];
	[sflag:s13] =	ssyncadd.s32 $0xFFFFC000  }
0x7f: {  	[tilespmem:s14], [sflag:$0x3] =	stream.linear.gather [hbm4b:s5+s0], $0x4000, $0x38;
	[tilespmem:$0x1D400] =	vst v63  }
0x80: {  	_ =	swait.ge [sflag:s13], $0x4000  }
0x81: {  	[sflag:s13] =	ssyncset.done $0x0  }
0x82: {  	[sflag:s13] =	ssyncadd.s32 $0xFFFFC000  }
0x83: {  	[spmem:s24] =	stream.indirect.scatter.add.f32 [tilespmem:s14], [sflag:$0x3], $0x80, s30, s17, $0xb8;
	[tilespmem:$0x1D400] =	vst v63  }
0x84: {  	_ =	swait.ge [sflag:s13], $0x4000  }
0x85: {  	s2 =	simm.s32 @!p0 $0x0;
	[sflag:s13] =	ssyncset.done $0x0  }
0x86: {  	s3 =	simm.s32 @!p0 $0x1400;
	s4 =	rddreg [dreg:$0x16];
	[sflag:s13] =	ssyncadd.s32 $0xFFFFC000  }
0x87: {  	[tilespmem:s3], [sflag:$0x3] =	stream.linear.gather @!p0 [hbm4b:s4+s2], $0x4000, $0x38;
	[tilespmem:$0x1D400] =	vst v63  }
0x88: {  	s2 =	simm.s32 @!p0 $0x3  }
0x89: {  	_ =	swait.ge @!p0 [sflag:s2], $0x4000  }
0x8a: {  	[sflag:s2] =	ssyncset.done @!p0 $0x0  }
0x8b: {  	s5 =	simm.s32 @!p0 $0x1380;
	s4 =	simm.s32 @!p0 $0x80;
	[sflag:s2] =	ssyncadd.s32 @!p0 $0xFFFFC000  }
0x8c: {  	[spmem:s24] =	stream.indirect.scatter.add.f32 @!p0 [tilespmem:s3], [sflag:$0x3], $0x80, s5, s4, $0xb8;
	[tilespmem:$0x1D400] =	vst v63  }
0x8d: {  	_ =	swait.ge @!p0 [sflag:s2], $0x4000  }
0x8e: {  	[sflag:s2] =	ssyncset.done @!p0 $0x0  }
0x8f: {  	[sflag:s2] =	ssyncadd.s32 @!p0 $0xFFFFC000  }
0x90: {  	[bflag:$0x0] =	sbarrier.arrive $0xFFFF  }
0x91: {  	s6 =	rddreg [dreg:$0x1b]  }
0x92: {  	[hbm:s6], [sflag:s22] =	dma.local [spmem:s1], $0x2800  }
0x93: {  	_ =	swait.ge [sflag:s13], $0x2800  }
0x94: {  	[sflag:s13] =	ssyncset.done $0x0  }
0x95: {  	[sflag:s13] =	ssyncadd.s32 $0xFFFFD800  }
0x96: {  	[bflag:$0x0] =	sbarrier.arrive $0xFFFF  }
0x97: {  	[spmem:s1], [sflag:s22] =	dma.local [hbm:s21], $0x2800  }
0x98: {  	_ =	swait.ge [sflag:s13], $0x2800  }
0x99: {  	[sflag:s13] =	ssyncset.done $0x0  }
0x9a: {  	[sflag:s13] =	ssyncadd.s32 $0xFFFFD800  }
0x9b: {  	[bflag:$0x0] =	sbarrier.arrive $0xFFFF  }
0x9c: {  	s7 =	simm.s32 $0x0;
	s4 =	rddreg [dreg:$0x7]  }
0x9d: {  	[tilespmem:s14], [sflag:$0x1] =	stream.linear.gather [hbm4b:s4+s7], $0x4000, $0x38;
	[tilespmem:$0x1D400] =	vst v63  }
0x9e: {  	s5 =	sadd.s32 $0x0, s19  }
0x9f: {  	[tilespmem:s15], [sflag:$0x2] =	stream.linear.gather [hbm4b:s5+s0], $0x4000, $0x38;
	[tilespmem:$0x1D400] =	vst v63  }
0xa0: {  	_ =	swait.ge [sflag:s16], $0x4000  }
0xa1: {  	[sflag:s16] =	ssyncset.done $0x0  }
0xa2: {  	[sflag:s16] =	ssyncadd.s32 $0xFFFFC000  }
0xa3: {  	[spmem:s24] =	stream.indirect.scatter.add.f32 [tilespmem:s14], [sflag:$0x3], $0x80, s7, s17, $0xb8;
	[tilespmem:$0x1D400] =	vst v63  }
0xa4: {  	_ =	swait.ge [sflag:s13], $0x4000  }
0xa5: {  	[sflag:s13] =	ssyncset.done $0x0  }
0xa6: {  	s6 =	sadd.s32 $0x0, s9;
	[sflag:s13] =	ssyncadd.s32 $0xFFFFC000  }
0xa7: {  	[tilespmem:s14], [sflag:$0x1] =	stream.linear.gather [hbm4b:s6+s0], $0x4000, $0x38;
	[tilespmem:$0x1D400] =	vst v63  }
0xa8: {  	_ =	swait.ge [sflag:s26], $0x4000  }
0xa9: {  	[sflag:s26] =	ssyncset.done $0x0  }
0xaa: {  	s7 =	simm.s32 $0x80;
	[sflag:s26] =	ssyncadd.s32 $0xFFFFC000  }
0xab: {  	[spmem:s24] =	stream.indirect.scatter.add.f32 [tilespmem:s15], [sflag:$0x3], $0x80, s7, s17, $0xb8;
	[tilespmem:$0x1D400] =	vst v63  }
0xac: {  	s3 =	simm.s32 $0x1000;
	_ =	swait.ge [sflag:s13], $0x4000  }
0xad: {  	s2 =	simm.s32 $0x100;
	s4 =	simm.s32 $0x2000;
	[sflag:s13] =	ssyncset.done $0x0  }
.LBB2_4:
0xae: {  	s5 =	sadd.s32 s3, s19  }
0xaf: {  	[sflag:s13] =	ssyncadd.s32 $0xFFFFC000;
	s6 =	smov.u32 s4;
	s7 =	sadd.s32 $0x1000, s4  }
0xb0: {  	[tilespmem:s15], [sflag:$0x2] =	stream.linear.gather [hbm4b:s5+s0], $0x4000, $0x38;
	[tilespmem:$0x1D400] =	vst v63  }
0xb1: {  	p1 =	sne.s32 s4, $0x11000;
	_ =	swait.ge [sflag:s16], $0x4000  }
0xb2: {  	[sflag:s16] =	ssyncset.done $0x0  }
0xb3: {  	[sflag:s16] =	ssyncadd.s32 $0xFFFFC000  }
0xb4: {  	[spmem:s24] =	stream.indirect.scatter.add.f32 [tilespmem:s14], [sflag:$0x3], $0x80, s2, s17, $0xb8;
	[tilespmem:$0x1D400] =	vst v63  }
0xb5: {  	_ =	swait.ge [sflag:s13], $0x4000  }
0xb6: {  	[sflag:s13] =	ssyncset.done $0x0  }
0xb7: {  	s4 =	sadd.s32 s3, s9;
	s3 =	smov.u32 s6;
	[sflag:s13] =	ssyncadd.s32 $0xFFFFC000  }
0xb8: {  	[tilespmem:s14], [sflag:$0x1] =	stream.linear.gather [hbm4b:s4+s0], $0x4000, $0x38;
	[tilespmem:$0x1D400] =	vst v63  }
0xb9: {  	_ =	swait.ge [sflag:s26], $0x4000  }
.Ltmp1:
0xba: {  	[sflag:s26] =	ssyncset.done $0x0;
	(pc) =	sbr.rel @p1 .LBB2_4-.Ltmp1, $4  }
0xbb: {  	s4 =	sadd.s32 $0x80, s2;
	[sflag:s26] =	ssyncadd.s32 $0xFFFFC000  }
0xbc: {  	[spmem:s24] =	stream.indirect.scatter.add.f32 [tilespmem:s15], [sflag:$0x3], $0x80, s4, s17, $0xb8;
	[tilespmem:$0x1D400] =	vst v63  }
0xbd: {  	_ =	swait.ge [sflag:s13], $0x4000  }
0xbe: {  	s2 =	sadd.s32 $0x100, s2;
	s4 =	smov.u32 s7;
	[sflag:s13] =	ssyncset.done $0x0  }
0xbf: {  	s4 =	sadd.s32 s3, s19;
	[sflag:s13] =	ssyncadd.s32 $0xFFFFC000  }
0xc0: {  	[tilespmem:s15], [sflag:$0x2] =	stream.linear.gather [hbm4b:s4+s0], $0x4000, $0x38;
	[tilespmem:$0x1D400] =	vst v63  }
0xc1: {  	_ =	swait.ge [sflag:s16], $0x4000  }
0xc2: {  	[sflag:s16] =	ssyncset.done $0x0  }
0xc3: {  	[sflag:s16] =	ssyncadd.s32 $0xFFFFC000  }
0xc4: {  	[spmem:s24] =	stream.indirect.scatter.add.f32 [tilespmem:s14], [sflag:$0x3], $0x80, s2, s17, $0xb8;
	[tilespmem:$0x1D400] =	vst v63  }
0xc5: {  	_ =	swait.ge [sflag:s13], $0x4000  }
0xc6: {  	[sflag:s13] =	ssyncset.done $0x0  }
0xc7: {  	s7 =	sadd.s32 s3, s9;
	[sflag:s13] =	ssyncadd.s32 $0xFFFFC000  }
0xc8: {  	[tilespmem:s14], [sflag:$0x1] =	stream.linear.gather [hbm4b:s7+s0], $0x4000, $0x38;
	[tilespmem:$0x1D400] =	vst v63  }
0xc9: {  	_ =	swait.ge [sflag:s26], $0x4000  }
0xca: {  	[sflag:s26] =	ssyncset.done $0x0  }
0xcb: {  	s3 =	sadd.s32 $0x80, s2;
	[sflag:s26] =	ssyncadd.s32 $0xFFFFC000  }
0xcc: {  	[spmem:s24] =	stream.indirect.scatter.add.f32 [tilespmem:s15], [sflag:$0x3], $0x80, s3, s17, $0xb8;
	[tilespmem:$0x1D400] =	vst v63  }
0xcd: {  	_ =	swait.ge [sflag:s13], $0x4000  }
0xce: {  	[sflag:s13] =	ssyncset.done $0x0  }
0xcf: {  	s4 =	rddreg [dreg:$0x10];
	[sflag:s13] =	ssyncadd.s32 $0xFFFFC000  }
0xd0: {  	[tilespmem:s15], [sflag:$0x2] =	stream.linear.gather [hbm4b:s4+s0], $0x4000, $0x38;
	[tilespmem:$0x1D400] =	vst v63  }
0xd1: {  	_ =	swait.ge [sflag:s16], $0x4000  }
0xd2: {  	[sflag:s16] =	ssyncset.done $0x0  }
0xd3: {  	[sflag:s16] =	ssyncadd.s32 $0xFFFFC000  }
0xd4: {  	[spmem:s24] =	stream.indirect.scatter.add.f32 [tilespmem:s14], [sflag:$0x3], $0x80, s28, s17, $0xb8;
	[tilespmem:$0x1D400] =	vst v63  }
0xd5: {  	_ =	swait.ge [sflag:s13], $0x4000  }
0xd6: {  	[sflag:s13] =	ssyncset.done $0x0  }
0xd7: {  	[sflag:s13] =	ssyncadd.s32 $0xFFFFC000  }
0xd8: {  	_ =	swait.ge [sflag:s26], $0x4000  }
0xd9: {  	[sflag:s26] =	ssyncset.done $0x0  }
0xda: {  	[sflag:s26] =	ssyncadd.s32 $0xFFFFC000  }
0xdb: {  	[spmem:s24] =	stream.indirect.scatter.add.f32 [tilespmem:s15], [sflag:$0x3], $0x80, s29, s17, $0xb8;
	[tilespmem:$0x1D400] =	vst v63  }
0xdc: {  	_ =	swait.ge [sflag:s13], $0x4000  }
0xdd: {  	[sflag:s13] =	ssyncset.done $0x0  }
0xde: {  	s5 =	rddreg [dreg:$0x8];
	[sflag:s13] =	ssyncadd.s32 $0xFFFFC000  }
0xdf: {  	[tilespmem:s14], [sflag:$0x3] =	stream.linear.gather [hbm4b:s5+s0], $0x4000, $0x38;
	[tilespmem:$0x1D400] =	vst v63  }
0xe0: {  	_ =	swait.ge [sflag:s13], $0x4000  }
0xe1: {  	[sflag:s13] =	ssyncset.done $0x0  }
0xe2: {  	[sflag:s13] =	ssyncadd.s32 $0xFFFFC000  }
0xe3: {  	[spmem:s24] =	stream.indirect.scatter.add.f32 [tilespmem:s14], [sflag:$0x3], $0x80, s30, s17, $0xb8;
	[tilespmem:$0x1D400] =	vst v63  }
0xe4: {  	_ =	swait.ge [sflag:s13], $0x4000  }
0xe5: {  	s2 =	simm.s32 @!p0 $0x0;
	[sflag:s13] =	ssyncset.done $0x0  }
0xe6: {  	s3 =	simm.s32 @!p0 $0x1400;
	s4 =	rddreg [dreg:$0x17];
	[sflag:s13] =	ssyncadd.s32 $0xFFFFC000  }
0xe7: {  	[tilespmem:s3], [sflag:$0x3] =	stream.linear.gather @!p0 [hbm4b:s4+s2], $0x4000, $0x38;
	[tilespmem:$0x1D400] =	vst v63  }
0xe8: {  	s2 =	simm.s32 @!p0 $0x3  }
0xe9: {  	_ =	swait.ge @!p0 [sflag:s2], $0x4000  }
0xea: {  	[sflag:s2] =	ssyncset.done @!p0 $0x0  }
0xeb: {  	s5 =	simm.s32 @!p0 $0x1380;
	s4 =	simm.s32 @!p0 $0x80;
	[sflag:s2] =	ssyncadd.s32 @!p0 $0xFFFFC000  }
0xec: {  	[spmem:s24] =	stream.indirect.scatter.add.f32 @!p0 [tilespmem:s3], [sflag:$0x3], $0x80, s5, s4, $0xb8;
	[tilespmem:$0x1D400] =	vst v63  }
0xed: {  	_ =	swait.ge @!p0 [sflag:s2], $0x4000  }
0xee: {  	[sflag:s2] =	ssyncset.done @!p0 $0x0  }
0xef: {  	[sflag:s2] =	ssyncadd.s32 @!p0 $0xFFFFC000  }
0xf0: {  	[bflag:$0x0] =	sbarrier.arrive $0xFFFF  }
0xf1: {  	s6 =	rddreg [dreg:$0x1c]  }
0xf2: {  	[hbm:s6], [sflag:s22] =	dma.local [spmem:s1], $0x2800  }
0xf3: {  	_ =	swait.ge [sflag:s13], $0x2800  }
0xf4: {  	[sflag:s13] =	ssyncset.done $0x0  }
0xf5: {  	[sflag:s13] =	ssyncadd.s32 $0xFFFFD800  }
0xf6: {  	[bflag:$0x0] =	sbarrier.arrive $0xFFFF  }
0xf7: {  	[spmem:s1], [sflag:s22] =	dma.local [hbm:s21], $0x2800  }
0xf8: {  	_ =	swait.ge [sflag:s13], $0x2800  }
0xf9: {  	[sflag:s13] =	ssyncset.done $0x0  }
0xfa: {  	[sflag:s13] =	ssyncadd.s32 $0xFFFFD800  }
0xfb: {  	[bflag:$0x0] =	sbarrier.arrive $0xFFFF  }
0xfc: {  	s7 =	simm.s32 $0x0;
	s4 =	rddreg [dreg:$0x9]  }
0xfd: {  	[tilespmem:s14], [sflag:$0x1] =	stream.linear.gather [hbm4b:s4+s7], $0x4000, $0x38;
	[tilespmem:$0x1D400] =	vst v63  }
0xfe: {  	s5 =	sadd.s32 $0x0, s20  }
0xff: {  	[tilespmem:s15], [sflag:$0x2] =	stream.linear.gather [hbm4b:s5+s0], $0x4000, $0x38;
	[tilespmem:$0x1D400] =	vst v63  }
0x100: {  	_ =	swait.ge [sflag:s16], $0x4000  }
0x101: {  	[sflag:s16] =	ssyncset.done $0x0  }
0x102: {  	[sflag:s16] =	ssyncadd.s32 $0xFFFFC000  }
0x103: {  	[spmem:s24] =	stream.indirect.scatter.add.f32 [tilespmem:s14], [sflag:$0x3], $0x80, s7, s17, $0xb8;
	[tilespmem:$0x1D400] =	vst v63  }
0x104: {  	_ =	swait.ge [sflag:s13], $0x4000  }
0x105: {  	[sflag:s13] =	ssyncset.done $0x0  }
0x106: {  	s6 =	sadd.s32 $0x0, s10;
	[sflag:s13] =	ssyncadd.s32 $0xFFFFC000  }
0x107: {  	[tilespmem:s14], [sflag:$0x1] =	stream.linear.gather [hbm4b:s6+s0], $0x4000, $0x38;
	[tilespmem:$0x1D400] =	vst v63  }
0x108: {  	_ =	swait.ge [sflag:s26], $0x4000  }
0x109: {  	[sflag:s26] =	ssyncset.done $0x0  }
0x10a: {  	s7 =	simm.s32 $0x80;
	[sflag:s26] =	ssyncadd.s32 $0xFFFFC000  }
0x10b: {  	[spmem:s24] =	stream.indirect.scatter.add.f32 [tilespmem:s15], [sflag:$0x3], $0x80, s7, s17, $0xb8;
	[tilespmem:$0x1D400] =	vst v63  }
0x10c: {  	s3 =	simm.s32 $0x1000;
	_ =	swait.ge [sflag:s13], $0x4000  }
0x10d: {  	s2 =	simm.s32 $0x100;
	s4 =	simm.s32 $0x2000;
	[sflag:s13] =	ssyncset.done $0x0  }
.LBB2_6:
0x10e: {  	s5 =	sadd.s32 s3, s20  }
0x10f: {  	[sflag:s13] =	ssyncadd.s32 $0xFFFFC000;
	s6 =	smov.u32 s4;
	s7 =	sadd.s32 $0x1000, s4  }
0x110: {  	[tilespmem:s15], [sflag:$0x2] =	stream.linear.gather [hbm4b:s5+s0], $0x4000, $0x38;
	[tilespmem:$0x1D400] =	vst v63  }
0x111: {  	p1 =	sne.s32 s4, $0x11000;
	_ =	swait.ge [sflag:s16], $0x4000  }
0x112: {  	[sflag:s16] =	ssyncset.done $0x0  }
0x113: {  	[sflag:s16] =	ssyncadd.s32 $0xFFFFC000  }
0x114: {  	[spmem:s24] =	stream.indirect.scatter.add.f32 [tilespmem:s14], [sflag:$0x3], $0x80, s2, s17, $0xb8;
	[tilespmem:$0x1D400] =	vst v63  }
0x115: {  	_ =	swait.ge [sflag:s13], $0x4000  }
0x116: {  	[sflag:s13] =	ssyncset.done $0x0  }
0x117: {  	s4 =	sadd.s32 s3, s10;
	s3 =	smov.u32 s6;
	[sflag:s13] =	ssyncadd.s32 $0xFFFFC000  }
0x118: {  	[tilespmem:s14], [sflag:$0x1] =	stream.linear.gather [hbm4b:s4+s0], $0x4000, $0x38;
	[tilespmem:$0x1D400] =	vst v63  }
0x119: {  	_ =	swait.ge [sflag:s26], $0x4000  }
.Ltmp2:
0x11a: {  	[sflag:s26] =	ssyncset.done $0x0;
	(pc) =	sbr.rel @p1 .LBB2_6-.Ltmp2, $4  }
0x11b: {  	s4 =	sadd.s32 $0x80, s2;
	[sflag:s26] =	ssyncadd.s32 $0xFFFFC000  }
0x11c: {  	[spmem:s24] =	stream.indirect.scatter.add.f32 [tilespmem:s15], [sflag:$0x3], $0x80, s4, s17, $0xb8;
	[tilespmem:$0x1D400] =	vst v63  }
0x11d: {  	_ =	swait.ge [sflag:s13], $0x4000  }
0x11e: {  	s2 =	sadd.s32 $0x100, s2;
	s4 =	smov.u32 s7;
	[sflag:s13] =	ssyncset.done $0x0  }
0x11f: {  	s4 =	sadd.s32 s3, s20;
	[sflag:s13] =	ssyncadd.s32 $0xFFFFC000  }
0x120: {  	[tilespmem:s15], [sflag:$0x2] =	stream.linear.gather [hbm4b:s4+s0], $0x4000, $0x38;
	[tilespmem:$0x1D400] =	vst v63  }
0x121: {  	_ =	swait.ge [sflag:s16], $0x4000  }
0x122: {  	[sflag:s16] =	ssyncset.done $0x0  }
0x123: {  	[sflag:s16] =	ssyncadd.s32 $0xFFFFC000  }
0x124: {  	[spmem:s24] =	stream.indirect.scatter.add.f32 [tilespmem:s14], [sflag:$0x3], $0x80, s2, s17, $0xb8;
	[tilespmem:$0x1D400] =	vst v63  }
0x125: {  	_ =	swait.ge [sflag:s13], $0x4000  }
0x126: {  	[sflag:s13] =	ssyncset.done $0x0  }
0x127: {  	s7 =	sadd.s32 s3, s10;
	[sflag:s13] =	ssyncadd.s32 $0xFFFFC000  }
0x128: {  	[tilespmem:s14], [sflag:$0x1] =	stream.linear.gather [hbm4b:s7+s0], $0x4000, $0x38;
	[tilespmem:$0x1D400] =	vst v63  }
0x129: {  	_ =	swait.ge [sflag:s26], $0x4000  }
0x12a: {  	[sflag:s26] =	ssyncset.done $0x0  }
0x12b: {  	s3 =	sadd.s32 $0x80, s2;
	[sflag:s26] =	ssyncadd.s32 $0xFFFFC000  }
0x12c: {  	[spmem:s24] =	stream.indirect.scatter.add.f32 [tilespmem:s15], [sflag:$0x3], $0x80, s3, s17, $0xb8;
	[tilespmem:$0x1D400] =	vst v63  }
0x12d: {  	_ =	swait.ge [sflag:s13], $0x4000  }
0x12e: {  	[sflag:s13] =	ssyncset.done $0x0  }
0x12f: {  	s4 =	rddreg [dreg:$0x11];
	[sflag:s13] =	ssyncadd.s32 $0xFFFFC000  }
0x130: {  	[tilespmem:s15], [sflag:$0x2] =	stream.linear.gather [hbm4b:s4+s0], $0x4000, $0x38;
	[tilespmem:$0x1D400] =	vst v63  }
0x131: {  	_ =	swait.ge [sflag:s16], $0x4000  }
0x132: {  	[sflag:s16] =	ssyncset.done $0x0  }
0x133: {  	[sflag:s16] =	ssyncadd.s32 $0xFFFFC000  }
0x134: {  	[spmem:s24] =	stream.indirect.scatter.add.f32 [tilespmem:s14], [sflag:$0x3], $0x80, s28, s17, $0xb8;
	[tilespmem:$0x1D400] =	vst v63  }
0x135: {  	_ =	swait.ge [sflag:s13], $0x4000  }
0x136: {  	[sflag:s13] =	ssyncset.done $0x0  }
0x137: {  	[sflag:s13] =	ssyncadd.s32 $0xFFFFC000  }
0x138: {  	_ =	swait.ge [sflag:s26], $0x4000  }
0x139: {  	[sflag:s26] =	ssyncset.done $0x0  }
0x13a: {  	[sflag:s26] =	ssyncadd.s32 $0xFFFFC000  }
0x13b: {  	[spmem:s24] =	stream.indirect.scatter.add.f32 [tilespmem:s15], [sflag:$0x3], $0x80, s29, s17, $0xb8;
	[tilespmem:$0x1D400] =	vst v63  }
0x13c: {  	_ =	swait.ge [sflag:s13], $0x4000  }
0x13d: {  	[sflag:s13] =	ssyncset.done $0x0  }
0x13e: {  	s5 =	rddreg [dreg:$0xa];
	[sflag:s13] =	ssyncadd.s32 $0xFFFFC000  }
0x13f: {  	[tilespmem:s14], [sflag:$0x3] =	stream.linear.gather [hbm4b:s5+s0], $0x4000, $0x38;
	[tilespmem:$0x1D400] =	vst v63  }
0x140: {  	_ =	swait.ge [sflag:s13], $0x4000  }
0x141: {  	[sflag:s13] =	ssyncset.done $0x0  }
0x142: {  	[sflag:s13] =	ssyncadd.s32 $0xFFFFC000  }
0x143: {  	[spmem:s24] =	stream.indirect.scatter.add.f32 [tilespmem:s14], [sflag:$0x3], $0x80, s30, s17, $0xb8;
	[tilespmem:$0x1D400] =	vst v63  }
0x144: {  	_ =	swait.ge [sflag:s13], $0x4000  }
0x145: {  	s2 =	simm.s32 @!p0 $0x0;
	[sflag:s13] =	ssyncset.done $0x0  }
0x146: {  	s3 =	simm.s32 @!p0 $0x1400;
	s4 =	rddreg [dreg:$0x18];
	[sflag:s13] =	ssyncadd.s32 $0xFFFFC000  }
0x147: {  	[tilespmem:s3], [sflag:$0x3] =	stream.linear.gather @!p0 [hbm4b:s4+s2], $0x4000, $0x38;
	[tilespmem:$0x1D400] =	vst v63  }
0x148: {  	s2 =	simm.s32 @!p0 $0x3  }
0x149: {  	_ =	swait.ge @!p0 [sflag:s2], $0x4000  }
0x14a: {  	[sflag:s2] =	ssyncset.done @!p0 $0x0  }
0x14b: {  	s5 =	simm.s32 @!p0 $0x1380;
	s4 =	simm.s32 @!p0 $0x80;
	[sflag:s2] =	ssyncadd.s32 @!p0 $0xFFFFC000  }
0x14c: {  	[spmem:s24] =	stream.indirect.scatter.add.f32 @!p0 [tilespmem:s3], [sflag:$0x3], $0x80, s5, s4, $0xb8;
	[tilespmem:$0x1D400] =	vst v63  }
0x14d: {  	_ =	swait.ge @!p0 [sflag:s2], $0x4000  }
0x14e: {  	[sflag:s2] =	ssyncset.done @!p0 $0x0  }
0x14f: {  	[sflag:s2] =	ssyncadd.s32 @!p0 $0xFFFFC000  }
0x150: {  	[bflag:$0x0] =	sbarrier.arrive $0xFFFF  }
0x151: {  	s6 =	rddreg [dreg:$0x1d]  }
0x152: {  	[hbm:s6], [sflag:s22] =	dma.local [spmem:s1], $0x2800  }
0x153: {  	_ =	swait.ge [sflag:s13], $0x2800  }
0x154: {  	[sflag:s13] =	ssyncset.done $0x0  }
0x155: {  	[sflag:s13] =	ssyncadd.s32 $0xFFFFD800  }
0x156: {  	[bflag:$0x0] =	sbarrier.arrive $0xFFFF  }
0x157: {  	[spmem:s1], [sflag:s22] =	dma.local [hbm:s21], $0x2800  }
0x158: {  	_ =	swait.ge [sflag:s13], $0x2800  }
0x159: {  	[sflag:s13] =	ssyncset.done $0x0  }
0x15a: {  	[sflag:s13] =	ssyncadd.s32 $0xFFFFD800  }
0x15b: {  	[bflag:$0x0] =	sbarrier.arrive $0xFFFF  }
0x15c: {  	s7 =	simm.s32 $0x0;
	s4 =	rddreg [dreg:$0xd]  }
0x15d: {  	[tilespmem:s14], [sflag:$0x1] =	stream.linear.gather [hbm4b:s4+s7], $0x4000, $0x38;
	[tilespmem:$0x1D400] =	vst v63  }
0x15e: {  	s5 =	sadd.s32 $0x0, s23  }
0x15f: {  	[tilespmem:s15], [sflag:$0x2] =	stream.linear.gather [hbm4b:s5+s0], $0x4000, $0x38;
	[tilespmem:$0x1D400] =	vst v63  }
0x160: {  	_ =	swait.ge [sflag:s16], $0x4000  }
0x161: {  	[sflag:s16] =	ssyncset.done $0x0  }
0x162: {  	[sflag:s16] =	ssyncadd.s32 $0xFFFFC000  }
0x163: {  	[spmem:s24] =	stream.indirect.scatter.add.f32 [tilespmem:s14], [sflag:$0x3], $0x80, s7, s17, $0xb8;
	[tilespmem:$0x1D400] =	vst v63  }
0x164: {  	_ =	swait.ge [sflag:s13], $0x4000  }
0x165: {  	[sflag:s13] =	ssyncset.done $0x0  }
0x166: {  	s6 =	sadd.s32 $0x0, s11;
	[sflag:s13] =	ssyncadd.s32 $0xFFFFC000  }
0x167: {  	[tilespmem:s14], [sflag:$0x1] =	stream.linear.gather [hbm4b:s6+s0], $0x4000, $0x38;
	[tilespmem:$0x1D400] =	vst v63  }
0x168: {  	_ =	swait.ge [sflag:s26], $0x4000  }
0x169: {  	[sflag:s26] =	ssyncset.done $0x0  }
0x16a: {  	s7 =	simm.s32 $0x80;
	[sflag:s26] =	ssyncadd.s32 $0xFFFFC000  }
0x16b: {  	[spmem:s24] =	stream.indirect.scatter.add.f32 [tilespmem:s15], [sflag:$0x3], $0x80, s7, s17, $0xb8;
	[tilespmem:$0x1D400] =	vst v63  }
0x16c: {  	s3 =	simm.s32 $0x1000;
	_ =	swait.ge [sflag:s13], $0x4000  }
0x16d: {  	s2 =	simm.s32 $0x100;
	s4 =	simm.s32 $0x2000;
	[sflag:s13] =	ssyncset.done $0x0  }
.LBB2_8:
0x16e: {  	s5 =	sadd.s32 s3, s23  }
0x16f: {  	[sflag:s13] =	ssyncadd.s32 $0xFFFFC000;
	s6 =	smov.u32 s4;
	s7 =	sadd.s32 $0x1000, s4  }
0x170: {  	[tilespmem:s15], [sflag:$0x2] =	stream.linear.gather [hbm4b:s5+s0], $0x4000, $0x38;
	[tilespmem:$0x1D400] =	vst v63  }
0x171: {  	p1 =	sne.s32 s4, $0x11000;
	_ =	swait.ge [sflag:s16], $0x4000  }
0x172: {  	[sflag:s16] =	ssyncset.done $0x0  }
0x173: {  	[sflag:s16] =	ssyncadd.s32 $0xFFFFC000  }
0x174: {  	[spmem:s24] =	stream.indirect.scatter.add.f32 [tilespmem:s14], [sflag:$0x3], $0x80, s2, s17, $0xb8;
	[tilespmem:$0x1D400] =	vst v63  }
0x175: {  	_ =	swait.ge [sflag:s13], $0x4000  }
0x176: {  	[sflag:s13] =	ssyncset.done $0x0  }
0x177: {  	s4 =	sadd.s32 s3, s11;
	s3 =	smov.u32 s6;
	[sflag:s13] =	ssyncadd.s32 $0xFFFFC000  }
0x178: {  	[tilespmem:s14], [sflag:$0x1] =	stream.linear.gather [hbm4b:s4+s0], $0x4000, $0x38;
	[tilespmem:$0x1D400] =	vst v63  }
0x179: {  	_ =	swait.ge [sflag:s26], $0x4000  }
.Ltmp3:
0x17a: {  	[sflag:s26] =	ssyncset.done $0x0;
	(pc) =	sbr.rel @p1 .LBB2_8-.Ltmp3, $4  }
0x17b: {  	s4 =	sadd.s32 $0x80, s2;
	[sflag:s26] =	ssyncadd.s32 $0xFFFFC000  }
0x17c: {  	[spmem:s24] =	stream.indirect.scatter.add.f32 [tilespmem:s15], [sflag:$0x3], $0x80, s4, s17, $0xb8;
	[tilespmem:$0x1D400] =	vst v63  }
0x17d: {  	_ =	swait.ge [sflag:s13], $0x4000  }
0x17e: {  	s2 =	sadd.s32 $0x100, s2;
	s4 =	smov.u32 s7;
	[sflag:s13] =	ssyncset.done $0x0  }
0x17f: {  	s4 =	sadd.s32 s3, s23;
	[sflag:s13] =	ssyncadd.s32 $0xFFFFC000  }
0x180: {  	[tilespmem:s15], [sflag:$0x2] =	stream.linear.gather [hbm4b:s4+s0], $0x4000, $0x38;
	[tilespmem:$0x1D400] =	vst v63  }
0x181: {  	_ =	swait.ge [sflag:s16], $0x4000  }
0x182: {  	[sflag:s16] =	ssyncset.done $0x0  }
0x183: {  	[sflag:s16] =	ssyncadd.s32 $0xFFFFC000  }
0x184: {  	[spmem:s24] =	stream.indirect.scatter.add.f32 [tilespmem:s14], [sflag:$0x3], $0x80, s2, s17, $0xb8;
	[tilespmem:$0x1D400] =	vst v63  }
0x185: {  	_ =	swait.ge [sflag:s13], $0x4000  }
0x186: {  	[sflag:s13] =	ssyncset.done $0x0  }
0x187: {  	s7 =	sadd.s32 s3, s11;
	[sflag:s13] =	ssyncadd.s32 $0xFFFFC000  }
0x188: {  	[tilespmem:s14], [sflag:$0x1] =	stream.linear.gather [hbm4b:s7+s0], $0x4000, $0x38;
	[tilespmem:$0x1D400] =	vst v63  }
0x189: {  	_ =	swait.ge [sflag:s26], $0x4000  }
0x18a: {  	[sflag:s26] =	ssyncset.done $0x0  }
0x18b: {  	s3 =	sadd.s32 $0x80, s2;
	[sflag:s26] =	ssyncadd.s32 $0xFFFFC000  }
0x18c: {  	[spmem:s24] =	stream.indirect.scatter.add.f32 [tilespmem:s15], [sflag:$0x3], $0x80, s3, s17, $0xb8;
	[tilespmem:$0x1D400] =	vst v63  }
0x18d: {  	_ =	swait.ge [sflag:s13], $0x4000  }
0x18e: {  	[sflag:s13] =	ssyncset.done $0x0  }
0x18f: {  	s4 =	rddreg [dreg:$0x12];
	[sflag:s13] =	ssyncadd.s32 $0xFFFFC000  }
0x190: {  	[tilespmem:s15], [sflag:$0x2] =	stream.linear.gather [hbm4b:s4+s0], $0x4000, $0x38;
	[tilespmem:$0x1D400] =	vst v63  }
0x191: {  	_ =	swait.ge [sflag:s16], $0x4000  }
0x192: {  	[sflag:s16] =	ssyncset.done $0x0  }
0x193: {  	[sflag:s16] =	ssyncadd.s32 $0xFFFFC000  }
0x194: {  	[spmem:s24] =	stream.indirect.scatter.add.f32 [tilespmem:s14], [sflag:$0x3], $0x80, s28, s17, $0xb8;
	[tilespmem:$0x1D400] =	vst v63  }
0x195: {  	_ =	swait.ge [sflag:s13], $0x4000  }
0x196: {  	[sflag:s13] =	ssyncset.done $0x0  }
0x197: {  	[sflag:s13] =	ssyncadd.s32 $0xFFFFC000  }
0x198: {  	_ =	swait.ge [sflag:s26], $0x4000  }
0x199: {  	[sflag:s26] =	ssyncset.done $0x0  }
0x19a: {  	[sflag:s26] =	ssyncadd.s32 $0xFFFFC000  }
0x19b: {  	[spmem:s24] =	stream.indirect.scatter.add.f32 [tilespmem:s15], [sflag:$0x3], $0x80, s29, s17, $0xb8;
	[tilespmem:$0x1D400] =	vst v63  }
0x19c: {  	_ =	swait.ge [sflag:s13], $0x4000  }
0x19d: {  	[sflag:s13] =	ssyncset.done $0x0  }
0x19e: {  	s5 =	rddreg [dreg:$0xb];
	[sflag:s13] =	ssyncadd.s32 $0xFFFFC000  }
0x19f: {  	[tilespmem:s14], [sflag:$0x3] =	stream.linear.gather [hbm4b:s5+s0], $0x4000, $0x38;
	[tilespmem:$0x1D400] =	vst v63  }
0x1a0: {  	_ =	swait.ge [sflag:s13], $0x4000  }
0x1a1: {  	[sflag:s13] =	ssyncset.done $0x0  }
0x1a2: {  	[sflag:s13] =	ssyncadd.s32 $0xFFFFC000  }
0x1a3: {  	[spmem:s24] =	stream.indirect.scatter.add.f32 [tilespmem:s14], [sflag:$0x3], $0x80, s30, s17, $0xb8;
	[tilespmem:$0x1D400] =	vst v63  }
0x1a4: {  	_ =	swait.ge [sflag:s13], $0x4000  }
0x1a5: {  	s2 =	simm.s32 @!p0 $0x0;
	[sflag:s13] =	ssyncset.done $0x0  }
0x1a6: {  	s3 =	simm.s32 @!p0 $0x1400;
	s4 =	rddreg [dreg:$0x19];
	[sflag:s13] =	ssyncadd.s32 $0xFFFFC000  }
0x1a7: {  	[tilespmem:s3], [sflag:$0x3] =	stream.linear.gather @!p0 [hbm4b:s4+s2], $0x4000, $0x38;
	[tilespmem:$0x1D400] =	vst v63  }
0x1a8: {  	s2 =	simm.s32 @!p0 $0x3  }
0x1a9: {  	_ =	swait.ge @!p0 [sflag:s2], $0x4000  }
0x1aa: {  	[sflag:s2] =	ssyncset.done @!p0 $0x0  }
0x1ab: {  	s5 =	simm.s32 @!p0 $0x1380;
	s4 =	simm.s32 @!p0 $0x80;
	[sflag:s2] =	ssyncadd.s32 @!p0 $0xFFFFC000  }
0x1ac: {  	[spmem:s24] =	stream.indirect.scatter.add.f32 @!p0 [tilespmem:s3], [sflag:$0x3], $0x80, s5, s4, $0xb8;
	[tilespmem:$0x1D400] =	vst v63  }
0x1ad: {  	_ =	swait.ge @!p0 [sflag:s2], $0x4000  }
0x1ae: {  	[sflag:s2] =	ssyncset.done @!p0 $0x0  }
0x1af: {  	[sflag:s2] =	ssyncadd.s32 @!p0 $0xFFFFC000  }
0x1b0: {  	[bflag:$0x0] =	sbarrier.arrive $0xFFFF  }
0x1b1: {  	s6 =	rddreg [dreg:$0x1e]  }
0x1b2: {  	[hbm:s6], [sflag:s22] =	dma.local [spmem:s1], $0x2800  }
0x1b3: {  	_ =	swait.ge [sflag:s13], $0x2800  }
0x1b4: {  	[sflag:s13] =	ssyncset.done $0x0  }
0x1b5: {  	[sflag:s13] =	ssyncadd.s32 $0xFFFFD800  }
0x1b6: {  	[bflag:$0x0] =	sbarrier.arrive $0xFFFF  }
0x1b7: {  	[spmem:s1], [sflag:s22] =	dma.local [hbm:s21], $0x2800  }
0x1b8: {  	_ =	swait.ge [sflag:s13], $0x2800  }
0x1b9: {  	[sflag:s13] =	ssyncset.done $0x0  }
0x1ba: {  	[sflag:s13] =	ssyncadd.s32 $0xFFFFD800  }
0x1bb: {  	[bflag:$0x0] =	sbarrier.arrive $0xFFFF  }
0x1bc: {  	s7 =	simm.s32 $0x0;
	s4 =	rddreg [dreg:$0xe]  }
0x1bd: {  	[tilespmem:s14], [sflag:$0x1] =	stream.linear.gather [hbm4b:s4+s7], $0x4000, $0x38;
	[tilespmem:$0x1D400] =	vst v63  }
0x1be: {  	s5 =	sadd.s32 $0x0, s25  }
0x1bf: {  	[tilespmem:s15], [sflag:$0x2] =	stream.linear.gather [hbm4b:s5+s0], $0x4000, $0x38;
	[tilespmem:$0x1D400] =	vst v63  }
0x1c0: {  	_ =	swait.ge [sflag:s16], $0x4000  }
0x1c1: {  	[sflag:s16] =	ssyncset.done $0x0  }
0x1c2: {  	[sflag:s16] =	ssyncadd.s32 $0xFFFFC000  }
0x1c3: {  	[spmem:s24] =	stream.indirect.scatter.add.f32 [tilespmem:s14], [sflag:$0x3], $0x80, s7, s17, $0xb8;
	[tilespmem:$0x1D400] =	vst v63  }
0x1c4: {  	_ =	swait.ge [sflag:s13], $0x4000  }
0x1c5: {  	[sflag:s13] =	ssyncset.done $0x0  }
0x1c6: {  	s6 =	sadd.s32 $0x0, s12;
	[sflag:s13] =	ssyncadd.s32 $0xFFFFC000  }
0x1c7: {  	[tilespmem:s14], [sflag:$0x1] =	stream.linear.gather [hbm4b:s6+s0], $0x4000, $0x38;
	[tilespmem:$0x1D400] =	vst v63  }
0x1c8: {  	_ =	swait.ge [sflag:s26], $0x4000  }
0x1c9: {  	[sflag:s26] =	ssyncset.done $0x0  }
0x1ca: {  	s7 =	simm.s32 $0x80;
	[sflag:s26] =	ssyncadd.s32 $0xFFFFC000  }
0x1cb: {  	[spmem:s24] =	stream.indirect.scatter.add.f32 [tilespmem:s15], [sflag:$0x3], $0x80, s7, s17, $0xb8;
	[tilespmem:$0x1D400] =	vst v63  }
0x1cc: {  	s3 =	simm.s32 $0x1000;
	_ =	swait.ge [sflag:s13], $0x4000  }
0x1cd: {  	s2 =	simm.s32 $0x100;
	s4 =	simm.s32 $0x2000;
	[sflag:s13] =	ssyncset.done $0x0  }
.LBB2_10:
0x1ce: {  	s5 =	sadd.s32 s3, s25  }
0x1cf: {  	[sflag:s13] =	ssyncadd.s32 $0xFFFFC000;
	s6 =	smov.u32 s4;
	s7 =	sadd.s32 $0x1000, s4  }
0x1d0: {  	[tilespmem:s15], [sflag:$0x2] =	stream.linear.gather [hbm4b:s5+s0], $0x4000, $0x38;
	[tilespmem:$0x1D400] =	vst v63  }
0x1d1: {  	p1 =	sne.s32 s4, $0x11000;
	_ =	swait.ge [sflag:s16], $0x4000  }
0x1d2: {  	[sflag:s16] =	ssyncset.done $0x0  }
0x1d3: {  	[sflag:s16] =	ssyncadd.s32 $0xFFFFC000  }
0x1d4: {  	[spmem:s24] =	stream.indirect.scatter.add.f32 [tilespmem:s14], [sflag:$0x3], $0x80, s2, s17, $0xb8;
	[tilespmem:$0x1D400] =	vst v63  }
0x1d5: {  	_ =	swait.ge [sflag:s13], $0x4000  }
0x1d6: {  	[sflag:s13] =	ssyncset.done $0x0  }
0x1d7: {  	s4 =	sadd.s32 s3, s12;
	s3 =	smov.u32 s6;
	[sflag:s13] =	ssyncadd.s32 $0xFFFFC000  }
0x1d8: {  	[tilespmem:s14], [sflag:$0x1] =	stream.linear.gather [hbm4b:s4+s0], $0x4000, $0x38;
	[tilespmem:$0x1D400] =	vst v63  }
0x1d9: {  	_ =	swait.ge [sflag:s26], $0x4000  }
.Ltmp4:
0x1da: {  	[sflag:s26] =	ssyncset.done $0x0;
	(pc) =	sbr.rel @p1 .LBB2_10-.Ltmp4, $4  }
0x1db: {  	s4 =	sadd.s32 $0x80, s2;
	[sflag:s26] =	ssyncadd.s32 $0xFFFFC000  }
0x1dc: {  	[spmem:s24] =	stream.indirect.scatter.add.f32 [tilespmem:s15], [sflag:$0x3], $0x80, s4, s17, $0xb8;
	[tilespmem:$0x1D400] =	vst v63  }
0x1dd: {  	_ =	swait.ge [sflag:s13], $0x4000  }
0x1de: {  	s2 =	sadd.s32 $0x100, s2;
	s4 =	smov.u32 s7;
	[sflag:s13] =	ssyncset.done $0x0  }
0x1df: {  	s4 =	sadd.s32 s3, s25;
	[sflag:s13] =	ssyncadd.s32 $0xFFFFC000  }
0x1e0: {  	[tilespmem:s15], [sflag:$0x2] =	stream.linear.gather [hbm4b:s4+s0], $0x4000, $0x38;
	[tilespmem:$0x1D400] =	vst v63  }
0x1e1: {  	_ =	swait.ge [sflag:s16], $0x4000  }
0x1e2: {  	[sflag:s16] =	ssyncset.done $0x0  }
0x1e3: {  	[sflag:s16] =	ssyncadd.s32 $0xFFFFC000  }
0x1e4: {  	[spmem:s24] =	stream.indirect.scatter.add.f32 [tilespmem:s14], [sflag:$0x3], $0x80, s2, s17, $0xb8;
	[tilespmem:$0x1D400] =	vst v63  }
0x1e5: {  	_ =	swait.ge [sflag:s13], $0x4000  }
0x1e6: {  	[sflag:s13] =	ssyncset.done $0x0  }
0x1e7: {  	s7 =	sadd.s32 s3, s12;
	[sflag:s13] =	ssyncadd.s32 $0xFFFFC000  }
0x1e8: {  	[tilespmem:s14], [sflag:$0x1] =	stream.linear.gather [hbm4b:s7+s0], $0x4000, $0x38;
	[tilespmem:$0x1D400] =	vst v63  }
0x1e9: {  	_ =	swait.ge [sflag:s26], $0x4000  }
0x1ea: {  	[sflag:s26] =	ssyncset.done $0x0  }
0x1eb: {  	s4 =	sadd.s32 $0x80, s2;
	[sflag:s26] =	ssyncadd.s32 $0xFFFFC000  }
0x1ec: {  	[spmem:s24] =	stream.indirect.scatter.add.f32 [tilespmem:s15], [sflag:$0x3], $0x80, s4, s17, $0xb8;
	[tilespmem:$0x1D400] =	vst v63  }
0x1ed: {  	_ =	swait.ge [sflag:s13], $0x4000  }
0x1ee: {  	[sflag:s13] =	ssyncset.done $0x0  }
0x1ef: {  	s5 =	rddreg [dreg:$0x13];
	[sflag:s13] =	ssyncadd.s32 $0xFFFFC000  }
0x1f0: {  	[tilespmem:s15], [sflag:$0x2] =	stream.linear.gather [hbm4b:s5+s0], $0x4000, $0x38;
	[tilespmem:$0x1D400] =	vst v63  }
0x1f1: {  	_ =	swait.ge [sflag:s16], $0x4000  }
0x1f2: {  	[sflag:s16] =	ssyncset.done $0x0  }
0x1f3: {  	[sflag:s16] =	ssyncadd.s32 $0xFFFFC000  }
0x1f4: {  	[spmem:s24] =	stream.indirect.scatter.add.f32 [tilespmem:s14], [sflag:$0x3], $0x80, s28, s17, $0xb8;
	[tilespmem:$0x1D400] =	vst v63  }
0x1f5: {  	_ =	swait.ge [sflag:s13], $0x4000  }
0x1f6: {  	[sflag:s13] =	ssyncset.done $0x0  }
0x1f7: {  	[sflag:s13] =	ssyncadd.s32 $0xFFFFC000  }
0x1f8: {  	_ =	swait.ge [sflag:s26], $0x4000  }
0x1f9: {  	[sflag:s26] =	ssyncset.done $0x0  }
0x1fa: {  	[sflag:s26] =	ssyncadd.s32 $0xFFFFC000  }
0x1fb: {  	[spmem:s24] =	stream.indirect.scatter.add.f32 [tilespmem:s15], [sflag:$0x3], $0x80, s29, s17, $0xb8;
	[tilespmem:$0x1D400] =	vst v63  }
0x1fc: {  	_ =	swait.ge [sflag:s13], $0x4000  }
0x1fd: {  	[sflag:s13] =	ssyncset.done $0x0  }
0x1fe: {  	s6 =	rddreg [dreg:$0xc];
	[sflag:s13] =	ssyncadd.s32 $0xFFFFC000  }
0x1ff: {  	[tilespmem:s14], [sflag:$0x3] =	stream.linear.gather [hbm4b:s6+s0], $0x4000, $0x38;
	[tilespmem:$0x1D400] =	vst v63  }
0x200: {  	_ =	swait.ge [sflag:s13], $0x4000  }
0x201: {  	[sflag:s13] =	ssyncset.done $0x0  }
0x202: {  	[sflag:s13] =	ssyncadd.s32 $0xFFFFC000  }
0x203: {  	[spmem:s24] =	stream.indirect.scatter.add.f32 [tilespmem:s14], [sflag:$0x3], $0x80, s30, s17, $0xb8;
	[tilespmem:$0x1D400] =	vst v63  }
0x204: {  	_ =	swait.ge [sflag:s13], $0x4000  }
0x205: {  	s3 =	simm.s32 @!p0 $0x1400;
	[sflag:s13] =	ssyncset.done $0x0  }
0x206: {  	s2 =	simm.s32 @!p0 $0x0;
	s4 =	rddreg [dreg:$0x1a];
	[sflag:s13] =	ssyncadd.s32 $0xFFFFC000  }
0x207: {  	[tilespmem:s3], [sflag:$0x3] =	stream.linear.gather @!p0 [hbm4b:s4+s2], $0x4000, $0x38;
	[tilespmem:$0x1D400] =	vst v63  }
0x208: {  	s2 =	simm.s32 @!p0 $0x3  }
0x209: {  	_ =	swait.ge @!p0 [sflag:s2], $0x4000  }
0x20a: {  	[sflag:s2] =	ssyncset.done @!p0 $0x0  }
0x20b: {  	s5 =	simm.s32 @!p0 $0x1380;
	s4 =	simm.s32 @!p0 $0x80;
	[sflag:s2] =	ssyncadd.s32 @!p0 $0xFFFFC000  }
0x20c: {  	[spmem:s24] =	stream.indirect.scatter.add.f32 @!p0 [tilespmem:s3], [sflag:$0x3], $0x80, s5, s4, $0xb8;
	[tilespmem:$0x1D400] =	vst v63  }
0x20d: {  	_ =	swait.ge @!p0 [sflag:s2], $0x4000  }
0x20e: {  	[sflag:s2] =	ssyncset.done @!p0 $0x0  }
0x20f: {  	[sflag:s2] =	ssyncadd.s32 @!p0 $0xFFFFC000  }
0x210: {  	[bflag:$0x0] =	sbarrier.arrive $0xFFFF  }
0x211: {  	s7 =	rddreg [dreg:$0x1f]  }
0x212: {  	[hbm:s7], [sflag:s22] =	dma.local [spmem:s1], $0x2800  }
0x213: {  	_ =	swait.ge [sflag:s13], $0x2800  }
0x214: {  	s22 =	sld [smem:$0x7FD];
	_ =	sdelay $0x1  }
0x215: {  	s31 =	sadd.s32 $0x1, s31  }
0x216: {  	p1 =	sne.s32 s31, s22  }
.Ltmp5:
0x217: {  	_ = 	snop;
	(pc) =	sbr.rel @p1 .LBB2_1-.Ltmp5, $3  }
0x218: {  	[sflag:s13] =	ssyncset.done $0x0  }
0x219: {  	[sflag:s13] =	ssyncadd.s32 $0xFFFFD800  }
0x21a: {  	[bflag:$0x0] =	sbarrier.arrive $0xFFFF;
	_ =	sdelay $0x1  }
0x21b: {  	_ =	sfence.sel $0x180000  }
0x21c: {  	[bflag:$0x0] =	sbarrier.arrive $0xFFFF  }
0x21d: {  	_ =	strace $0x9000004D  }
0x21e: {  	[bflag:$0x2] =	sbarrier.arrive $0xFFFF  }
0x21f: {  	s0 =	rddreg [dreg:$0x3]  }
0x220: {  	s0 =	sadd.s32 @!p0 $0x100000, s0  }
0x221: {  	[sflag:s0] =	ssyncadd.tile.s32 @!p0 $0x1;
	_ =	shalt  }
.Lfunc_end2:
_tile_overlayer_lowered:
.L_overlay_start_2:
0x222: {  	(tag) =	ssettag $0x2  }
0x223: {  	s0 =	rddreg [dreg:$0x0];
	s2 =	stileid.u32  }
0x224: {  	s1 =	rddreg [dreg:$0x1];
	p0 =	sne.s32 s2, $0x0  }
0x225: {  	s3 =	rddreg [dreg:$0x2];
	[bflag:$0x3] =	sbarrier.arrive $0xFFFF;
	s2 =	simm.s32 @!p0 $0x1C03  }
0x226: {  	[timem:s3], [sflag:s2] =	dma.local @!p0 [hbm:s0], s1  }
0x227: {  	s0 =	simm.s32 @!p0 $0x3  }
0x228: {  	_ =	swait.ge @!p0 [sflag:s0], s1  }
0x229: {  	s1 =	ssub.s32 @!p0 $0x0, s1;
	[sflag:s0] =	ssyncset.done @!p0 $0x0  }
0x22a: {  	[sflag:s0] =	ssyncadd.s32 @!p0 s1  }
0x22b: {  	[bflag:$0x3] =	sbarrier.arrive $0xFFFF  }
0x22c: {  	_ =	shalt  }

</sc_bundles>
